<compile_context>
chip_gen: v7x
topology: tpu7x:2x2x1
jax: 0.10.2.dev20260603
libtpu: 0.0.44.dev20260713+nightly
codegen_flags: <defaults>
</compile_context>

<pallas_src>
import functools

import jax
import jax.numpy as jnp
from jax import lax
from jax.experimental import pallas as pl
from jax.experimental.pallas import tpu as pltpu
from jax.experimental.pallas import tpu_sc as plsc

NC = 2
NS = 16
MB = 128

def _mesh():
    return plsc.VectorSubcoreMesh(core_axis_name="c", subcore_axis_name="s",
                                  num_cores=NC, num_subcores=NS)


def _sc_degrees(edge_index, zpad, ones128, NP):
    E = edge_index.shape[1]
    nmb = E // MB
    nmb_core = nmb // NC
    rows_t = NP // NS
    nit = nmb_core // NS

    nit_all = nmb // NS

    @functools.partial(
        pl.kernel,
        out_type=jax.ShapeDtypeStruct((2, NP, 128), jnp.float32),
        mesh=_mesh(),
        scratch_types=[
            pltpu.VMEM((2, MB), jnp.int32),
            pltpu.VMEM((MB, 128), jnp.float32),
            pltpu.VMEM_SHARED((NP, 128), jnp.float32),
            pltpu.SemaphoreType.DMA,
            pltpu.SemaphoreType.DMA,
        ],
    )
    def deg_kernel(ei, zp, ones_hbm, out, idx2, ones_v, acc, isem0, isem1):
        c = lax.axis_index("c")
        s = lax.axis_index("s")
        r0 = s * rows_t
        pltpu.sync_copy(ones_hbm, ones_v)
        pltpu.sync_copy(zp.at[pl.ds(r0, rows_t), :],
                        acc.at[pl.ds(r0, rows_t), :])
        plsc.subcore_barrier()

        def run_pass(which):
            def start_idx(i, buf, isem):
                base = (i * NS + s) * MB
                pltpu.async_copy(ei.at[which, pl.ds(base, MB)],
                                 idx2.at[buf], isem)

            def wait_idx(i, buf, isem):
                base = (i * NS + s) * MB
                pltpu.make_async_copy(ei.at[which, pl.ds(base, MB)],
                                      idx2.at[buf], isem).wait()

            start_idx(0, 0, isem0)
            start_idx(1, 1, isem1)

            def body(g, _):
                i = 2 * g
                wait_idx(i, 0, isem0)
                pltpu.sync_copy(ones_v, acc.at[idx2.at[0]], add=True)

                @pl.when(i + 2 < nit_all)
                def _():
                    start_idx(i + 2, 0, isem0)

                wait_idx(i + 1, 1, isem1)
                pltpu.sync_copy(ones_v, acc.at[idx2.at[1]], add=True)

                @pl.when(i + 3 < nit_all)
                def _():
                    start_idx(i + 3, 1, isem1)

                return 0

            lax.fori_loop(0, nit_all // 2, body, 0)
            plsc.subcore_barrier()
            pltpu.sync_copy(acc.at[pl.ds(r0, rows_t), :],
                            out.at[which, pl.ds(r0, rows_t), :])

        @pl.when(c == 0)
        def _():
            run_pass(0)

        @pl.when(c == 1)
        def _():
            run_pass(1)

    return deg_kernel(edge_index, zpad, ones128)


def _agg_edge_loop(tab, ei, acc, sidx2, didx2, rows0, rows1,
                   gsem0, gsem1, isem0, isem1, mb0_of, nit):

    def start_idx(i, buf, isem):
        base = mb0_of(i) * MB
        pltpu.async_copy(ei.at[0, pl.ds(base, MB)], sidx2.at[buf], isem)
        pltpu.async_copy(ei.at[1, pl.ds(base, MB)], didx2.at[buf], isem)

    def wait_idx(i, buf, isem):
        base = mb0_of(i) * MB
        pltpu.make_async_copy(ei.at[0, pl.ds(base, MB)], sidx2.at[buf],
                              isem).wait()
        pltpu.make_async_copy(ei.at[1, pl.ds(base, MB)], didx2.at[buf],
                              isem).wait()

    def start_gather(buf_idx, rows, gsem):
        pltpu.async_copy(tab.at[sidx2.at[buf_idx]], rows, gsem)

    def wait_gather(buf_idx, rows, gsem):
        pltpu.make_async_copy(tab.at[sidx2.at[buf_idx]], rows, gsem).wait()

    start_idx(0, 0, isem0)
    start_idx(1, 1, isem1)
    wait_idx(0, 0, isem0)
    start_gather(0, rows0, gsem0)

    def body(g, _):
        i = 2 * g
        wait_idx(i + 1, 1, isem1)
        start_gather(1, rows1, gsem1)
        wait_gather(0, rows0, gsem0)
        pltpu.sync_copy(rows0, acc.at[didx2.at[0]], add=True)

        @pl.when(i + 2 < nit)
        def _():
            start_idx(i + 2, 0, isem0)
            wait_idx(i + 2, 0, isem0)
            start_gather(0, rows0, gsem0)

        wait_gather(1, rows1, gsem1)
        pltpu.sync_copy(rows1, acc.at[didx2.at[1]], add=True)

        @pl.when(i + 3 < nit)
        def _():
            start_idx(i + 3, 1, isem1)

        return 0

    lax.fori_loop(0, nit // 2, body, 0)


def _sc_agg128(table, edge_index, zpad, NP):
    E = edge_index.shape[1]
    nmb = E // MB
    nmb_core = nmb // NC
    rows_t = NP // NS
    nit = nmb_core // NS

    @functools.partial(
        pl.kernel,
        out_type=jax.ShapeDtypeStruct((NC, NP, 128), jnp.float32),
        mesh=_mesh(),
        scratch_types=[
            pltpu.VMEM((2, MB), jnp.int32),
            pltpu.VMEM((2, MB), jnp.int32),
            pltpu.VMEM((MB, 128), jnp.float32),
            pltpu.VMEM((MB, 128), jnp.float32),
            pltpu.VMEM_SHARED((NP, 128), jnp.float32),
            pltpu.SemaphoreType.DMA,
            pltpu.SemaphoreType.DMA,
            pltpu.SemaphoreType.DMA,
            pltpu.SemaphoreType.DMA,
        ],
    )
    def agg_kernel(tab, ei, zp, out, sidx2, didx2, rows0, rows1, acc,
                   gsem0, gsem1, isem0, isem1):
        c = lax.axis_index("c")
        s = lax.axis_index("s")
        r0 = s * rows_t
        pltpu.sync_copy(zp.at[pl.ds(r0, rows_t), :],
                        acc.at[pl.ds(r0, rows_t), :])
        plsc.subcore_barrier()
        _agg_edge_loop(tab, ei, acc, sidx2, didx2, rows0, rows1,
                       gsem0, gsem1, isem0, isem1,
                       lambda i: c * nmb_core + i * NS + s, nit)
        plsc.subcore_barrier()
        pltpu.sync_copy(acc.at[pl.ds(r0, rows_t), :],
                        out.at[c, pl.ds(r0, rows_t), :])

    return agg_kernel(table, edge_index, zpad)


def _sc_agg512(t0, t1, t2, t3, edge_index, zpad, NP):
    E = edge_index.shape[1]
    nmb = E // MB
    rows_t = NP // NS
    ot = jax.ShapeDtypeStruct((NP, 128), jnp.float32)

    nit = nmb // NS

    @functools.partial(
        pl.kernel,
        out_type=(ot, ot, ot, ot),
        mesh=_mesh(),
        scratch_types=[
            pltpu.VMEM((2, MB), jnp.int32),
            pltpu.VMEM((2, MB), jnp.int32),
            pltpu.VMEM((MB, 128), jnp.float32),
            pltpu.VMEM((MB, 128), jnp.float32),
            pltpu.VMEM_SHARED((NP, 128), jnp.float32),
            pltpu.SemaphoreType.DMA,
            pltpu.SemaphoreType.DMA,
            pltpu.SemaphoreType.DMA,
            pltpu.SemaphoreType.DMA,
        ],
    )
    def agg_kernel(a0, a1, a2, a3, ei, zp, o0, o1, o2, o3,
                   sidx2, didx2, rows0, rows1, acc,
                   gsem0, gsem1, isem0, isem1):
        c = lax.axis_index("c")
        s = lax.axis_index("s")
        r0 = s * rows_t

        def run_chunk(tab, out):
            pltpu.sync_copy(zp.at[pl.ds(r0, rows_t), :],
                            acc.at[pl.ds(r0, rows_t), :])
            plsc.subcore_barrier()
            _agg_edge_loop(tab, ei, acc, sidx2, didx2, rows0, rows1,
                           gsem0, gsem1, isem0, isem1,
                           lambda i: i * NS + s, nit)
            plsc.subcore_barrier()
            pltpu.sync_copy(acc.at[pl.ds(r0, rows_t), :],
                            out.at[pl.ds(r0, rows_t), :])

        @pl.when(c == 0)
        def _():
            run_chunk(a0, o0)
            plsc.subcore_barrier()
            run_chunk(a1, o1)

        @pl.when(c == 1)
        def _():
            run_chunk(a2, o2)
            plsc.subcore_barrier()
            run_chunk(a3, o3)

    return agg_kernel(t0, t1, t2, t3, edge_index, zpad)


def _tc_prep(x_pad, degp, maskcol, token, NP, MBK):
    grid = NP // MBK

    def body(x_ref, deg_ref, m_ref, tok_ref, oxn_ref, ni_ref, no_ref, mns_ref):
        dego = deg_ref[0, :, 0:1]
        degi = deg_ref[1, :, 0:1]
        no = jnp.where(dego > 0, lax.rsqrt(jnp.maximum(dego, 1e-30)), 0.0)
        ni = jnp.where(degi > 0, lax.rsqrt(jnp.maximum(degi, 1e-30)), 0.0)
        m = m_ref[...]
        ox = x_ref[...] * m + (1.0 - m) * tok_ref[...]
        oxn_ref[...] = ox * no
        ni_ref[...] = ni
        no_ref[...] = no
        mns_ref[...] = m * no

    return pl.pallas_call(
        body,
        grid=(grid,),
        in_specs=[
            pl.BlockSpec((MBK, 128), lambda i: (i, 0)),
            pl.BlockSpec((2, MBK, 128), lambda i: (0, i, 0)),
            pl.BlockSpec((MBK, 1), lambda i: (i, 0)),
            pl.BlockSpec((1, 128), lambda i: (0, 0)),
        ],
        out_specs=[
            pl.BlockSpec((MBK, 128), lambda i: (i, 0)),
            pl.BlockSpec((MBK, 1), lambda i: (i, 0)),
            pl.BlockSpec((MBK, 1), lambda i: (i, 0)),
            pl.BlockSpec((MBK, 1), lambda i: (i, 0)),
        ],
        out_shape=[
            jax.ShapeDtypeStruct((NP, 128), jnp.float32),
            jax.ShapeDtypeStruct((NP, 1), jnp.float32),
            jax.ShapeDtypeStruct((NP, 1), jnp.float32),
            jax.ShapeDtypeStruct((NP, 1), jnp.float32),
        ],
    )(x_pad, degp, maskcol, token)


def _tc_layer1(agg1, W1, b1, normin, normout, NP, MBK):
    grid = (NP // MBK, 4)

    def body(a_ref, w_ref, b_ref, ni_ref, no_ref, o_ref):
        a = a_ref[0] + a_ref[1]
        acc = jnp.dot(a, w_ref[...], preferred_element_type=jnp.float32)
        h = jnp.maximum(acc * ni_ref[...] + b_ref[...], 0.0)
        o_ref[0] = h * no_ref[...]

    return pl.pallas_call(
        body,
        grid=grid,
        in_specs=[
            pl.BlockSpec((2, MBK, 128), lambda i, c: (0, i, 0)),
            pl.BlockSpec((128, 128), lambda i, c: (0, c)),
            pl.BlockSpec((1, 128), lambda i, c: (0, c)),
            pl.BlockSpec((MBK, 1), lambda i, c: (i, 0)),
            pl.BlockSpec((MBK, 1), lambda i, c: (i, 0)),
        ],
        out_specs=pl.BlockSpec((1, MBK, 128), lambda i, c: (c, i, 0)),
        out_shape=jax.ShapeDtypeStruct((4, NP, 128), jnp.float32),
    )(agg1, W1, b1, normin, normout)


def _tc_layer2(aggc, W2, b2, normin, mns, W_e2d, W_dec, NP, MBK):
    grid = (NP // MBK,)

    def body(a0_ref, a1_ref, a2_ref, a3_ref, w_ref, b_ref, ni_ref, mns_ref,
             we_ref, wd_ref, enc_ref, d_ref):
        a_refs = (a0_ref, a1_ref, a2_ref, a3_ref)
        acc = jnp.dot(a0_ref[...], w_ref[pl.ds(0, 128), :],
                      preferred_element_type=jnp.float32)
        for cc in range(1, 4):
            acc += jnp.dot(a_refs[cc][...], w_ref[pl.ds(cc * 128, 128), :],
                           preferred_element_type=jnp.float32)
        enc = jnp.maximum(acc * ni_ref[...] + b_ref[...], 0.0)
        enc_ref[...] = enc
        wed = jnp.dot(we_ref[...], wd_ref[...],
                      preferred_element_type=jnp.float32)
        d_ref[...] = jnp.dot(enc * mns_ref[...], wed,
                             preferred_element_type=jnp.float32)

    mspec = pl.BlockSpec((MBK, 128), lambda i: (i, 0))
    return pl.pallas_call(
        body,
        grid=grid,
        in_specs=[
            mspec, mspec, mspec, mspec,
            pl.BlockSpec((512, 512), lambda i: (0, 0)),
            pl.BlockSpec((1, 512), lambda i: (0, 0)),
            pl.BlockSpec((MBK, 1), lambda i: (i, 0)),
            pl.BlockSpec((MBK, 1), lambda i: (i, 0)),
            pl.BlockSpec((512, 512), lambda i: (0, 0)),
            pl.BlockSpec((512, 128), lambda i: (0, 0)),
        ],
        out_specs=[
            pl.BlockSpec((MBK, 512), lambda i: (i, 0)),
            pl.BlockSpec((MBK, 128), lambda i: (i, 0)),
        ],
        out_shape=[
            jax.ShapeDtypeStruct((NP, 512), jnp.float32),
            jax.ShapeDtypeStruct((NP, 128), jnp.float32),
        ],
    )(aggc[0], aggc[1], aggc[2], aggc[3], W2, b2, normin, mns, W_e2d, W_dec)


def _tc_final(agg3, b_dec, normin, maskcol, x_pad, NP, MBK):
    grid = (NP // MBK,)

    def body(a_ref, b_ref, ni_ref, m_ref, x_ref, rec_ref, loss_ref):
        i = pl.program_id(0)
        r = (a_ref[0] + a_ref[1]) * ni_ref[...] + b_ref[...]
        rec_ref[...] = r
        w = 1.0 - m_ref[...]
        x = x_ref[...]
        rnorm = jnp.sqrt(jnp.sum(r * r, axis=-1, keepdims=True))
        xnorm = jnp.sqrt(jnp.sum(x * x, axis=-1, keepdims=True))
        rn = r / jnp.maximum(rnorm, 1e-12)
        xn = x / jnp.maximum(xnorm, 1e-12)
        cos = jnp.sum(rn * xn, axis=-1, keepdims=True)
        contrib = jnp.sum(w * (1.0 - cos) ** 2, keepdims=True).reshape(1, 1)

        @pl.when(i == 0)
        def _():
            loss_ref[...] = contrib

        @pl.when(i > 0)
        def _():
            loss_ref[...] += contrib

    return pl.pallas_call(
        body,
        grid=grid,
        in_specs=[
            pl.BlockSpec((2, MBK, 128), lambda i: (0, i, 0)),
            pl.BlockSpec((1, 128), lambda i: (0, 0)),
            pl.BlockSpec((MBK, 1), lambda i: (i, 0)),
            pl.BlockSpec((MBK, 1), lambda i: (i, 0)),
            pl.BlockSpec((MBK, 128), lambda i: (i, 0)),
        ],
        out_specs=[
            pl.BlockSpec((MBK, 128), lambda i: (i, 0)),
            pl.BlockSpec((1, 1), lambda i: (0, 0)),
        ],
        out_shape=[
            jax.ShapeDtypeStruct((NP, 128), jnp.float32),
            jax.ShapeDtypeStruct((1, 1), jnp.float32),
        ],
    )(agg3, b_dec, normin, maskcol, x_pad)


def kernel(x, edge_index, mask_nodes, enc_mask_token,
           W_enc1, b_enc1, W_enc2, b_enc2, W_e2d, W_dec, b_dec):
    N = x.shape[0]
    num_mask = mask_nodes.shape[0]
    NP = ((N + NS * 40 - 1) // (NS * 40)) * (NS * 40)
    MBK = NP // 8

    x_pad = jnp.pad(x, ((0, NP - N), (0, 0)))
    maskcol = jnp.ones((NP, 1), jnp.float32).at[mask_nodes].set(0.0)
    zpad = jnp.zeros((NP, 128), jnp.float32)
    ones128 = jnp.ones((MB, 128), jnp.float32)

    E = edge_index.shape[1]
    EDIV = MB * NS * NC * 2
    EP = ((E + EDIV - 1) // EDIV) * EDIV
    pad_nodes = N + jnp.arange(EP - E, dtype=jnp.int32) % (NP - N)
    edge_index = jnp.concatenate(
        [edge_index, jnp.stack([pad_nodes, pad_nodes])], axis=1)

    degp = _sc_degrees(edge_index, zpad, ones128, NP)
    oxn, normin, normout, mns = _tc_prep(
        x_pad, degp, maskcol, enc_mask_token, NP, MBK)

    agg1 = _sc_agg128(oxn, edge_index, zpad, NP)
    h1n = _tc_layer1(agg1, W_enc1, b_enc1.reshape(1, -1), normin, normout,
                     NP, MBK)
    agg2c = _sc_agg512(h1n[0], h1n[1], h1n[2], h1n[3], edge_index, zpad, NP)
    enc_pad, d = _tc_layer2(agg2c, W_enc2, b_enc2.reshape(1, -1), normin, mns,
                            W_e2d, W_dec, NP, MBK)
    agg3 = _sc_agg128(d, edge_index, zpad, NP)
    recon_pad, loss_acc = _tc_final(agg3, b_dec.reshape(1, -1), normin,
                                    maskcol, x_pad, NP, MBK)

    enc_rep = enc_pad[:N]
    recon = recon_pad[:N]
    loss = (loss_acc[0, 0] / num_mask).astype(jnp.float32)
    return (enc_rep, recon, loss)

# --- scband reference (transcript-rebuilt; emitter-appended) ---
"""Pipeline reference for scband-pre-model-61847529063082 (READ-ONLY COPY).

The authoritative reference and input builder live on the scoring server;
editing this copy changes nothing except your own understanding.
"""

import jax, jax.numpy as jnp
import numpy as np

N = 10000
E = 320000
IN_DIM = 128
HID = 512
NUM_MASK = 3000  # int(mask_rate * N) = int(0.3 * 10000)


def _glorot(key, shape):
    limit = (6.0 / (shape[0] + shape[1])) ** 0.5
    return jax.random.uniform(key, shape, minval=-limit, maxval=limit, dtype=jnp.float32)


def setup_inputs(seed: int = 0) -> dict:
    key = jax.random.key(seed)
    ks = jax.random.split(key, 8)
    x = jax.random.normal(ks[0], (N, IN_DIM), dtype=jnp.float32)
    edge_index = jax.random.randint(ks[1], (2, E), 0, N, dtype=jnp.int32)
    mask_nodes = jnp.arange(NUM_MASK, dtype=jnp.int32)
    # learned parameters
    enc_mask_token = jnp.zeros((1, IN_DIM), dtype=jnp.float32)
    W_enc1 = _glorot(ks[2], (IN_DIM, HID)); b_enc1 = jnp.zeros((HID,), jnp.float32)
    W_enc2 = _glorot(ks[3], (HID, HID)); b_enc2 = jnp.zeros((HID,), jnp.float32)
    W_e2d = _glorot(ks[4], (HID, HID))  # encoder_to_decoder, bias=False
    W_dec = _glorot(ks[5], (HID, IN_DIM)); b_dec = jnp.zeros((IN_DIM,), jnp.float32)
    return {"x": x, "edge_index": edge_index, "mask_nodes": mask_nodes,
            "enc_mask_token": enc_mask_token,
            "W_enc1": W_enc1, "b_enc1": b_enc1,
            "W_enc2": W_enc2, "b_enc2": b_enc2,
            "W_e2d": W_e2d, "W_dec": W_dec, "b_dec": b_dec}


def _gcn_conv(h, src, dst, W, b, relu):
    # DGL GraphConv with norm='both': D_out^{-1/2} A D_in^{-1/2} h W + b
    deg_out = jnp.zeros((N,), jnp.float32).at[src].add(1.0)
    deg_in = jnp.zeros((N,), jnp.float32).at[dst].add(1.0)
    norm_out = jnp.where(deg_out > 0, deg_out ** -0.5, 0.0)
    norm_in = jnp.where(deg_in > 0, deg_in ** -0.5, 0.0)
    h = h * norm_out[:, None]
    h = h @ W
    agg = jnp.zeros((N, h.shape[1]), jnp.float32).at[dst].add(h[src])
    agg = agg * norm_in[:, None]
    out = agg + b
    if relu:
        out = jax.nn.relu(out)
    return out


def reference(x, edge_index, mask_nodes, enc_mask_token,
              W_enc1, b_enc1, W_enc2, b_enc2, W_e2d, W_dec, b_dec):
    src, dst = edge_index[0], edge_index[1]
    # encoding_mask_noise with replace_rate=0 and provided mask_nodes:
    # out_x[mask_nodes] = 0; out_x[mask_nodes] += enc_mask_token
    out_x = x.at[mask_nodes].set(0.0)
    out_x = out_x.at[mask_nodes].add(enc_mask_token[0])
    # GCN encoder (2 layers, encoding=True -> activation on last layer too)
    h = _gcn_conv(out_x, src, dst, W_enc1, b_enc1, True)
    enc_rep = _gcn_conv(h, src, dst, W_enc2, b_enc2, True)
    # encoder_to_decoder (no bias)
    rep = enc_rep @ W_e2d
    # re-mask before decoder (decoder is not mlp/linear)
    rep = rep.at[mask_nodes].set(0.0)
    # GCN decoder (1 layer, decoding -> no activation)
    recon = _gcn_conv(rep, src, dst, W_dec, b_dec, False)
    # sce loss with alpha=2 on masked nodes
    x_init = x[mask_nodes]
    x_rec = recon[mask_nodes]
    xn = x_rec / jnp.maximum(jnp.linalg.norm(x_rec, axis=-1, keepdims=True), 1e-12)
    yn = x_init / jnp.maximum(jnp.linalg.norm(x_init, axis=-1, keepdims=True), 1e-12)
    loss = jnp.mean((1.0 - jnp.sum(xn * yn, axis=-1)) ** 2)
    return (enc_rep, recon, loss)

if __name__ == "__main__":
    import jax
    _d = setup_inputs()
    print(jax.jit(kernel)(*tuple(_d.values())))

</pallas_src>

<mosaic_0001>
#map = affine_map<(d0, d1) -> (0, 0)>
#map1 = affine_map<(d0, d1) -> (0, 0, 0)>
module attributes {stable_mosaic.version = 14 : i64} {
  func.func @agg_kernel(%arg0: i32, %arg1: i32, %arg2: memref<10240x128xf32, #tpu.memory_space<hbm>>, %arg3: memref<2x327680xi32, #tpu.memory_space<hbm>>, %arg4: memref<10240x128xf32, #tpu.memory_space<hbm>>, %arg5: memref<2x10240x128xf32, #tpu.memory_space<hbm>>, %arg6: memref<2x128xi32, #tpu.memory_space<vmem>>, %arg7: memref<2x128xi32, #tpu.memory_space<vmem>>, %arg8: memref<128x128xf32, #tpu.memory_space<vmem>>, %arg9: memref<128x128xf32, #tpu.memory_space<vmem>>, %arg10: memref<10240x128xf32, #tpu.memory_space<vmem_shared>>, %arg11: memref<!tpu.dma_semaphore, #tpu.memory_space<semaphore_mem>>, %arg12: memref<!tpu.dma_semaphore, #tpu.memory_space<semaphore_mem>>, %arg13: memref<!tpu.dma_semaphore, #tpu.memory_space<semaphore_mem>>, %arg14: memref<!tpu.dma_semaphore, #tpu.memory_space<semaphore_mem>>) attributes {dimension_semantics = [#tpu.dimension_semantics<core_parallel>, #tpu.dimension_semantics<subcore_parallel>], iteration_bounds = array<i64: 2, 16>, scalar_prefetch = 0 : i64, scratch_operands = 9 : i64, tpu.core_type = #tpu.core_type<sc_vector_subcore>, window_params = [{transform_indices = #map}, {transform_indices = #map}, {transform_indices = #map}, {transform_indices = #map1}]} {
    %mul3A = arith.constant 640 : i32
    %mul3A_0 = arith.muli %arg1, %mul3A : i32
    "tpu.region"() ({
      %run_scoped3A = tpu.sem_alloc : memref<!tpu.dma_semaphore, #tpu.memory_space<semaphore_mem>>
      %dma_start3A_105 = arith.constant 0 : i32
      %dma_start3A_106 = tpu.memref_slice %arg10[%mul3A_0, %dma_start3A_105] : memref<10240x128xf32, #tpu.memory_space<vmem_shared>> -> memref<640x128xf32, #tpu.memory_space<vmem_shared>>
      %dma_start3A_107 = arith.constant 0 : i32
      %dma_start3A_108 = tpu.memref_slice %arg4[%mul3A_0, %dma_start3A_107] : memref<10240x128xf32, #tpu.memory_space<hbm>> -> memref<640x128xf32, #tpu.memory_space<hbm>>
      tpu.enqueue_dma source(%dma_start3A_108 : memref<640x128xf32, #tpu.memory_space<hbm>>) target(%dma_start3A_106 : memref<640x128xf32, #tpu.memory_space<vmem_shared>>) target_semaphore(%run_scoped3A : memref<!tpu.dma_semaphore, #tpu.memory_space<semaphore_mem>>)
      %dma_wait3A_109 = arith.constant 0 : i32
      %dma_wait3A_110 = tpu.memref_slice %arg10[%mul3A_0, %dma_wait3A_109] : memref<10240x128xf32, #tpu.memory_space<vmem_shared>> -> memref<640x128xf32, #tpu.memory_space<vmem_shared>>
      %dma_wait3A_111 = arith.constant 0 : i32
      %dma_wait3A_112 = tpu.memref_slice %arg4[%mul3A_0, %dma_wait3A_111] : memref<10240x128xf32, #tpu.memory_space<hbm>> -> memref<640x128xf32, #tpu.memory_space<hbm>>
      tpu.wait_dma2 semaphore(%run_scoped3A : memref<!tpu.dma_semaphore, #tpu.memory_space<semaphore_mem>>) src(%dma_wait3A_112 : memref<640x128xf32, #tpu.memory_space<hbm>>) dst(%dma_wait3A_110 : memref<640x128xf32, #tpu.memory_space<vmem_shared>>)
      tpu.yield
    }) : () -> ()
    %barrier3A = arith.constant 0 : index
    tpu.barrier barrier_id(%barrier3A)
    %mul3A_1 = arith.constant 1280 : i32
    %mul3A_2 = arith.muli %arg0, %mul3A_1 : i32
    %add3A = arith.constant 0 : i32
    %add3A_3 = arith.addi %mul3A_2, %add3A : i32
    %add3A_4 = arith.addi %add3A_3, %arg1 : i32
    %mul3A_5 = arith.constant 128 : i32
    %mul3A_6 = arith.muli %add3A_4, %mul3A_5 : i32
    %dma_start3A = arith.constant 0 : i32
    %dma_start3A_7 = arith.constant 0 : i32
    %dma_start3A_8 = arith.constant 0 : i32
    %dma_start3A_9 = tpu.memref_slice %arg6[%dma_start3A_7, %dma_start3A_8] : memref<2x128xi32, #tpu.memory_space<vmem>> -> memref<1x128xi32, #tpu.memory_space<vmem>>
    %dma_start3A_10 = tpu.memref_squeeze %dma_start3A_9 : memref<1x128xi32, #tpu.memory_space<vmem>> -> memref<128xi32, #tpu.memory_space<vmem>>
    %dma_start3A_11 = tpu.memref_slice %arg3[%dma_start3A, %mul3A_6] : memref<2x327680xi32, #tpu.memory_space<hbm>> -> memref<1x128xi32, #tpu.memory_space<hbm>>
    %dma_start3A_12 = tpu.memref_squeeze %dma_start3A_11 : memref<1x128xi32, #tpu.memory_space<hbm>> -> memref<128xi32, #tpu.memory_space<hbm>>
    %dma_start3A_13 = arith.constant 0 : i32
    %dma_start3A_14 = tpu.memref_slice %arg6[%dma_start3A_7, %dma_start3A_13] : memref<2x128xi32, #tpu.memory_space<vmem>> -> memref<1x128xi32, #tpu.memory_space<vmem>>
    %dma_start3A_15 = tpu.memref_squeeze %dma_start3A_14 : memref<1x128xi32, #tpu.memory_space<vmem>> -> memref<128xi32, #tpu.memory_space<vmem>>
    %dma_start3A_16 = tpu.memref_slice %arg3[%dma_start3A, %mul3A_6] : memref<2x327680xi32, #tpu.memory_space<hbm>> -> memref<1x128xi32, #tpu.memory_space<hbm>>
    %dma_start3A_17 = tpu.memref_squeeze %dma_start3A_16 : memref<1x128xi32, #tpu.memory_space<hbm>> -> memref<128xi32, #tpu.memory_space<hbm>>
    tpu.enqueue_dma source(%dma_start3A_17 : memref<128xi32, #tpu.memory_space<hbm>>) target(%dma_start3A_15 : memref<128xi32, #tpu.memory_space<vmem>>) target_semaphore(%arg13 : memref<!tpu.dma_semaphore, #tpu.memory_space<semaphore_mem>>)
    %dma_start3A_18 = arith.constant 1 : i32
    %dma_start3A_19 = arith.constant 0 : i32
    %dma_start3A_20 = arith.constant 0 : i32
    %dma_start3A_21 = tpu.memref_slice %arg7[%dma_start3A_19, %dma_start3A_20] : memref<2x128xi32, #tpu.memory_space<vmem>> -> memref<1x128xi32, #tpu.memory_space<vmem>>
    %dma_start3A_22 = tpu.memref_squeeze %dma_start3A_21 : memref<1x128xi32, #tpu.memory_space<vmem>> -> memref<128xi32, #tpu.memory_space<vmem>>
    %dma_start3A_23 = tpu.memref_slice %arg3[%dma_start3A_18, %mul3A_6] : memref<2x327680xi32, #tpu.memory_space<hbm>> -> memref<1x128xi32, #tpu.memory_space<hbm>>
    %dma_start3A_24 = tpu.memref_squeeze %dma_start3A_23 : memref<1x128xi32, #tpu.memory_space<hbm>> -> memref<128xi32, #tpu.memory_space<hbm>>
    %dma_start3A_25 = arith.constant 0 : i32
    %dma_start3A_26 = tpu.memref_slice %arg7[%dma_start3A_19, %dma_start3A_25] : memref<2x128xi32, #tpu.memory_space<vmem>> -> memref<1x128xi32, #tpu.memory_space<vmem>>
    %dma_start3A_27 = tpu.memref_squeeze %dma_start3A_26 : memref<1x128xi32, #tpu.memory_space<vmem>> -> memref<128xi32, #tpu.memory_space<vmem>>
    %dma_start3A_28 = tpu.memref_slice %arg3[%dma_start3A_18, %mul3A_6] : memref<2x327680xi32, #tpu.memory_space<hbm>> -> memref<1x128xi32, #tpu.memory_space<hbm>>
    %dma_start3A_29 = tpu.memref_squeeze %dma_start3A_28 : memref<1x128xi32, #tpu.memory_space<hbm>> -> memref<128xi32, #tpu.memory_space<hbm>>
    tpu.enqueue_dma source(%dma_start3A_29 : memref<128xi32, #tpu.memory_space<hbm>>) target(%dma_start3A_27 : memref<128xi32, #tpu.memory_space<vmem>>) target_semaphore(%arg13 : memref<!tpu.dma_semaphore, #tpu.memory_space<semaphore_mem>>)
    %mul3A_30 = arith.constant 1280 : i32
    %mul3A_31 = arith.muli %arg0, %mul3A_30 : i32
    %add3A_32 = arith.constant 16 : i32
    %add3A_33 = arith.addi %mul3A_31, %add3A_32 : i32
    %add3A_34 = arith.addi %add3A_33, %arg1 : i32
    %mul3A_35 = arith.constant 128 : i32
    %mul3A_36 = arith.muli %add3A_34, %mul3A_35 : i32
    %dma_start3A_37 = arith.constant 0 : i32
    %dma_start3A_38 = arith.constant 1 : i32
    %dma_start3A_39 = arith.constant 0 : i32
    %dma_start3A_40 = tpu.memref_slice %arg6[%dma_start3A_38, %dma_start3A_39] : memref<2x128xi32, #tpu.memory_space<vmem>> -> memref<1x128xi32, #tpu.memory_space<vmem>>
    %dma_start3A_41 = tpu.memref_squeeze %dma_start3A_40 : memref<1x128xi32, #tpu.memory_space<vmem>> -> memref<128xi32, #tpu.memory_space<vmem>>
    %dma_start3A_42 = tpu.memref_slice %arg3[%dma_start3A_37, %mul3A_36] : memref<2x327680xi32, #tpu.memory_space<hbm>> -> memref<1x128xi32, #tpu.memory_space<hbm>>
    %dma_start3A_43 = tpu.memref_squeeze %dma_start3A_42 : memref<1x128xi32, #tpu.memory_space<hbm>> -> memref<128xi32, #tpu.memory_space<hbm>>
    %dma_start3A_44 = arith.constant 0 : i32
    %dma_start3A_45 = tpu.memref_slice %arg6[%dma_start3A_38, %dma_start3A_44] : memref<2x128xi32, #tpu.memory_space<vmem>> -> memref<1x128xi32, #tpu.memory_space<vmem>>
    %dma_start3A_46 = tpu.memref_squeeze %dma_start3A_45 : memref<1x128xi32, #tpu.memory_space<vmem>> -> memref<128xi32, #tpu.memory_space<vmem>>
    %dma_start3A_47 = tpu.memref_slice %arg3[%dma_start3A_37, %mul3A_36] : memref<2x327680xi32, #tpu.memory_space<hbm>> -> memref<1x128xi32, #tpu.memory_space<hbm>>
    %dma_start3A_48 = tpu.memref_squeeze %dma_start3A_47 : memref<1x128xi32, #tpu.memory_space<hbm>> -> memref<128xi32, #tpu.memory_space<hbm>>
    tpu.enqueue_dma source(%dma_start3A_48 : memref<128xi32, #tpu.memory_space<hbm>>) target(%dma_start3A_46 : memref<128xi32, #tpu.memory_space<vmem>>) target_semaphore(%arg14 : memref<!tpu.dma_semaphore, #tpu.memory_space<semaphore_mem>>)
    %dma_start3A_49 = arith.constant 1 : i32
    %dma_start3A_50 = arith.constant 1 : i32
    %dma_start3A_51 = arith.constant 0 : i32
    %dma_start3A_52 = tpu.memref_slice %arg7[%dma_start3A_50, %dma_start3A_51] : memref<2x128xi32, #tpu.memory_space<vmem>> -> memref<1x128xi32, #tpu.memory_space<vmem>>
    %dma_start3A_53 = tpu.memref_squeeze %dma_start3A_52 : memref<1x128xi32, #tpu.memory_space<vmem>> -> memref<128xi32, #tpu.memory_space<vmem>>
    %dma_start3A_54 = tpu.memref_slice %arg3[%dma_start3A_49, %mul3A_36] : memref<2x327680xi32, #tpu.memory_space<hbm>> -> memref<1x128xi32, #tpu.memory_space<hbm>>
    %dma_start3A_55 = tpu.memref_squeeze %dma_start3A_54 : memref<1x128xi32, #tpu.memory_space<hbm>> -> memref<128xi32, #tpu.memory_space<hbm>>
    %dma_start3A_56 = arith.constant 0 : i32
    %dma_start3A_57 = tpu.memref_slice %arg7[%dma_start3A_50, %dma_start3A_56] : memref<2x128xi32, #tpu.memory_space<vmem>> -> memref<1x128xi32, #tpu.memory_space<vmem>>
    %dma_start3A_58 = tpu.memref_squeeze %dma_start3A_57 : memref<1x128xi32, #tpu.memory_space<vmem>> -> memref<128xi32, #tpu.memory_space<vmem>>
    %dma_start3A_59 = tpu.memref_slice %arg3[%dma_start3A_49, %mul3A_36] : memref<2x327680xi32, #tpu.memory_space<hbm>> -> memref<1x128xi32, #tpu.memory_space<hbm>>
    %dma_start3A_60 = tpu.memref_squeeze %dma_start3A_59 : memref<1x128xi32, #tpu.memory_space<hbm>> -> memref<128xi32, #tpu.memory_space<hbm>>
    tpu.enqueue_dma source(%dma_start3A_60 : memref<128xi32, #tpu.memory_space<hbm>>) target(%dma_start3A_58 : memref<128xi32, #tpu.memory_space<vmem>>) target_semaphore(%arg14 : memref<!tpu.dma_semaphore, #tpu.memory_space<semaphore_mem>>)
    %mul3A_61 = arith.constant 1280 : i32
    %mul3A_62 = arith.muli %arg0, %mul3A_61 : i32
    %add3A_63 = arith.constant 0 : i32
    %add3A_64 = arith.addi %mul3A_62, %add3A_63 : i32
    %add3A_65 = arith.addi %add3A_64, %arg1 : i32
    %mul3A_66 = arith.constant 128 : i32
    %mul3A_67 = arith.muli %add3A_65, %mul3A_66 : i32
    %dma_wait3A = arith.constant 0 : i32
    %dma_wait3A_68 = arith.constant 0 : i32
    %dma_wait3A_69 = arith.constant 0 : i32
    %dma_wait3A_70 = tpu.memref_slice %arg6[%dma_wait3A_68, %dma_wait3A_69] : memref<2x128xi32, #tpu.memory_space<vmem>> -> memref<1x128xi32, #tpu.memory_space<vmem>>
    %dma_wait3A_71 = tpu.memref_squeeze %dma_wait3A_70 : memref<1x128xi32, #tpu.memory_space<vmem>> -> memref<128xi32, #tpu.memory_space<vmem>>
    %dma_wait3A_72 = tpu.memref_slice %arg3[%dma_wait3A, %mul3A_67] : memref<2x327680xi32, #tpu.memory_space<hbm>> -> memref<1x128xi32, #tpu.memory_space<hbm>>
    %dma_wait3A_73 = tpu.memref_squeeze %dma_wait3A_72 : memref<1x128xi32, #tpu.memory_space<hbm>> -> memref<128xi32, #tpu.memory_space<hbm>>
    %dma_wait3A_74 = arith.constant 0 : i32
    %dma_wait3A_75 = tpu.memref_slice %arg6[%dma_wait3A_68, %dma_wait3A_74] : memref<2x128xi32, #tpu.memory_space<vmem>> -> memref<1x128xi32, #tpu.memory_space<vmem>>
    %dma_wait3A_76 = tpu.memref_squeeze %dma_wait3A_75 : memref<1x128xi32, #tpu.memory_space<vmem>> -> memref<128xi32, #tpu.memory_space<vmem>>
    %dma_wait3A_77 = tpu.memref_slice %arg3[%dma_wait3A, %mul3A_67] : memref<2x327680xi32, #tpu.memory_space<hbm>> -> memref<1x128xi32, #tpu.memory_space<hbm>>
    %dma_wait3A_78 = tpu.memref_squeeze %dma_wait3A_77 : memref<1x128xi32, #tpu.memory_space<hbm>> -> memref<128xi32, #tpu.memory_space<hbm>>
    tpu.wait_dma2 semaphore(%arg13 : memref<!tpu.dma_semaphore, #tpu.memory_space<semaphore_mem>>) src(%dma_wait3A_78 : memref<128xi32, #tpu.memory_space<hbm>>) dst(%dma_wait3A_76 : memref<128xi32, #tpu.memory_space<vmem>>)
    %dma_wait3A_79 = arith.constant 1 : i32
    %dma_wait3A_80 = arith.constant 0 : i32
    %dma_wait3A_81 = arith.constant 0 : i32
    %dma_wait3A_82 = tpu.memref_slice %arg7[%dma_wait3A_80, %dma_wait3A_81] : memref<2x128xi32, #tpu.memory_space<vmem>> -> memref<1x128xi32, #tpu.memory_space<vmem>>
    %dma_wait3A_83 = tpu.memref_squeeze %dma_wait3A_82 : memref<1x128xi32, #tpu.memory_space<vmem>> -> memref<128xi32, #tpu.memory_space<vmem>>
    %dma_wait3A_84 = tpu.memref_slice %arg3[%dma_wait3A_79, %mul3A_67] : memref<2x327680xi32, #tpu.memory_space<hbm>> -> memref<1x128xi32, #tpu.memory_space<hbm>>
    %dma_wait3A_85 = tpu.memref_squeeze %dma_wait3A_84 : memref<1x128xi32, #tpu.memory_space<hbm>> -> memref<128xi32, #tpu.memory_space<hbm>>
    %dma_wait3A_86 = arith.constant 0 : i32
    %dma_wait3A_87 = tpu.memref_slice %arg7[%dma_wait3A_80, %dma_wait3A_86] : memref<2x128xi32, #tpu.memory_space<vmem>> -> memref<1x128xi32, #tpu.memory_space<vmem>>
    %dma_wait3A_88 = tpu.memref_squeeze %dma_wait3A_87 : memref<1x128xi32, #tpu.memory_space<vmem>> -> memref<128xi32, #tpu.memory_space<vmem>>
    %dma_wait3A_89 = tpu.memref_slice %arg3[%dma_wait3A_79, %mul3A_67] : memref<2x327680xi32, #tpu.memory_space<hbm>> -> memref<1x128xi32, #tpu.memory_space<hbm>>
    %dma_wait3A_90 = tpu.memref_squeeze %dma_wait3A_89 : memref<1x128xi32, #tpu.memory_space<hbm>> -> memref<128xi32, #tpu.memory_space<hbm>>
    tpu.wait_dma2 semaphore(%arg13 : memref<!tpu.dma_semaphore, #tpu.memory_space<semaphore_mem>>) src(%dma_wait3A_90 : memref<128xi32, #tpu.memory_space<hbm>>) dst(%dma_wait3A_88 : memref<128xi32, #tpu.memory_space<vmem>>)
    %dma_start3A_91 = arith.constant 0 : i32
    %dma_start3A_92 = arith.constant 0 : i32
    %dma_start3A_93 = tpu.memref_slice %arg6[%dma_start3A_91, %dma_start3A_92] : memref<2x128xi32, #tpu.memory_space<vmem>> -> memref<1x128xi32, #tpu.memory_space<vmem>>
    %dma_start3A_94 = tpu.memref_squeeze %dma_start3A_93 : memref<1x128xi32, #tpu.memory_space<vmem>> -> memref<128xi32, #tpu.memory_space<vmem>>
    %dma_start3A_95 = arith.constant 0 : i32
    %dma_start3A_96 = arith.constant 0 : i32
    %dma_start3A_97 = tpu.memref_slice %arg2[%dma_start3A_95, %dma_start3A_96] : memref<10240x128xf32, #tpu.memory_space<hbm>> -> memref<10240x128xf32, #tpu.memory_space<hbm>>
    tpu.enqueue_indirect_dma source(%dma_start3A_97 : memref<10240x128xf32, #tpu.memory_space<hbm>>) target(%arg8 : memref<128x128xf32, #tpu.memory_space<vmem>>) offsets(%dma_start3A_94 : memref<128xi32, #tpu.memory_space<vmem>>) semaphore(%arg11 : memref<!tpu.dma_semaphore, #tpu.memory_space<semaphore_mem>>)
    %scan3A = arith.constant 0 : i32
    %scan3A_98 = arith.constant 0 : i32
    %scan3A_99 = arith.constant 40 : i32
    %scan3A_100 = arith.addi %scan3A_98, %scan3A_99 : i32
    %scan3A_101 = arith.constant 1 : i32
    %scan3A_102 = scf.for %scan3A_105 = %scan3A_98 to %scan3A_100 step %scan3A_101 iter_args(%scan3A_106 = %scan3A) -> (i32)  : i32 {
      %mul3A_107 = arith.constant 2 : i32
      %mul3A_108 = arith.muli %mul3A_107, %scan3A_105 : i32
      %add3A_109 = arith.constant 1 : i32
      %add3A_110 = arith.addi %mul3A_108, %add3A_109 : i32
      %mul3A_111 = arith.constant 1280 : i32
      %mul3A_112 = arith.muli %arg0, %mul3A_111 : i32
      %mul3A_113 = arith.constant 16 : i32
      %mul3A_114 = arith.muli %add3A_110, %mul3A_113 : i32
      %add3A_115 = arith.addi %mul3A_112, %mul3A_114 : i32
      %add3A_116 = arith.addi %add3A_115, %arg1 : i32
      %mul3A_117 = arith.constant 128 : i32
      %mul3A_118 = arith.muli %add3A_116, %mul3A_117 : i32
      %dma_wait3A_119 = arith.constant 0 : i32
      %dma_wait3A_120 = arith.constant 1 : i32
      %dma_wait3A_121 = arith.constant 0 : i32
      %dma_wait3A_122 = tpu.memref_slice %arg6[%dma_wait3A_120, %dma_wait3A_121] : memref<2x128xi32, #tpu.memory_space<vmem>> -> memref<1x128xi32, #tpu.memory_space<vmem>>
      %dma_wait3A_123 = tpu.memref_squeeze %dma_wait3A_122 : memref<1x128xi32, #tpu.memory_space<vmem>> -> memref<128xi32, #tpu.memory_space<vmem>>
      %dma_wait3A_124 = tpu.memref_slice %arg3[%dma_wait3A_119, %mul3A_118] : memref<2x327680xi32, #tpu.memory_space<hbm>> -> memref<1x128xi32, #tpu.memory_space<hbm>>
      %dma_wait3A_125 = tpu.memref_squeeze %dma_wait3A_124 : memref<1x128xi32, #tpu.memory_space<hbm>> -> memref<128xi32, #tpu.memory_space<hbm>>
      %dma_wait3A_126 = arith.constant 0 : i32
      %dma_wait3A_127 = tpu.memref_slice %arg6[%dma_wait3A_120, %dma_wait3A_126] : memref<2x128xi32, #tpu.memory_space<vmem>> -> memref<1x128xi32, #tpu.memory_space<vmem>>
      %dma_wait3A_128 = tpu.memref_squeeze %dma_wait3A_127 : memref<1x128xi32, #tpu.memory_space<vmem>> -> memref<128xi32, #tpu.memory_space<vmem>>
      %dma_wait3A_129 = tpu.memref_slice %arg3[%dma_wait3A_119, %mul3A_118] : memref<2x327680xi32, #tpu.memory_space<hbm>> -> memref<1x128xi32, #tpu.memory_space<hbm>>
      %dma_wait3A_130 = tpu.memref_squeeze %dma_wait3A_129 : memref<1x128xi32, #tpu.memory_space<hbm>> -> memref<128xi32, #tpu.memory_space<hbm>>
      tpu.wait_dma2 semaphore(%arg14 : memref<!tpu.dma_semaphore, #tpu.memory_space<semaphore_mem>>) src(%dma_wait3A_130 : memref<128xi32, #tpu.memory_space<hbm>>) dst(%dma_wait3A_128 : memref<128xi32, #tpu.memory_space<vmem>>)
      %dma_wait3A_131 = arith.constant 1 : i32
      %dma_wait3A_132 = arith.constant 1 : i32
      %dma_wait3A_133 = arith.constant 0 : i32
      %dma_wait3A_134 = tpu.memref_slice %arg7[%dma_wait3A_132, %dma_wait3A_133] : memref<2x128xi32, #tpu.memory_space<vmem>> -> memref<1x128xi32, #tpu.memory_space<vmem>>
      %dma_wait3A_135 = tpu.memref_squeeze %dma_wait3A_134 : memref<1x128xi32, #tpu.memory_space<vmem>> -> memref<128xi32, #tpu.memory_space<vmem>>
      %dma_wait3A_136 = tpu.memref_slice %arg3[%dma_wait3A_131, %mul3A_118] : memref<2x327680xi32, #tpu.memory_space<hbm>> -> memref<1x128xi32, #tpu.memory_space<hbm>>
      %dma_wait3A_137 = tpu.memref_squeeze %dma_wait3A_136 : memref<1x128xi32, #tpu.memory_space<hbm>> -> memref<128xi32, #tpu.memory_space<hbm>>
      %dma_wait3A_138 = arith.constant 0 : i32
      %dma_wait3A_139 = tpu.memref_slice %arg7[%dma_wait3A_132, %dma_wait3A_138] : memref<2x128xi32, #tpu.memory_space<vmem>> -> memref<1x128xi32, #tpu.memory_space<vmem>>
      %dma_wait3A_140 = tpu.memref_squeeze %dma_wait3A_139 : memref<1x128xi32, #tpu.memory_space<vmem>> -> memref<128xi32, #tpu.memory_space<vmem>>
      %dma_wait3A_141 = tpu.memref_slice %arg3[%dma_wait3A_131, %mul3A_118] : memref<2x327680xi32, #tpu.memory_space<hbm>> -> memref<1x128xi32, #tpu.memory_space<hbm>>
      %dma_wait3A_142 = tpu.memref_squeeze %dma_wait3A_141 : memref<1x128xi32, #tpu.memory_space<hbm>> -> memref<128xi32, #tpu.memory_space<hbm>>
      tpu.wait_dma2 semaphore(%arg14 : memref<!tpu.dma_semaphore, #tpu.memory_space<semaphore_mem>>) src(%dma_wait3A_142 : memref<128xi32, #tpu.memory_space<hbm>>) dst(%dma_wait3A_140 : memref<128xi32, #tpu.memory_space<vmem>>)
      %dma_start3A_143 = arith.constant 1 : i32
      %dma_start3A_144 = arith.constant 0 : i32
      %dma_start3A_145 = tpu.memref_slice %arg6[%dma_start3A_143, %dma_start3A_144] : memref<2x128xi32, #tpu.memory_space<vmem>> -> memref<1x128xi32, #tpu.memory_space<vmem>>
      %dma_start3A_146 = tpu.memref_squeeze %dma_start3A_145 : memref<1x128xi32, #tpu.memory_space<vmem>> -> memref<128xi32, #tpu.memory_space<vmem>>
      %dma_start3A_147 = arith.constant 0 : i32
      %dma_start3A_148 = arith.constant 0 : i32
      %dma_start3A_149 = tpu.memref_slice %arg2[%dma_start3A_147, %dma_start3A_148] : memref<10240x128xf32, #tpu.memory_space<hbm>> -> memref<10240x128xf32, #tpu.memory_space<hbm>>
      tpu.enqueue_indirect_dma source(%dma_start3A_149 : memref<10240x128xf32, #tpu.memory_space<hbm>>) target(%arg9 : memref<128x128xf32, #tpu.memory_space<vmem>>) offsets(%dma_start3A_146 : memref<128xi32, #tpu.memory_space<vmem>>) semaphore(%arg12 : memref<!tpu.dma_semaphore, #tpu.memory_space<semaphore_mem>>)
      %dma_wait3A_150 = arith.constant 0 : i32
      %dma_wait3A_151 = arith.constant 0 : i32
      %dma_wait3A_152 = tpu.memref_slice %arg6[%dma_wait3A_150, %dma_wait3A_151] : memref<2x128xi32, #tpu.memory_space<vmem>> -> memref<1x128xi32, #tpu.memory_space<vmem>>
      %dma_wait3A_153 = tpu.memref_squeeze %dma_wait3A_152 : memref<1x128xi32, #tpu.memory_space<vmem>> -> memref<128xi32, #tpu.memory_space<vmem>>
      %dma_wait3A_154 = arith.constant 0 : i32
      %dma_wait3A_155 = arith.constant 0 : i32
      %dma_wait3A_156 = tpu.memref_slice %arg2[%dma_wait3A_154, %dma_wait3A_155] : memref<10240x128xf32, #tpu.memory_space<hbm>> -> memref<10240x128xf32, #tpu.memory_space<hbm>>
      tpu.wait_indirect_dma semaphore(%arg11 : memref<!tpu.dma_semaphore, #tpu.memory_space<semaphore_mem>>) src(%dma_wait3A_156 : memref<10240x128xf32, #tpu.memory_space<hbm>>) dst(%arg8 : memref<128x128xf32, #tpu.memory_space<vmem>>)
      %run_scoped3A = arith.constant 0 : i32
      "tpu.region"() ({
        %run_scoped3A_177 = tpu.sem_alloc : memref<!tpu.dma_semaphore, #tpu.memory_space<semaphore_mem>>
        %dma_start3A_178 = arith.constant 0 : i32
        %dma_start3A_179 = tpu.memref_slice %arg7[%run_scoped3A, %dma_start3A_178] : memref<2x128xi32, #tpu.memory_space<vmem>> -> memref<1x128xi32, #tpu.memory_space<vmem>>
        %dma_start3A_180 = tpu.memref_squeeze %dma_start3A_179 : memref<1x128xi32, #tpu.memory_space<vmem>> -> memref<128xi32, #tpu.memory_space<vmem>>
        %dma_start3A_181 = arith.constant 0 : i32
        %dma_start3A_182 = arith.constant 0 : i32
        %dma_start3A_183 = tpu.memref_slice %arg10[%dma_start3A_181, %dma_start3A_182] : memref<10240x128xf32, #tpu.memory_space<vmem_shared>> -> memref<10240x128xf32, #tpu.memory_space<vmem_shared>>
        tpu.enqueue_indirect_dma source(%arg8 : memref<128x128xf32, #tpu.memory_space<vmem>>) target(%dma_start3A_183 : memref<10240x128xf32, #tpu.memory_space<vmem_shared>>) offsets(%dma_start3A_180 : memref<128xi32, #tpu.memory_space<vmem>>) semaphore(%run_scoped3A_177 : memref<!tpu.dma_semaphore, #tpu.memory_space<semaphore_mem>>) {add = true}
        %dma_wait3A_184 = arith.constant 0 : i32
        %dma_wait3A_185 = tpu.memref_slice %arg7[%run_scoped3A, %dma_wait3A_184] : memref<2x128xi32, #tpu.memory_space<vmem>> -> memref<1x128xi32, #tpu.memory_space<vmem>>
        %dma_wait3A_186 = tpu.memref_squeeze %dma_wait3A_185 : memref<1x128xi32, #tpu.memory_space<vmem>> -> memref<128xi32, #tpu.memory_space<vmem>>
        %dma_wait3A_187 = arith.constant 0 : i32
        %dma_wait3A_188 = arith.constant 0 : i32
        %dma_wait3A_189 = tpu.memref_slice %arg10[%dma_wait3A_187, %dma_wait3A_188] : memref<10240x128xf32, #tpu.memory_space<vmem_shared>> -> memref<10240x128xf32, #tpu.memory_space<vmem_shared>>
        tpu.wait_indirect_dma semaphore(%run_scoped3A_177 : memref<!tpu.dma_semaphore, #tpu.memory_space<semaphore_mem>>) src(%arg8 : memref<128x128xf32, #tpu.memory_space<vmem>>) dst(%dma_wait3A_189 : memref<10240x128xf32, #tpu.memory_space<vmem_shared>>)
        tpu.yield
      }) : () -> ()
      %add3A_157 = arith.constant 2 : i32
      %add3A_158 = arith.addi %mul3A_108, %add3A_157 : i32
      %lt3A = arith.constant 80 : i32
      %lt3A_159 = arith.cmpi slt, %add3A_158, %lt3A : i32
      %convert_element_type3A = arith.extui %lt3A_159 : i1 to i32
      %cond3A = arith.constant 0 : i32
      %cond3A_160 = arith.cmpi ne, %convert_element_type3A, %cond3A : i32
      scf.if %cond3A_160 {
        %add3A_177 = arith.constant 2 : i32
        %add3A_178 = arith.addi %mul3A_108, %add3A_177 : i32
        %mul3A_179 = arith.constant 1280 : i32
        %mul3A_180 = arith.muli %arg0, %mul3A_179 : i32
        %mul3A_181 = arith.constant 16 : i32
        %mul3A_182 = arith.muli %add3A_178, %mul3A_181 : i32
        %add3A_183 = arith.addi %mul3A_180, %mul3A_182 : i32
        %add3A_184 = arith.addi %add3A_183, %arg1 : i32
        %mul3A_185 = arith.constant 128 : i32
        %mul3A_186 = arith.muli %add3A_184, %mul3A_185 : i32
        %dma_start3A_187 = arith.constant 0 : i32
        %dma_start3A_188 = arith.constant 0 : i32
        %dma_start3A_189 = arith.constant 0 : i32
        %dma_start3A_190 = tpu.memref_slice %arg6[%dma_start3A_188, %dma_start3A_189] : memref<2x128xi32, #tpu.memory_space<vmem>> -> memref<1x128xi32, #tpu.memory_space<vmem>>
        %dma_start3A_191 = tpu.memref_squeeze %dma_start3A_190 : memref<1x128xi32, #tpu.memory_space<vmem>> -> memref<128xi32, #tpu.memory_space<vmem>>
        %dma_start3A_192 = tpu.memref_slice %arg3[%dma_start3A_187, %mul3A_186] : memref<2x327680xi32, #tpu.memory_space<hbm>> -> memref<1x128xi32, #tpu.memory_space<hbm>>
        %dma_start3A_193 = tpu.memref_squeeze %dma_start3A_192 : memref<1x128xi32, #tpu.memory_space<hbm>> -> memref<128xi32, #tpu.memory_space<hbm>>
        %dma_start3A_194 = arith.constant 0 : i32
        %dma_start3A_195 = tpu.memref_slice %arg6[%dma_start3A_188, %dma_start3A_194] : memref<2x128xi32, #tpu.memory_space<vmem>> -> memref<1x128xi32, #tpu.memory_space<vmem>>
        %dma_start3A_196 = tpu.memref_squeeze %dma_start3A_195 : memref<1x128xi32, #tpu.memory_space<vmem>> -> memref<128xi32, #tpu.memory_space<vmem>>
        %dma_start3A_197 = tpu.memref_slice %arg3[%dma_start3A_187, %mul3A_186] : memref<2x327680xi32, #tpu.memory_space<hbm>> -> memref<1x128xi32, #tpu.memory_space<hbm>>
        %dma_start3A_198 = tpu.memref_squeeze %dma_start3A_197 : memref<1x128xi32, #tpu.memory_space<hbm>> -> memref<128xi32, #tpu.memory_space<hbm>>
        tpu.enqueue_dma source(%dma_start3A_198 : memref<128xi32, #tpu.memory_space<hbm>>) target(%dma_start3A_196 : memref<128xi32, #tpu.memory_space<vmem>>) target_semaphore(%arg13 : memref<!tpu.dma_semaphore, #tpu.memory_space<semaphore_mem>>)
        %dma_start3A_199 = arith.constant 1 : i32
        %dma_start3A_200 = arith.constant 0 : i32
        %dma_start3A_201 = arith.constant 0 : i32
        %dma_start3A_202 = tpu.memref_slice %arg7[%dma_start3A_200, %dma_start3A_201] : memref<2x128xi32, #tpu.memory_space<vmem>> -> memref<1x128xi32, #tpu.memory_space<vmem>>
        %dma_start3A_203 = tpu.memref_squeeze %dma_start3A_202 : memref<1x128xi32, #tpu.memory_space<vmem>> -> memref<128xi32, #tpu.memory_space<vmem>>
        %dma_start3A_204 = tpu.memref_slice %arg3[%dma_start3A_199, %mul3A_186] : memref<2x327680xi32, #tpu.memory_space<hbm>> -> memref<1x128xi32, #tpu.memory_space<hbm>>
        %dma_start3A_205 = tpu.memref_squeeze %dma_start3A_204 : memref<1x128xi32, #tpu.memory_space<hbm>> -> memref<128xi32, #tpu.memory_space<hbm>>
        %dma_start3A_206 = arith.constant 0 : i32
        %dma_start3A_207 = tpu.memref_slice %arg7[%dma_start3A_200, %dma_start3A_206] : memref<2x128xi32, #tpu.memory_space<vmem>> -> memref<1x128xi32, #tpu.memory_space<vmem>>
        %dma_start3A_208 = tpu.memref_squeeze %dma_start3A_207 : memref<1x128xi32, #tpu.memory_space<vmem>> -> memref<128xi32, #tpu.memory_space<vmem>>
        %dma_start3A_209 = tpu.memref_slice %arg3[%dma_start3A_199, %mul3A_186] : memref<2x327680xi32, #tpu.memory_space<hbm>> -> memref<1x128xi32, #tpu.memory_space<hbm>>
        %dma_start3A_210 = tpu.memref_squeeze %dma_start3A_209 : memref<1x128xi32, #tpu.memory_space<hbm>> -> memref<128xi32, #tpu.memory_space<hbm>>
        tpu.enqueue_dma source(%dma_start3A_210 : memref<128xi32, #tpu.memory_space<hbm>>) target(%dma_start3A_208 : memref<128xi32, #tpu.memory_space<vmem>>) target_semaphore(%arg13 : memref<!tpu.dma_semaphore, #tpu.memory_space<semaphore_mem>>)
        %add3A_211 = arith.constant 2 : i32
        %add3A_212 = arith.addi %mul3A_108, %add3A_211 : i32
        %mul3A_213 = arith.constant 1280 : i32
        %mul3A_214 = arith.muli %arg0, %mul3A_213 : i32
        %mul3A_215 = arith.constant 16 : i32
        %mul3A_216 = arith.muli %add3A_212, %mul3A_215 : i32
        %add3A_217 = arith.addi %mul3A_214, %mul3A_216 : i32
        %add3A_218 = arith.addi %add3A_217, %arg1 : i32
        %mul3A_219 = arith.constant 128 : i32
        %mul3A_220 = arith.muli %add3A_218, %mul3A_219 : i32
        %dma_wait3A_221 = arith.constant 0 : i32
        %dma_wait3A_222 = arith.constant 0 : i32
        %dma_wait3A_223 = arith.constant 0 : i32
        %dma_wait3A_224 = tpu.memref_slice %arg6[%dma_wait3A_222, %dma_wait3A_223] : memref<2x128xi32, #tpu.memory_space<vmem>> -> memref<1x128xi32, #tpu.memory_space<vmem>>
        %dma_wait3A_225 = tpu.memref_squeeze %dma_wait3A_224 : memref<1x128xi32, #tpu.memory_space<vmem>> -> memref<128xi32, #tpu.memory_space<vmem>>
        %dma_wait3A_226 = tpu.memref_slice %arg3[%dma_wait3A_221, %mul3A_220] : memref<2x327680xi32, #tpu.memory_space<hbm>> -> memref<1x128xi32, #tpu.memory_space<hbm>>
        %dma_wait3A_227 = tpu.memref_squeeze %dma_wait3A_226 : memref<1x128xi32, #tpu.memory_space<hbm>> -> memref<128xi32, #tpu.memory_space<hbm>>
        %dma_wait3A_228 = arith.constant 0 : i32
        %dma_wait3A_229 = tpu.memref_slice %arg6[%dma_wait3A_222, %dma_wait3A_228] : memref<2x128xi32, #tpu.memory_space<vmem>> -> memref<1x128xi32, #tpu.memory_space<vmem>>
        %dma_wait3A_230 = tpu.memref_squeeze %dma_wait3A_229 : memref<1x128xi32, #tpu.memory_space<vmem>> -> memref<128xi32, #tpu.memory_space<vmem>>
        %dma_wait3A_231 = tpu.memref_slice %arg3[%dma_wait3A_221, %mul3A_220] : memref<2x327680xi32, #tpu.memory_space<hbm>> -> memref<1x128xi32, #tpu.memory_space<hbm>>
        %dma_wait3A_232 = tpu.memref_squeeze %dma_wait3A_231 : memref<1x128xi32, #tpu.memory_space<hbm>> -> memref<128xi32, #tpu.memory_space<hbm>>
        tpu.wait_dma2 semaphore(%arg13 : memref<!tpu.dma_semaphore, #tpu.memory_space<semaphore_mem>>) src(%dma_wait3A_232 : memref<128xi32, #tpu.memory_space<hbm>>) dst(%dma_wait3A_230 : memref<128xi32, #tpu.memory_space<vmem>>)
        %dma_wait3A_233 = arith.constant 1 : i32
        %dma_wait3A_234 = arith.constant 0 : i32
        %dma_wait3A_235 = arith.constant 0 : i32
        %dma_wait3A_236 = tpu.memref_slice %arg7[%dma_wait3A_234, %dma_wait3A_235] : memref<2x128xi32, #tpu.memory_space<vmem>> -> memref<1x128xi32, #tpu.memory_space<vmem>>
        %dma_wait3A_237 = tpu.memref_squeeze %dma_wait3A_236 : memref<1x128xi32, #tpu.memory_space<vmem>> -> memref<128xi32, #tpu.memory_space<vmem>>
        %dma_wait3A_238 = tpu.memref_slice %arg3[%dma_wait3A_233, %mul3A_220] : memref<2x327680xi32, #tpu.memory_space<hbm>> -> memref<1x128xi32, #tpu.memory_space<hbm>>
        %dma_wait3A_239 = tpu.memref_squeeze %dma_wait3A_238 : memref<1x128xi32, #tpu.memory_space<hbm>> -> memref<128xi32, #tpu.memory_space<hbm>>
        %dma_wait3A_240 = arith.constant 0 : i32
        %dma_wait3A_241 = tpu.memref_slice %arg7[%dma_wait3A_234, %dma_wait3A_240] : memref<2x128xi32, #tpu.memory_space<vmem>> -> memref<1x128xi32, #tpu.memory_space<vmem>>
        %dma_wait3A_242 = tpu.memref_squeeze %dma_wait3A_241 : memref<1x128xi32, #tpu.memory_space<vmem>> -> memref<128xi32, #tpu.memory_space<vmem>>
        %dma_wait3A_243 = tpu.memref_slice %arg3[%dma_wait3A_233, %mul3A_220] : memref<2x327680xi32, #tpu.memory_space<hbm>> -> memref<1x128xi32, #tpu.memory_space<hbm>>
        %dma_wait3A_244 = tpu.memref_squeeze %dma_wait3A_243 : memref<1x128xi32, #tpu.memory_space<hbm>> -> memref<128xi32, #tpu.memory_space<hbm>>
        tpu.wait_dma2 semaphore(%arg13 : memref<!tpu.dma_semaphore, #tpu.memory_space<semaphore_mem>>) src(%dma_wait3A_244 : memref<128xi32, #tpu.memory_space<hbm>>) dst(%dma_wait3A_242 : memref<128xi32, #tpu.memory_space<vmem>>)
        %dma_start3A_245 = arith.constant 0 : i32
        %dma_start3A_246 = arith.constant 0 : i32
        %dma_start3A_247 = tpu.memref_slice %arg6[%dma_start3A_245, %dma_start3A_246] : memref<2x128xi32, #tpu.memory_space<vmem>> -> memref<1x128xi32, #tpu.memory_space<vmem>>
        %dma_start3A_248 = tpu.memref_squeeze %dma_start3A_247 : memref<1x128xi32, #tpu.memory_space<vmem>> -> memref<128xi32, #tpu.memory_space<vmem>>
        %dma_start3A_249 = arith.constant 0 : i32
        %dma_start3A_250 = arith.constant 0 : i32
        %dma_start3A_251 = tpu.memref_slice %arg2[%dma_start3A_249, %dma_start3A_250] : memref<10240x128xf32, #tpu.memory_space<hbm>> -> memref<10240x128xf32, #tpu.memory_space<hbm>>
        tpu.enqueue_indirect_dma source(%dma_start3A_251 : memref<10240x128xf32, #tpu.memory_space<hbm>>) target(%arg8 : memref<128x128xf32, #tpu.memory_space<vmem>>) offsets(%dma_start3A_248 : memref<128xi32, #tpu.memory_space<vmem>>) semaphore(%arg11 : memref<!tpu.dma_semaphore, #tpu.memory_space<semaphore_mem>>)
      } else {
      }
      %dma_wait3A_161 = arith.constant 1 : i32
      %dma_wait3A_162 = arith.constant 0 : i32
      %dma_wait3A_163 = tpu.memref_slice %arg6[%dma_wait3A_161, %dma_wait3A_162] : memref<2x128xi32, #tpu.memory_space<vmem>> -> memref<1x128xi32, #tpu.memory_space<vmem>>
      %dma_wait3A_164 = tpu.memref_squeeze %dma_wait3A_163 : memref<1x128xi32, #tpu.memory_space<vmem>> -> memref<128xi32, #tpu.memory_space<vmem>>
      %dma_wait3A_165 = arith.constant 0 : i32
      %dma_wait3A_166 = arith.constant 0 : i32
      %dma_wait3A_167 = tpu.memref_slice %arg2[%dma_wait3A_165, %dma_wait3A_166] : memref<10240x128xf32, #tpu.memory_space<hbm>> -> memref<10240x128xf32, #tpu.memory_space<hbm>>
      tpu.wait_indirect_dma semaphore(%arg12 : memref<!tpu.dma_semaphore, #tpu.memory_space<semaphore_mem>>) src(%dma_wait3A_167 : memref<10240x128xf32, #tpu.memory_space<hbm>>) dst(%arg9 : memref<128x128xf32, #tpu.memory_space<vmem>>)
      %run_scoped3A_168 = arith.constant 1 : i32
      "tpu.region"() ({
        %run_scoped3A_177 = tpu.sem_alloc : memref<!tpu.dma_semaphore, #tpu.memory_space<semaphore_mem>>
        %dma_start3A_178 = arith.constant 0 : i32
        %dma_start3A_179 = tpu.memref_slice %arg7[%run_scoped3A_168, %dma_start3A_178] : memref<2x128xi32, #tpu.memory_space<vmem>> -> memref<1x128xi32, #tpu.memory_space<vmem>>
        %dma_start3A_180 = tpu.memref_squeeze %dma_start3A_179 : memref<1x128xi32, #tpu.memory_space<vmem>> -> memref<128xi32, #tpu.memory_space<vmem>>
        %dma_start3A_181 = arith.constant 0 : i32
        %dma_start3A_182 = arith.constant 0 : i32
        %dma_start3A_183 = tpu.memref_slice %arg10[%dma_start3A_181, %dma_start3A_182] : memref<10240x128xf32, #tpu.memory_space<vmem_shared>> -> memref<10240x128xf32, #tpu.memory_space<vmem_shared>>
        tpu.enqueue_indirect_dma source(%arg9 : memref<128x128xf32, #tpu.memory_space<vmem>>) target(%dma_start3A_183 : memref<10240x128xf32, #tpu.memory_space<vmem_shared>>) offsets(%dma_start3A_180 : memref<128xi32, #tpu.memory_space<vmem>>) semaphore(%run_scoped3A_177 : memref<!tpu.dma_semaphore, #tpu.memory_space<semaphore_mem>>) {add = true}
        %dma_wait3A_184 = arith.constant 0 : i32
        %dma_wait3A_185 = tpu.memref_slice %arg7[%run_scoped3A_168, %dma_wait3A_184] : memref<2x128xi32, #tpu.memory_space<vmem>> -> memref<1x128xi32, #tpu.memory_space<vmem>>
        %dma_wait3A_186 = tpu.memref_squeeze %dma_wait3A_185 : memref<1x128xi32, #tpu.memory_space<vmem>> -> memref<128xi32, #tpu.memory_space<vmem>>
        %dma_wait3A_187 = arith.constant 0 : i32
        %dma_wait3A_188 = arith.constant 0 : i32
        %dma_wait3A_189 = tpu.memref_slice %arg10[%dma_wait3A_187, %dma_wait3A_188] : memref<10240x128xf32, #tpu.memory_space<vmem_shared>> -> memref<10240x128xf32, #tpu.memory_space<vmem_shared>>
        tpu.wait_indirect_dma semaphore(%run_scoped3A_177 : memref<!tpu.dma_semaphore, #tpu.memory_space<semaphore_mem>>) src(%arg9 : memref<128x128xf32, #tpu.memory_space<vmem>>) dst(%dma_wait3A_189 : memref<10240x128xf32, #tpu.memory_space<vmem_shared>>)
        tpu.yield
      }) : () -> ()
      %add3A_169 = arith.constant 3 : i32
      %add3A_170 = arith.addi %mul3A_108, %add3A_169 : i32
      %lt3A_171 = arith.constant 80 : i32
      %lt3A_172 = arith.cmpi slt, %add3A_170, %lt3A_171 : i32
      %convert_element_type3A_173 = arith.extui %lt3A_172 : i1 to i32
      %cond3A_174 = arith.constant 0 : i32
      %cond3A_175 = arith.cmpi ne, %convert_element_type3A_173, %cond3A_174 : i32
      scf.if %cond3A_175 {
        %add3A_177 = arith.constant 3 : i32
        %add3A_178 = arith.addi %mul3A_108, %add3A_177 : i32
        %mul3A_179 = arith.constant 1280 : i32
        %mul3A_180 = arith.muli %arg0, %mul3A_179 : i32
        %mul3A_181 = arith.constant 16 : i32
        %mul3A_182 = arith.muli %add3A_178, %mul3A_181 : i32
        %add3A_183 = arith.addi %mul3A_180, %mul3A_182 : i32
        %add3A_184 = arith.addi %add3A_183, %arg1 : i32
        %mul3A_185 = arith.constant 128 : i32
        %mul3A_186 = arith.muli %add3A_184, %mul3A_185 : i32
        %dma_start3A_187 = arith.constant 0 : i32
        %dma_start3A_188 = arith.constant 1 : i32
        %dma_start3A_189 = arith.constant 0 : i32
        %dma_start3A_190 = tpu.memref_slice %arg6[%dma_start3A_188, %dma_start3A_189] : memref<2x128xi32, #tpu.memory_space<vmem>> -> memref<1x128xi32, #tpu.memory_space<vmem>>
        %dma_start3A_191 = tpu.memref_squeeze %dma_start3A_190 : memref<1x128xi32, #tpu.memory_space<vmem>> -> memref<128xi32, #tpu.memory_space<vmem>>
        %dma_start3A_192 = tpu.memref_slice %arg3[%dma_start3A_187, %mul3A_186] : memref<2x327680xi32, #tpu.memory_space<hbm>> -> memref<1x128xi32, #tpu.memory_space<hbm>>
        %dma_start3A_193 = tpu.memref_squeeze %dma_start3A_192 : memref<1x128xi32, #tpu.memory_space<hbm>> -> memref<128xi32, #tpu.memory_space<hbm>>
        %dma_start3A_194 = arith.constant 0 : i32
        %dma_start3A_195 = tpu.memref_slice %arg6[%dma_start3A_188, %dma_start3A_194] : memref<2x128xi32, #tpu.memory_space<vmem>> -> memref<1x128xi32, #tpu.memory_space<vmem>>
        %dma_start3A_196 = tpu.memref_squeeze %dma_start3A_195 : memref<1x128xi32, #tpu.memory_space<vmem>> -> memref<128xi32, #tpu.memory_space<vmem>>
        %dma_start3A_197 = tpu.memref_slice %arg3[%dma_start3A_187, %mul3A_186] : memref<2x327680xi32, #tpu.memory_space<hbm>> -> memref<1x128xi32, #tpu.memory_space<hbm>>
        %dma_start3A_198 = tpu.memref_squeeze %dma_start3A_197 : memref<1x128xi32, #tpu.memory_space<hbm>> -> memref<128xi32, #tpu.memory_space<hbm>>
        tpu.enqueue_dma source(%dma_start3A_198 : memref<128xi32, #tpu.memory_space<hbm>>) target(%dma_start3A_196 : memref<128xi32, #tpu.memory_space<vmem>>) target_semaphore(%arg14 : memref<!tpu.dma_semaphore, #tpu.memory_space<semaphore_mem>>)
        %dma_start3A_199 = arith.constant 1 : i32
        %dma_start3A_200 = arith.constant 1 : i32
        %dma_start3A_201 = arith.constant 0 : i32
        %dma_start3A_202 = tpu.memref_slice %arg7[%dma_start3A_200, %dma_start3A_201] : memref<2x128xi32, #tpu.memory_space<vmem>> -> memref<1x128xi32, #tpu.memory_space<vmem>>
        %dma_start3A_203 = tpu.memref_squeeze %dma_start3A_202 : memref<1x128xi32, #tpu.memory_space<vmem>> -> memref<128xi32, #tpu.memory_space<vmem>>
        %dma_start3A_204 = tpu.memref_slice %arg3[%dma_start3A_199, %mul3A_186] : memref<2x327680xi32, #tpu.memory_space<hbm>> -> memref<1x128xi32, #tpu.memory_space<hbm>>
        %dma_start3A_205 = tpu.memref_squeeze %dma_start3A_204 : memref<1x128xi32, #tpu.memory_space<hbm>> -> memref<128xi32, #tpu.memory_space<hbm>>
        %dma_start3A_206 = arith.constant 0 : i32
        %dma_start3A_207 = tpu.memref_slice %arg7[%dma_start3A_200, %dma_start3A_206] : memref<2x128xi32, #tpu.memory_space<vmem>> -> memref<1x128xi32, #tpu.memory_space<vmem>>
        %dma_start3A_208 = tpu.memref_squeeze %dma_start3A_207 : memref<1x128xi32, #tpu.memory_space<vmem>> -> memref<128xi32, #tpu.memory_space<vmem>>
        %dma_start3A_209 = tpu.memref_slice %arg3[%dma_start3A_199, %mul3A_186] : memref<2x327680xi32, #tpu.memory_space<hbm>> -> memref<1x128xi32, #tpu.memory_space<hbm>>
        %dma_start3A_210 = tpu.memref_squeeze %dma_start3A_209 : memref<1x128xi32, #tpu.memory_space<hbm>> -> memref<128xi32, #tpu.memory_space<hbm>>
        tpu.enqueue_dma source(%dma_start3A_210 : memref<128xi32, #tpu.memory_space<hbm>>) target(%dma_start3A_208 : memref<128xi32, #tpu.memory_space<vmem>>) target_semaphore(%arg14 : memref<!tpu.dma_semaphore, #tpu.memory_space<semaphore_mem>>)
      } else {
      }
      %scan3A_176 = arith.constant 0 : i32
      scf.yield %scan3A_176 : i32
    }
    %scan3A_103 = arith.constant 40 : i32
    %barrier3A_104 = arith.constant 0 : index
    tpu.barrier barrier_id(%barrier3A_104)
    "tpu.region"() ({
      %run_scoped3A = tpu.sem_alloc : memref<!tpu.dma_semaphore, #tpu.memory_space<semaphore_mem>>
      %dma_start3A_105 = arith.constant 0 : i32
      %dma_start3A_106 = tpu.memref_slice %arg5[%arg0, %mul3A_0, %dma_start3A_105] : memref<2x10240x128xf32, #tpu.memory_space<hbm>> -> memref<1x640x128xf32, #tpu.memory_space<hbm>>
      %dma_start3A_107 = tpu.memref_squeeze %dma_start3A_106 : memref<1x640x128xf32, #tpu.memory_space<hbm>> -> memref<640x128xf32, #tpu.memory_space<hbm>>
      %dma_start3A_108 = arith.constant 0 : i32
      %dma_start3A_109 = tpu.memref_slice %arg10[%mul3A_0, %dma_start3A_108] : memref<10240x128xf32, #tpu.memory_space<vmem_shared>> -> memref<640x128xf32, #tpu.memory_space<vmem_shared>>
      tpu.enqueue_dma source(%dma_start3A_109 : memref<640x128xf32, #tpu.memory_space<vmem_shared>>) target(%dma_start3A_107 : memref<640x128xf32, #tpu.memory_space<hbm>>) target_semaphore(%run_scoped3A : memref<!tpu.dma_semaphore, #tpu.memory_space<semaphore_mem>>)
      %dma_wait3A_110 = arith.constant 0 : i32
      %dma_wait3A_111 = tpu.memref_slice %arg5[%arg0, %mul3A_0, %dma_wait3A_110] : memref<2x10240x128xf32, #tpu.memory_space<hbm>> -> memref<1x640x128xf32, #tpu.memory_space<hbm>>
      %dma_wait3A_112 = tpu.memref_squeeze %dma_wait3A_111 : memref<1x640x128xf32, #tpu.memory_space<hbm>> -> memref<640x128xf32, #tpu.memory_space<hbm>>
      %dma_wait3A_113 = arith.constant 0 : i32
      %dma_wait3A_114 = tpu.memref_slice %arg10[%mul3A_0, %dma_wait3A_113] : memref<10240x128xf32, #tpu.memory_space<vmem_shared>> -> memref<640x128xf32, #tpu.memory_space<vmem_shared>>
      tpu.wait_dma2 semaphore(%run_scoped3A : memref<!tpu.dma_semaphore, #tpu.memory_space<semaphore_mem>>) src(%dma_wait3A_114 : memref<640x128xf32, #tpu.memory_space<vmem_shared>>) dst(%dma_wait3A_112 : memref<640x128xf32, #tpu.memory_space<hbm>>)
      tpu.yield
    }) : () -> ()
    return
  }
}

#map = affine_map<(d0, d1) -> (0, 0)>
#map1 = affine_map<(d0, d1) -> (0, 0, 0)>
module attributes {stable_mosaic.version = 14 : i64} {
  func.func @deg_kernel(%arg0: i32, %arg1: i32, %arg2: memref<2x327680xi32, #tpu.memory_space<hbm>>, %arg3: memref<10240x128xf32, #tpu.memory_space<hbm>>, %arg4: memref<128x128xf32, #tpu.memory_space<hbm>>, %arg5: memref<2x10240x128xf32, #tpu.memory_space<hbm>>, %arg6: memref<2x128xi32, #tpu.memory_space<vmem>>, %arg7: memref<128x128xf32, #tpu.memory_space<vmem>>, %arg8: memref<10240x128xf32, #tpu.memory_space<vmem_shared>>, %arg9: memref<!tpu.dma_semaphore, #tpu.memory_space<semaphore_mem>>, %arg10: memref<!tpu.dma_semaphore, #tpu.memory_space<semaphore_mem>>) attributes {dimension_semantics = [#tpu.dimension_semantics<core_parallel>, #tpu.dimension_semantics<subcore_parallel>], iteration_bounds = array<i64: 2, 16>, scalar_prefetch = 0 : i64, scratch_operands = 5 : i64, tpu.core_type = #tpu.core_type<sc_vector_subcore>, window_params = [{transform_indices = #map}, {transform_indices = #map}, {transform_indices = #map}, {transform_indices = #map1}]} {
    %mul3A = arith.constant 640 : i32
    %mul3A_0 = arith.muli %arg1, %mul3A : i32
    "tpu.region"() ({
      %run_scoped3A = tpu.sem_alloc : memref<!tpu.dma_semaphore, #tpu.memory_space<semaphore_mem>>
      tpu.enqueue_dma source(%arg4 : memref<128x128xf32, #tpu.memory_space<hbm>>) target(%arg7 : memref<128x128xf32, #tpu.memory_space<vmem>>) target_semaphore(%run_scoped3A : memref<!tpu.dma_semaphore, #tpu.memory_space<semaphore_mem>>)
      tpu.wait_dma2 semaphore(%run_scoped3A : memref<!tpu.dma_semaphore, #tpu.memory_space<semaphore_mem>>) src(%arg4 : memref<128x128xf32, #tpu.memory_space<hbm>>) dst(%arg7 : memref<128x128xf32, #tpu.memory_space<vmem>>)
      tpu.yield
    }) : () -> ()
    "tpu.region"() ({
      %run_scoped3A = tpu.sem_alloc : memref<!tpu.dma_semaphore, #tpu.memory_space<semaphore_mem>>
      %dma_start3A = arith.constant 0 : i32
      %dma_start3A_8 = tpu.memref_slice %arg8[%mul3A_0, %dma_start3A] : memref<10240x128xf32, #tpu.memory_space<vmem_shared>> -> memref<640x128xf32, #tpu.memory_space<vmem_shared>>
      %dma_start3A_9 = arith.constant 0 : i32
      %dma_start3A_10 = tpu.memref_slice %arg3[%mul3A_0, %dma_start3A_9] : memref<10240x128xf32, #tpu.memory_space<hbm>> -> memref<640x128xf32, #tpu.memory_space<hbm>>
      tpu.enqueue_dma source(%dma_start3A_10 : memref<640x128xf32, #tpu.memory_space<hbm>>) target(%dma_start3A_8 : memref<640x128xf32, #tpu.memory_space<vmem_shared>>) target_semaphore(%run_scoped3A : memref<!tpu.dma_semaphore, #tpu.memory_space<semaphore_mem>>)
      %dma_wait3A = arith.constant 0 : i32
      %dma_wait3A_11 = tpu.memref_slice %arg8[%mul3A_0, %dma_wait3A] : memref<10240x128xf32, #tpu.memory_space<vmem_shared>> -> memref<640x128xf32, #tpu.memory_space<vmem_shared>>
      %dma_wait3A_12 = arith.constant 0 : i32
      %dma_wait3A_13 = tpu.memref_slice %arg3[%mul3A_0, %dma_wait3A_12] : memref<10240x128xf32, #tpu.memory_space<hbm>> -> memref<640x128xf32, #tpu.memory_space<hbm>>
      tpu.wait_dma2 semaphore(%run_scoped3A : memref<!tpu.dma_semaphore, #tpu.memory_space<semaphore_mem>>) src(%dma_wait3A_13 : memref<640x128xf32, #tpu.memory_space<hbm>>) dst(%dma_wait3A_11 : memref<640x128xf32, #tpu.memory_space<vmem_shared>>)
      tpu.yield
    }) : () -> ()
    %barrier3A = arith.constant 0 : index
    tpu.barrier barrier_id(%barrier3A)
    %eq3A = arith.constant 0 : i32
    %eq3A_1 = arith.cmpi eq, %arg0, %eq3A : i32
    %convert_element_type3A = arith.extui %eq3A_1 : i1 to i32
    %cond3A = arith.constant 0 : i32
    %cond3A_2 = arith.cmpi ne, %convert_element_type3A, %cond3A : i32
    scf.if %cond3A_2 {
      %add3A = arith.constant 0 : i32
      %add3A_8 = arith.addi %add3A, %arg1 : i32
      %mul3A_9 = arith.constant 128 : i32
      %mul3A_10 = arith.muli %add3A_8, %mul3A_9 : i32
      %dma_start3A = arith.constant 0 : i32
      %dma_start3A_11 = arith.constant 0 : i32
      %dma_start3A_12 = arith.constant 0 : i32
      %dma_start3A_13 = tpu.memref_slice %arg6[%dma_start3A_11, %dma_start3A_12] : memref<2x128xi32, #tpu.memory_space<vmem>> -> memref<1x128xi32, #tpu.memory_space<vmem>>
      %dma_start3A_14 = tpu.memref_squeeze %dma_start3A_13 : memref<1x128xi32, #tpu.memory_space<vmem>> -> memref<128xi32, #tpu.memory_space<vmem>>
      %dma_start3A_15 = tpu.memref_slice %arg2[%dma_start3A, %mul3A_10] : memref<2x327680xi32, #tpu.memory_space<hbm>> -> memref<1x128xi32, #tpu.memory_space<hbm>>
      %dma_start3A_16 = tpu.memref_squeeze %dma_start3A_15 : memref<1x128xi32, #tpu.memory_space<hbm>> -> memref<128xi32, #tpu.memory_space<hbm>>
      %dma_start3A_17 = arith.constant 0 : i32
      %dma_start3A_18 = tpu.memref_slice %arg6[%dma_start3A_11, %dma_start3A_17] : memref<2x128xi32, #tpu.memory_space<vmem>> -> memref<1x128xi32, #tpu.memory_space<vmem>>
      %dma_start3A_19 = tpu.memref_squeeze %dma_start3A_18 : memref<1x128xi32, #tpu.memory_space<vmem>> -> memref<128xi32, #tpu.memory_space<vmem>>
      %dma_start3A_20 = tpu.memref_slice %arg2[%dma_start3A, %mul3A_10] : memref<2x327680xi32, #tpu.memory_space<hbm>> -> memref<1x128xi32, #tpu.memory_space<hbm>>
      %dma_start3A_21 = tpu.memref_squeeze %dma_start3A_20 : memref<1x128xi32, #tpu.memory_space<hbm>> -> memref<128xi32, #tpu.memory_space<hbm>>
      tpu.enqueue_dma source(%dma_start3A_21 : memref<128xi32, #tpu.memory_space<hbm>>) target(%dma_start3A_19 : memref<128xi32, #tpu.memory_space<vmem>>) target_semaphore(%arg9 : memref<!tpu.dma_semaphore, #tpu.memory_space<semaphore_mem>>)
      %add3A_22 = arith.constant 16 : i32
      %add3A_23 = arith.addi %add3A_22, %arg1 : i32
      %mul3A_24 = arith.constant 128 : i32
      %mul3A_25 = arith.muli %add3A_23, %mul3A_24 : i32
      %dma_start3A_26 = arith.constant 0 : i32
      %dma_start3A_27 = arith.constant 1 : i32
      %dma_start3A_28 = arith.constant 0 : i32
      %dma_start3A_29 = tpu.memref_slice %arg6[%dma_start3A_27, %dma_start3A_28] : memref<2x128xi32, #tpu.memory_space<vmem>> -> memref<1x128xi32, #tpu.memory_space<vmem>>
      %dma_start3A_30 = tpu.memref_squeeze %dma_start3A_29 : memref<1x128xi32, #tpu.memory_space<vmem>> -> memref<128xi32, #tpu.memory_space<vmem>>
      %dma_start3A_31 = tpu.memref_slice %arg2[%dma_start3A_26, %mul3A_25] : memref<2x327680xi32, #tpu.memory_space<hbm>> -> memref<1x128xi32, #tpu.memory_space<hbm>>
      %dma_start3A_32 = tpu.memref_squeeze %dma_start3A_31 : memref<1x128xi32, #tpu.memory_space<hbm>> -> memref<128xi32, #tpu.memory_space<hbm>>
      %dma_start3A_33 = arith.constant 0 : i32
      %dma_start3A_34 = tpu.memref_slice %arg6[%dma_start3A_27, %dma_start3A_33] : memref<2x128xi32, #tpu.memory_space<vmem>> -> memref<1x128xi32, #tpu.memory_space<vmem>>
      %dma_start3A_35 = tpu.memref_squeeze %dma_start3A_34 : memref<1x128xi32, #tpu.memory_space<vmem>> -> memref<128xi32, #tpu.memory_space<vmem>>
      %dma_start3A_36 = tpu.memref_slice %arg2[%dma_start3A_26, %mul3A_25] : memref<2x327680xi32, #tpu.memory_space<hbm>> -> memref<1x128xi32, #tpu.memory_space<hbm>>
      %dma_start3A_37 = tpu.memref_squeeze %dma_start3A_36 : memref<1x128xi32, #tpu.memory_space<hbm>> -> memref<128xi32, #tpu.memory_space<hbm>>
      tpu.enqueue_dma source(%dma_start3A_37 : memref<128xi32, #tpu.memory_space<hbm>>) target(%dma_start3A_35 : memref<128xi32, #tpu.memory_space<vmem>>) target_semaphore(%arg10 : memref<!tpu.dma_semaphore, #tpu.memory_space<semaphore_mem>>)
      %scan3A = arith.constant 0 : i32
      %scan3A_38 = arith.constant 0 : i32
      %scan3A_39 = arith.constant 80 : i32
      %scan3A_40 = arith.addi %scan3A_38, %scan3A_39 : i32
      %scan3A_41 = arith.constant 1 : i32
      %scan3A_42 = scf.for %scan3A_45 = %scan3A_38 to %scan3A_40 step %scan3A_41 iter_args(%scan3A_46 = %scan3A) -> (i32)  : i32 {
        %mul3A_47 = arith.constant 2 : i32
        %mul3A_48 = arith.muli %mul3A_47, %scan3A_45 : i32
        %mul3A_49 = arith.constant 16 : i32
        %mul3A_50 = arith.muli %mul3A_48, %mul3A_49 : i32
        %add3A_51 = arith.addi %mul3A_50, %arg1 : i32
        %mul3A_52 = arith.constant 128 : i32
        %mul3A_53 = arith.muli %add3A_51, %mul3A_52 : i32
        %dma_wait3A = arith.constant 0 : i32
        %dma_wait3A_54 = arith.constant 0 : i32
        %dma_wait3A_55 = arith.constant 0 : i32
        %dma_wait3A_56 = tpu.memref_slice %arg6[%dma_wait3A_54, %dma_wait3A_55] : memref<2x128xi32, #tpu.memory_space<vmem>> -> memref<1x128xi32, #tpu.memory_space<vmem>>
        %dma_wait3A_57 = tpu.memref_squeeze %dma_wait3A_56 : memref<1x128xi32, #tpu.memory_space<vmem>> -> memref<128xi32, #tpu.memory_space<vmem>>
        %dma_wait3A_58 = tpu.memref_slice %arg2[%dma_wait3A, %mul3A_53] : memref<2x327680xi32, #tpu.memory_space<hbm>> -> memref<1x128xi32, #tpu.memory_space<hbm>>
        %dma_wait3A_59 = tpu.memref_squeeze %dma_wait3A_58 : memref<1x128xi32, #tpu.memory_space<hbm>> -> memref<128xi32, #tpu.memory_space<hbm>>
        %dma_wait3A_60 = arith.constant 0 : i32
        %dma_wait3A_61 = tpu.memref_slice %arg6[%dma_wait3A_54, %dma_wait3A_60] : memref<2x128xi32, #tpu.memory_space<vmem>> -> memref<1x128xi32, #tpu.memory_space<vmem>>
        %dma_wait3A_62 = tpu.memref_squeeze %dma_wait3A_61 : memref<1x128xi32, #tpu.memory_space<vmem>> -> memref<128xi32, #tpu.memory_space<vmem>>
        %dma_wait3A_63 = tpu.memref_slice %arg2[%dma_wait3A, %mul3A_53] : memref<2x327680xi32, #tpu.memory_space<hbm>> -> memref<1x128xi32, #tpu.memory_space<hbm>>
        %dma_wait3A_64 = tpu.memref_squeeze %dma_wait3A_63 : memref<1x128xi32, #tpu.memory_space<hbm>> -> memref<128xi32, #tpu.memory_space<hbm>>
        tpu.wait_dma2 semaphore(%arg9 : memref<!tpu.dma_semaphore, #tpu.memory_space<semaphore_mem>>) src(%dma_wait3A_64 : memref<128xi32, #tpu.memory_space<hbm>>) dst(%dma_wait3A_62 : memref<128xi32, #tpu.memory_space<vmem>>)
        %run_scoped3A_65 = arith.constant 0 : i32
        "tpu.region"() ({
          %run_scoped3A_100 = tpu.sem_alloc : memref<!tpu.dma_semaphore, #tpu.memory_space<semaphore_mem>>
          %dma_start3A_101 = arith.constant 0 : i32
          %dma_start3A_102 = tpu.memref_slice %arg6[%run_scoped3A_65, %dma_start3A_101] : memref<2x128xi32, #tpu.memory_space<vmem>> -> memref<1x128xi32, #tpu.memory_space<vmem>>
          %dma_start3A_103 = tpu.memref_squeeze %dma_start3A_102 : memref<1x128xi32, #tpu.memory_space<vmem>> -> memref<128xi32, #tpu.memory_space<vmem>>
          %dma_start3A_104 = arith.constant 0 : i32
          %dma_start3A_105 = arith.constant 0 : i32
          %dma_start3A_106 = tpu.memref_slice %arg8[%dma_start3A_104, %dma_start3A_105] : memref<10240x128xf32, #tpu.memory_space<vmem_shared>> -> memref<10240x128xf32, #tpu.memory_space<vmem_shared>>
          tpu.enqueue_indirect_dma source(%arg7 : memref<128x128xf32, #tpu.memory_space<vmem>>) target(%dma_start3A_106 : memref<10240x128xf32, #tpu.memory_space<vmem_shared>>) offsets(%dma_start3A_103 : memref<128xi32, #tpu.memory_space<vmem>>) semaphore(%run_scoped3A_100 : memref<!tpu.dma_semaphore, #tpu.memory_space<semaphore_mem>>) {add = true}
          %dma_wait3A_107 = arith.constant 0 : i32
          %dma_wait3A_108 = tpu.memref_slice %arg6[%run_scoped3A_65, %dma_wait3A_107] : memref<2x128xi32, #tpu.memory_space<vmem>> -> memref<1x128xi32, #tpu.memory_space<vmem>>
          %dma_wait3A_109 = tpu.memref_squeeze %dma_wait3A_108 : memref<1x128xi32, #tpu.memory_space<vmem>> -> memref<128xi32, #tpu.memory_space<vmem>>
          %dma_wait3A_110 = arith.constant 0 : i32
          %dma_wait3A_111 = arith.constant 0 : i32
          %dma_wait3A_112 = tpu.memref_slice %arg8[%dma_wait3A_110, %dma_wait3A_111] : memref<10240x128xf32, #tpu.memory_space<vmem_shared>> -> memref<10240x128xf32, #tpu.memory_space<vmem_shared>>
          tpu.wait_indirect_dma semaphore(%run_scoped3A_100 : memref<!tpu.dma_semaphore, #tpu.memory_space<semaphore_mem>>) src(%arg7 : memref<128x128xf32, #tpu.memory_space<vmem>>) dst(%dma_wait3A_112 : memref<10240x128xf32, #tpu.memory_space<vmem_shared>>)
          tpu.yield
        }) : () -> ()
        %add3A_66 = arith.constant 2 : i32
        %add3A_67 = arith.addi %mul3A_48, %add3A_66 : i32
        %lt3A = arith.constant 160 : i32
        %lt3A_68 = arith.cmpi slt, %add3A_67, %lt3A : i32
        %convert_element_type3A_69 = arith.extui %lt3A_68 : i1 to i32
        %cond3A_70 = arith.constant 0 : i32
        %cond3A_71 = arith.cmpi ne, %convert_element_type3A_69, %cond3A_70 : i32
        scf.if %cond3A_71 {
          %add3A_100 = arith.constant 2 : i32
          %add3A_101 = arith.addi %mul3A_48, %add3A_100 : i32
          %mul3A_102 = arith.constant 16 : i32
          %mul3A_103 = arith.muli %add3A_101, %mul3A_102 : i32
          %add3A_104 = arith.addi %mul3A_103, %arg1 : i32
          %mul3A_105 = arith.constant 128 : i32
          %mul3A_106 = arith.muli %add3A_104, %mul3A_105 : i32
          %dma_start3A_107 = arith.constant 0 : i32
          %dma_start3A_108 = arith.constant 0 : i32
          %dma_start3A_109 = arith.constant 0 : i32
          %dma_start3A_110 = tpu.memref_slice %arg6[%dma_start3A_108, %dma_start3A_109] : memref<2x128xi32, #tpu.memory_space<vmem>> -> memref<1x128xi32, #tpu.memory_space<vmem>>
          %dma_start3A_111 = tpu.memref_squeeze %dma_start3A_110 : memref<1x128xi32, #tpu.memory_space<vmem>> -> memref<128xi32, #tpu.memory_space<vmem>>
          %dma_start3A_112 = tpu.memref_slice %arg2[%dma_start3A_107, %mul3A_106] : memref<2x327680xi32, #tpu.memory_space<hbm>> -> memref<1x128xi32, #tpu.memory_space<hbm>>
          %dma_start3A_113 = tpu.memref_squeeze %dma_start3A_112 : memref<1x128xi32, #tpu.memory_space<hbm>> -> memref<128xi32, #tpu.memory_space<hbm>>
          %dma_start3A_114 = arith.constant 0 : i32
          %dma_start3A_115 = tpu.memref_slice %arg6[%dma_start3A_108, %dma_start3A_114] : memref<2x128xi32, #tpu.memory_space<vmem>> -> memref<1x128xi32, #tpu.memory_space<vmem>>
          %dma_start3A_116 = tpu.memref_squeeze %dma_start3A_115 : memref<1x128xi32, #tpu.memory_space<vmem>> -> memref<128xi32, #tpu.memory_space<vmem>>
          %dma_start3A_117 = tpu.memref_slice %arg2[%dma_start3A_107, %mul3A_106] : memref<2x327680xi32, #tpu.memory_space<hbm>> -> memref<1x128xi32, #tpu.memory_space<hbm>>
          %dma_start3A_118 = tpu.memref_squeeze %dma_start3A_117 : memref<1x128xi32, #tpu.memory_space<hbm>> -> memref<128xi32, #tpu.memory_space<hbm>>
          tpu.enqueue_dma source(%dma_start3A_118 : memref<128xi32, #tpu.memory_space<hbm>>) target(%dma_start3A_116 : memref<128xi32, #tpu.memory_space<vmem>>) target_semaphore(%arg9 : memref<!tpu.dma_semaphore, #tpu.memory_space<semaphore_mem>>)
        } else {
        }
        %add3A_72 = arith.constant 1 : i32
        %add3A_73 = arith.addi %mul3A_48, %add3A_72 : i32
        %mul3A_74 = arith.constant 16 : i32
        %mul3A_75 = arith.muli %add3A_73, %mul3A_74 : i32
        %add3A_76 = arith.addi %mul3A_75, %arg1 : i32
        %mul3A_77 = arith.constant 128 : i32
        %mul3A_78 = arith.muli %add3A_76, %mul3A_77 : i32
        %dma_wait3A_79 = arith.constant 0 : i32
        %dma_wait3A_80 = arith.constant 1 : i32
        %dma_wait3A_81 = arith.constant 0 : i32
        %dma_wait3A_82 = tpu.memref_slice %arg6[%dma_wait3A_80, %dma_wait3A_81] : memref<2x128xi32, #tpu.memory_space<vmem>> -> memref<1x128xi32, #tpu.memory_space<vmem>>
        %dma_wait3A_83 = tpu.memref_squeeze %dma_wait3A_82 : memref<1x128xi32, #tpu.memory_space<vmem>> -> memref<128xi32, #tpu.memory_space<vmem>>
        %dma_wait3A_84 = tpu.memref_slice %arg2[%dma_wait3A_79, %mul3A_78] : memref<2x327680xi32, #tpu.memory_space<hbm>> -> memref<1x128xi32, #tpu.memory_space<hbm>>
        %dma_wait3A_85 = tpu.memref_squeeze %dma_wait3A_84 : memref<1x128xi32, #tpu.memory_space<hbm>> -> memref<128xi32, #tpu.memory_space<hbm>>
        %dma_wait3A_86 = arith.constant 0 : i32
        %dma_wait3A_87 = tpu.memref_slice %arg6[%dma_wait3A_80, %dma_wait3A_86] : memref<2x128xi32, #tpu.memory_space<vmem>> -> memref<1x128xi32, #tpu.memory_space<vmem>>
        %dma_wait3A_88 = tpu.memref_squeeze %dma_wait3A_87 : memref<1x128xi32, #tpu.memory_space<vmem>> -> memref<128xi32, #tpu.memory_space<vmem>>
        %dma_wait3A_89 = tpu.memref_slice %arg2[%dma_wait3A_79, %mul3A_78] : memref<2x327680xi32, #tpu.memory_space<hbm>> -> memref<1x128xi32, #tpu.memory_space<hbm>>
        %dma_wait3A_90 = tpu.memref_squeeze %dma_wait3A_89 : memref<1x128xi32, #tpu.memory_space<hbm>> -> memref<128xi32, #tpu.memory_space<hbm>>
        tpu.wait_dma2 semaphore(%arg10 : memref<!tpu.dma_semaphore, #tpu.memory_space<semaphore_mem>>) src(%dma_wait3A_90 : memref<128xi32, #tpu.memory_space<hbm>>) dst(%dma_wait3A_88 : memref<128xi32, #tpu.memory_space<vmem>>)
        %run_scoped3A_91 = arith.constant 1 : i32
        "tpu.region"() ({
          %run_scoped3A_100 = tpu.sem_alloc : memref<!tpu.dma_semaphore, #tpu.memory_space<semaphore_mem>>
          %dma_start3A_101 = arith.constant 0 : i32
          %dma_start3A_102 = tpu.memref_slice %arg6[%run_scoped3A_91, %dma_start3A_101] : memref<2x128xi32, #tpu.memory_space<vmem>> -> memref<1x128xi32, #tpu.memory_space<vmem>>
          %dma_start3A_103 = tpu.memref_squeeze %dma_start3A_102 : memref<1x128xi32, #tpu.memory_space<vmem>> -> memref<128xi32, #tpu.memory_space<vmem>>
          %dma_start3A_104 = arith.constant 0 : i32
          %dma_start3A_105 = arith.constant 0 : i32
          %dma_start3A_106 = tpu.memref_slice %arg8[%dma_start3A_104, %dma_start3A_105] : memref<10240x128xf32, #tpu.memory_space<vmem_shared>> -> memref<10240x128xf32, #tpu.memory_space<vmem_shared>>
          tpu.enqueue_indirect_dma source(%arg7 : memref<128x128xf32, #tpu.memory_space<vmem>>) target(%dma_start3A_106 : memref<10240x128xf32, #tpu.memory_space<vmem_shared>>) offsets(%dma_start3A_103 : memref<128xi32, #tpu.memory_space<vmem>>) semaphore(%run_scoped3A_100 : memref<!tpu.dma_semaphore, #tpu.memory_space<semaphore_mem>>) {add = true}
          %dma_wait3A_107 = arith.constant 0 : i32
          %dma_wait3A_108 = tpu.memref_slice %arg6[%run_scoped3A_91, %dma_wait3A_107] : memref<2x128xi32, #tpu.memory_space<vmem>> -> memref<1x128xi32, #tpu.memory_space<vmem>>
          %dma_wait3A_109 = tpu.memref_squeeze %dma_wait3A_108 : memref<1x128xi32, #tpu.memory_space<vmem>> -> memref<128xi32, #tpu.memory_space<vmem>>
          %dma_wait3A_110 = arith.constant 0 : i32
          %dma_wait3A_111 = arith.constant 0 : i32
          %dma_wait3A_112 = tpu.memref_slice %arg8[%dma_wait3A_110, %dma_wait3A_111] : memref<10240x128xf32, #tpu.memory_space<vmem_shared>> -> memref<10240x128xf32, #tpu.memory_space<vmem_shared>>
          tpu.wait_indirect_dma semaphore(%run_scoped3A_100 : memref<!tpu.dma_semaphore, #tpu.memory_space<semaphore_mem>>) src(%arg7 : memref<128x128xf32, #tpu.memory_space<vmem>>) dst(%dma_wait3A_112 : memref<10240x128xf32, #tpu.memory_space<vmem_shared>>)
          tpu.yield
        }) : () -> ()
        %add3A_92 = arith.constant 3 : i32
        %add3A_93 = arith.addi %mul3A_48, %add3A_92 : i32
        %lt3A_94 = arith.constant 160 : i32
        %lt3A_95 = arith.cmpi slt, %add3A_93, %lt3A_94 : i32
        %convert_element_type3A_96 = arith.extui %lt3A_95 : i1 to i32
        %cond3A_97 = arith.constant 0 : i32
        %cond3A_98 = arith.cmpi ne, %convert_element_type3A_96, %cond3A_97 : i32
        scf.if %cond3A_98 {
          %add3A_100 = arith.constant 3 : i32
          %add3A_101 = arith.addi %mul3A_48, %add3A_100 : i32
          %mul3A_102 = arith.constant 16 : i32
          %mul3A_103 = arith.muli %add3A_101, %mul3A_102 : i32
          %add3A_104 = arith.addi %mul3A_103, %arg1 : i32
          %mul3A_105 = arith.constant 128 : i32
          %mul3A_106 = arith.muli %add3A_104, %mul3A_105 : i32
          %dma_start3A_107 = arith.constant 0 : i32
          %dma_start3A_108 = arith.constant 1 : i32
          %dma_start3A_109 = arith.constant 0 : i32
          %dma_start3A_110 = tpu.memref_slice %arg6[%dma_start3A_108, %dma_start3A_109] : memref<2x128xi32, #tpu.memory_space<vmem>> -> memref<1x128xi32, #tpu.memory_space<vmem>>
          %dma_start3A_111 = tpu.memref_squeeze %dma_start3A_110 : memref<1x128xi32, #tpu.memory_space<vmem>> -> memref<128xi32, #tpu.memory_space<vmem>>
          %dma_start3A_112 = tpu.memref_slice %arg2[%dma_start3A_107, %mul3A_106] : memref<2x327680xi32, #tpu.memory_space<hbm>> -> memref<1x128xi32, #tpu.memory_space<hbm>>
          %dma_start3A_113 = tpu.memref_squeeze %dma_start3A_112 : memref<1x128xi32, #tpu.memory_space<hbm>> -> memref<128xi32, #tpu.memory_space<hbm>>
          %dma_start3A_114 = arith.constant 0 : i32
          %dma_start3A_115 = tpu.memref_slice %arg6[%dma_start3A_108, %dma_start3A_114] : memref<2x128xi32, #tpu.memory_space<vmem>> -> memref<1x128xi32, #tpu.memory_space<vmem>>
          %dma_start3A_116 = tpu.memref_squeeze %dma_start3A_115 : memref<1x128xi32, #tpu.memory_space<vmem>> -> memref<128xi32, #tpu.memory_space<vmem>>
          %dma_start3A_117 = tpu.memref_slice %arg2[%dma_start3A_107, %mul3A_106] : memref<2x327680xi32, #tpu.memory_space<hbm>> -> memref<1x128xi32, #tpu.memory_space<hbm>>
          %dma_start3A_118 = tpu.memref_squeeze %dma_start3A_117 : memref<1x128xi32, #tpu.memory_space<hbm>> -> memref<128xi32, #tpu.memory_space<hbm>>
          tpu.enqueue_dma source(%dma_start3A_118 : memref<128xi32, #tpu.memory_space<hbm>>) target(%dma_start3A_116 : memref<128xi32, #tpu.memory_space<vmem>>) target_semaphore(%arg10 : memref<!tpu.dma_semaphore, #tpu.memory_space<semaphore_mem>>)
        } else {
        }
        %scan3A_99 = arith.constant 0 : i32
        scf.yield %scan3A_99 : i32
      }
      %scan3A_43 = arith.constant 80 : i32
      %barrier3A_44 = arith.constant 0 : index
      tpu.barrier barrier_id(%barrier3A_44)
      %run_scoped3A = arith.constant 0 : i32
      "tpu.region"() ({
        %run_scoped3A_45 = tpu.sem_alloc : memref<!tpu.dma_semaphore, #tpu.memory_space<semaphore_mem>>
        %dma_start3A_46 = arith.constant 0 : i32
        %dma_start3A_47 = tpu.memref_slice %arg5[%run_scoped3A, %mul3A_0, %dma_start3A_46] : memref<2x10240x128xf32, #tpu.memory_space<hbm>> -> memref<1x640x128xf32, #tpu.memory_space<hbm>>
        %dma_start3A_48 = tpu.memref_squeeze %dma_start3A_47 : memref<1x640x128xf32, #tpu.memory_space<hbm>> -> memref<640x128xf32, #tpu.memory_space<hbm>>
        %dma_start3A_49 = arith.constant 0 : i32
        %dma_start3A_50 = tpu.memref_slice %arg8[%mul3A_0, %dma_start3A_49] : memref<10240x128xf32, #tpu.memory_space<vmem_shared>> -> memref<640x128xf32, #tpu.memory_space<vmem_shared>>
        tpu.enqueue_dma source(%dma_start3A_50 : memref<640x128xf32, #tpu.memory_space<vmem_shared>>) target(%dma_start3A_48 : memref<640x128xf32, #tpu.memory_space<hbm>>) target_semaphore(%run_scoped3A_45 : memref<!tpu.dma_semaphore, #tpu.memory_space<semaphore_mem>>)
        %dma_wait3A = arith.constant 0 : i32
        %dma_wait3A_51 = tpu.memref_slice %arg5[%run_scoped3A, %mul3A_0, %dma_wait3A] : memref<2x10240x128xf32, #tpu.memory_space<hbm>> -> memref<1x640x128xf32, #tpu.memory_space<hbm>>
        %dma_wait3A_52 = tpu.memref_squeeze %dma_wait3A_51 : memref<1x640x128xf32, #tpu.memory_space<hbm>> -> memref<640x128xf32, #tpu.memory_space<hbm>>
        %dma_wait3A_53 = arith.constant 0 : i32
        %dma_wait3A_54 = tpu.memref_slice %arg8[%mul3A_0, %dma_wait3A_53] : memref<10240x128xf32, #tpu.memory_space<vmem_shared>> -> memref<640x128xf32, #tpu.memory_space<vmem_shared>>
        tpu.wait_dma2 semaphore(%run_scoped3A_45 : memref<!tpu.dma_semaphore, #tpu.memory_space<semaphore_mem>>) src(%dma_wait3A_54 : memref<640x128xf32, #tpu.memory_space<vmem_shared>>) dst(%dma_wait3A_52 : memref<640x128xf32, #tpu.memory_space<hbm>>)
        tpu.yield
      }) : () -> ()
    } else {
    }
    %eq3A_3 = arith.constant 1 : i32
    %eq3A_4 = arith.cmpi eq, %arg0, %eq3A_3 : i32
    %convert_element_type3A_5 = arith.extui %eq3A_4 : i1 to i32
    %cond3A_6 = arith.constant 0 : i32
    %cond3A_7 = arith.cmpi ne, %convert_element_type3A_5, %cond3A_6 : i32
    scf.if %cond3A_7 {
      %add3A = arith.constant 0 : i32
      %add3A_8 = arith.addi %add3A, %arg1 : i32
      %mul3A_9 = arith.constant 128 : i32
      %mul3A_10 = arith.muli %add3A_8, %mul3A_9 : i32
      %dma_start3A = arith.constant 1 : i32
      %dma_start3A_11 = arith.constant 0 : i32
      %dma_start3A_12 = arith.constant 0 : i32
      %dma_start3A_13 = tpu.memref_slice %arg6[%dma_start3A_11, %dma_start3A_12] : memref<2x128xi32, #tpu.memory_space<vmem>> -> memref<1x128xi32, #tpu.memory_space<vmem>>
      %dma_start3A_14 = tpu.memref_squeeze %dma_start3A_13 : memref<1x128xi32, #tpu.memory_space<vmem>> -> memref<128xi32, #tpu.memory_space<vmem>>
      %dma_start3A_15 = tpu.memref_slice %arg2[%dma_start3A, %mul3A_10] : memref<2x327680xi32, #tpu.memory_space<hbm>> -> memref<1x128xi32, #tpu.memory_space<hbm>>
      %dma_start3A_16 = tpu.memref_squeeze %dma_start3A_15 : memref<1x128xi32, #tpu.memory_space<hbm>> -> memref<128xi32, #tpu.memory_space<hbm>>
      %dma_start3A_17 = arith.constant 0 : i32
      %dma_start3A_18 = tpu.memref_slice %arg6[%dma_start3A_11, %dma_start3A_17] : memref<2x128xi32, #tpu.memory_space<vmem>> -> memref<1x128xi32, #tpu.memory_space<vmem>>
      %dma_start3A_19 = tpu.memref_squeeze %dma_start3A_18 : memref<1x128xi32, #tpu.memory_space<vmem>> -> memref<128xi32, #tpu.memory_space<vmem>>
      %dma_start3A_20 = tpu.memref_slice %arg2[%dma_start3A, %mul3A_10] : memref<2x327680xi32, #tpu.memory_space<hbm>> -> memref<1x128xi32, #tpu.memory_space<hbm>>
      %dma_start3A_21 = tpu.memref_squeeze %dma_start3A_20 : memref<1x128xi32, #tpu.memory_space<hbm>> -> memref<128xi32, #tpu.memory_space<hbm>>
      tpu.enqueue_dma source(%dma_start3A_21 : memref<128xi32, #tpu.memory_space<hbm>>) target(%dma_start3A_19 : memref<128xi32, #tpu.memory_space<vmem>>) target_semaphore(%arg9 : memref<!tpu.dma_semaphore, #tpu.memory_space<semaphore_mem>>)
      %add3A_22 = arith.constant 16 : i32
      %add3A_23 = arith.addi %add3A_22, %arg1 : i32
      %mul3A_24 = arith.constant 128 : i32
      %mul3A_25 = arith.muli %add3A_23, %mul3A_24 : i32
      %dma_start3A_26 = arith.constant 1 : i32
      %dma_start3A_27 = arith.constant 1 : i32
      %dma_start3A_28 = arith.constant 0 : i32
      %dma_start3A_29 = tpu.memref_slice %arg6[%dma_start3A_27, %dma_start3A_28] : memref<2x128xi32, #tpu.memory_space<vmem>> -> memref<1x128xi32, #tpu.memory_space<vmem>>
      %dma_start3A_30 = tpu.memref_squeeze %dma_start3A_29 : memref<1x128xi32, #tpu.memory_space<vmem>> -> memref<128xi32, #tpu.memory_space<vmem>>
      %dma_start3A_31 = tpu.memref_slice %arg2[%dma_start3A_26, %mul3A_25] : memref<2x327680xi32, #tpu.memory_space<hbm>> -> memref<1x128xi32, #tpu.memory_space<hbm>>
      %dma_start3A_32 = tpu.memref_squeeze %dma_start3A_31 : memref<1x128xi32, #tpu.memory_space<hbm>> -> memref<128xi32, #tpu.memory_space<hbm>>
      %dma_start3A_33 = arith.constant 0 : i32
      %dma_start3A_34 = tpu.memref_slice %arg6[%dma_start3A_27, %dma_start3A_33] : memref<2x128xi32, #tpu.memory_space<vmem>> -> memref<1x128xi32, #tpu.memory_space<vmem>>
      %dma_start3A_35 = tpu.memref_squeeze %dma_start3A_34 : memref<1x128xi32, #tpu.memory_space<vmem>> -> memref<128xi32, #tpu.memory_space<vmem>>
      %dma_start3A_36 = tpu.memref_slice %arg2[%dma_start3A_26, %mul3A_25] : memref<2x327680xi32, #tpu.memory_space<hbm>> -> memref<1x128xi32, #tpu.memory_space<hbm>>
      %dma_start3A_37 = tpu.memref_squeeze %dma_start3A_36 : memref<1x128xi32, #tpu.memory_space<hbm>> -> memref<128xi32, #tpu.memory_space<hbm>>
      tpu.enqueue_dma source(%dma_start3A_37 : memref<128xi32, #tpu.memory_space<hbm>>) target(%dma_start3A_35 : memref<128xi32, #tpu.memory_space<vmem>>) target_semaphore(%arg10 : memref<!tpu.dma_semaphore, #tpu.memory_space<semaphore_mem>>)
      %scan3A = arith.constant 0 : i32
      %scan3A_38 = arith.constant 0 : i32
      %scan3A_39 = arith.constant 80 : i32
      %scan3A_40 = arith.addi %scan3A_38, %scan3A_39 : i32
      %scan3A_41 = arith.constant 1 : i32
      %scan3A_42 = scf.for %scan3A_45 = %scan3A_38 to %scan3A_40 step %scan3A_41 iter_args(%scan3A_46 = %scan3A) -> (i32)  : i32 {
        %mul3A_47 = arith.constant 2 : i32
        %mul3A_48 = arith.muli %mul3A_47, %scan3A_45 : i32
        %mul3A_49 = arith.constant 16 : i32
        %mul3A_50 = arith.muli %mul3A_48, %mul3A_49 : i32
        %add3A_51 = arith.addi %mul3A_50, %arg1 : i32
        %mul3A_52 = arith.constant 128 : i32
        %mul3A_53 = arith.muli %add3A_51, %mul3A_52 : i32
        %dma_wait3A = arith.constant 1 : i32
        %dma_wait3A_54 = arith.constant 0 : i32
        %dma_wait3A_55 = arith.constant 0 : i32
        %dma_wait3A_56 = tpu.memref_slice %arg6[%dma_wait3A_54, %dma_wait3A_55] : memref<2x128xi32, #tpu.memory_space<vmem>> -> memref<1x128xi32, #tpu.memory_space<vmem>>
        %dma_wait3A_57 = tpu.memref_squeeze %dma_wait3A_56 : memref<1x128xi32, #tpu.memory_space<vmem>> -> memref<128xi32, #tpu.memory_space<vmem>>
        %dma_wait3A_58 = tpu.memref_slice %arg2[%dma_wait3A, %mul3A_53] : memref<2x327680xi32, #tpu.memory_space<hbm>> -> memref<1x128xi32, #tpu.memory_space<hbm>>
        %dma_wait3A_59 = tpu.memref_squeeze %dma_wait3A_58 : memref<1x128xi32, #tpu.memory_space<hbm>> -> memref<128xi32, #tpu.memory_space<hbm>>
        %dma_wait3A_60 = arith.constant 0 : i32
        %dma_wait3A_61 = tpu.memref_slice %arg6[%dma_wait3A_54, %dma_wait3A_60] : memref<2x128xi32, #tpu.memory_space<vmem>> -> memref<1x128xi32, #tpu.memory_space<vmem>>
        %dma_wait3A_62 = tpu.memref_squeeze %dma_wait3A_61 : memref<1x128xi32, #tpu.memory_space<vmem>> -> memref<128xi32, #tpu.memory_space<vmem>>
        %dma_wait3A_63 = tpu.memref_slice %arg2[%dma_wait3A, %mul3A_53] : memref<2x327680xi32, #tpu.memory_space<hbm>> -> memref<1x128xi32, #tpu.memory_space<hbm>>
        %dma_wait3A_64 = tpu.memref_squeeze %dma_wait3A_63 : memref<1x128xi32, #tpu.memory_space<hbm>> -> memref<128xi32, #tpu.memory_space<hbm>>
        tpu.wait_dma2 semaphore(%arg9 : memref<!tpu.dma_semaphore, #tpu.memory_space<semaphore_mem>>) src(%dma_wait3A_64 : memref<128xi32, #tpu.memory_space<hbm>>) dst(%dma_wait3A_62 : memref<128xi32, #tpu.memory_space<vmem>>)
        %run_scoped3A_65 = arith.constant 0 : i32
        "tpu.region"() ({
          %run_scoped3A_100 = tpu.sem_alloc : memref<!tpu.dma_semaphore, #tpu.memory_space<semaphore_mem>>
          %dma_start3A_101 = arith.constant 0 : i32
          %dma_start3A_102 = tpu.memref_slice %arg6[%run_scoped3A_65, %dma_start3A_101] : memref<2x128xi32, #tpu.memory_space<vmem>> -> memref<1x128xi32, #tpu.memory_space<vmem>>
          %dma_start3A_103 = tpu.memref_squeeze %dma_start3A_102 : memref<1x128xi32, #tpu.memory_space<vmem>> -> memref<128xi32, #tpu.memory_space<vmem>>
          %dma_start3A_104 = arith.constant 0 : i32
          %dma_start3A_105 = arith.constant 0 : i32
          %dma_start3A_106 = tpu.memref_slice %arg8[%dma_start3A_104, %dma_start3A_105] : memref<10240x128xf32, #tpu.memory_space<vmem_shared>> -> memref<10240x128xf32, #tpu.memory_space<vmem_shared>>
          tpu.enqueue_indirect_dma source(%arg7 : memref<128x128xf32, #tpu.memory_space<vmem>>) target(%dma_start3A_106 : memref<10240x128xf32, #tpu.memory_space<vmem_shared>>) offsets(%dma_start3A_103 : memref<128xi32, #tpu.memory_space<vmem>>) semaphore(%run_scoped3A_100 : memref<!tpu.dma_semaphore, #tpu.memory_space<semaphore_mem>>) {add = true}
          %dma_wait3A_107 = arith.constant 0 : i32
          %dma_wait3A_108 = tpu.memref_slice %arg6[%run_scoped3A_65, %dma_wait3A_107] : memref<2x128xi32, #tpu.memory_space<vmem>> -> memref<1x128xi32, #tpu.memory_space<vmem>>
          %dma_wait3A_109 = tpu.memref_squeeze %dma_wait3A_108 : memref<1x128xi32, #tpu.memory_space<vmem>> -> memref<128xi32, #tpu.memory_space<vmem>>
          %dma_wait3A_110 = arith.constant 0 : i32
          %dma_wait3A_111 = arith.constant 0 : i32
          %dma_wait3A_112 = tpu.memref_slice %arg8[%dma_wait3A_110, %dma_wait3A_111] : memref<10240x128xf32, #tpu.memory_space<vmem_shared>> -> memref<10240x128xf32, #tpu.memory_space<vmem_shared>>
          tpu.wait_indirect_dma semaphore(%run_scoped3A_100 : memref<!tpu.dma_semaphore, #tpu.memory_space<semaphore_mem>>) src(%arg7 : memref<128x128xf32, #tpu.memory_space<vmem>>) dst(%dma_wait3A_112 : memref<10240x128xf32, #tpu.memory_space<vmem_shared>>)
          tpu.yield
        }) : () -> ()
        %add3A_66 = arith.constant 2 : i32
        %add3A_67 = arith.addi %mul3A_48, %add3A_66 : i32
        %lt3A = arith.constant 160 : i32
        %lt3A_68 = arith.cmpi slt, %add3A_67, %lt3A : i32
        %convert_element_type3A_69 = arith.extui %lt3A_68 : i1 to i32
        %cond3A_70 = arith.constant 0 : i32
        %cond3A_71 = arith.cmpi ne, %convert_element_type3A_69, %cond3A_70 : i32
        scf.if %cond3A_71 {
          %add3A_100 = arith.constant 2 : i32
          %add3A_101 = arith.addi %mul3A_48, %add3A_100 : i32
          %mul3A_102 = arith.constant 16 : i32
          %mul3A_103 = arith.muli %add3A_101, %mul3A_102 : i32
          %add3A_104 = arith.addi %mul3A_103, %arg1 : i32
          %mul3A_105 = arith.constant 128 : i32
          %mul3A_106 = arith.muli %add3A_104, %mul3A_105 : i32
          %dma_start3A_107 = arith.constant 1 : i32
          %dma_start3A_108 = arith.constant 0 : i32
          %dma_start3A_109 = arith.constant 0 : i32
          %dma_start3A_110 = tpu.memref_slice %arg6[%dma_start3A_108, %dma_start3A_109] : memref<2x128xi32, #tpu.memory_space<vmem>> -> memref<1x128xi32, #tpu.memory_space<vmem>>
          %dma_start3A_111 = tpu.memref_squeeze %dma_start3A_110 : memref<1x128xi32, #tpu.memory_space<vmem>> -> memref<128xi32, #tpu.memory_space<vmem>>
          %dma_start3A_112 = tpu.memref_slice %arg2[%dma_start3A_107, %mul3A_106] : memref<2x327680xi32, #tpu.memory_space<hbm>> -> memref<1x128xi32, #tpu.memory_space<hbm>>
          %dma_start3A_113 = tpu.memref_squeeze %dma_start3A_112 : memref<1x128xi32, #tpu.memory_space<hbm>> -> memref<128xi32, #tpu.memory_space<hbm>>
          %dma_start3A_114 = arith.constant 0 : i32
          %dma_start3A_115 = tpu.memref_slice %arg6[%dma_start3A_108, %dma_start3A_114] : memref<2x128xi32, #tpu.memory_space<vmem>> -> memref<1x128xi32, #tpu.memory_space<vmem>>
          %dma_start3A_116 = tpu.memref_squeeze %dma_start3A_115 : memref<1x128xi32, #tpu.memory_space<vmem>> -> memref<128xi32, #tpu.memory_space<vmem>>
          %dma_start3A_117 = tpu.memref_slice %arg2[%dma_start3A_107, %mul3A_106] : memref<2x327680xi32, #tpu.memory_space<hbm>> -> memref<1x128xi32, #tpu.memory_space<hbm>>
          %dma_start3A_118 = tpu.memref_squeeze %dma_start3A_117 : memref<1x128xi32, #tpu.memory_space<hbm>> -> memref<128xi32, #tpu.memory_space<hbm>>
          tpu.enqueue_dma source(%dma_start3A_118 : memref<128xi32, #tpu.memory_space<hbm>>) target(%dma_start3A_116 : memref<128xi32, #tpu.memory_space<vmem>>) target_semaphore(%arg9 : memref<!tpu.dma_semaphore, #tpu.memory_space<semaphore_mem>>)
        } else {
        }
        %add3A_72 = arith.constant 1 : i32
        %add3A_73 = arith.addi %mul3A_48, %add3A_72 : i32
        %mul3A_74 = arith.constant 16 : i32
        %mul3A_75 = arith.muli %add3A_73, %mul3A_74 : i32
        %add3A_76 = arith.addi %mul3A_75, %arg1 : i32
        %mul3A_77 = arith.constant 128 : i32
        %mul3A_78 = arith.muli %add3A_76, %mul3A_77 : i32
        %dma_wait3A_79 = arith.constant 1 : i32
        %dma_wait3A_80 = arith.constant 1 : i32
        %dma_wait3A_81 = arith.constant 0 : i32
        %dma_wait3A_82 = tpu.memref_slice %arg6[%dma_wait3A_80, %dma_wait3A_81] : memref<2x128xi32, #tpu.memory_space<vmem>> -> memref<1x128xi32, #tpu.memory_space<vmem>>
        %dma_wait3A_83 = tpu.memref_squeeze %dma_wait3A_82 : memref<1x128xi32, #tpu.memory_space<vmem>> -> memref<128xi32, #tpu.memory_space<vmem>>
        %dma_wait3A_84 = tpu.memref_slice %arg2[%dma_wait3A_79, %mul3A_78] : memref<2x327680xi32, #tpu.memory_space<hbm>> -> memref<1x128xi32, #tpu.memory_space<hbm>>
        %dma_wait3A_85 = tpu.memref_squeeze %dma_wait3A_84 : memref<1x128xi32, #tpu.memory_space<hbm>> -> memref<128xi32, #tpu.memory_space<hbm>>
        %dma_wait3A_86 = arith.constant 0 : i32
        %dma_wait3A_87 = tpu.memref_slice %arg6[%dma_wait3A_80, %dma_wait3A_86] : memref<2x128xi32, #tpu.memory_space<vmem>> -> memref<1x128xi32, #tpu.memory_space<vmem>>
        %dma_wait3A_88 = tpu.memref_squeeze %dma_wait3A_87 : memref<1x128xi32, #tpu.memory_space<vmem>> -> memref<128xi32, #tpu.memory_space<vmem>>
        %dma_wait3A_89 = tpu.memref_slice %arg2[%dma_wait3A_79, %mul3A_78] : memref<2x327680xi32, #tpu.memory_space<hbm>> -> memref<1x128xi32, #tpu.memory_space<hbm>>
        %dma_wait3A_90 = tpu.memref_squeeze %dma_wait3A_89 : memref<1x128xi32, #tpu.memory_space<hbm>> -> memref<128xi32, #tpu.memory_space<hbm>>
        tpu.wait_dma2 semaphore(%arg10 : memref<!tpu.dma_semaphore, #tpu.memory_space<semaphore_mem>>) src(%dma_wait3A_90 : memref<128xi32, #tpu.memory_space<hbm>>) dst(%dma_wait3A_88 : memref<128xi32, #tpu.memory_space<vmem>>)
        %run_scoped3A_91 = arith.constant 1 : i32
        "tpu.region"() ({
          %run_scoped3A_100 = tpu.sem_alloc : memref<!tpu.dma_semaphore, #tpu.memory_space<semaphore_mem>>
          %dma_start3A_101 = arith.constant 0 : i32
          %dma_start3A_102 = tpu.memref_slice %arg6[%run_scoped3A_91, %dma_start3A_101] : memref<2x128xi32, #tpu.memory_space<vmem>> -> memref<1x128xi32, #tpu.memory_space<vmem>>
          %dma_start3A_103 = tpu.memref_squeeze %dma_start3A_102 : memref<1x128xi32, #tpu.memory_space<vmem>> -> memref<128xi32, #tpu.memory_space<vmem>>
          %dma_start3A_104 = arith.constant 0 : i32
          %dma_start3A_105 = arith.constant 0 : i32
          %dma_start3A_106 = tpu.memref_slice %arg8[%dma_start3A_104, %dma_start3A_105] : memref<10240x128xf32, #tpu.memory_space<vmem_shared>> -> memref<10240x128xf32, #tpu.memory_space<vmem_shared>>
          tpu.enqueue_indirect_dma source(%arg7 : memref<128x128xf32, #tpu.memory_space<vmem>>) target(%dma_start3A_106 : memref<10240x128xf32, #tpu.memory_space<vmem_shared>>) offsets(%dma_start3A_103 : memref<128xi32, #tpu.memory_space<vmem>>) semaphore(%run_scoped3A_100 : memref<!tpu.dma_semaphore, #tpu.memory_space<semaphore_mem>>) {add = true}
          %dma_wait3A_107 = arith.constant 0 : i32
          %dma_wait3A_108 = tpu.memref_slice %arg6[%run_scoped3A_91, %dma_wait3A_107] : memref<2x128xi32, #tpu.memory_space<vmem>> -> memref<1x128xi32, #tpu.memory_space<vmem>>
          %dma_wait3A_109 = tpu.memref_squeeze %dma_wait3A_108 : memref<1x128xi32, #tpu.memory_space<vmem>> -> memref<128xi32, #tpu.memory_space<vmem>>
          %dma_wait3A_110 = arith.constant 0 : i32
          %dma_wait3A_111 = arith.constant 0 : i32
          %dma_wait3A_112 = tpu.memref_slice %arg8[%dma_wait3A_110, %dma_wait3A_111] : memref<10240x128xf32, #tpu.memory_space<vmem_shared>> -> memref<10240x128xf32, #tpu.memory_space<vmem_shared>>
          tpu.wait_indirect_dma semaphore(%run_scoped3A_100 : memref<!tpu.dma_semaphore, #tpu.memory_space<semaphore_mem>>) src(%arg7 : memref<128x128xf32, #tpu.memory_space<vmem>>) dst(%dma_wait3A_112 : memref<10240x128xf32, #tpu.memory_space<vmem_shared>>)
          tpu.yield
        }) : () -> ()
        %add3A_92 = arith.constant 3 : i32
        %add3A_93 = arith.addi %mul3A_48, %add3A_92 : i32
        %lt3A_94 = arith.constant 160 : i32
        %lt3A_95 = arith.cmpi slt, %add3A_93, %lt3A_94 : i32
        %convert_element_type3A_96 = arith.extui %lt3A_95 : i1 to i32
        %cond3A_97 = arith.constant 0 : i32
        %cond3A_98 = arith.cmpi ne, %convert_element_type3A_96, %cond3A_97 : i32
        scf.if %cond3A_98 {
          %add3A_100 = arith.constant 3 : i32
          %add3A_101 = arith.addi %mul3A_48, %add3A_100 : i32
          %mul3A_102 = arith.constant 16 : i32
          %mul3A_103 = arith.muli %add3A_101, %mul3A_102 : i32
          %add3A_104 = arith.addi %mul3A_103, %arg1 : i32
          %mul3A_105 = arith.constant 128 : i32
          %mul3A_106 = arith.muli %add3A_104, %mul3A_105 : i32
          %dma_start3A_107 = arith.constant 1 : i32
          %dma_start3A_108 = arith.constant 1 : i32
          %dma_start3A_109 = arith.constant 0 : i32
          %dma_start3A_110 = tpu.memref_slice %arg6[%dma_start3A_108, %dma_start3A_109] : memref<2x128xi32, #tpu.memory_space<vmem>> -> memref<1x128xi32, #tpu.memory_space<vmem>>
          %dma_start3A_111 = tpu.memref_squeeze %dma_start3A_110 : memref<1x128xi32, #tpu.memory_space<vmem>> -> memref<128xi32, #tpu.memory_space<vmem>>
          %dma_start3A_112 = tpu.memref_slice %arg2[%dma_start3A_107, %mul3A_106] : memref<2x327680xi32, #tpu.memory_space<hbm>> -> memref<1x128xi32, #tpu.memory_space<hbm>>
          %dma_start3A_113 = tpu.memref_squeeze %dma_start3A_112 : memref<1x128xi32, #tpu.memory_space<hbm>> -> memref<128xi32, #tpu.memory_space<hbm>>
          %dma_start3A_114 = arith.constant 0 : i32
          %dma_start3A_115 = tpu.memref_slice %arg6[%dma_start3A_108, %dma_start3A_114] : memref<2x128xi32, #tpu.memory_space<vmem>> -> memref<1x128xi32, #tpu.memory_space<vmem>>
          %dma_start3A_116 = tpu.memref_squeeze %dma_start3A_115 : memref<1x128xi32, #tpu.memory_space<vmem>> -> memref<128xi32, #tpu.memory_space<vmem>>
          %dma_start3A_117 = tpu.memref_slice %arg2[%dma_start3A_107, %mul3A_106] : memref<2x327680xi32, #tpu.memory_space<hbm>> -> memref<1x128xi32, #tpu.memory_space<hbm>>
          %dma_start3A_118 = tpu.memref_squeeze %dma_start3A_117 : memref<1x128xi32, #tpu.memory_space<hbm>> -> memref<128xi32, #tpu.memory_space<hbm>>
          tpu.enqueue_dma source(%dma_start3A_118 : memref<128xi32, #tpu.memory_space<hbm>>) target(%dma_start3A_116 : memref<128xi32, #tpu.memory_space<vmem>>) target_semaphore(%arg10 : memref<!tpu.dma_semaphore, #tpu.memory_space<semaphore_mem>>)
        } else {
        }
        %scan3A_99 = arith.constant 0 : i32
        scf.yield %scan3A_99 : i32
      }
      %scan3A_43 = arith.constant 80 : i32
      %barrier3A_44 = arith.constant 0 : index
      tpu.barrier barrier_id(%barrier3A_44)
      %run_scoped3A = arith.constant 1 : i32
      "tpu.region"() ({
        %run_scoped3A_45 = tpu.sem_alloc : memref<!tpu.dma_semaphore, #tpu.memory_space<semaphore_mem>>
        %dma_start3A_46 = arith.constant 0 : i32
        %dma_start3A_47 = tpu.memref_slice %arg5[%run_scoped3A, %mul3A_0, %dma_start3A_46] : memref<2x10240x128xf32, #tpu.memory_space<hbm>> -> memref<1x640x128xf32, #tpu.memory_space<hbm>>
        %dma_start3A_48 = tpu.memref_squeeze %dma_start3A_47 : memref<1x640x128xf32, #tpu.memory_space<hbm>> -> memref<640x128xf32, #tpu.memory_space<hbm>>
        %dma_start3A_49 = arith.constant 0 : i32
        %dma_start3A_50 = tpu.memref_slice %arg8[%mul3A_0, %dma_start3A_49] : memref<10240x128xf32, #tpu.memory_space<vmem_shared>> -> memref<640x128xf32, #tpu.memory_space<vmem_shared>>
        tpu.enqueue_dma source(%dma_start3A_50 : memref<640x128xf32, #tpu.memory_space<vmem_shared>>) target(%dma_start3A_48 : memref<640x128xf32, #tpu.memory_space<hbm>>) target_semaphore(%run_scoped3A_45 : memref<!tpu.dma_semaphore, #tpu.memory_space<semaphore_mem>>)
        %dma_wait3A = arith.constant 0 : i32
        %dma_wait3A_51 = tpu.memref_slice %arg5[%run_scoped3A, %mul3A_0, %dma_wait3A] : memref<2x10240x128xf32, #tpu.memory_space<hbm>> -> memref<1x640x128xf32, #tpu.memory_space<hbm>>
        %dma_wait3A_52 = tpu.memref_squeeze %dma_wait3A_51 : memref<1x640x128xf32, #tpu.memory_space<hbm>> -> memref<640x128xf32, #tpu.memory_space<hbm>>
        %dma_wait3A_53 = arith.constant 0 : i32
        %dma_wait3A_54 = tpu.memref_slice %arg8[%mul3A_0, %dma_wait3A_53] : memref<10240x128xf32, #tpu.memory_space<vmem_shared>> -> memref<640x128xf32, #tpu.memory_space<vmem_shared>>
        tpu.wait_dma2 semaphore(%run_scoped3A_45 : memref<!tpu.dma_semaphore, #tpu.memory_space<semaphore_mem>>) src(%dma_wait3A_54 : memref<640x128xf32, #tpu.memory_space<vmem_shared>>) dst(%dma_wait3A_52 : memref<640x128xf32, #tpu.memory_space<hbm>>)
        tpu.yield
      }) : () -> ()
    } else {
    }
    return
  }
}

#map = affine_map<(d0, d1) -> (0, 0)>
#map1 = affine_map<(d0, d1) -> (0, 0, 0)>
module attributes {stable_mosaic.version = 14 : i64} {
  func.func @agg_kernel(%arg0: i32, %arg1: i32, %arg2: memref<10240x128xf32, #tpu.memory_space<hbm>>, %arg3: memref<2x327680xi32, #tpu.memory_space<hbm>>, %arg4: memref<10240x128xf32, #tpu.memory_space<hbm>>, %arg5: memref<2x10240x128xf32, #tpu.memory_space<hbm>>, %arg6: memref<2x128xi32, #tpu.memory_space<vmem>>, %arg7: memref<2x128xi32, #tpu.memory_space<vmem>>, %arg8: memref<128x128xf32, #tpu.memory_space<vmem>>, %arg9: memref<128x128xf32, #tpu.memory_space<vmem>>, %arg10: memref<10240x128xf32, #tpu.memory_space<vmem_shared>>, %arg11: memref<!tpu.dma_semaphore, #tpu.memory_space<semaphore_mem>>, %arg12: memref<!tpu.dma_semaphore, #tpu.memory_space<semaphore_mem>>, %arg13: memref<!tpu.dma_semaphore, #tpu.memory_space<semaphore_mem>>, %arg14: memref<!tpu.dma_semaphore, #tpu.memory_space<semaphore_mem>>) attributes {dimension_semantics = [#tpu.dimension_semantics<core_parallel>, #tpu.dimension_semantics<subcore_parallel>], iteration_bounds = array<i64: 2, 16>, scalar_prefetch = 0 : i64, scratch_operands = 9 : i64, tpu.core_type = #tpu.core_type<sc_vector_subcore>, window_params = [{transform_indices = #map}, {transform_indices = #map}, {transform_indices = #map}, {transform_indices = #map1}]} {
    %mul3A = arith.constant 640 : i32
    %mul3A_0 = arith.muli %arg1, %mul3A : i32
    "tpu.region"() ({
      %run_scoped3A = tpu.sem_alloc : memref<!tpu.dma_semaphore, #tpu.memory_space<semaphore_mem>>
      %dma_start3A_105 = arith.constant 0 : i32
      %dma_start3A_106 = tpu.memref_slice %arg10[%mul3A_0, %dma_start3A_105] : memref<10240x128xf32, #tpu.memory_space<vmem_shared>> -> memref<640x128xf32, #tpu.memory_space<vmem_shared>>
      %dma_start3A_107 = arith.constant 0 : i32
      %dma_start3A_108 = tpu.memref_slice %arg4[%mul3A_0, %dma_start3A_107] : memref<10240x128xf32, #tpu.memory_space<hbm>> -> memref<640x128xf32, #tpu.memory_space<hbm>>
      tpu.enqueue_dma source(%dma_start3A_108 : memref<640x128xf32, #tpu.memory_space<hbm>>) target(%dma_start3A_106 : memref<640x128xf32, #tpu.memory_space<vmem_shared>>) target_semaphore(%run_scoped3A : memref<!tpu.dma_semaphore, #tpu.memory_space<semaphore_mem>>)
      %dma_wait3A_109 = arith.constant 0 : i32
      %dma_wait3A_110 = tpu.memref_slice %arg10[%mul3A_0, %dma_wait3A_109] : memref<10240x128xf32, #tpu.memory_space<vmem_shared>> -> memref<640x128xf32, #tpu.memory_space<vmem_shared>>
      %dma_wait3A_111 = arith.constant 0 : i32
      %dma_wait3A_112 = tpu.memref_slice %arg4[%mul3A_0, %dma_wait3A_111] : memref<10240x128xf32, #tpu.memory_space<hbm>> -> memref<640x128xf32, #tpu.memory_space<hbm>>
      tpu.wait_dma2 semaphore(%run_scoped3A : memref<!tpu.dma_semaphore, #tpu.memory_space<semaphore_mem>>) src(%dma_wait3A_112 : memref<640x128xf32, #tpu.memory_space<hbm>>) dst(%dma_wait3A_110 : memref<640x128xf32, #tpu.memory_space<vmem_shared>>)
      tpu.yield
    }) : () -> ()
    %barrier3A = arith.constant 0 : index
    tpu.barrier barrier_id(%barrier3A)
    %mul3A_1 = arith.constant 1280 : i32
    %mul3A_2 = arith.muli %arg0, %mul3A_1 : i32
    %add3A = arith.constant 0 : i32
    %add3A_3 = arith.addi %mul3A_2, %add3A : i32
    %add3A_4 = arith.addi %add3A_3, %arg1 : i32
    %mul3A_5 = arith.constant 128 : i32
    %mul3A_6 = arith.muli %add3A_4, %mul3A_5 : i32
    %dma_start3A = arith.constant 0 : i32
    %dma_start3A_7 = arith.constant 0 : i32
    %dma_start3A_8 = arith.constant 0 : i32
    %dma_start3A_9 = tpu.memref_slice %arg6[%dma_start3A_7, %dma_start3A_8] : memref<2x128xi32, #tpu.memory_space<vmem>> -> memref<1x128xi32, #tpu.memory_space<vmem>>
    %dma_start3A_10 = tpu.memref_squeeze %dma_start3A_9 : memref<1x128xi32, #tpu.memory_space<vmem>> -> memref<128xi32, #tpu.memory_space<vmem>>
    %dma_start3A_11 = tpu.memref_slice %arg3[%dma_start3A, %mul3A_6] : memref<2x327680xi32, #tpu.memory_space<hbm>> -> memref<1x128xi32, #tpu.memory_space<hbm>>
    %dma_start3A_12 = tpu.memref_squeeze %dma_start3A_11 : memref<1x128xi32, #tpu.memory_space<hbm>> -> memref<128xi32, #tpu.memory_space<hbm>>
    %dma_start3A_13 = arith.constant 0 : i32
    %dma_start3A_14 = tpu.memref_slice %arg6[%dma_start3A_7, %dma_start3A_13] : memref<2x128xi32, #tpu.memory_space<vmem>> -> memref<1x128xi32, #tpu.memory_space<vmem>>
    %dma_start3A_15 = tpu.memref_squeeze %dma_start3A_14 : memref<1x128xi32, #tpu.memory_space<vmem>> -> memref<128xi32, #tpu.memory_space<vmem>>
    %dma_start3A_16 = tpu.memref_slice %arg3[%dma_start3A, %mul3A_6] : memref<2x327680xi32, #tpu.memory_space<hbm>> -> memref<1x128xi32, #tpu.memory_space<hbm>>
    %dma_start3A_17 = tpu.memref_squeeze %dma_start3A_16 : memref<1x128xi32, #tpu.memory_space<hbm>> -> memref<128xi32, #tpu.memory_space<hbm>>
    tpu.enqueue_dma source(%dma_start3A_17 : memref<128xi32, #tpu.memory_space<hbm>>) target(%dma_start3A_15 : memref<128xi32, #tpu.memory_space<vmem>>) target_semaphore(%arg13 : memref<!tpu.dma_semaphore, #tpu.memory_space<semaphore_mem>>)
    %dma_start3A_18 = arith.constant 1 : i32
    %dma_start3A_19 = arith.constant 0 : i32
    %dma_start3A_20 = arith.constant 0 : i32
    %dma_start3A_21 = tpu.memref_slice %arg7[%dma_start3A_19, %dma_start3A_20] : memref<2x128xi32, #tpu.memory_space<vmem>> -> memref<1x128xi32, #tpu.memory_space<vmem>>
    %dma_start3A_22 = tpu.memref_squeeze %dma_start3A_21 : memref<1x128xi32, #tpu.memory_space<vmem>> -> memref<128xi32, #tpu.memory_space<vmem>>
    %dma_start3A_23 = tpu.memref_slice %arg3[%dma_start3A_18, %mul3A_6] : memref<2x327680xi32, #tpu.memory_space<hbm>> -> memref<1x128xi32, #tpu.memory_space<hbm>>
    %dma_start3A_24 = tpu.memref_squeeze %dma_start3A_23 : memref<1x128xi32, #tpu.memory_space<hbm>> -> memref<128xi32, #tpu.memory_space<hbm>>
    %dma_start3A_25 = arith.constant 0 : i32
    %dma_start3A_26 = tpu.memref_slice %arg7[%dma_start3A_19, %dma_start3A_25] : memref<2x128xi32, #tpu.memory_space<vmem>> -> memref<1x128xi32, #tpu.memory_space<vmem>>
    %dma_start3A_27 = tpu.memref_squeeze %dma_start3A_26 : memref<1x128xi32, #tpu.memory_space<vmem>> -> memref<128xi32, #tpu.memory_space<vmem>>
    %dma_start3A_28 = tpu.memref_slice %arg3[%dma_start3A_18, %mul3A_6] : memref<2x327680xi32, #tpu.memory_space<hbm>> -> memref<1x128xi32, #tpu.memory_space<hbm>>
    %dma_start3A_29 = tpu.memref_squeeze %dma_start3A_28 : memref<1x128xi32, #tpu.memory_space<hbm>> -> memref<128xi32, #tpu.memory_space<hbm>>
    tpu.enqueue_dma source(%dma_start3A_29 : memref<128xi32, #tpu.memory_space<hbm>>) target(%dma_start3A_27 : memref<128xi32, #tpu.memory_space<vmem>>) target_semaphore(%arg13 : memref<!tpu.dma_semaphore, #tpu.memory_space<semaphore_mem>>)
    %mul3A_30 = arith.constant 1280 : i32
    %mul3A_31 = arith.muli %arg0, %mul3A_30 : i32
    %add3A_32 = arith.constant 16 : i32
    %add3A_33 = arith.addi %mul3A_31, %add3A_32 : i32
    %add3A_34 = arith.addi %add3A_33, %arg1 : i32
    %mul3A_35 = arith.constant 128 : i32
    %mul3A_36 = arith.muli %add3A_34, %mul3A_35 : i32
    %dma_start3A_37 = arith.constant 0 : i32
    %dma_start3A_38 = arith.constant 1 : i32
    %dma_start3A_39 = arith.constant 0 : i32
    %dma_start3A_40 = tpu.memref_slice %arg6[%dma_start3A_38, %dma_start3A_39] : memref<2x128xi32, #tpu.memory_space<vmem>> -> memref<1x128xi32, #tpu.memory_space<vmem>>
    %dma_start3A_41 = tpu.memref_squeeze %dma_start3A_40 : memref<1x128xi32, #tpu.memory_space<vmem>> -> memref<128xi32, #tpu.memory_space<vmem>>
    %dma_start3A_42 = tpu.memref_slice %arg3[%dma_start3A_37, %mul3A_36] : memref<2x327680xi32, #tpu.memory_space<hbm>> -> memref<1x128xi32, #tpu.memory_space<hbm>>
    %dma_start3A_43 = tpu.memref_squeeze %dma_start3A_42 : memref<1x128xi32, #tpu.memory_space<hbm>> -> memref<128xi32, #tpu.memory_space<hbm>>
    %dma_start3A_44 = arith.constant 0 : i32
    %dma_start3A_45 = tpu.memref_slice %arg6[%dma_start3A_38, %dma_start3A_44] : memref<2x128xi32, #tpu.memory_space<vmem>> -> memref<1x128xi32, #tpu.memory_space<vmem>>
    %dma_start3A_46 = tpu.memref_squeeze %dma_start3A_45 : memref<1x128xi32, #tpu.memory_space<vmem>> -> memref<128xi32, #tpu.memory_space<vmem>>
    %dma_start3A_47 = tpu.memref_slice %arg3[%dma_start3A_37, %mul3A_36] : memref<2x327680xi32, #tpu.memory_space<hbm>> -> memref<1x128xi32, #tpu.memory_space<hbm>>
    %dma_start3A_48 = tpu.memref_squeeze %dma_start3A_47 : memref<1x128xi32, #tpu.memory_space<hbm>> -> memref<128xi32, #tpu.memory_space<hbm>>
    tpu.enqueue_dma source(%dma_start3A_48 : memref<128xi32, #tpu.memory_space<hbm>>) target(%dma_start3A_46 : memref<128xi32, #tpu.memory_space<vmem>>) target_semaphore(%arg14 : memref<!tpu.dma_semaphore, #tpu.memory_space<semaphore_mem>>)
    %dma_start3A_49 = arith.constant 1 : i32
    %dma_start3A_50 = arith.constant 1 : i32
    %dma_start3A_51 = arith.constant 0 : i32
    %dma_start3A_52 = tpu.memref_slice %arg7[%dma_start3A_50, %dma_start3A_51] : memref<2x128xi32, #tpu.memory_space<vmem>> -> memref<1x128xi32, #tpu.memory_space<vmem>>
    %dma_start3A_53 = tpu.memref_squeeze %dma_start3A_52 : memref<1x128xi32, #tpu.memory_space<vmem>> -> memref<128xi32, #tpu.memory_space<vmem>>
    %dma_start3A_54 = tpu.memref_slice %arg3[%dma_start3A_49, %mul3A_36] : memref<2x327680xi32, #tpu.memory_space<hbm>> -> memref<1x128xi32, #tpu.memory_space<hbm>>
    %dma_start3A_55 = tpu.memref_squeeze %dma_start3A_54 : memref<1x128xi32, #tpu.memory_space<hbm>> -> memref<128xi32, #tpu.memory_space<hbm>>
    %dma_start3A_56 = arith.constant 0 : i32
    %dma_start3A_57 = tpu.memref_slice %arg7[%dma_start3A_50, %dma_start3A_56] : memref<2x128xi32, #tpu.memory_space<vmem>> -> memref<1x128xi32, #tpu.memory_space<vmem>>
    %dma_start3A_58 = tpu.memref_squeeze %dma_start3A_57 : memref<1x128xi32, #tpu.memory_space<vmem>> -> memref<128xi32, #tpu.memory_space<vmem>>
    %dma_start3A_59 = tpu.memref_slice %arg3[%dma_start3A_49, %mul3A_36] : memref<2x327680xi32, #tpu.memory_space<hbm>> -> memref<1x128xi32, #tpu.memory_space<hbm>>
    %dma_start3A_60 = tpu.memref_squeeze %dma_start3A_59 : memref<1x128xi32, #tpu.memory_space<hbm>> -> memref<128xi32, #tpu.memory_space<hbm>>
    tpu.enqueue_dma source(%dma_start3A_60 : memref<128xi32, #tpu.memory_space<hbm>>) target(%dma_start3A_58 : memref<128xi32, #tpu.memory_space<vmem>>) target_semaphore(%arg14 : memref<!tpu.dma_semaphore, #tpu.memory_space<semaphore_mem>>)
    %mul3A_61 = arith.constant 1280 : i32
    %mul3A_62 = arith.muli %arg0, %mul3A_61 : i32
    %add3A_63 = arith.constant 0 : i32
    %add3A_64 = arith.addi %mul3A_62, %add3A_63 : i32
    %add3A_65 = arith.addi %add3A_64, %arg1 : i32
    %mul3A_66 = arith.constant 128 : i32
    %mul3A_67 = arith.muli %add3A_65, %mul3A_66 : i32
    %dma_wait3A = arith.constant 0 : i32
    %dma_wait3A_68 = arith.constant 0 : i32
    %dma_wait3A_69 = arith.constant 0 : i32
    %dma_wait3A_70 = tpu.memref_slice %arg6[%dma_wait3A_68, %dma_wait3A_69] : memref<2x128xi32, #tpu.memory_space<vmem>> -> memref<1x128xi32, #tpu.memory_space<vmem>>
    %dma_wait3A_71 = tpu.memref_squeeze %dma_wait3A_70 : memref<1x128xi32, #tpu.memory_space<vmem>> -> memref<128xi32, #tpu.memory_space<vmem>>
    %dma_wait3A_72 = tpu.memref_slice %arg3[%dma_wait3A, %mul3A_67] : memref<2x327680xi32, #tpu.memory_space<hbm>> -> memref<1x128xi32, #tpu.memory_space<hbm>>
    %dma_wait3A_73 = tpu.memref_squeeze %dma_wait3A_72 : memref<1x128xi32, #tpu.memory_space<hbm>> -> memref<128xi32, #tpu.memory_space<hbm>>
    %dma_wait3A_74 = arith.constant 0 : i32
    %dma_wait3A_75 = tpu.memref_slice %arg6[%dma_wait3A_68, %dma_wait3A_74] : memref<2x128xi32, #tpu.memory_space<vmem>> -> memref<1x128xi32, #tpu.memory_space<vmem>>
    %dma_wait3A_76 = tpu.memref_squeeze %dma_wait3A_75 : memref<1x128xi32, #tpu.memory_space<vmem>> -> memref<128xi32, #tpu.memory_space<vmem>>
    %dma_wait3A_77 = tpu.memref_slice %arg3[%dma_wait3A, %mul3A_67] : memref<2x327680xi32, #tpu.memory_space<hbm>> -> memref<1x128xi32, #tpu.memory_space<hbm>>
    %dma_wait3A_78 = tpu.memref_squeeze %dma_wait3A_77 : memref<1x128xi32, #tpu.memory_space<hbm>> -> memref<128xi32, #tpu.memory_space<hbm>>
    tpu.wait_dma2 semaphore(%arg13 : memref<!tpu.dma_semaphore, #tpu.memory_space<semaphore_mem>>) src(%dma_wait3A_78 : memref<128xi32, #tpu.memory_space<hbm>>) dst(%dma_wait3A_76 : memref<128xi32, #tpu.memory_space<vmem>>)
    %dma_wait3A_79 = arith.constant 1 : i32
    %dma_wait3A_80 = arith.constant 0 : i32
    %dma_wait3A_81 = arith.constant 0 : i32
    %dma_wait3A_82 = tpu.memref_slice %arg7[%dma_wait3A_80, %dma_wait3A_81] : memref<2x128xi32, #tpu.memory_space<vmem>> -> memref<1x128xi32, #tpu.memory_space<vmem>>
    %dma_wait3A_83 = tpu.memref_squeeze %dma_wait3A_82 : memref<1x128xi32, #tpu.memory_space<vmem>> -> memref<128xi32, #tpu.memory_space<vmem>>
    %dma_wait3A_84 = tpu.memref_slice %arg3[%dma_wait3A_79, %mul3A_67] : memref<2x327680xi32, #tpu.memory_space<hbm>> -> memref<1x128xi32, #tpu.memory_space<hbm>>
    %dma_wait3A_85 = tpu.memref_squeeze %dma_wait3A_84 : memref<1x128xi32, #tpu.memory_space<hbm>> -> memref<128xi32, #tpu.memory_space<hbm>>
    %dma_wait3A_86 = arith.constant 0 : i32
    %dma_wait3A_87 = tpu.memref_slice %arg7[%dma_wait3A_80, %dma_wait3A_86] : memref<2x128xi32, #tpu.memory_space<vmem>> -> memref<1x128xi32, #tpu.memory_space<vmem>>
    %dma_wait3A_88 = tpu.memref_squeeze %dma_wait3A_87 : memref<1x128xi32, #tpu.memory_space<vmem>> -> memref<128xi32, #tpu.memory_space<vmem>>
    %dma_wait3A_89 = tpu.memref_slice %arg3[%dma_wait3A_79, %mul3A_67] : memref<2x327680xi32, #tpu.memory_space<hbm>> -> memref<1x128xi32, #tpu.memory_space<hbm>>
    %dma_wait3A_90 = tpu.memref_squeeze %dma_wait3A_89 : memref<1x128xi32, #tpu.memory_space<hbm>> -> memref<128xi32, #tpu.memory_space<hbm>>
    tpu.wait_dma2 semaphore(%arg13 : memref<!tpu.dma_semaphore, #tpu.memory_space<semaphore_mem>>) src(%dma_wait3A_90 : memref<128xi32, #tpu.memory_space<hbm>>) dst(%dma_wait3A_88 : memref<128xi32, #tpu.memory_space<vmem>>)
    %dma_start3A_91 = arith.constant 0 : i32
    %dma_start3A_92 = arith.constant 0 : i32
    %dma_start3A_93 = tpu.memref_slice %arg6[%dma_start3A_91, %dma_start3A_92] : memref<2x128xi32, #tpu.memory_space<vmem>> -> memref<1x128xi32, #tpu.memory_space<vmem>>
    %dma_start3A_94 = tpu.memref_squeeze %dma_start3A_93 : memref<1x128xi32, #tpu.memory_space<vmem>> -> memref<128xi32, #tpu.memory_space<vmem>>
    %dma_start3A_95 = arith.constant 0 : i32
    %dma_start3A_96 = arith.constant 0 : i32
    %dma_start3A_97 = tpu.memref_slice %arg2[%dma_start3A_95, %dma_start3A_96] : memref<10240x128xf32, #tpu.memory_space<hbm>> -> memref<10240x128xf32, #tpu.memory_space<hbm>>
    tpu.enqueue_indirect_dma source(%dma_start3A_97 : memref<10240x128xf32, #tpu.memory_space<hbm>>) target(%arg8 : memref<128x128xf32, #tpu.memory_space<vmem>>) offsets(%dma_start3A_94 : memref<128xi32, #tpu.memory_space<vmem>>) semaphore(%arg11 : memref<!tpu.dma_semaphore, #tpu.memory_space<semaphore_mem>>)
    %scan3A = arith.constant 0 : i32
    %scan3A_98 = arith.constant 0 : i32
    %scan3A_99 = arith.constant 40 : i32
    %scan3A_100 = arith.addi %scan3A_98, %scan3A_99 : i32
    %scan3A_101 = arith.constant 1 : i32
    %scan3A_102 = scf.for %scan3A_105 = %scan3A_98 to %scan3A_100 step %scan3A_101 iter_args(%scan3A_106 = %scan3A) -> (i32)  : i32 {
      %mul3A_107 = arith.constant 2 : i32
      %mul3A_108 = arith.muli %mul3A_107, %scan3A_105 : i32
      %add3A_109 = arith.constant 1 : i32
      %add3A_110 = arith.addi %mul3A_108, %add3A_109 : i32
      %mul3A_111 = arith.constant 1280 : i32
      %mul3A_112 = arith.muli %arg0, %mul3A_111 : i32
      %mul3A_113 = arith.constant 16 : i32
      %mul3A_114 = arith.muli %add3A_110, %mul3A_113 : i32
      %add3A_115 = arith.addi %mul3A_112, %mul3A_114 : i32
      %add3A_116 = arith.addi %add3A_115, %arg1 : i32
      %mul3A_117 = arith.constant 128 : i32
      %mul3A_118 = arith.muli %add3A_116, %mul3A_117 : i32
      %dma_wait3A_119 = arith.constant 0 : i32
      %dma_wait3A_120 = arith.constant 1 : i32
      %dma_wait3A_121 = arith.constant 0 : i32
      %dma_wait3A_122 = tpu.memref_slice %arg6[%dma_wait3A_120, %dma_wait3A_121] : memref<2x128xi32, #tpu.memory_space<vmem>> -> memref<1x128xi32, #tpu.memory_space<vmem>>
      %dma_wait3A_123 = tpu.memref_squeeze %dma_wait3A_122 : memref<1x128xi32, #tpu.memory_space<vmem>> -> memref<128xi32, #tpu.memory_space<vmem>>
      %dma_wait3A_124 = tpu.memref_slice %arg3[%dma_wait3A_119, %mul3A_118] : memref<2x327680xi32, #tpu.memory_space<hbm>> -> memref<1x128xi32, #tpu.memory_space<hbm>>
      %dma_wait3A_125 = tpu.memref_squeeze %dma_wait3A_124 : memref<1x128xi32, #tpu.memory_space<hbm>> -> memref<128xi32, #tpu.memory_space<hbm>>
      %dma_wait3A_126 = arith.constant 0 : i32
      %dma_wait3A_127 = tpu.memref_slice %arg6[%dma_wait3A_120, %dma_wait3A_126] : memref<2x128xi32, #tpu.memory_space<vmem>> -> memref<1x128xi32, #tpu.memory_space<vmem>>
      %dma_wait3A_128 = tpu.memref_squeeze %dma_wait3A_127 : memref<1x128xi32, #tpu.memory_space<vmem>> -> memref<128xi32, #tpu.memory_space<vmem>>
      %dma_wait3A_129 = tpu.memref_slice %arg3[%dma_wait3A_119, %mul3A_118] : memref<2x327680xi32, #tpu.memory_space<hbm>> -> memref<1x128xi32, #tpu.memory_space<hbm>>
      %dma_wait3A_130 = tpu.memref_squeeze %dma_wait3A_129 : memref<1x128xi32, #tpu.memory_space<hbm>> -> memref<128xi32, #tpu.memory_space<hbm>>
      tpu.wait_dma2 semaphore(%arg14 : memref<!tpu.dma_semaphore, #tpu.memory_space<semaphore_mem>>) src(%dma_wait3A_130 : memref<128xi32, #tpu.memory_space<hbm>>) dst(%dma_wait3A_128 : memref<128xi32, #tpu.memory_space<vmem>>)
      %dma_wait3A_131 = arith.constant 1 : i32
      %dma_wait3A_132 = arith.constant 1 : i32
      %dma_wait3A_133 = arith.constant 0 : i32
      %dma_wait3A_134 = tpu.memref_slice %arg7[%dma_wait3A_132, %dma_wait3A_133] : memref<2x128xi32, #tpu.memory_space<vmem>> -> memref<1x128xi32, #tpu.memory_space<vmem>>
      %dma_wait3A_135 = tpu.memref_squeeze %dma_wait3A_134 : memref<1x128xi32, #tpu.memory_space<vmem>> -> memref<128xi32, #tpu.memory_space<vmem>>
      %dma_wait3A_136 = tpu.memref_slice %arg3[%dma_wait3A_131, %mul3A_118] : memref<2x327680xi32, #tpu.memory_space<hbm>> -> memref<1x128xi32, #tpu.memory_space<hbm>>
      %dma_wait3A_137 = tpu.memref_squeeze %dma_wait3A_136 : memref<1x128xi32, #tpu.memory_space<hbm>> -> memref<128xi32, #tpu.memory_space<hbm>>
      %dma_wait3A_138 = arith.constant 0 : i32
      %dma_wait3A_139 = tpu.memref_slice %arg7[%dma_wait3A_132, %dma_wait3A_138] : memref<2x128xi32, #tpu.memory_space<vmem>> -> memref<1x128xi32, #tpu.memory_space<vmem>>
      %dma_wait3A_140 = tpu.memref_squeeze %dma_wait3A_139 : memref<1x128xi32, #tpu.memory_space<vmem>> -> memref<128xi32, #tpu.memory_space<vmem>>
      %dma_wait3A_141 = tpu.memref_slice %arg3[%dma_wait3A_131, %mul3A_118] : memref<2x327680xi32, #tpu.memory_space<hbm>> -> memref<1x128xi32, #tpu.memory_space<hbm>>
      %dma_wait3A_142 = tpu.memref_squeeze %dma_wait3A_141 : memref<1x128xi32, #tpu.memory_space<hbm>> -> memref<128xi32, #tpu.memory_space<hbm>>
      tpu.wait_dma2 semaphore(%arg14 : memref<!tpu.dma_semaphore, #tpu.memory_space<semaphore_mem>>) src(%dma_wait3A_142 : memref<128xi32, #tpu.memory_space<hbm>>) dst(%dma_wait3A_140 : memref<128xi32, #tpu.memory_space<vmem>>)
      %dma_start3A_143 = arith.constant 1 : i32
      %dma_start3A_144 = arith.constant 0 : i32
      %dma_start3A_145 = tpu.memref_slice %arg6[%dma_start3A_143, %dma_start3A_144] : memref<2x128xi32, #tpu.memory_space<vmem>> -> memref<1x128xi32, #tpu.memory_space<vmem>>
      %dma_start3A_146 = tpu.memref_squeeze %dma_start3A_145 : memref<1x128xi32, #tpu.memory_space<vmem>> -> memref<128xi32, #tpu.memory_space<vmem>>
      %dma_start3A_147 = arith.constant 0 : i32
      %dma_start3A_148 = arith.constant 0 : i32
      %dma_start3A_149 = tpu.memref_slice %arg2[%dma_start3A_147, %dma_start3A_148] : memref<10240x128xf32, #tpu.memory_space<hbm>> -> memref<10240x128xf32, #tpu.memory_space<hbm>>
      tpu.enqueue_indirect_dma source(%dma_start3A_149 : memref<10240x128xf32, #tpu.memory_space<hbm>>) target(%arg9 : memref<128x128xf32, #tpu.memory_space<vmem>>) offsets(%dma_start3A_146 : memref<128xi32, #tpu.memory_space<vmem>>) semaphore(%arg12 : memref<!tpu.dma_semaphore, #tpu.memory_space<semaphore_mem>>)
      %dma_wait3A_150 = arith.constant 0 : i32
      %dma_wait3A_151 = arith.constant 0 : i32
      %dma_wait3A_152 = tpu.memref_slice %arg6[%dma_wait3A_150, %dma_wait3A_151] : memref<2x128xi32, #tpu.memory_space<vmem>> -> memref<1x128xi32, #tpu.memory_space<vmem>>
      %dma_wait3A_153 = tpu.memref_squeeze %dma_wait3A_152 : memref<1x128xi32, #tpu.memory_space<vmem>> -> memref<128xi32, #tpu.memory_space<vmem>>
      %dma_wait3A_154 = arith.constant 0 : i32
      %dma_wait3A_155 = arith.constant 0 : i32
      %dma_wait3A_156 = tpu.memref_slice %arg2[%dma_wait3A_154, %dma_wait3A_155] : memref<10240x128xf32, #tpu.memory_space<hbm>> -> memref<10240x128xf32, #tpu.memory_space<hbm>>
      tpu.wait_indirect_dma semaphore(%arg11 : memref<!tpu.dma_semaphore, #tpu.memory_space<semaphore_mem>>) src(%dma_wait3A_156 : memref<10240x128xf32, #tpu.memory_space<hbm>>) dst(%arg8 : memref<128x128xf32, #tpu.memory_space<vmem>>)
      %run_scoped3A = arith.constant 0 : i32
      "tpu.region"() ({
        %run_scoped3A_177 = tpu.sem_alloc : memref<!tpu.dma_semaphore, #tpu.memory_space<semaphore_mem>>
        %dma_start3A_178 = arith.constant 0 : i32
        %dma_start3A_179 = tpu.memref_slice %arg7[%run_scoped3A, %dma_start3A_178] : memref<2x128xi32, #tpu.memory_space<vmem>> -> memref<1x128xi32, #tpu.memory_space<vmem>>
        %dma_start3A_180 = tpu.memref_squeeze %dma_start3A_179 : memref<1x128xi32, #tpu.memory_space<vmem>> -> memref<128xi32, #tpu.memory_space<vmem>>
        %dma_start3A_181 = arith.constant 0 : i32
        %dma_start3A_182 = arith.constant 0 : i32
        %dma_start3A_183 = tpu.memref_slice %arg10[%dma_start3A_181, %dma_start3A_182] : memref<10240x128xf32, #tpu.memory_space<vmem_shared>> -> memref<10240x128xf32, #tpu.memory_space<vmem_shared>>
        tpu.enqueue_indirect_dma source(%arg8 : memref<128x128xf32, #tpu.memory_space<vmem>>) target(%dma_start3A_183 : memref<10240x128xf32, #tpu.memory_space<vmem_shared>>) offsets(%dma_start3A_180 : memref<128xi32, #tpu.memory_space<vmem>>) semaphore(%run_scoped3A_177 : memref<!tpu.dma_semaphore, #tpu.memory_space<semaphore_mem>>) {add = true}
        %dma_wait3A_184 = arith.constant 0 : i32
        %dma_wait3A_185 = tpu.memref_slice %arg7[%run_scoped3A, %dma_wait3A_184] : memref<2x128xi32, #tpu.memory_space<vmem>> -> memref<1x128xi32, #tpu.memory_space<vmem>>
        %dma_wait3A_186 = tpu.memref_squeeze %dma_wait3A_185 : memref<1x128xi32, #tpu.memory_space<vmem>> -> memref<128xi32, #tpu.memory_space<vmem>>
        %dma_wait3A_187 = arith.constant 0 : i32
        %dma_wait3A_188 = arith.constant 0 : i32
        %dma_wait3A_189 = tpu.memref_slice %arg10[%dma_wait3A_187, %dma_wait3A_188] : memref<10240x128xf32, #tpu.memory_space<vmem_shared>> -> memref<10240x128xf32, #tpu.memory_space<vmem_shared>>
        tpu.wait_indirect_dma semaphore(%run_scoped3A_177 : memref<!tpu.dma_semaphore, #tpu.memory_space<semaphore_mem>>) src(%arg8 : memref<128x128xf32, #tpu.memory_space<vmem>>) dst(%dma_wait3A_189 : memref<10240x128xf32, #tpu.memory_space<vmem_shared>>)
        tpu.yield
      }) : () -> ()
      %add3A_157 = arith.constant 2 : i32
      %add3A_158 = arith.addi %mul3A_108, %add3A_157 : i32
      %lt3A = arith.constant 80 : i32
      %lt3A_159 = arith.cmpi slt, %add3A_158, %lt3A : i32
      %convert_element_type3A = arith.extui %lt3A_159 : i1 to i32
      %cond3A = arith.constant 0 : i32
      %cond3A_160 = arith.cmpi ne, %convert_element_type3A, %cond3A : i32
      scf.if %cond3A_160 {
        %add3A_177 = arith.constant 2 : i32
        %add3A_178 = arith.addi %mul3A_108, %add3A_177 : i32
        %mul3A_179 = arith.constant 1280 : i32
        %mul3A_180 = arith.muli %arg0, %mul3A_179 : i32
        %mul3A_181 = arith.constant 16 : i32
        %mul3A_182 = arith.muli %add3A_178, %mul3A_181 : i32
        %add3A_183 = arith.addi %mul3A_180, %mul3A_182 : i32
        %add3A_184 = arith.addi %add3A_183, %arg1 : i32
        %mul3A_185 = arith.constant 128 : i32
        %mul3A_186 = arith.muli %add3A_184, %mul3A_185 : i32
        %dma_start3A_187 = arith.constant 0 : i32
        %dma_start3A_188 = arith.constant 0 : i32
        %dma_start3A_189 = arith.constant 0 : i32
        %dma_start3A_190 = tpu.memref_slice %arg6[%dma_start3A_188, %dma_start3A_189] : memref<2x128xi32, #tpu.memory_space<vmem>> -> memref<1x128xi32, #tpu.memory_space<vmem>>
        %dma_start3A_191 = tpu.memref_squeeze %dma_start3A_190 : memref<1x128xi32, #tpu.memory_space<vmem>> -> memref<128xi32, #tpu.memory_space<vmem>>
        %dma_start3A_192 = tpu.memref_slice %arg3[%dma_start3A_187, %mul3A_186] : memref<2x327680xi32, #tpu.memory_space<hbm>> -> memref<1x128xi32, #tpu.memory_space<hbm>>
        %dma_start3A_193 = tpu.memref_squeeze %dma_start3A_192 : memref<1x128xi32, #tpu.memory_space<hbm>> -> memref<128xi32, #tpu.memory_space<hbm>>
        %dma_start3A_194 = arith.constant 0 : i32
        %dma_start3A_195 = tpu.memref_slice %arg6[%dma_start3A_188, %dma_start3A_194] : memref<2x128xi32, #tpu.memory_space<vmem>> -> memref<1x128xi32, #tpu.memory_space<vmem>>
        %dma_start3A_196 = tpu.memref_squeeze %dma_start3A_195 : memref<1x128xi32, #tpu.memory_space<vmem>> -> memref<128xi32, #tpu.memory_space<vmem>>
        %dma_start3A_197 = tpu.memref_slice %arg3[%dma_start3A_187, %mul3A_186] : memref<2x327680xi32, #tpu.memory_space<hbm>> -> memref<1x128xi32, #tpu.memory_space<hbm>>
        %dma_start3A_198 = tpu.memref_squeeze %dma_start3A_197 : memref<1x128xi32, #tpu.memory_space<hbm>> -> memref<128xi32, #tpu.memory_space<hbm>>
        tpu.enqueue_dma source(%dma_start3A_198 : memref<128xi32, #tpu.memory_space<hbm>>) target(%dma_start3A_196 : memref<128xi32, #tpu.memory_space<vmem>>) target_semaphore(%arg13 : memref<!tpu.dma_semaphore, #tpu.memory_space<semaphore_mem>>)
        %dma_start3A_199 = arith.constant 1 : i32
        %dma_start3A_200 = arith.constant 0 : i32
        %dma_start3A_201 = arith.constant 0 : i32
        %dma_start3A_202 = tpu.memref_slice %arg7[%dma_start3A_200, %dma_start3A_201] : memref<2x128xi32, #tpu.memory_space<vmem>> -> memref<1x128xi32, #tpu.memory_space<vmem>>
        %dma_start3A_203 = tpu.memref_squeeze %dma_start3A_202 : memref<1x128xi32, #tpu.memory_space<vmem>> -> memref<128xi32, #tpu.memory_space<vmem>>
        %dma_start3A_204 = tpu.memref_slice %arg3[%dma_start3A_199, %mul3A_186] : memref<2x327680xi32, #tpu.memory_space<hbm>> -> memref<1x128xi32, #tpu.memory_space<hbm>>
        %dma_start3A_205 = tpu.memref_squeeze %dma_start3A_204 : memref<1x128xi32, #tpu.memory_space<hbm>> -> memref<128xi32, #tpu.memory_space<hbm>>
        %dma_start3A_206 = arith.constant 0 : i32
        %dma_start3A_207 = tpu.memref_slice %arg7[%dma_start3A_200, %dma_start3A_206] : memref<2x128xi32, #tpu.memory_space<vmem>> -> memref<1x128xi32, #tpu.memory_space<vmem>>
        %dma_start3A_208 = tpu.memref_squeeze %dma_start3A_207 : memref<1x128xi32, #tpu.memory_space<vmem>> -> memref<128xi32, #tpu.memory_space<vmem>>
        %dma_start3A_209 = tpu.memref_slice %arg3[%dma_start3A_199, %mul3A_186] : memref<2x327680xi32, #tpu.memory_space<hbm>> -> memref<1x128xi32, #tpu.memory_space<hbm>>
        %dma_start3A_210 = tpu.memref_squeeze %dma_start3A_209 : memref<1x128xi32, #tpu.memory_space<hbm>> -> memref<128xi32, #tpu.memory_space<hbm>>
        tpu.enqueue_dma source(%dma_start3A_210 : memref<128xi32, #tpu.memory_space<hbm>>) target(%dma_start3A_208 : memref<128xi32, #tpu.memory_space<vmem>>) target_semaphore(%arg13 : memref<!tpu.dma_semaphore, #tpu.memory_space<semaphore_mem>>)
        %add3A_211 = arith.constant 2 : i32
        %add3A_212 = arith.addi %mul3A_108, %add3A_211 : i32
        %mul3A_213 = arith.constant 1280 : i32
        %mul3A_214 = arith.muli %arg0, %mul3A_213 : i32
        %mul3A_215 = arith.constant 16 : i32
        %mul3A_216 = arith.muli %add3A_212, %mul3A_215 : i32
        %add3A_217 = arith.addi %mul3A_214, %mul3A_216 : i32
        %add3A_218 = arith.addi %add3A_217, %arg1 : i32
        %mul3A_219 = arith.constant 128 : i32
        %mul3A_220 = arith.muli %add3A_218, %mul3A_219 : i32
        %dma_wait3A_221 = arith.constant 0 : i32
        %dma_wait3A_222 = arith.constant 0 : i32
        %dma_wait3A_223 = arith.constant 0 : i32
        %dma_wait3A_224 = tpu.memref_slice %arg6[%dma_wait3A_222, %dma_wait3A_223] : memref<2x128xi32, #tpu.memory_space<vmem>> -> memref<1x128xi32, #tpu.memory_space<vmem>>
        %dma_wait3A_225 = tpu.memref_squeeze %dma_wait3A_224 : memref<1x128xi32, #tpu.memory_space<vmem>> -> memref<128xi32, #tpu.memory_space<vmem>>
        %dma_wait3A_226 = tpu.memref_slice %arg3[%dma_wait3A_221, %mul3A_220] : memref<2x327680xi32, #tpu.memory_space<hbm>> -> memref<1x128xi32, #tpu.memory_space<hbm>>
        %dma_wait3A_227 = tpu.memref_squeeze %dma_wait3A_226 : memref<1x128xi32, #tpu.memory_space<hbm>> -> memref<128xi32, #tpu.memory_space<hbm>>
        %dma_wait3A_228 = arith.constant 0 : i32
        %dma_wait3A_229 = tpu.memref_slice %arg6[%dma_wait3A_222, %dma_wait3A_228] : memref<2x128xi32, #tpu.memory_space<vmem>> -> memref<1x128xi32, #tpu.memory_space<vmem>>
        %dma_wait3A_230 = tpu.memref_squeeze %dma_wait3A_229 : memref<1x128xi32, #tpu.memory_space<vmem>> -> memref<128xi32, #tpu.memory_space<vmem>>
        %dma_wait3A_231 = tpu.memref_slice %arg3[%dma_wait3A_221, %mul3A_220] : memref<2x327680xi32, #tpu.memory_space<hbm>> -> memref<1x128xi32, #tpu.memory_space<hbm>>
        %dma_wait3A_232 = tpu.memref_squeeze %dma_wait3A_231 : memref<1x128xi32, #tpu.memory_space<hbm>> -> memref<128xi32, #tpu.memory_space<hbm>>
        tpu.wait_dma2 semaphore(%arg13 : memref<!tpu.dma_semaphore, #tpu.memory_space<semaphore_mem>>) src(%dma_wait3A_232 : memref<128xi32, #tpu.memory_space<hbm>>) dst(%dma_wait3A_230 : memref<128xi32, #tpu.memory_space<vmem>>)
        %dma_wait3A_233 = arith.constant 1 : i32
        %dma_wait3A_234 = arith.constant 0 : i32
        %dma_wait3A_235 = arith.constant 0 : i32
        %dma_wait3A_236 = tpu.memref_slice %arg7[%dma_wait3A_234, %dma_wait3A_235] : memref<2x128xi32, #tpu.memory_space<vmem>> -> memref<1x128xi32, #tpu.memory_space<vmem>>
        %dma_wait3A_237 = tpu.memref_squeeze %dma_wait3A_236 : memref<1x128xi32, #tpu.memory_space<vmem>> -> memref<128xi32, #tpu.memory_space<vmem>>
        %dma_wait3A_238 = tpu.memref_slice %arg3[%dma_wait3A_233, %mul3A_220] : memref<2x327680xi32, #tpu.memory_space<hbm>> -> memref<1x128xi32, #tpu.memory_space<hbm>>
        %dma_wait3A_239 = tpu.memref_squeeze %dma_wait3A_238 : memref<1x128xi32, #tpu.memory_space<hbm>> -> memref<128xi32, #tpu.memory_space<hbm>>
        %dma_wait3A_240 = arith.constant 0 : i32
        %dma_wait3A_241 = tpu.memref_slice %arg7[%dma_wait3A_234, %dma_wait3A_240] : memref<2x128xi32, #tpu.memory_space<vmem>> -> memref<1x128xi32, #tpu.memory_space<vmem>>
        %dma_wait3A_242 = tpu.memref_squeeze %dma_wait3A_241 : memref<1x128xi32, #tpu.memory_space<vmem>> -> memref<128xi32, #tpu.memory_space<vmem>>
        %dma_wait3A_243 = tpu.memref_slice %arg3[%dma_wait3A_233, %mul3A_220] : memref<2x327680xi32, #tpu.memory_space<hbm>> -> memref<1x128xi32, #tpu.memory_space<hbm>>
        %dma_wait3A_244 = tpu.memref_squeeze %dma_wait3A_243 : memref<1x128xi32, #tpu.memory_space<hbm>> -> memref<128xi32, #tpu.memory_space<hbm>>
        tpu.wait_dma2 semaphore(%arg13 : memref<!tpu.dma_semaphore, #tpu.memory_space<semaphore_mem>>) src(%dma_wait3A_244 : memref<128xi32, #tpu.memory_space<hbm>>) dst(%dma_wait3A_242 : memref<128xi32, #tpu.memory_space<vmem>>)
        %dma_start3A_245 = arith.constant 0 : i32
        %dma_start3A_246 = arith.constant 0 : i32
        %dma_start3A_247 = tpu.memref_slice %arg6[%dma_start3A_245, %dma_start3A_246] : memref<2x128xi32, #tpu.memory_space<vmem>> -> memref<1x128xi32, #tpu.memory_space<vmem>>
        %dma_start3A_248 = tpu.memref_squeeze %dma_start3A_247 : memref<1x128xi32, #tpu.memory_space<vmem>> -> memref<128xi32, #tpu.memory_space<vmem>>
        %dma_start3A_249 = arith.constant 0 : i32
        %dma_start3A_250 = arith.constant 0 : i32
        %dma_start3A_251 = tpu.memref_slice %arg2[%dma_start3A_249, %dma_start3A_250] : memref<10240x128xf32, #tpu.memory_space<hbm>> -> memref<10240x128xf32, #tpu.memory_space<hbm>>
        tpu.enqueue_indirect_dma source(%dma_start3A_251 : memref<10240x128xf32, #tpu.memory_space<hbm>>) target(%arg8 : memref<128x128xf32, #tpu.memory_space<vmem>>) offsets(%dma_start3A_248 : memref<128xi32, #tpu.memory_space<vmem>>) semaphore(%arg11 : memref<!tpu.dma_semaphore, #tpu.memory_space<semaphore_mem>>)
      } else {
      }
      %dma_wait3A_161 = arith.constant 1 : i32
      %dma_wait3A_162 = arith.constant 0 : i32
      %dma_wait3A_163 = tpu.memref_slice %arg6[%dma_wait3A_161, %dma_wait3A_162] : memref<2x128xi32, #tpu.memory_space<vmem>> -> memref<1x128xi32, #tpu.memory_space<vmem>>
      %dma_wait3A_164 = tpu.memref_squeeze %dma_wait3A_163 : memref<1x128xi32, #tpu.memory_space<vmem>> -> memref<128xi32, #tpu.memory_space<vmem>>
      %dma_wait3A_165 = arith.constant 0 : i32
      %dma_wait3A_166 = arith.constant 0 : i32
      %dma_wait3A_167 = tpu.memref_slice %arg2[%dma_wait3A_165, %dma_wait3A_166] : memref<10240x128xf32, #tpu.memory_space<hbm>> -> memref<10240x128xf32, #tpu.memory_space<hbm>>
      tpu.wait_indirect_dma semaphore(%arg12 : memref<!tpu.dma_semaphore, #tpu.memory_space<semaphore_mem>>) src(%dma_wait3A_167 : memref<10240x128xf32, #tpu.memory_space<hbm>>) dst(%arg9 : memref<128x128xf32, #tpu.memory_space<vmem>>)
      %run_scoped3A_168 = arith.constant 1 : i32
      "tpu.region"() ({
        %run_scoped3A_177 = tpu.sem_alloc : memref<!tpu.dma_semaphore, #tpu.memory_space<semaphore_mem>>
        %dma_start3A_178 = arith.constant 0 : i32
        %dma_start3A_179 = tpu.memref_slice %arg7[%run_scoped3A_168, %dma_start3A_178] : memref<2x128xi32, #tpu.memory_space<vmem>> -> memref<1x128xi32, #tpu.memory_space<vmem>>
        %dma_start3A_180 = tpu.memref_squeeze %dma_start3A_179 : memref<1x128xi32, #tpu.memory_space<vmem>> -> memref<128xi32, #tpu.memory_space<vmem>>
        %dma_start3A_181 = arith.constant 0 : i32
        %dma_start3A_182 = arith.constant 0 : i32
        %dma_start3A_183 = tpu.memref_slice %arg10[%dma_start3A_181, %dma_start3A_182] : memref<10240x128xf32, #tpu.memory_space<vmem_shared>> -> memref<10240x128xf32, #tpu.memory_space<vmem_shared>>
        tpu.enqueue_indirect_dma source(%arg9 : memref<128x128xf32, #tpu.memory_space<vmem>>) target(%dma_start3A_183 : memref<10240x128xf32, #tpu.memory_space<vmem_shared>>) offsets(%dma_start3A_180 : memref<128xi32, #tpu.memory_space<vmem>>) semaphore(%run_scoped3A_177 : memref<!tpu.dma_semaphore, #tpu.memory_space<semaphore_mem>>) {add = true}
        %dma_wait3A_184 = arith.constant 0 : i32
        %dma_wait3A_185 = tpu.memref_slice %arg7[%run_scoped3A_168, %dma_wait3A_184] : memref<2x128xi32, #tpu.memory_space<vmem>> -> memref<1x128xi32, #tpu.memory_space<vmem>>
        %dma_wait3A_186 = tpu.memref_squeeze %dma_wait3A_185 : memref<1x128xi32, #tpu.memory_space<vmem>> -> memref<128xi32, #tpu.memory_space<vmem>>
        %dma_wait3A_187 = arith.constant 0 : i32
        %dma_wait3A_188 = arith.constant 0 : i32
        %dma_wait3A_189 = tpu.memref_slice %arg10[%dma_wait3A_187, %dma_wait3A_188] : memref<10240x128xf32, #tpu.memory_space<vmem_shared>> -> memref<10240x128xf32, #tpu.memory_space<vmem_shared>>
        tpu.wait_indirect_dma semaphore(%run_scoped3A_177 : memref<!tpu.dma_semaphore, #tpu.memory_space<semaphore_mem>>) src(%arg9 : memref<128x128xf32, #tpu.memory_space<vmem>>) dst(%dma_wait3A_189 : memref<10240x128xf32, #tpu.memory_space<vmem_shared>>)
        tpu.yield
      }) : () -> ()
      %add3A_169 = arith.constant 3 : i32
      %add3A_170 = arith.addi %mul3A_108, %add3A_169 : i32
      %lt3A_171 = arith.constant 80 : i32
      %lt3A_172 = arith.cmpi slt, %add3A_170, %lt3A_171 : i32
      %convert_element_type3A_173 = arith.extui %lt3A_172 : i1 to i32
      %cond3A_174 = arith.constant 0 : i32
      %cond3A_175 = arith.cmpi ne, %convert_element_type3A_173, %cond3A_174 : i32
      scf.if %cond3A_175 {
        %add3A_177 = arith.constant 3 : i32
        %add3A_178 = arith.addi %mul3A_108, %add3A_177 : i32
        %mul3A_179 = arith.constant 1280 : i32
        %mul3A_180 = arith.muli %arg0, %mul3A_179 : i32
        %mul3A_181 = arith.constant 16 : i32
        %mul3A_182 = arith.muli %add3A_178, %mul3A_181 : i32
        %add3A_183 = arith.addi %mul3A_180, %mul3A_182 : i32
        %add3A_184 = arith.addi %add3A_183, %arg1 : i32
        %mul3A_185 = arith.constant 128 : i32
        %mul3A_186 = arith.muli %add3A_184, %mul3A_185 : i32
        %dma_start3A_187 = arith.constant 0 : i32
        %dma_start3A_188 = arith.constant 1 : i32
        %dma_start3A_189 = arith.constant 0 : i32
        %dma_start3A_190 = tpu.memref_slice %arg6[%dma_start3A_188, %dma_start3A_189] : memref<2x128xi32, #tpu.memory_space<vmem>> -> memref<1x128xi32, #tpu.memory_space<vmem>>
        %dma_start3A_191 = tpu.memref_squeeze %dma_start3A_190 : memref<1x128xi32, #tpu.memory_space<vmem>> -> memref<128xi32, #tpu.memory_space<vmem>>
        %dma_start3A_192 = tpu.memref_slice %arg3[%dma_start3A_187, %mul3A_186] : memref<2x327680xi32, #tpu.memory_space<hbm>> -> memref<1x128xi32, #tpu.memory_space<hbm>>
        %dma_start3A_193 = tpu.memref_squeeze %dma_start3A_192 : memref<1x128xi32, #tpu.memory_space<hbm>> -> memref<128xi32, #tpu.memory_space<hbm>>
        %dma_start3A_194 = arith.constant 0 : i32
        %dma_start3A_195 = tpu.memref_slice %arg6[%dma_start3A_188, %dma_start3A_194] : memref<2x128xi32, #tpu.memory_space<vmem>> -> memref<1x128xi32, #tpu.memory_space<vmem>>
        %dma_start3A_196 = tpu.memref_squeeze %dma_start3A_195 : memref<1x128xi32, #tpu.memory_space<vmem>> -> memref<128xi32, #tpu.memory_space<vmem>>
        %dma_start3A_197 = tpu.memref_slice %arg3[%dma_start3A_187, %mul3A_186] : memref<2x327680xi32, #tpu.memory_space<hbm>> -> memref<1x128xi32, #tpu.memory_space<hbm>>
        %dma_start3A_198 = tpu.memref_squeeze %dma_start3A_197 : memref<1x128xi32, #tpu.memory_space<hbm>> -> memref<128xi32, #tpu.memory_space<hbm>>
        tpu.enqueue_dma source(%dma_start3A_198 : memref<128xi32, #tpu.memory_space<hbm>>) target(%dma_start3A_196 : memref<128xi32, #tpu.memory_space<vmem>>) target_semaphore(%arg14 : memref<!tpu.dma_semaphore, #tpu.memory_space<semaphore_mem>>)
        %dma_start3A_199 = arith.constant 1 : i32
        %dma_start3A_200 = arith.constant 1 : i32
        %dma_start3A_201 = arith.constant 0 : i32
        %dma_start3A_202 = tpu.memref_slice %arg7[%dma_start3A_200, %dma_start3A_201] : memref<2x128xi32, #tpu.memory_space<vmem>> -> memref<1x128xi32, #tpu.memory_space<vmem>>
        %dma_start3A_203 = tpu.memref_squeeze %dma_start3A_202 : memref<1x128xi32, #tpu.memory_space<vmem>> -> memref<128xi32, #tpu.memory_space<vmem>>
        %dma_start3A_204 = tpu.memref_slice %arg3[%dma_start3A_199, %mul3A_186] : memref<2x327680xi32, #tpu.memory_space<hbm>> -> memref<1x128xi32, #tpu.memory_space<hbm>>
        %dma_start3A_205 = tpu.memref_squeeze %dma_start3A_204 : memref<1x128xi32, #tpu.memory_space<hbm>> -> memref<128xi32, #tpu.memory_space<hbm>>
        %dma_start3A_206 = arith.constant 0 : i32
        %dma_start3A_207 = tpu.memref_slice %arg7[%dma_start3A_200, %dma_start3A_206] : memref<2x128xi32, #tpu.memory_space<vmem>> -> memref<1x128xi32, #tpu.memory_space<vmem>>
        %dma_start3A_208 = tpu.memref_squeeze %dma_start3A_207 : memref<1x128xi32, #tpu.memory_space<vmem>> -> memref<128xi32, #tpu.memory_space<vmem>>
        %dma_start3A_209 = tpu.memref_slice %arg3[%dma_start3A_199, %mul3A_186] : memref<2x327680xi32, #tpu.memory_space<hbm>> -> memref<1x128xi32, #tpu.memory_space<hbm>>
        %dma_start3A_210 = tpu.memref_squeeze %dma_start3A_209 : memref<1x128xi32, #tpu.memory_space<hbm>> -> memref<128xi32, #tpu.memory_space<hbm>>
        tpu.enqueue_dma source(%dma_start3A_210 : memref<128xi32, #tpu.memory_space<hbm>>) target(%dma_start3A_208 : memref<128xi32, #tpu.memory_space<vmem>>) target_semaphore(%arg14 : memref<!tpu.dma_semaphore, #tpu.memory_space<semaphore_mem>>)
      } else {
      }
      %scan3A_176 = arith.constant 0 : i32
      scf.yield %scan3A_176 : i32
    }
    %scan3A_103 = arith.constant 40 : i32
    %barrier3A_104 = arith.constant 0 : index
    tpu.barrier barrier_id(%barrier3A_104)
    "tpu.region"() ({
      %run_scoped3A = tpu.sem_alloc : memref<!tpu.dma_semaphore, #tpu.memory_space<semaphore_mem>>
      %dma_start3A_105 = arith.constant 0 : i32
      %dma_start3A_106 = tpu.memref_slice %arg5[%arg0, %mul3A_0, %dma_start3A_105] : memref<2x10240x128xf32, #tpu.memory_space<hbm>> -> memref<1x640x128xf32, #tpu.memory_space<hbm>>
      %dma_start3A_107 = tpu.memref_squeeze %dma_start3A_106 : memref<1x640x128xf32, #tpu.memory_space<hbm>> -> memref<640x128xf32, #tpu.memory_space<hbm>>
      %dma_start3A_108 = arith.constant 0 : i32
      %dma_start3A_109 = tpu.memref_slice %arg10[%mul3A_0, %dma_start3A_108] : memref<10240x128xf32, #tpu.memory_space<vmem_shared>> -> memref<640x128xf32, #tpu.memory_space<vmem_shared>>
      tpu.enqueue_dma source(%dma_start3A_109 : memref<640x128xf32, #tpu.memory_space<vmem_shared>>) target(%dma_start3A_107 : memref<640x128xf32, #tpu.memory_space<hbm>>) target_semaphore(%run_scoped3A : memref<!tpu.dma_semaphore, #tpu.memory_space<semaphore_mem>>)
      %dma_wait3A_110 = arith.constant 0 : i32
      %dma_wait3A_111 = tpu.memref_slice %arg5[%arg0, %mul3A_0, %dma_wait3A_110] : memref<2x10240x128xf32, #tpu.memory_space<hbm>> -> memref<1x640x128xf32, #tpu.memory_space<hbm>>
      %dma_wait3A_112 = tpu.memref_squeeze %dma_wait3A_111 : memref<1x640x128xf32, #tpu.memory_space<hbm>> -> memref<640x128xf32, #tpu.memory_space<hbm>>
      %dma_wait3A_113 = arith.constant 0 : i32
      %dma_wait3A_114 = tpu.memref_slice %arg10[%mul3A_0, %dma_wait3A_113] : memref<10240x128xf32, #tpu.memory_space<vmem_shared>> -> memref<640x128xf32, #tpu.memory_space<vmem_shared>>
      tpu.wait_dma2 semaphore(%run_scoped3A : memref<!tpu.dma_semaphore, #tpu.memory_space<semaphore_mem>>) src(%dma_wait3A_114 : memref<640x128xf32, #tpu.memory_space<vmem_shared>>) dst(%dma_wait3A_112 : memref<640x128xf32, #tpu.memory_space<hbm>>)
      tpu.yield
    }) : () -> ()
    return
  }
}

#map = affine_map<(d0, d1) -> (0, 0)>
module attributes {stable_mosaic.version = 14 : i64} {
  func.func @agg_kernel(%arg0: i32, %arg1: i32, %arg2: memref<10240x128xf32, #tpu.memory_space<hbm>>, %arg3: memref<10240x128xf32, #tpu.memory_space<hbm>>, %arg4: memref<10240x128xf32, #tpu.memory_space<hbm>>, %arg5: memref<10240x128xf32, #tpu.memory_space<hbm>>, %arg6: memref<2x327680xi32, #tpu.memory_space<hbm>>, %arg7: memref<10240x128xf32, #tpu.memory_space<hbm>>, %arg8: memref<10240x128xf32, #tpu.memory_space<hbm>>, %arg9: memref<10240x128xf32, #tpu.memory_space<hbm>>, %arg10: memref<10240x128xf32, #tpu.memory_space<hbm>>, %arg11: memref<10240x128xf32, #tpu.memory_space<hbm>>, %arg12: memref<2x128xi32, #tpu.memory_space<vmem>>, %arg13: memref<2x128xi32, #tpu.memory_space<vmem>>, %arg14: memref<128x128xf32, #tpu.memory_space<vmem>>, %arg15: memref<128x128xf32, #tpu.memory_space<vmem>>, %arg16: memref<10240x128xf32, #tpu.memory_space<vmem_shared>>, %arg17: memref<!tpu.dma_semaphore, #tpu.memory_space<semaphore_mem>>, %arg18: memref<!tpu.dma_semaphore, #tpu.memory_space<semaphore_mem>>, %arg19: memref<!tpu.dma_semaphore, #tpu.memory_space<semaphore_mem>>, %arg20: memref<!tpu.dma_semaphore, #tpu.memory_space<semaphore_mem>>) attributes {dimension_semantics = [#tpu.dimension_semantics<core_parallel>, #tpu.dimension_semantics<subcore_parallel>], iteration_bounds = array<i64: 2, 16>, scalar_prefetch = 0 : i64, scratch_operands = 9 : i64, tpu.core_type = #tpu.core_type<sc_vector_subcore>, window_params = [{transform_indices = #map}, {transform_indices = #map}, {transform_indices = #map}, {transform_indices = #map}, {transform_indices = #map}, {transform_indices = #map}, {transform_indices = #map}, {transform_indices = #map}, {transform_indices = #map}, {transform_indices = #map}]} {
    %mul3A = arith.constant 640 : i32
    %mul3A_0 = arith.muli %arg1, %mul3A : i32
    %eq3A = arith.constant 0 : i32
    %eq3A_1 = arith.cmpi eq, %arg0, %eq3A : i32
    %convert_element_type3A = arith.extui %eq3A_1 : i1 to i32
    %cond3A = arith.constant 0 : i32
    %cond3A_2 = arith.cmpi ne, %convert_element_type3A, %cond3A : i32
    scf.if %cond3A_2 {
      "tpu.region"() ({
        %run_scoped3A = tpu.sem_alloc : memref<!tpu.dma_semaphore, #tpu.memory_space<semaphore_mem>>
        %dma_start3A_204 = arith.constant 0 : i32
        %dma_start3A_205 = tpu.memref_slice %arg16[%mul3A_0, %dma_start3A_204] : memref<10240x128xf32, #tpu.memory_space<vmem_shared>> -> memref<640x128xf32, #tpu.memory_space<vmem_shared>>
        %dma_start3A_206 = arith.constant 0 : i32
        %dma_start3A_207 = tpu.memref_slice %arg7[%mul3A_0, %dma_start3A_206] : memref<10240x128xf32, #tpu.memory_space<hbm>> -> memref<640x128xf32, #tpu.memory_space<hbm>>
        tpu.enqueue_dma source(%dma_start3A_207 : memref<640x128xf32, #tpu.memory_space<hbm>>) target(%dma_start3A_205 : memref<640x128xf32, #tpu.memory_space<vmem_shared>>) target_semaphore(%run_scoped3A : memref<!tpu.dma_semaphore, #tpu.memory_space<semaphore_mem>>)
        %dma_wait3A_208 = arith.constant 0 : i32
        %dma_wait3A_209 = tpu.memref_slice %arg16[%mul3A_0, %dma_wait3A_208] : memref<10240x128xf32, #tpu.memory_space<vmem_shared>> -> memref<640x128xf32, #tpu.memory_space<vmem_shared>>
        %dma_wait3A_210 = arith.constant 0 : i32
        %dma_wait3A_211 = tpu.memref_slice %arg7[%mul3A_0, %dma_wait3A_210] : memref<10240x128xf32, #tpu.memory_space<hbm>> -> memref<640x128xf32, #tpu.memory_space<hbm>>
        tpu.wait_dma2 semaphore(%run_scoped3A : memref<!tpu.dma_semaphore, #tpu.memory_space<semaphore_mem>>) src(%dma_wait3A_211 : memref<640x128xf32, #tpu.memory_space<hbm>>) dst(%dma_wait3A_209 : memref<640x128xf32, #tpu.memory_space<vmem_shared>>)
        tpu.yield
      }) : () -> ()
      %barrier3A = arith.constant 0 : index
      tpu.barrier barrier_id(%barrier3A)
      %add3A = arith.constant 0 : i32
      %add3A_8 = arith.addi %add3A, %arg1 : i32
      %mul3A_9 = arith.constant 128 : i32
      %mul3A_10 = arith.muli %add3A_8, %mul3A_9 : i32
      %dma_start3A = arith.constant 0 : i32
      %dma_start3A_11 = arith.constant 0 : i32
      %dma_start3A_12 = arith.constant 0 : i32
      %dma_start3A_13 = tpu.memref_slice %arg12[%dma_start3A_11, %dma_start3A_12] : memref<2x128xi32, #tpu.memory_space<vmem>> -> memref<1x128xi32, #tpu.memory_space<vmem>>
      %dma_start3A_14 = tpu.memref_squeeze %dma_start3A_13 : memref<1x128xi32, #tpu.memory_space<vmem>> -> memref<128xi32, #tpu.memory_space<vmem>>
      %dma_start3A_15 = tpu.memref_slice %arg6[%dma_start3A, %mul3A_10] : memref<2x327680xi32, #tpu.memory_space<hbm>> -> memref<1x128xi32, #tpu.memory_space<hbm>>
      %dma_start3A_16 = tpu.memref_squeeze %dma_start3A_15 : memref<1x128xi32, #tpu.memory_space<hbm>> -> memref<128xi32, #tpu.memory_space<hbm>>
      %dma_start3A_17 = arith.constant 0 : i32
      %dma_start3A_18 = tpu.memref_slice %arg12[%dma_start3A_11, %dma_start3A_17] : memref<2x128xi32, #tpu.memory_space<vmem>> -> memref<1x128xi32, #tpu.memory_space<vmem>>
      %dma_start3A_19 = tpu.memref_squeeze %dma_start3A_18 : memref<1x128xi32, #tpu.memory_space<vmem>> -> memref<128xi32, #tpu.memory_space<vmem>>
      %dma_start3A_20 = tpu.memref_slice %arg6[%dma_start3A, %mul3A_10] : memref<2x327680xi32, #tpu.memory_space<hbm>> -> memref<1x128xi32, #tpu.memory_space<hbm>>
      %dma_start3A_21 = tpu.memref_squeeze %dma_start3A_20 : memref<1x128xi32, #tpu.memory_space<hbm>> -> memref<128xi32, #tpu.memory_space<hbm>>
      tpu.enqueue_dma source(%dma_start3A_21 : memref<128xi32, #tpu.memory_space<hbm>>) target(%dma_start3A_19 : memref<128xi32, #tpu.memory_space<vmem>>) target_semaphore(%arg19 : memref<!tpu.dma_semaphore, #tpu.memory_space<semaphore_mem>>)
      %dma_start3A_22 = arith.constant 1 : i32
      %dma_start3A_23 = arith.constant 0 : i32
      %dma_start3A_24 = arith.constant 0 : i32
      %dma_start3A_25 = tpu.memref_slice %arg13[%dma_start3A_23, %dma_start3A_24] : memref<2x128xi32, #tpu.memory_space<vmem>> -> memref<1x128xi32, #tpu.memory_space<vmem>>
      %dma_start3A_26 = tpu.memref_squeeze %dma_start3A_25 : memref<1x128xi32, #tpu.memory_space<vmem>> -> memref<128xi32, #tpu.memory_space<vmem>>
      %dma_start3A_27 = tpu.memref_slice %arg6[%dma_start3A_22, %mul3A_10] : memref<2x327680xi32, #tpu.memory_space<hbm>> -> memref<1x128xi32, #tpu.memory_space<hbm>>
      %dma_start3A_28 = tpu.memref_squeeze %dma_start3A_27 : memref<1x128xi32, #tpu.memory_space<hbm>> -> memref<128xi32, #tpu.memory_space<hbm>>
      %dma_start3A_29 = arith.constant 0 : i32
      %dma_start3A_30 = tpu.memref_slice %arg13[%dma_start3A_23, %dma_start3A_29] : memref<2x128xi32, #tpu.memory_space<vmem>> -> memref<1x128xi32, #tpu.memory_space<vmem>>
      %dma_start3A_31 = tpu.memref_squeeze %dma_start3A_30 : memref<1x128xi32, #tpu.memory_space<vmem>> -> memref<128xi32, #tpu.memory_space<vmem>>
      %dma_start3A_32 = tpu.memref_slice %arg6[%dma_start3A_22, %mul3A_10] : memref<2x327680xi32, #tpu.memory_space<hbm>> -> memref<1x128xi32, #tpu.memory_space<hbm>>
      %dma_start3A_33 = tpu.memref_squeeze %dma_start3A_32 : memref<1x128xi32, #tpu.memory_space<hbm>> -> memref<128xi32, #tpu.memory_space<hbm>>
      tpu.enqueue_dma source(%dma_start3A_33 : memref<128xi32, #tpu.memory_space<hbm>>) target(%dma_start3A_31 : memref<128xi32, #tpu.memory_space<vmem>>) target_semaphore(%arg19 : memref<!tpu.dma_semaphore, #tpu.memory_space<semaphore_mem>>)
      %add3A_34 = arith.constant 16 : i32
      %add3A_35 = arith.addi %add3A_34, %arg1 : i32
      %mul3A_36 = arith.constant 128 : i32
      %mul3A_37 = arith.muli %add3A_35, %mul3A_36 : i32
      %dma_start3A_38 = arith.constant 0 : i32
      %dma_start3A_39 = arith.constant 1 : i32
      %dma_start3A_40 = arith.constant 0 : i32
      %dma_start3A_41 = tpu.memref_slice %arg12[%dma_start3A_39, %dma_start3A_40] : memref<2x128xi32, #tpu.memory_space<vmem>> -> memref<1x128xi32, #tpu.memory_space<vmem>>
      %dma_start3A_42 = tpu.memref_squeeze %dma_start3A_41 : memref<1x128xi32, #tpu.memory_space<vmem>> -> memref<128xi32, #tpu.memory_space<vmem>>
      %dma_start3A_43 = tpu.memref_slice %arg6[%dma_start3A_38, %mul3A_37] : memref<2x327680xi32, #tpu.memory_space<hbm>> -> memref<1x128xi32, #tpu.memory_space<hbm>>
      %dma_start3A_44 = tpu.memref_squeeze %dma_start3A_43 : memref<1x128xi32, #tpu.memory_space<hbm>> -> memref<128xi32, #tpu.memory_space<hbm>>
      %dma_start3A_45 = arith.constant 0 : i32
      %dma_start3A_46 = tpu.memref_slice %arg12[%dma_start3A_39, %dma_start3A_45] : memref<2x128xi32, #tpu.memory_space<vmem>> -> memref<1x128xi32, #tpu.memory_space<vmem>>
      %dma_start3A_47 = tpu.memref_squeeze %dma_start3A_46 : memref<1x128xi32, #tpu.memory_space<vmem>> -> memref<128xi32, #tpu.memory_space<vmem>>
      %dma_start3A_48 = tpu.memref_slice %arg6[%dma_start3A_38, %mul3A_37] : memref<2x327680xi32, #tpu.memory_space<hbm>> -> memref<1x128xi32, #tpu.memory_space<hbm>>
      %dma_start3A_49 = tpu.memref_squeeze %dma_start3A_48 : memref<1x128xi32, #tpu.memory_space<hbm>> -> memref<128xi32, #tpu.memory_space<hbm>>
      tpu.enqueue_dma source(%dma_start3A_49 : memref<128xi32, #tpu.memory_space<hbm>>) target(%dma_start3A_47 : memref<128xi32, #tpu.memory_space<vmem>>) target_semaphore(%arg20 : memref<!tpu.dma_semaphore, #tpu.memory_space<semaphore_mem>>)
      %dma_start3A_50 = arith.constant 1 : i32
      %dma_start3A_51 = arith.constant 1 : i32
      %dma_start3A_52 = arith.constant 0 : i32
      %dma_start3A_53 = tpu.memref_slice %arg13[%dma_start3A_51, %dma_start3A_52] : memref<2x128xi32, #tpu.memory_space<vmem>> -> memref<1x128xi32, #tpu.memory_space<vmem>>
      %dma_start3A_54 = tpu.memref_squeeze %dma_start3A_53 : memref<1x128xi32, #tpu.memory_space<vmem>> -> memref<128xi32, #tpu.memory_space<vmem>>
      %dma_start3A_55 = tpu.memref_slice %arg6[%dma_start3A_50, %mul3A_37] : memref<2x327680xi32, #tpu.memory_space<hbm>> -> memref<1x128xi32, #tpu.memory_space<hbm>>
      %dma_start3A_56 = tpu.memref_squeeze %dma_start3A_55 : memref<1x128xi32, #tpu.memory_space<hbm>> -> memref<128xi32, #tpu.memory_space<hbm>>
      %dma_start3A_57 = arith.constant 0 : i32
      %dma_start3A_58 = tpu.memref_slice %arg13[%dma_start3A_51, %dma_start3A_57] : memref<2x128xi32, #tpu.memory_space<vmem>> -> memref<1x128xi32, #tpu.memory_space<vmem>>
      %dma_start3A_59 = tpu.memref_squeeze %dma_start3A_58 : memref<1x128xi32, #tpu.memory_space<vmem>> -> memref<128xi32, #tpu.memory_space<vmem>>
      %dma_start3A_60 = tpu.memref_slice %arg6[%dma_start3A_50, %mul3A_37] : memref<2x327680xi32, #tpu.memory_space<hbm>> -> memref<1x128xi32, #tpu.memory_space<hbm>>
      %dma_start3A_61 = tpu.memref_squeeze %dma_start3A_60 : memref<1x128xi32, #tpu.memory_space<hbm>> -> memref<128xi32, #tpu.memory_space<hbm>>
      tpu.enqueue_dma source(%dma_start3A_61 : memref<128xi32, #tpu.memory_space<hbm>>) target(%dma_start3A_59 : memref<128xi32, #tpu.memory_space<vmem>>) target_semaphore(%arg20 : memref<!tpu.dma_semaphore, #tpu.memory_space<semaphore_mem>>)
      %add3A_62 = arith.constant 0 : i32
      %add3A_63 = arith.addi %add3A_62, %arg1 : i32
      %mul3A_64 = arith.constant 128 : i32
      %mul3A_65 = arith.muli %add3A_63, %mul3A_64 : i32
      %dma_wait3A = arith.constant 0 : i32
      %dma_wait3A_66 = arith.constant 0 : i32
      %dma_wait3A_67 = arith.constant 0 : i32
      %dma_wait3A_68 = tpu.memref_slice %arg12[%dma_wait3A_66, %dma_wait3A_67] : memref<2x128xi32, #tpu.memory_space<vmem>> -> memref<1x128xi32, #tpu.memory_space<vmem>>
      %dma_wait3A_69 = tpu.memref_squeeze %dma_wait3A_68 : memref<1x128xi32, #tpu.memory_space<vmem>> -> memref<128xi32, #tpu.memory_space<vmem>>
      %dma_wait3A_70 = tpu.memref_slice %arg6[%dma_wait3A, %mul3A_65] : memref<2x327680xi32, #tpu.memory_space<hbm>> -> memref<1x128xi32, #tpu.memory_space<hbm>>
      %dma_wait3A_71 = tpu.memref_squeeze %dma_wait3A_70 : memref<1x128xi32, #tpu.memory_space<hbm>> -> memref<128xi32, #tpu.memory_space<hbm>>
      %dma_wait3A_72 = arith.constant 0 : i32
      %dma_wait3A_73 = tpu.memref_slice %arg12[%dma_wait3A_66, %dma_wait3A_72] : memref<2x128xi32, #tpu.memory_space<vmem>> -> memref<1x128xi32, #tpu.memory_space<vmem>>
      %dma_wait3A_74 = tpu.memref_squeeze %dma_wait3A_73 : memref<1x128xi32, #tpu.memory_space<vmem>> -> memref<128xi32, #tpu.memory_space<vmem>>
      %dma_wait3A_75 = tpu.memref_slice %arg6[%dma_wait3A, %mul3A_65] : memref<2x327680xi32, #tpu.memory_space<hbm>> -> memref<1x128xi32, #tpu.memory_space<hbm>>
      %dma_wait3A_76 = tpu.memref_squeeze %dma_wait3A_75 : memref<1x128xi32, #tpu.memory_space<hbm>> -> memref<128xi32, #tpu.memory_space<hbm>>
      tpu.wait_dma2 semaphore(%arg19 : memref<!tpu.dma_semaphore, #tpu.memory_space<semaphore_mem>>) src(%dma_wait3A_76 : memref<128xi32, #tpu.memory_space<hbm>>) dst(%dma_wait3A_74 : memref<128xi32, #tpu.memory_space<vmem>>)
      %dma_wait3A_77 = arith.constant 1 : i32
      %dma_wait3A_78 = arith.constant 0 : i32
      %dma_wait3A_79 = arith.constant 0 : i32
      %dma_wait3A_80 = tpu.memref_slice %arg13[%dma_wait3A_78, %dma_wait3A_79] : memref<2x128xi32, #tpu.memory_space<vmem>> -> memref<1x128xi32, #tpu.memory_space<vmem>>
      %dma_wait3A_81 = tpu.memref_squeeze %dma_wait3A_80 : memref<1x128xi32, #tpu.memory_space<vmem>> -> memref<128xi32, #tpu.memory_space<vmem>>
      %dma_wait3A_82 = tpu.memref_slice %arg6[%dma_wait3A_77, %mul3A_65] : memref<2x327680xi32, #tpu.memory_space<hbm>> -> memref<1x128xi32, #tpu.memory_space<hbm>>
      %dma_wait3A_83 = tpu.memref_squeeze %dma_wait3A_82 : memref<1x128xi32, #tpu.memory_space<hbm>> -> memref<128xi32, #tpu.memory_space<hbm>>
      %dma_wait3A_84 = arith.constant 0 : i32
      %dma_wait3A_85 = tpu.memref_slice %arg13[%dma_wait3A_78, %dma_wait3A_84] : memref<2x128xi32, #tpu.memory_space<vmem>> -> memref<1x128xi32, #tpu.memory_space<vmem>>
      %dma_wait3A_86 = tpu.memref_squeeze %dma_wait3A_85 : memref<1x128xi32, #tpu.memory_space<vmem>> -> memref<128xi32, #tpu.memory_space<vmem>>
      %dma_wait3A_87 = tpu.memref_slice %arg6[%dma_wait3A_77, %mul3A_65] : memref<2x327680xi32, #tpu.memory_space<hbm>> -> memref<1x128xi32, #tpu.memory_space<hbm>>
      %dma_wait3A_88 = tpu.memref_squeeze %dma_wait3A_87 : memref<1x128xi32, #tpu.memory_space<hbm>> -> memref<128xi32, #tpu.memory_space<hbm>>
      tpu.wait_dma2 semaphore(%arg19 : memref<!tpu.dma_semaphore, #tpu.memory_space<semaphore_mem>>) src(%dma_wait3A_88 : memref<128xi32, #tpu.memory_space<hbm>>) dst(%dma_wait3A_86 : memref<128xi32, #tpu.memory_space<vmem>>)
      %dma_start3A_89 = arith.constant 0 : i32
      %dma_start3A_90 = arith.constant 0 : i32
      %dma_start3A_91 = tpu.memref_slice %arg12[%dma_start3A_89, %dma_start3A_90] : memref<2x128xi32, #tpu.memory_space<vmem>> -> memref<1x128xi32, #tpu.memory_space<vmem>>
      %dma_start3A_92 = tpu.memref_squeeze %dma_start3A_91 : memref<1x128xi32, #tpu.memory_space<vmem>> -> memref<128xi32, #tpu.memory_space<vmem>>
      %dma_start3A_93 = arith.constant 0 : i32
      %dma_start3A_94 = arith.constant 0 : i32
      %dma_start3A_95 = tpu.memref_slice %arg2[%dma_start3A_93, %dma_start3A_94] : memref<10240x128xf32, #tpu.memory_space<hbm>> -> memref<10240x128xf32, #tpu.memory_space<hbm>>
      tpu.enqueue_indirect_dma source(%dma_start3A_95 : memref<10240x128xf32, #tpu.memory_space<hbm>>) target(%arg14 : memref<128x128xf32, #tpu.memory_space<vmem>>) offsets(%dma_start3A_92 : memref<128xi32, #tpu.memory_space<vmem>>) semaphore(%arg17 : memref<!tpu.dma_semaphore, #tpu.memory_space<semaphore_mem>>)
      %scan3A = arith.constant 0 : i32
      %scan3A_96 = arith.constant 0 : i32
      %scan3A_97 = arith.constant 80 : i32
      %scan3A_98 = arith.addi %scan3A_96, %scan3A_97 : i32
      %scan3A_99 = arith.constant 1 : i32
      %scan3A_100 = scf.for %scan3A_204 = %scan3A_96 to %scan3A_98 step %scan3A_99 iter_args(%scan3A_205 = %scan3A) -> (i32)  : i32 {
        %mul3A_206 = arith.constant 2 : i32
        %mul3A_207 = arith.muli %mul3A_206, %scan3A_204 : i32
        %add3A_208 = arith.constant 1 : i32
        %add3A_209 = arith.addi %mul3A_207, %add3A_208 : i32
        %mul3A_210 = arith.constant 16 : i32
        %mul3A_211 = arith.muli %add3A_209, %mul3A_210 : i32
        %add3A_212 = arith.addi %mul3A_211, %arg1 : i32
        %mul3A_213 = arith.constant 128 : i32
        %mul3A_214 = arith.muli %add3A_212, %mul3A_213 : i32
        %dma_wait3A_215 = arith.constant 0 : i32
        %dma_wait3A_216 = arith.constant 1 : i32
        %dma_wait3A_217 = arith.constant 0 : i32
        %dma_wait3A_218 = tpu.memref_slice %arg12[%dma_wait3A_216, %dma_wait3A_217] : memref<2x128xi32, #tpu.memory_space<vmem>> -> memref<1x128xi32, #tpu.memory_space<vmem>>
        %dma_wait3A_219 = tpu.memref_squeeze %dma_wait3A_218 : memref<1x128xi32, #tpu.memory_space<vmem>> -> memref<128xi32, #tpu.memory_space<vmem>>
        %dma_wait3A_220 = tpu.memref_slice %arg6[%dma_wait3A_215, %mul3A_214] : memref<2x327680xi32, #tpu.memory_space<hbm>> -> memref<1x128xi32, #tpu.memory_space<hbm>>
        %dma_wait3A_221 = tpu.memref_squeeze %dma_wait3A_220 : memref<1x128xi32, #tpu.memory_space<hbm>> -> memref<128xi32, #tpu.memory_space<hbm>>
        %dma_wait3A_222 = arith.constant 0 : i32
        %dma_wait3A_223 = tpu.memref_slice %arg12[%dma_wait3A_216, %dma_wait3A_222] : memref<2x128xi32, #tpu.memory_space<vmem>> -> memref<1x128xi32, #tpu.memory_space<vmem>>
        %dma_wait3A_224 = tpu.memref_squeeze %dma_wait3A_223 : memref<1x128xi32, #tpu.memory_space<vmem>> -> memref<128xi32, #tpu.memory_space<vmem>>
        %dma_wait3A_225 = tpu.memref_slice %arg6[%dma_wait3A_215, %mul3A_214] : memref<2x327680xi32, #tpu.memory_space<hbm>> -> memref<1x128xi32, #tpu.memory_space<hbm>>
        %dma_wait3A_226 = tpu.memref_squeeze %dma_wait3A_225 : memref<1x128xi32, #tpu.memory_space<hbm>> -> memref<128xi32, #tpu.memory_space<hbm>>
        tpu.wait_dma2 semaphore(%arg20 : memref<!tpu.dma_semaphore, #tpu.memory_space<semaphore_mem>>) src(%dma_wait3A_226 : memref<128xi32, #tpu.memory_space<hbm>>) dst(%dma_wait3A_224 : memref<128xi32, #tpu.memory_space<vmem>>)
        %dma_wait3A_227 = arith.constant 1 : i32
        %dma_wait3A_228 = arith.constant 1 : i32
        %dma_wait3A_229 = arith.constant 0 : i32
        %dma_wait3A_230 = tpu.memref_slice %arg13[%dma_wait3A_228, %dma_wait3A_229] : memref<2x128xi32, #tpu.memory_space<vmem>> -> memref<1x128xi32, #tpu.memory_space<vmem>>
        %dma_wait3A_231 = tpu.memref_squeeze %dma_wait3A_230 : memref<1x128xi32, #tpu.memory_space<vmem>> -> memref<128xi32, #tpu.memory_space<vmem>>
        %dma_wait3A_232 = tpu.memref_slice %arg6[%dma_wait3A_227, %mul3A_214] : memref<2x327680xi32, #tpu.memory_space<hbm>> -> memref<1x128xi32, #tpu.memory_space<hbm>>
        %dma_wait3A_233 = tpu.memref_squeeze %dma_wait3A_232 : memref<1x128xi32, #tpu.memory_space<hbm>> -> memref<128xi32, #tpu.memory_space<hbm>>
        %dma_wait3A_234 = arith.constant 0 : i32
        %dma_wait3A_235 = tpu.memref_slice %arg13[%dma_wait3A_228, %dma_wait3A_234] : memref<2x128xi32, #tpu.memory_space<vmem>> -> memref<1x128xi32, #tpu.memory_space<vmem>>
        %dma_wait3A_236 = tpu.memref_squeeze %dma_wait3A_235 : memref<1x128xi32, #tpu.memory_space<vmem>> -> memref<128xi32, #tpu.memory_space<vmem>>
        %dma_wait3A_237 = tpu.memref_slice %arg6[%dma_wait3A_227, %mul3A_214] : memref<2x327680xi32, #tpu.memory_space<hbm>> -> memref<1x128xi32, #tpu.memory_space<hbm>>
        %dma_wait3A_238 = tpu.memref_squeeze %dma_wait3A_237 : memref<1x128xi32, #tpu.memory_space<hbm>> -> memref<128xi32, #tpu.memory_space<hbm>>
        tpu.wait_dma2 semaphore(%arg20 : memref<!tpu.dma_semaphore, #tpu.memory_space<semaphore_mem>>) src(%dma_wait3A_238 : memref<128xi32, #tpu.memory_space<hbm>>) dst(%dma_wait3A_236 : memref<128xi32, #tpu.memory_space<vmem>>)
        %dma_start3A_239 = arith.constant 1 : i32
        %dma_start3A_240 = arith.constant 0 : i32
        %dma_start3A_241 = tpu.memref_slice %arg12[%dma_start3A_239, %dma_start3A_240] : memref<2x128xi32, #tpu.memory_space<vmem>> -> memref<1x128xi32, #tpu.memory_space<vmem>>
        %dma_start3A_242 = tpu.memref_squeeze %dma_start3A_241 : memref<1x128xi32, #tpu.memory_space<vmem>> -> memref<128xi32, #tpu.memory_space<vmem>>
        %dma_start3A_243 = arith.constant 0 : i32
        %dma_start3A_244 = arith.constant 0 : i32
        %dma_start3A_245 = tpu.memref_slice %arg2[%dma_start3A_243, %dma_start3A_244] : memref<10240x128xf32, #tpu.memory_space<hbm>> -> memref<10240x128xf32, #tpu.memory_space<hbm>>
        tpu.enqueue_indirect_dma source(%dma_start3A_245 : memref<10240x128xf32, #tpu.memory_space<hbm>>) target(%arg15 : memref<128x128xf32, #tpu.memory_space<vmem>>) offsets(%dma_start3A_242 : memref<128xi32, #tpu.memory_space<vmem>>) semaphore(%arg18 : memref<!tpu.dma_semaphore, #tpu.memory_space<semaphore_mem>>)
        %dma_wait3A_246 = arith.constant 0 : i32
        %dma_wait3A_247 = arith.constant 0 : i32
        %dma_wait3A_248 = tpu.memref_slice %arg12[%dma_wait3A_246, %dma_wait3A_247] : memref<2x128xi32, #tpu.memory_space<vmem>> -> memref<1x128xi32, #tpu.memory_space<vmem>>
        %dma_wait3A_249 = tpu.memref_squeeze %dma_wait3A_248 : memref<1x128xi32, #tpu.memory_space<vmem>> -> memref<128xi32, #tpu.memory_space<vmem>>
        %dma_wait3A_250 = arith.constant 0 : i32
        %dma_wait3A_251 = arith.constant 0 : i32
        %dma_wait3A_252 = tpu.memref_slice %arg2[%dma_wait3A_250, %dma_wait3A_251] : memref<10240x128xf32, #tpu.memory_space<hbm>> -> memref<10240x128xf32, #tpu.memory_space<hbm>>
        tpu.wait_indirect_dma semaphore(%arg17 : memref<!tpu.dma_semaphore, #tpu.memory_space<semaphore_mem>>) src(%dma_wait3A_252 : memref<10240x128xf32, #tpu.memory_space<hbm>>) dst(%arg14 : memref<128x128xf32, #tpu.memory_space<vmem>>)
        %run_scoped3A = arith.constant 0 : i32
        "tpu.region"() ({
          %run_scoped3A_275 = tpu.sem_alloc : memref<!tpu.dma_semaphore, #tpu.memory_space<semaphore_mem>>
          %dma_start3A_276 = arith.constant 0 : i32
          %dma_start3A_277 = tpu.memref_slice %arg13[%run_scoped3A, %dma_start3A_276] : memref<2x128xi32, #tpu.memory_space<vmem>> -> memref<1x128xi32, #tpu.memory_space<vmem>>
          %dma_start3A_278 = tpu.memref_squeeze %dma_start3A_277 : memref<1x128xi32, #tpu.memory_space<vmem>> -> memref<128xi32, #tpu.memory_space<vmem>>
          %dma_start3A_279 = arith.constant 0 : i32
          %dma_start3A_280 = arith.constant 0 : i32
          %dma_start3A_281 = tpu.memref_slice %arg16[%dma_start3A_279, %dma_start3A_280] : memref<10240x128xf32, #tpu.memory_space<vmem_shared>> -> memref<10240x128xf32, #tpu.memory_space<vmem_shared>>
          tpu.enqueue_indirect_dma source(%arg14 : memref<128x128xf32, #tpu.memory_space<vmem>>) target(%dma_start3A_281 : memref<10240x128xf32, #tpu.memory_space<vmem_shared>>) offsets(%dma_start3A_278 : memref<128xi32, #tpu.memory_space<vmem>>) semaphore(%run_scoped3A_275 : memref<!tpu.dma_semaphore, #tpu.memory_space<semaphore_mem>>) {add = true}
          %dma_wait3A_282 = arith.constant 0 : i32
          %dma_wait3A_283 = tpu.memref_slice %arg13[%run_scoped3A, %dma_wait3A_282] : memref<2x128xi32, #tpu.memory_space<vmem>> -> memref<1x128xi32, #tpu.memory_space<vmem>>
          %dma_wait3A_284 = tpu.memref_squeeze %dma_wait3A_283 : memref<1x128xi32, #tpu.memory_space<vmem>> -> memref<128xi32, #tpu.memory_space<vmem>>
          %dma_wait3A_285 = arith.constant 0 : i32
          %dma_wait3A_286 = arith.constant 0 : i32
          %dma_wait3A_287 = tpu.memref_slice %arg16[%dma_wait3A_285, %dma_wait3A_286] : memref<10240x128xf32, #tpu.memory_space<vmem_shared>> -> memref<10240x128xf32, #tpu.memory_space<vmem_shared>>
          tpu.wait_indirect_dma semaphore(%run_scoped3A_275 : memref<!tpu.dma_semaphore, #tpu.memory_space<semaphore_mem>>) src(%arg14 : memref<128x128xf32, #tpu.memory_space<vmem>>) dst(%dma_wait3A_287 : memref<10240x128xf32, #tpu.memory_space<vmem_shared>>)
          tpu.yield
        }) : () -> ()
        %add3A_253 = arith.constant 2 : i32
        %add3A_254 = arith.addi %mul3A_207, %add3A_253 : i32
        %lt3A = arith.constant 160 : i32
        %lt3A_255 = arith.cmpi slt, %add3A_254, %lt3A : i32
        %convert_element_type3A_256 = arith.extui %lt3A_255 : i1 to i32
        %cond3A_257 = arith.constant 0 : i32
        %cond3A_258 = arith.cmpi ne, %convert_element_type3A_256, %cond3A_257 : i32
        scf.if %cond3A_258 {
          %add3A_275 = arith.constant 2 : i32
          %add3A_276 = arith.addi %mul3A_207, %add3A_275 : i32
          %mul3A_277 = arith.constant 16 : i32
          %mul3A_278 = arith.muli %add3A_276, %mul3A_277 : i32
          %add3A_279 = arith.addi %mul3A_278, %arg1 : i32
          %mul3A_280 = arith.constant 128 : i32
          %mul3A_281 = arith.muli %add3A_279, %mul3A_280 : i32
          %dma_start3A_282 = arith.constant 0 : i32
          %dma_start3A_283 = arith.constant 0 : i32
          %dma_start3A_284 = arith.constant 0 : i32
          %dma_start3A_285 = tpu.memref_slice %arg12[%dma_start3A_283, %dma_start3A_284] : memref<2x128xi32, #tpu.memory_space<vmem>> -> memref<1x128xi32, #tpu.memory_space<vmem>>
          %dma_start3A_286 = tpu.memref_squeeze %dma_start3A_285 : memref<1x128xi32, #tpu.memory_space<vmem>> -> memref<128xi32, #tpu.memory_space<vmem>>
          %dma_start3A_287 = tpu.memref_slice %arg6[%dma_start3A_282, %mul3A_281] : memref<2x327680xi32, #tpu.memory_space<hbm>> -> memref<1x128xi32, #tpu.memory_space<hbm>>
          %dma_start3A_288 = tpu.memref_squeeze %dma_start3A_287 : memref<1x128xi32, #tpu.memory_space<hbm>> -> memref<128xi32, #tpu.memory_space<hbm>>
          %dma_start3A_289 = arith.constant 0 : i32
          %dma_start3A_290 = tpu.memref_slice %arg12[%dma_start3A_283, %dma_start3A_289] : memref<2x128xi32, #tpu.memory_space<vmem>> -> memref<1x128xi32, #tpu.memory_space<vmem>>
          %dma_start3A_291 = tpu.memref_squeeze %dma_start3A_290 : memref<1x128xi32, #tpu.memory_space<vmem>> -> memref<128xi32, #tpu.memory_space<vmem>>
          %dma_start3A_292 = tpu.memref_slice %arg6[%dma_start3A_282, %mul3A_281] : memref<2x327680xi32, #tpu.memory_space<hbm>> -> memref<1x128xi32, #tpu.memory_space<hbm>>
          %dma_start3A_293 = tpu.memref_squeeze %dma_start3A_292 : memref<1x128xi32, #tpu.memory_space<hbm>> -> memref<128xi32, #tpu.memory_space<hbm>>
          tpu.enqueue_dma source(%dma_start3A_293 : memref<128xi32, #tpu.memory_space<hbm>>) target(%dma_start3A_291 : memref<128xi32, #tpu.memory_space<vmem>>) target_semaphore(%arg19 : memref<!tpu.dma_semaphore, #tpu.memory_space<semaphore_mem>>)
          %dma_start3A_294 = arith.constant 1 : i32
          %dma_start3A_295 = arith.constant 0 : i32
          %dma_start3A_296 = arith.constant 0 : i32
          %dma_start3A_297 = tpu.memref_slice %arg13[%dma_start3A_295, %dma_start3A_296] : memref<2x128xi32, #tpu.memory_space<vmem>> -> memref<1x128xi32, #tpu.memory_space<vmem>>
          %dma_start3A_298 = tpu.memref_squeeze %dma_start3A_297 : memref<1x128xi32, #tpu.memory_space<vmem>> -> memref<128xi32, #tpu.memory_space<vmem>>
          %dma_start3A_299 = tpu.memref_slice %arg6[%dma_start3A_294, %mul3A_281] : memref<2x327680xi32, #tpu.memory_space<hbm>> -> memref<1x128xi32, #tpu.memory_space<hbm>>
          %dma_start3A_300 = tpu.memref_squeeze %dma_start3A_299 : memref<1x128xi32, #tpu.memory_space<hbm>> -> memref<128xi32, #tpu.memory_space<hbm>>
          %dma_start3A_301 = arith.constant 0 : i32
          %dma_start3A_302 = tpu.memref_slice %arg13[%dma_start3A_295, %dma_start3A_301] : memref<2x128xi32, #tpu.memory_space<vmem>> -> memref<1x128xi32, #tpu.memory_space<vmem>>
          %dma_start3A_303 = tpu.memref_squeeze %dma_start3A_302 : memref<1x128xi32, #tpu.memory_space<vmem>> -> memref<128xi32, #tpu.memory_space<vmem>>
          %dma_start3A_304 = tpu.memref_slice %arg6[%dma_start3A_294, %mul3A_281] : memref<2x327680xi32, #tpu.memory_space<hbm>> -> memref<1x128xi32, #tpu.memory_space<hbm>>
          %dma_start3A_305 = tpu.memref_squeeze %dma_start3A_304 : memref<1x128xi32, #tpu.memory_space<hbm>> -> memref<128xi32, #tpu.memory_space<hbm>>
          tpu.enqueue_dma source(%dma_start3A_305 : memref<128xi32, #tpu.memory_space<hbm>>) target(%dma_start3A_303 : memref<128xi32, #tpu.memory_space<vmem>>) target_semaphore(%arg19 : memref<!tpu.dma_semaphore, #tpu.memory_space<semaphore_mem>>)
          %add3A_306 = arith.constant 2 : i32
          %add3A_307 = arith.addi %mul3A_207, %add3A_306 : i32
          %mul3A_308 = arith.constant 16 : i32
          %mul3A_309 = arith.muli %add3A_307, %mul3A_308 : i32
          %add3A_310 = arith.addi %mul3A_309, %arg1 : i32
          %mul3A_311 = arith.constant 128 : i32
          %mul3A_312 = arith.muli %add3A_310, %mul3A_311 : i32
          %dma_wait3A_313 = arith.constant 0 : i32
          %dma_wait3A_314 = arith.constant 0 : i32
          %dma_wait3A_315 = arith.constant 0 : i32
          %dma_wait3A_316 = tpu.memref_slice %arg12[%dma_wait3A_314, %dma_wait3A_315] : memref<2x128xi32, #tpu.memory_space<vmem>> -> memref<1x128xi32, #tpu.memory_space<vmem>>
          %dma_wait3A_317 = tpu.memref_squeeze %dma_wait3A_316 : memref<1x128xi32, #tpu.memory_space<vmem>> -> memref<128xi32, #tpu.memory_space<vmem>>
          %dma_wait3A_318 = tpu.memref_slice %arg6[%dma_wait3A_313, %mul3A_312] : memref<2x327680xi32, #tpu.memory_space<hbm>> -> memref<1x128xi32, #tpu.memory_space<hbm>>
          %dma_wait3A_319 = tpu.memref_squeeze %dma_wait3A_318 : memref<1x128xi32, #tpu.memory_space<hbm>> -> memref<128xi32, #tpu.memory_space<hbm>>
          %dma_wait3A_320 = arith.constant 0 : i32
          %dma_wait3A_321 = tpu.memref_slice %arg12[%dma_wait3A_314, %dma_wait3A_320] : memref<2x128xi32, #tpu.memory_space<vmem>> -> memref<1x128xi32, #tpu.memory_space<vmem>>
          %dma_wait3A_322 = tpu.memref_squeeze %dma_wait3A_321 : memref<1x128xi32, #tpu.memory_space<vmem>> -> memref<128xi32, #tpu.memory_space<vmem>>
          %dma_wait3A_323 = tpu.memref_slice %arg6[%dma_wait3A_313, %mul3A_312] : memref<2x327680xi32, #tpu.memory_space<hbm>> -> memref<1x128xi32, #tpu.memory_space<hbm>>
          %dma_wait3A_324 = tpu.memref_squeeze %dma_wait3A_323 : memref<1x128xi32, #tpu.memory_space<hbm>> -> memref<128xi32, #tpu.memory_space<hbm>>
          tpu.wait_dma2 semaphore(%arg19 : memref<!tpu.dma_semaphore, #tpu.memory_space<semaphore_mem>>) src(%dma_wait3A_324 : memref<128xi32, #tpu.memory_space<hbm>>) dst(%dma_wait3A_322 : memref<128xi32, #tpu.memory_space<vmem>>)
          %dma_wait3A_325 = arith.constant 1 : i32
          %dma_wait3A_326 = arith.constant 0 : i32
          %dma_wait3A_327 = arith.constant 0 : i32
          %dma_wait3A_328 = tpu.memref_slice %arg13[%dma_wait3A_326, %dma_wait3A_327] : memref<2x128xi32, #tpu.memory_space<vmem>> -> memref<1x128xi32, #tpu.memory_space<vmem>>
          %dma_wait3A_329 = tpu.memref_squeeze %dma_wait3A_328 : memref<1x128xi32, #tpu.memory_space<vmem>> -> memref<128xi32, #tpu.memory_space<vmem>>
          %dma_wait3A_330 = tpu.memref_slice %arg6[%dma_wait3A_325, %mul3A_312] : memref<2x327680xi32, #tpu.memory_space<hbm>> -> memref<1x128xi32, #tpu.memory_space<hbm>>
          %dma_wait3A_331 = tpu.memref_squeeze %dma_wait3A_330 : memref<1x128xi32, #tpu.memory_space<hbm>> -> memref<128xi32, #tpu.memory_space<hbm>>
          %dma_wait3A_332 = arith.constant 0 : i32
          %dma_wait3A_333 = tpu.memref_slice %arg13[%dma_wait3A_326, %dma_wait3A_332] : memref<2x128xi32, #tpu.memory_space<vmem>> -> memref<1x128xi32, #tpu.memory_space<vmem>>
          %dma_wait3A_334 = tpu.memref_squeeze %dma_wait3A_333 : memref<1x128xi32, #tpu.memory_space<vmem>> -> memref<128xi32, #tpu.memory_space<vmem>>
          %dma_wait3A_335 = tpu.memref_slice %arg6[%dma_wait3A_325, %mul3A_312] : memref<2x327680xi32, #tpu.memory_space<hbm>> -> memref<1x128xi32, #tpu.memory_space<hbm>>
          %dma_wait3A_336 = tpu.memref_squeeze %dma_wait3A_335 : memref<1x128xi32, #tpu.memory_space<hbm>> -> memref<128xi32, #tpu.memory_space<hbm>>
          tpu.wait_dma2 semaphore(%arg19 : memref<!tpu.dma_semaphore, #tpu.memory_space<semaphore_mem>>) src(%dma_wait3A_336 : memref<128xi32, #tpu.memory_space<hbm>>) dst(%dma_wait3A_334 : memref<128xi32, #tpu.memory_space<vmem>>)
          %dma_start3A_337 = arith.constant 0 : i32
          %dma_start3A_338 = arith.constant 0 : i32
          %dma_start3A_339 = tpu.memref_slice %arg12[%dma_start3A_337, %dma_start3A_338] : memref<2x128xi32, #tpu.memory_space<vmem>> -> memref<1x128xi32, #tpu.memory_space<vmem>>
          %dma_start3A_340 = tpu.memref_squeeze %dma_start3A_339 : memref<1x128xi32, #tpu.memory_space<vmem>> -> memref<128xi32, #tpu.memory_space<vmem>>
          %dma_start3A_341 = arith.constant 0 : i32
          %dma_start3A_342 = arith.constant 0 : i32
          %dma_start3A_343 = tpu.memref_slice %arg2[%dma_start3A_341, %dma_start3A_342] : memref<10240x128xf32, #tpu.memory_space<hbm>> -> memref<10240x128xf32, #tpu.memory_space<hbm>>
          tpu.enqueue_indirect_dma source(%dma_start3A_343 : memref<10240x128xf32, #tpu.memory_space<hbm>>) target(%arg14 : memref<128x128xf32, #tpu.memory_space<vmem>>) offsets(%dma_start3A_340 : memref<128xi32, #tpu.memory_space<vmem>>) semaphore(%arg17 : memref<!tpu.dma_semaphore, #tpu.memory_space<semaphore_mem>>)
        } else {
        }
        %dma_wait3A_259 = arith.constant 1 : i32
        %dma_wait3A_260 = arith.constant 0 : i32
        %dma_wait3A_261 = tpu.memref_slice %arg12[%dma_wait3A_259, %dma_wait3A_260] : memref<2x128xi32, #tpu.memory_space<vmem>> -> memref<1x128xi32, #tpu.memory_space<vmem>>
        %dma_wait3A_262 = tpu.memref_squeeze %dma_wait3A_261 : memref<1x128xi32, #tpu.memory_space<vmem>> -> memref<128xi32, #tpu.memory_space<vmem>>
        %dma_wait3A_263 = arith.constant 0 : i32
        %dma_wait3A_264 = arith.constant 0 : i32
        %dma_wait3A_265 = tpu.memref_slice %arg2[%dma_wait3A_263, %dma_wait3A_264] : memref<10240x128xf32, #tpu.memory_space<hbm>> -> memref<10240x128xf32, #tpu.memory_space<hbm>>
        tpu.wait_indirect_dma semaphore(%arg18 : memref<!tpu.dma_semaphore, #tpu.memory_space<semaphore_mem>>) src(%dma_wait3A_265 : memref<10240x128xf32, #tpu.memory_space<hbm>>) dst(%arg15 : memref<128x128xf32, #tpu.memory_space<vmem>>)
        %run_scoped3A_266 = arith.constant 1 : i32
        "tpu.region"() ({
          %run_scoped3A_275 = tpu.sem_alloc : memref<!tpu.dma_semaphore, #tpu.memory_space<semaphore_mem>>
          %dma_start3A_276 = arith.constant 0 : i32
          %dma_start3A_277 = tpu.memref_slice %arg13[%run_scoped3A_266, %dma_start3A_276] : memref<2x128xi32, #tpu.memory_space<vmem>> -> memref<1x128xi32, #tpu.memory_space<vmem>>
          %dma_start3A_278 = tpu.memref_squeeze %dma_start3A_277 : memref<1x128xi32, #tpu.memory_space<vmem>> -> memref<128xi32, #tpu.memory_space<vmem>>
          %dma_start3A_279 = arith.constant 0 : i32
          %dma_start3A_280 = arith.constant 0 : i32
          %dma_start3A_281 = tpu.memref_slice %arg16[%dma_start3A_279, %dma_start3A_280] : memref<10240x128xf32, #tpu.memory_space<vmem_shared>> -> memref<10240x128xf32, #tpu.memory_space<vmem_shared>>
          tpu.enqueue_indirect_dma source(%arg15 : memref<128x128xf32, #tpu.memory_space<vmem>>) target(%dma_start3A_281 : memref<10240x128xf32, #tpu.memory_space<vmem_shared>>) offsets(%dma_start3A_278 : memref<128xi32, #tpu.memory_space<vmem>>) semaphore(%run_scoped3A_275 : memref<!tpu.dma_semaphore, #tpu.memory_space<semaphore_mem>>) {add = true}
          %dma_wait3A_282 = arith.constant 0 : i32
          %dma_wait3A_283 = tpu.memref_slice %arg13[%run_scoped3A_266, %dma_wait3A_282] : memref<2x128xi32, #tpu.memory_space<vmem>> -> memref<1x128xi32, #tpu.memory_space<vmem>>
          %dma_wait3A_284 = tpu.memref_squeeze %dma_wait3A_283 : memref<1x128xi32, #tpu.memory_space<vmem>> -> memref<128xi32, #tpu.memory_space<vmem>>
          %dma_wait3A_285 = arith.constant 0 : i32
          %dma_wait3A_286 = arith.constant 0 : i32
          %dma_wait3A_287 = tpu.memref_slice %arg16[%dma_wait3A_285, %dma_wait3A_286] : memref<10240x128xf32, #tpu.memory_space<vmem_shared>> -> memref<10240x128xf32, #tpu.memory_space<vmem_shared>>
          tpu.wait_indirect_dma semaphore(%run_scoped3A_275 : memref<!tpu.dma_semaphore, #tpu.memory_space<semaphore_mem>>) src(%arg15 : memref<128x128xf32, #tpu.memory_space<vmem>>) dst(%dma_wait3A_287 : memref<10240x128xf32, #tpu.memory_space<vmem_shared>>)
          tpu.yield
        }) : () -> ()
        %add3A_267 = arith.constant 3 : i32
        %add3A_268 = arith.addi %mul3A_207, %add3A_267 : i32
        %lt3A_269 = arith.constant 160 : i32
        %lt3A_270 = arith.cmpi slt, %add3A_268, %lt3A_269 : i32
        %convert_element_type3A_271 = arith.extui %lt3A_270 : i1 to i32
        %cond3A_272 = arith.constant 0 : i32
        %cond3A_273 = arith.cmpi ne, %convert_element_type3A_271, %cond3A_272 : i32
        scf.if %cond3A_273 {
          %add3A_275 = arith.constant 3 : i32
          %add3A_276 = arith.addi %mul3A_207, %add3A_275 : i32
          %mul3A_277 = arith.constant 16 : i32
          %mul3A_278 = arith.muli %add3A_276, %mul3A_277 : i32
          %add3A_279 = arith.addi %mul3A_278, %arg1 : i32
          %mul3A_280 = arith.constant 128 : i32
          %mul3A_281 = arith.muli %add3A_279, %mul3A_280 : i32
          %dma_start3A_282 = arith.constant 0 : i32
          %dma_start3A_283 = arith.constant 1 : i32
          %dma_start3A_284 = arith.constant 0 : i32
          %dma_start3A_285 = tpu.memref_slice %arg12[%dma_start3A_283, %dma_start3A_284] : memref<2x128xi32, #tpu.memory_space<vmem>> -> memref<1x128xi32, #tpu.memory_space<vmem>>
          %dma_start3A_286 = tpu.memref_squeeze %dma_start3A_285 : memref<1x128xi32, #tpu.memory_space<vmem>> -> memref<128xi32, #tpu.memory_space<vmem>>
          %dma_start3A_287 = tpu.memref_slice %arg6[%dma_start3A_282, %mul3A_281] : memref<2x327680xi32, #tpu.memory_space<hbm>> -> memref<1x128xi32, #tpu.memory_space<hbm>>
          %dma_start3A_288 = tpu.memref_squeeze %dma_start3A_287 : memref<1x128xi32, #tpu.memory_space<hbm>> -> memref<128xi32, #tpu.memory_space<hbm>>
          %dma_start3A_289 = arith.constant 0 : i32
          %dma_start3A_290 = tpu.memref_slice %arg12[%dma_start3A_283, %dma_start3A_289] : memref<2x128xi32, #tpu.memory_space<vmem>> -> memref<1x128xi32, #tpu.memory_space<vmem>>
          %dma_start3A_291 = tpu.memref_squeeze %dma_start3A_290 : memref<1x128xi32, #tpu.memory_space<vmem>> -> memref<128xi32, #tpu.memory_space<vmem>>
          %dma_start3A_292 = tpu.memref_slice %arg6[%dma_start3A_282, %mul3A_281] : memref<2x327680xi32, #tpu.memory_space<hbm>> -> memref<1x128xi32, #tpu.memory_space<hbm>>
          %dma_start3A_293 = tpu.memref_squeeze %dma_start3A_292 : memref<1x128xi32, #tpu.memory_space<hbm>> -> memref<128xi32, #tpu.memory_space<hbm>>
          tpu.enqueue_dma source(%dma_start3A_293 : memref<128xi32, #tpu.memory_space<hbm>>) target(%dma_start3A_291 : memref<128xi32, #tpu.memory_space<vmem>>) target_semaphore(%arg20 : memref<!tpu.dma_semaphore, #tpu.memory_space<semaphore_mem>>)
          %dma_start3A_294 = arith.constant 1 : i32
          %dma_start3A_295 = arith.constant 1 : i32
          %dma_start3A_296 = arith.constant 0 : i32
          %dma_start3A_297 = tpu.memref_slice %arg13[%dma_start3A_295, %dma_start3A_296] : memref<2x128xi32, #tpu.memory_space<vmem>> -> memref<1x128xi32, #tpu.memory_space<vmem>>
          %dma_start3A_298 = tpu.memref_squeeze %dma_start3A_297 : memref<1x128xi32, #tpu.memory_space<vmem>> -> memref<128xi32, #tpu.memory_space<vmem>>
          %dma_start3A_299 = tpu.memref_slice %arg6[%dma_start3A_294, %mul3A_281] : memref<2x327680xi32, #tpu.memory_space<hbm>> -> memref<1x128xi32, #tpu.memory_space<hbm>>
          %dma_start3A_300 = tpu.memref_squeeze %dma_start3A_299 : memref<1x128xi32, #tpu.memory_space<hbm>> -> memref<128xi32, #tpu.memory_space<hbm>>
          %dma_start3A_301 = arith.constant 0 : i32
          %dma_start3A_302 = tpu.memref_slice %arg13[%dma_start3A_295, %dma_start3A_301] : memref<2x128xi32, #tpu.memory_space<vmem>> -> memref<1x128xi32, #tpu.memory_space<vmem>>
          %dma_start3A_303 = tpu.memref_squeeze %dma_start3A_302 : memref<1x128xi32, #tpu.memory_space<vmem>> -> memref<128xi32, #tpu.memory_space<vmem>>
          %dma_start3A_304 = tpu.memref_slice %arg6[%dma_start3A_294, %mul3A_281] : memref<2x327680xi32, #tpu.memory_space<hbm>> -> memref<1x128xi32, #tpu.memory_space<hbm>>
          %dma_start3A_305 = tpu.memref_squeeze %dma_start3A_304 : memref<1x128xi32, #tpu.memory_space<hbm>> -> memref<128xi32, #tpu.memory_space<hbm>>
          tpu.enqueue_dma source(%dma_start3A_305 : memref<128xi32, #tpu.memory_space<hbm>>) target(%dma_start3A_303 : memref<128xi32, #tpu.memory_space<vmem>>) target_semaphore(%arg20 : memref<!tpu.dma_semaphore, #tpu.memory_space<semaphore_mem>>)
        } else {
        }
        %scan3A_274 = arith.constant 0 : i32
        scf.yield %scan3A_274 : i32
      }
      %scan3A_101 = arith.constant 80 : i32
      %barrier3A_102 = arith.constant 0 : index
      tpu.barrier barrier_id(%barrier3A_102)
      "tpu.region"() ({
        %run_scoped3A = tpu.sem_alloc : memref<!tpu.dma_semaphore, #tpu.memory_space<semaphore_mem>>
        %dma_start3A_204 = arith.constant 0 : i32
        %dma_start3A_205 = tpu.memref_slice %arg8[%mul3A_0, %dma_start3A_204] : memref<10240x128xf32, #tpu.memory_space<hbm>> -> memref<640x128xf32, #tpu.memory_space<hbm>>
        %dma_start3A_206 = arith.constant 0 : i32
        %dma_start3A_207 = tpu.memref_slice %arg16[%mul3A_0, %dma_start3A_206] : memref<10240x128xf32, #tpu.memory_space<vmem_shared>> -> memref<640x128xf32, #tpu.memory_space<vmem_shared>>
        tpu.enqueue_dma source(%dma_start3A_207 : memref<640x128xf32, #tpu.memory_space<vmem_shared>>) target(%dma_start3A_205 : memref<640x128xf32, #tpu.memory_space<hbm>>) target_semaphore(%run_scoped3A : memref<!tpu.dma_semaphore, #tpu.memory_space<semaphore_mem>>)
        %dma_wait3A_208 = arith.constant 0 : i32
        %dma_wait3A_209 = tpu.memref_slice %arg8[%mul3A_0, %dma_wait3A_208] : memref<10240x128xf32, #tpu.memory_space<hbm>> -> memref<640x128xf32, #tpu.memory_space<hbm>>
        %dma_wait3A_210 = arith.constant 0 : i32
        %dma_wait3A_211 = tpu.memref_slice %arg16[%mul3A_0, %dma_wait3A_210] : memref<10240x128xf32, #tpu.memory_space<vmem_shared>> -> memref<640x128xf32, #tpu.memory_space<vmem_shared>>
        tpu.wait_dma2 semaphore(%run_scoped3A : memref<!tpu.dma_semaphore, #tpu.memory_space<semaphore_mem>>) src(%dma_wait3A_211 : memref<640x128xf32, #tpu.memory_space<vmem_shared>>) dst(%dma_wait3A_209 : memref<640x128xf32, #tpu.memory_space<hbm>>)
        tpu.yield
      }) : () -> ()
      %barrier3A_103 = arith.constant 0 : index
      tpu.barrier barrier_id(%barrier3A_103)
      "tpu.region"() ({
        %run_scoped3A = tpu.sem_alloc : memref<!tpu.dma_semaphore, #tpu.memory_space<semaphore_mem>>
        %dma_start3A_204 = arith.constant 0 : i32
        %dma_start3A_205 = tpu.memref_slice %arg16[%mul3A_0, %dma_start3A_204] : memref<10240x128xf32, #tpu.memory_space<vmem_shared>> -> memref<640x128xf32, #tpu.memory_space<vmem_shared>>
        %dma_start3A_206 = arith.constant 0 : i32
        %dma_start3A_207 = tpu.memref_slice %arg7[%mul3A_0, %dma_start3A_206] : memref<10240x128xf32, #tpu.memory_space<hbm>> -> memref<640x128xf32, #tpu.memory_space<hbm>>
        tpu.enqueue_dma source(%dma_start3A_207 : memref<640x128xf32, #tpu.memory_space<hbm>>) target(%dma_start3A_205 : memref<640x128xf32, #tpu.memory_space<vmem_shared>>) target_semaphore(%run_scoped3A : memref<!tpu.dma_semaphore, #tpu.memory_space<semaphore_mem>>)
        %dma_wait3A_208 = arith.constant 0 : i32
        %dma_wait3A_209 = tpu.memref_slice %arg16[%mul3A_0, %dma_wait3A_208] : memref<10240x128xf32, #tpu.memory_space<vmem_shared>> -> memref<640x128xf32, #tpu.memory_space<vmem_shared>>
        %dma_wait3A_210 = arith.constant 0 : i32
        %dma_wait3A_211 = tpu.memref_slice %arg7[%mul3A_0, %dma_wait3A_210] : memref<10240x128xf32, #tpu.memory_space<hbm>> -> memref<640x128xf32, #tpu.memory_space<hbm>>
        tpu.wait_dma2 semaphore(%run_scoped3A : memref<!tpu.dma_semaphore, #tpu.memory_space<semaphore_mem>>) src(%dma_wait3A_211 : memref<640x128xf32, #tpu.memory_space<hbm>>) dst(%dma_wait3A_209 : memref<640x128xf32, #tpu.memory_space<vmem_shared>>)
        tpu.yield
      }) : () -> ()
      %barrier3A_104 = arith.constant 0 : index
      tpu.barrier barrier_id(%barrier3A_104)
      %add3A_105 = arith.constant 0 : i32
      %add3A_106 = arith.addi %add3A_105, %arg1 : i32
      %mul3A_107 = arith.constant 128 : i32
      %mul3A_108 = arith.muli %add3A_106, %mul3A_107 : i32
      %dma_start3A_109 = arith.constant 0 : i32
      %dma_start3A_110 = arith.constant 0 : i32
      %dma_start3A_111 = arith.constant 0 : i32
      %dma_start3A_112 = tpu.memref_slice %arg12[%dma_start3A_110, %dma_start3A_111] : memref<2x128xi32, #tpu.memory_space<vmem>> -> memref<1x128xi32, #tpu.memory_space<vmem>>
      %dma_start3A_113 = tpu.memref_squeeze %dma_start3A_112 : memref<1x128xi32, #tpu.memory_space<vmem>> -> memref<128xi32, #tpu.memory_space<vmem>>
      %dma_start3A_114 = tpu.memref_slice %arg6[%dma_start3A_109, %mul3A_108] : memref<2x327680xi32, #tpu.memory_space<hbm>> -> memref<1x128xi32, #tpu.memory_space<hbm>>
      %dma_start3A_115 = tpu.memref_squeeze %dma_start3A_114 : memref<1x128xi32, #tpu.memory_space<hbm>> -> memref<128xi32, #tpu.memory_space<hbm>>
      %dma_start3A_116 = arith.constant 0 : i32
      %dma_start3A_117 = tpu.memref_slice %arg12[%dma_start3A_110, %dma_start3A_116] : memref<2x128xi32, #tpu.memory_space<vmem>> -> memref<1x128xi32, #tpu.memory_space<vmem>>
      %dma_start3A_118 = tpu.memref_squeeze %dma_start3A_117 : memref<1x128xi32, #tpu.memory_space<vmem>> -> memref<128xi32, #tpu.memory_space<vmem>>
      %dma_start3A_119 = tpu.memref_slice %arg6[%dma_start3A_109, %mul3A_108] : memref<2x327680xi32, #tpu.memory_space<hbm>> -> memref<1x128xi32, #tpu.memory_space<hbm>>
      %dma_start3A_120 = tpu.memref_squeeze %dma_start3A_119 : memref<1x128xi32, #tpu.memory_space<hbm>> -> memref<128xi32, #tpu.memory_space<hbm>>
      tpu.enqueue_dma source(%dma_start3A_120 : memref<128xi32, #tpu.memory_space<hbm>>) target(%dma_start3A_118 : memref<128xi32, #tpu.memory_space<vmem>>) target_semaphore(%arg19 : memref<!tpu.dma_semaphore, #tpu.memory_space<semaphore_mem>>)
      %dma_start3A_121 = arith.constant 1 : i32
      %dma_start3A_122 = arith.constant 0 : i32
      %dma_start3A_123 = arith.constant 0 : i32
      %dma_start3A_124 = tpu.memref_slice %arg13[%dma_start3A_122, %dma_start3A_123] : memref<2x128xi32, #tpu.memory_space<vmem>> -> memref<1x128xi32, #tpu.memory_space<vmem>>
      %dma_start3A_125 = tpu.memref_squeeze %dma_start3A_124 : memref<1x128xi32, #tpu.memory_space<vmem>> -> memref<128xi32, #tpu.memory_space<vmem>>
      %dma_start3A_126 = tpu.memref_slice %arg6[%dma_start3A_121, %mul3A_108] : memref<2x327680xi32, #tpu.memory_space<hbm>> -> memref<1x128xi32, #tpu.memory_space<hbm>>
      %dma_start3A_127 = tpu.memref_squeeze %dma_start3A_126 : memref<1x128xi32, #tpu.memory_space<hbm>> -> memref<128xi32, #tpu.memory_space<hbm>>
      %dma_start3A_128 = arith.constant 0 : i32
      %dma_start3A_129 = tpu.memref_slice %arg13[%dma_start3A_122, %dma_start3A_128] : memref<2x128xi32, #tpu.memory_space<vmem>> -> memref<1x128xi32, #tpu.memory_space<vmem>>
      %dma_start3A_130 = tpu.memref_squeeze %dma_start3A_129 : memref<1x128xi32, #tpu.memory_space<vmem>> -> memref<128xi32, #tpu.memory_space<vmem>>
      %dma_start3A_131 = tpu.memref_slice %arg6[%dma_start3A_121, %mul3A_108] : memref<2x327680xi32, #tpu.memory_space<hbm>> -> memref<1x128xi32, #tpu.memory_space<hbm>>
      %dma_start3A_132 = tpu.memref_squeeze %dma_start3A_131 : memref<1x128xi32, #tpu.memory_space<hbm>> -> memref<128xi32, #tpu.memory_space<hbm>>
      tpu.enqueue_dma source(%dma_start3A_132 : memref<128xi32, #tpu.memory_space<hbm>>) target(%dma_start3A_130 : memref<128xi32, #tpu.memory_space<vmem>>) target_semaphore(%arg19 : memref<!tpu.dma_semaphore, #tpu.memory_space<semaphore_mem>>)
      %add3A_133 = arith.constant 16 : i32
      %add3A_134 = arith.addi %add3A_133, %arg1 : i32
      %mul3A_135 = arith.constant 128 : i32
      %mul3A_136 = arith.muli %add3A_134, %mul3A_135 : i32
      %dma_start3A_137 = arith.constant 0 : i32
      %dma_start3A_138 = arith.constant 1 : i32
      %dma_start3A_139 = arith.constant 0 : i32
      %dma_start3A_140 = tpu.memref_slice %arg12[%dma_start3A_138, %dma_start3A_139] : memref<2x128xi32, #tpu.memory_space<vmem>> -> memref<1x128xi32, #tpu.memory_space<vmem>>
      %dma_start3A_141 = tpu.memref_squeeze %dma_start3A_140 : memref<1x128xi32, #tpu.memory_space<vmem>> -> memref<128xi32, #tpu.memory_space<vmem>>
      %dma_start3A_142 = tpu.memref_slice %arg6[%dma_start3A_137, %mul3A_136] : memref<2x327680xi32, #tpu.memory_space<hbm>> -> memref<1x128xi32, #tpu.memory_space<hbm>>
      %dma_start3A_143 = tpu.memref_squeeze %dma_start3A_142 : memref<1x128xi32, #tpu.memory_space<hbm>> -> memref<128xi32, #tpu.memory_space<hbm>>
      %dma_start3A_144 = arith.constant 0 : i32
      %dma_start3A_145 = tpu.memref_slice %arg12[%dma_start3A_138, %dma_start3A_144] : memref<2x128xi32, #tpu.memory_space<vmem>> -> memref<1x128xi32, #tpu.memory_space<vmem>>
      %dma_start3A_146 = tpu.memref_squeeze %dma_start3A_145 : memref<1x128xi32, #tpu.memory_space<vmem>> -> memref<128xi32, #tpu.memory_space<vmem>>
      %dma_start3A_147 = tpu.memref_slice %arg6[%dma_start3A_137, %mul3A_136] : memref<2x327680xi32, #tpu.memory_space<hbm>> -> memref<1x128xi32, #tpu.memory_space<hbm>>
      %dma_start3A_148 = tpu.memref_squeeze %dma_start3A_147 : memref<1x128xi32, #tpu.memory_space<hbm>> -> memref<128xi32, #tpu.memory_space<hbm>>
      tpu.enqueue_dma source(%dma_start3A_148 : memref<128xi32, #tpu.memory_space<hbm>>) target(%dma_start3A_146 : memref<128xi32, #tpu.memory_space<vmem>>) target_semaphore(%arg20 : memref<!tpu.dma_semaphore, #tpu.memory_space<semaphore_mem>>)
      %dma_start3A_149 = arith.constant 1 : i32
      %dma_start3A_150 = arith.constant 1 : i32
      %dma_start3A_151 = arith.constant 0 : i32
      %dma_start3A_152 = tpu.memref_slice %arg13[%dma_start3A_150, %dma_start3A_151] : memref<2x128xi32, #tpu.memory_space<vmem>> -> memref<1x128xi32, #tpu.memory_space<vmem>>
      %dma_start3A_153 = tpu.memref_squeeze %dma_start3A_152 : memref<1x128xi32, #tpu.memory_space<vmem>> -> memref<128xi32, #tpu.memory_space<vmem>>
      %dma_start3A_154 = tpu.memref_slice %arg6[%dma_start3A_149, %mul3A_136] : memref<2x327680xi32, #tpu.memory_space<hbm>> -> memref<1x128xi32, #tpu.memory_space<hbm>>
      %dma_start3A_155 = tpu.memref_squeeze %dma_start3A_154 : memref<1x128xi32, #tpu.memory_space<hbm>> -> memref<128xi32, #tpu.memory_space<hbm>>
      %dma_start3A_156 = arith.constant 0 : i32
      %dma_start3A_157 = tpu.memref_slice %arg13[%dma_start3A_150, %dma_start3A_156] : memref<2x128xi32, #tpu.memory_space<vmem>> -> memref<1x128xi32, #tpu.memory_space<vmem>>
      %dma_start3A_158 = tpu.memref_squeeze %dma_start3A_157 : memref<1x128xi32, #tpu.memory_space<vmem>> -> memref<128xi32, #tpu.memory_space<vmem>>
      %dma_start3A_159 = tpu.memref_slice %arg6[%dma_start3A_149, %mul3A_136] : memref<2x327680xi32, #tpu.memory_space<hbm>> -> memref<1x128xi32, #tpu.memory_space<hbm>>
      %dma_start3A_160 = tpu.memref_squeeze %dma_start3A_159 : memref<1x128xi32, #tpu.memory_space<hbm>> -> memref<128xi32, #tpu.memory_space<hbm>>
      tpu.enqueue_dma source(%dma_start3A_160 : memref<128xi32, #tpu.memory_space<hbm>>) target(%dma_start3A_158 : memref<128xi32, #tpu.memory_space<vmem>>) target_semaphore(%arg20 : memref<!tpu.dma_semaphore, #tpu.memory_space<semaphore_mem>>)
      %add3A_161 = arith.constant 0 : i32
      %add3A_162 = arith.addi %add3A_161, %arg1 : i32
      %mul3A_163 = arith.constant 128 : i32
      %mul3A_164 = arith.muli %add3A_162, %mul3A_163 : i32
      %dma_wait3A_165 = arith.constant 0 : i32
      %dma_wait3A_166 = arith.constant 0 : i32
      %dma_wait3A_167 = arith.constant 0 : i32
      %dma_wait3A_168 = tpu.memref_slice %arg12[%dma_wait3A_166, %dma_wait3A_167] : memref<2x128xi32, #tpu.memory_space<vmem>> -> memref<1x128xi32, #tpu.memory_space<vmem>>
      %dma_wait3A_169 = tpu.memref_squeeze %dma_wait3A_168 : memref<1x128xi32, #tpu.memory_space<vmem>> -> memref<128xi32, #tpu.memory_space<vmem>>
      %dma_wait3A_170 = tpu.memref_slice %arg6[%dma_wait3A_165, %mul3A_164] : memref<2x327680xi32, #tpu.memory_space<hbm>> -> memref<1x128xi32, #tpu.memory_space<hbm>>
      %dma_wait3A_171 = tpu.memref_squeeze %dma_wait3A_170 : memref<1x128xi32, #tpu.memory_space<hbm>> -> memref<128xi32, #tpu.memory_space<hbm>>
      %dma_wait3A_172 = arith.constant 0 : i32
      %dma_wait3A_173 = tpu.memref_slice %arg12[%dma_wait3A_166, %dma_wait3A_172] : memref<2x128xi32, #tpu.memory_space<vmem>> -> memref<1x128xi32, #tpu.memory_space<vmem>>
      %dma_wait3A_174 = tpu.memref_squeeze %dma_wait3A_173 : memref<1x128xi32, #tpu.memory_space<vmem>> -> memref<128xi32, #tpu.memory_space<vmem>>
      %dma_wait3A_175 = tpu.memref_slice %arg6[%dma_wait3A_165, %mul3A_164] : memref<2x327680xi32, #tpu.memory_space<hbm>> -> memref<1x128xi32, #tpu.memory_space<hbm>>
      %dma_wait3A_176 = tpu.memref_squeeze %dma_wait3A_175 : memref<1x128xi32, #tpu.memory_space<hbm>> -> memref<128xi32, #tpu.memory_space<hbm>>
      tpu.wait_dma2 semaphore(%arg19 : memref<!tpu.dma_semaphore, #tpu.memory_space<semaphore_mem>>) src(%dma_wait3A_176 : memref<128xi32, #tpu.memory_space<hbm>>) dst(%dma_wait3A_174 : memref<128xi32, #tpu.memory_space<vmem>>)
      %dma_wait3A_177 = arith.constant 1 : i32
      %dma_wait3A_178 = arith.constant 0 : i32
      %dma_wait3A_179 = arith.constant 0 : i32
      %dma_wait3A_180 = tpu.memref_slice %arg13[%dma_wait3A_178, %dma_wait3A_179] : memref<2x128xi32, #tpu.memory_space<vmem>> -> memref<1x128xi32, #tpu.memory_space<vmem>>
      %dma_wait3A_181 = tpu.memref_squeeze %dma_wait3A_180 : memref<1x128xi32, #tpu.memory_space<vmem>> -> memref<128xi32, #tpu.memory_space<vmem>>
      %dma_wait3A_182 = tpu.memref_slice %arg6[%dma_wait3A_177, %mul3A_164] : memref<2x327680xi32, #tpu.memory_space<hbm>> -> memref<1x128xi32, #tpu.memory_space<hbm>>
      %dma_wait3A_183 = tpu.memref_squeeze %dma_wait3A_182 : memref<1x128xi32, #tpu.memory_space<hbm>> -> memref<128xi32, #tpu.memory_space<hbm>>
      %dma_wait3A_184 = arith.constant 0 : i32
      %dma_wait3A_185 = tpu.memref_slice %arg13[%dma_wait3A_178, %dma_wait3A_184] : memref<2x128xi32, #tpu.memory_space<vmem>> -> memref<1x128xi32, #tpu.memory_space<vmem>>
      %dma_wait3A_186 = tpu.memref_squeeze %dma_wait3A_185 : memref<1x128xi32, #tpu.memory_space<vmem>> -> memref<128xi32, #tpu.memory_space<vmem>>
      %dma_wait3A_187 = tpu.memref_slice %arg6[%dma_wait3A_177, %mul3A_164] : memref<2x327680xi32, #tpu.memory_space<hbm>> -> memref<1x128xi32, #tpu.memory_space<hbm>>
      %dma_wait3A_188 = tpu.memref_squeeze %dma_wait3A_187 : memref<1x128xi32, #tpu.memory_space<hbm>> -> memref<128xi32, #tpu.memory_space<hbm>>
      tpu.wait_dma2 semaphore(%arg19 : memref<!tpu.dma_semaphore, #tpu.memory_space<semaphore_mem>>) src(%dma_wait3A_188 : memref<128xi32, #tpu.memory_space<hbm>>) dst(%dma_wait3A_186 : memref<128xi32, #tpu.memory_space<vmem>>)
      %dma_start3A_189 = arith.constant 0 : i32
      %dma_start3A_190 = arith.constant 0 : i32
      %dma_start3A_191 = tpu.memref_slice %arg12[%dma_start3A_189, %dma_start3A_190] : memref<2x128xi32, #tpu.memory_space<vmem>> -> memref<1x128xi32, #tpu.memory_space<vmem>>
      %dma_start3A_192 = tpu.memref_squeeze %dma_start3A_191 : memref<1x128xi32, #tpu.memory_space<vmem>> -> memref<128xi32, #tpu.memory_space<vmem>>
      %dma_start3A_193 = arith.constant 0 : i32
      %dma_start3A_194 = arith.constant 0 : i32
      %dma_start3A_195 = tpu.memref_slice %arg3[%dma_start3A_193, %dma_start3A_194] : memref<10240x128xf32, #tpu.memory_space<hbm>> -> memref<10240x128xf32, #tpu.memory_space<hbm>>
      tpu.enqueue_indirect_dma source(%dma_start3A_195 : memref<10240x128xf32, #tpu.memory_space<hbm>>) target(%arg14 : memref<128x128xf32, #tpu.memory_space<vmem>>) offsets(%dma_start3A_192 : memref<128xi32, #tpu.memory_space<vmem>>) semaphore(%arg17 : memref<!tpu.dma_semaphore, #tpu.memory_space<semaphore_mem>>)
      %scan3A_196 = arith.constant 0 : i32
      %scan3A_197 = arith.constant 0 : i32
      %scan3A_198 = arith.constant 80 : i32
      %scan3A_199 = arith.addi %scan3A_197, %scan3A_198 : i32
      %scan3A_200 = arith.constant 1 : i32
      %scan3A_201 = scf.for %scan3A_204 = %scan3A_197 to %scan3A_199 step %scan3A_200 iter_args(%scan3A_205 = %scan3A_196) -> (i32)  : i32 {
        %mul3A_206 = arith.constant 2 : i32
        %mul3A_207 = arith.muli %mul3A_206, %scan3A_204 : i32
        %add3A_208 = arith.constant 1 : i32
        %add3A_209 = arith.addi %mul3A_207, %add3A_208 : i32
        %mul3A_210 = arith.constant 16 : i32
        %mul3A_211 = arith.muli %add3A_209, %mul3A_210 : i32
        %add3A_212 = arith.addi %mul3A_211, %arg1 : i32
        %mul3A_213 = arith.constant 128 : i32
        %mul3A_214 = arith.muli %add3A_212, %mul3A_213 : i32
        %dma_wait3A_215 = arith.constant 0 : i32
        %dma_wait3A_216 = arith.constant 1 : i32
        %dma_wait3A_217 = arith.constant 0 : i32
        %dma_wait3A_218 = tpu.memref_slice %arg12[%dma_wait3A_216, %dma_wait3A_217] : memref<2x128xi32, #tpu.memory_space<vmem>> -> memref<1x128xi32, #tpu.memory_space<vmem>>
        %dma_wait3A_219 = tpu.memref_squeeze %dma_wait3A_218 : memref<1x128xi32, #tpu.memory_space<vmem>> -> memref<128xi32, #tpu.memory_space<vmem>>
        %dma_wait3A_220 = tpu.memref_slice %arg6[%dma_wait3A_215, %mul3A_214] : memref<2x327680xi32, #tpu.memory_space<hbm>> -> memref<1x128xi32, #tpu.memory_space<hbm>>
        %dma_wait3A_221 = tpu.memref_squeeze %dma_wait3A_220 : memref<1x128xi32, #tpu.memory_space<hbm>> -> memref<128xi32, #tpu.memory_space<hbm>>
        %dma_wait3A_222 = arith.constant 0 : i32
        %dma_wait3A_223 = tpu.memref_slice %arg12[%dma_wait3A_216, %dma_wait3A_222] : memref<2x128xi32, #tpu.memory_space<vmem>> -> memref<1x128xi32, #tpu.memory_space<vmem>>
        %dma_wait3A_224 = tpu.memref_squeeze %dma_wait3A_223 : memref<1x128xi32, #tpu.memory_space<vmem>> -> memref<128xi32, #tpu.memory_space<vmem>>
        %dma_wait3A_225 = tpu.memref_slice %arg6[%dma_wait3A_215, %mul3A_214] : memref<2x327680xi32, #tpu.memory_space<hbm>> -> memref<1x128xi32, #tpu.memory_space<hbm>>
        %dma_wait3A_226 = tpu.memref_squeeze %dma_wait3A_225 : memref<1x128xi32, #tpu.memory_space<hbm>> -> memref<128xi32, #tpu.memory_space<hbm>>
        tpu.wait_dma2 semaphore(%arg20 : memref<!tpu.dma_semaphore, #tpu.memory_space<semaphore_mem>>) src(%dma_wait3A_226 : memref<128xi32, #tpu.memory_space<hbm>>) dst(%dma_wait3A_224 : memref<128xi32, #tpu.memory_space<vmem>>)
        %dma_wait3A_227 = arith.constant 1 : i32
        %dma_wait3A_228 = arith.constant 1 : i32
        %dma_wait3A_229 = arith.constant 0 : i32
        %dma_wait3A_230 = tpu.memref_slice %arg13[%dma_wait3A_228, %dma_wait3A_229] : memref<2x128xi32, #tpu.memory_space<vmem>> -> memref<1x128xi32, #tpu.memory_space<vmem>>
        %dma_wait3A_231 = tpu.memref_squeeze %dma_wait3A_230 : memref<1x128xi32, #tpu.memory_space<vmem>> -> memref<128xi32, #tpu.memory_space<vmem>>
        %dma_wait3A_232 = tpu.memref_slice %arg6[%dma_wait3A_227, %mul3A_214] : memref<2x327680xi32, #tpu.memory_space<hbm>> -> memref<1x128xi32, #tpu.memory_space<hbm>>
        %dma_wait3A_233 = tpu.memref_squeeze %dma_wait3A_232 : memref<1x128xi32, #tpu.memory_space<hbm>> -> memref<128xi32, #tpu.memory_space<hbm>>
        %dma_wait3A_234 = arith.constant 0 : i32
        %dma_wait3A_235 = tpu.memref_slice %arg13[%dma_wait3A_228, %dma_wait3A_234] : memref<2x128xi32, #tpu.memory_space<vmem>> -> memref<1x128xi32, #tpu.memory_space<vmem>>
        %dma_wait3A_236 = tpu.memref_squeeze %dma_wait3A_235 : memref<1x128xi32, #tpu.memory_space<vmem>> -> memref<128xi32, #tpu.memory_space<vmem>>
        %dma_wait3A_237 = tpu.memref_slice %arg6[%dma_wait3A_227, %mul3A_214] : memref<2x327680xi32, #tpu.memory_space<hbm>> -> memref<1x128xi32, #tpu.memory_space<hbm>>
        %dma_wait3A_238 = tpu.memref_squeeze %dma_wait3A_237 : memref<1x128xi32, #tpu.memory_space<hbm>> -> memref<128xi32, #tpu.memory_space<hbm>>
        tpu.wait_dma2 semaphore(%arg20 : memref<!tpu.dma_semaphore, #tpu.memory_space<semaphore_mem>>) src(%dma_wait3A_238 : memref<128xi32, #tpu.memory_space<hbm>>) dst(%dma_wait3A_236 : memref<128xi32, #tpu.memory_space<vmem>>)
        %dma_start3A_239 = arith.constant 1 : i32
        %dma_start3A_240 = arith.constant 0 : i32
        %dma_start3A_241 = tpu.memref_slice %arg12[%dma_start3A_239, %dma_start3A_240] : memref<2x128xi32, #tpu.memory_space<vmem>> -> memref<1x128xi32, #tpu.memory_space<vmem>>
        %dma_start3A_242 = tpu.memref_squeeze %dma_start3A_241 : memref<1x128xi32, #tpu.memory_space<vmem>> -> memref<128xi32, #tpu.memory_space<vmem>>
        %dma_start3A_243 = arith.constant 0 : i32
        %dma_start3A_244 = arith.constant 0 : i32
        %dma_start3A_245 = tpu.memref_slice %arg3[%dma_start3A_243, %dma_start3A_244] : memref<10240x128xf32, #tpu.memory_space<hbm>> -> memref<10240x128xf32, #tpu.memory_space<hbm>>
        tpu.enqueue_indirect_dma source(%dma_start3A_245 : memref<10240x128xf32, #tpu.memory_space<hbm>>) target(%arg15 : memref<128x128xf32, #tpu.memory_space<vmem>>) offsets(%dma_start3A_242 : memref<128xi32, #tpu.memory_space<vmem>>) semaphore(%arg18 : memref<!tpu.dma_semaphore, #tpu.memory_space<semaphore_mem>>)
        %dma_wait3A_246 = arith.constant 0 : i32
        %dma_wait3A_247 = arith.constant 0 : i32
        %dma_wait3A_248 = tpu.memref_slice %arg12[%dma_wait3A_246, %dma_wait3A_247] : memref<2x128xi32, #tpu.memory_space<vmem>> -> memref<1x128xi32, #tpu.memory_space<vmem>>
        %dma_wait3A_249 = tpu.memref_squeeze %dma_wait3A_248 : memref<1x128xi32, #tpu.memory_space<vmem>> -> memref<128xi32, #tpu.memory_space<vmem>>
        %dma_wait3A_250 = arith.constant 0 : i32
        %dma_wait3A_251 = arith.constant 0 : i32
        %dma_wait3A_252 = tpu.memref_slice %arg3[%dma_wait3A_250, %dma_wait3A_251] : memref<10240x128xf32, #tpu.memory_space<hbm>> -> memref<10240x128xf32, #tpu.memory_space<hbm>>
        tpu.wait_indirect_dma semaphore(%arg17 : memref<!tpu.dma_semaphore, #tpu.memory_space<semaphore_mem>>) src(%dma_wait3A_252 : memref<10240x128xf32, #tpu.memory_space<hbm>>) dst(%arg14 : memref<128x128xf32, #tpu.memory_space<vmem>>)
        %run_scoped3A = arith.constant 0 : i32
        "tpu.region"() ({
          %run_scoped3A_275 = tpu.sem_alloc : memref<!tpu.dma_semaphore, #tpu.memory_space<semaphore_mem>>
          %dma_start3A_276 = arith.constant 0 : i32
          %dma_start3A_277 = tpu.memref_slice %arg13[%run_scoped3A, %dma_start3A_276] : memref<2x128xi32, #tpu.memory_space<vmem>> -> memref<1x128xi32, #tpu.memory_space<vmem>>
          %dma_start3A_278 = tpu.memref_squeeze %dma_start3A_277 : memref<1x128xi32, #tpu.memory_space<vmem>> -> memref<128xi32, #tpu.memory_space<vmem>>
          %dma_start3A_279 = arith.constant 0 : i32
          %dma_start3A_280 = arith.constant 0 : i32
          %dma_start3A_281 = tpu.memref_slice %arg16[%dma_start3A_279, %dma_start3A_280] : memref<10240x128xf32, #tpu.memory_space<vmem_shared>> -> memref<10240x128xf32, #tpu.memory_space<vmem_shared>>
          tpu.enqueue_indirect_dma source(%arg14 : memref<128x128xf32, #tpu.memory_space<vmem>>) target(%dma_start3A_281 : memref<10240x128xf32, #tpu.memory_space<vmem_shared>>) offsets(%dma_start3A_278 : memref<128xi32, #tpu.memory_space<vmem>>) semaphore(%run_scoped3A_275 : memref<!tpu.dma_semaphore, #tpu.memory_space<semaphore_mem>>) {add = true}
          %dma_wait3A_282 = arith.constant 0 : i32
          %dma_wait3A_283 = tpu.memref_slice %arg13[%run_scoped3A, %dma_wait3A_282] : memref<2x128xi32, #tpu.memory_space<vmem>> -> memref<1x128xi32, #tpu.memory_space<vmem>>
          %dma_wait3A_284 = tpu.memref_squeeze %dma_wait3A_283 : memref<1x128xi32, #tpu.memory_space<vmem>> -> memref<128xi32, #tpu.memory_space<vmem>>
          %dma_wait3A_285 = arith.constant 0 : i32
          %dma_wait3A_286 = arith.constant 0 : i32
          %dma_wait3A_287 = tpu.memref_slice %arg16[%dma_wait3A_285, %dma_wait3A_286] : memref<10240x128xf32, #tpu.memory_space<vmem_shared>> -> memref<10240x128xf32, #tpu.memory_space<vmem_shared>>
          tpu.wait_indirect_dma semaphore(%run_scoped3A_275 : memref<!tpu.dma_semaphore, #tpu.memory_space<semaphore_mem>>) src(%arg14 : memref<128x128xf32, #tpu.memory_space<vmem>>) dst(%dma_wait3A_287 : memref<10240x128xf32, #tpu.memory_space<vmem_shared>>)
          tpu.yield
        }) : () -> ()
        %add3A_253 = arith.constant 2 : i32
        %add3A_254 = arith.addi %mul3A_207, %add3A_253 : i32
        %lt3A = arith.constant 160 : i32
        %lt3A_255 = arith.cmpi slt, %add3A_254, %lt3A : i32
        %convert_element_type3A_256 = arith.extui %lt3A_255 : i1 to i32
        %cond3A_257 = arith.constant 0 : i32
        %cond3A_258 = arith.cmpi ne, %convert_element_type3A_256, %cond3A_257 : i32
        scf.if %cond3A_258 {
          %add3A_275 = arith.constant 2 : i32
          %add3A_276 = arith.addi %mul3A_207, %add3A_275 : i32
          %mul3A_277 = arith.constant 16 : i32
          %mul3A_278 = arith.muli %add3A_276, %mul3A_277 : i32
          %add3A_279 = arith.addi %mul3A_278, %arg1 : i32
          %mul3A_280 = arith.constant 128 : i32
          %mul3A_281 = arith.muli %add3A_279, %mul3A_280 : i32
          %dma_start3A_282 = arith.constant 0 : i32
          %dma_start3A_283 = arith.constant 0 : i32
          %dma_start3A_284 = arith.constant 0 : i32
          %dma_start3A_285 = tpu.memref_slice %arg12[%dma_start3A_283, %dma_start3A_284] : memref<2x128xi32, #tpu.memory_space<vmem>> -> memref<1x128xi32, #tpu.memory_space<vmem>>
          %dma_start3A_286 = tpu.memref_squeeze %dma_start3A_285 : memref<1x128xi32, #tpu.memory_space<vmem>> -> memref<128xi32, #tpu.memory_space<vmem>>
          %dma_start3A_287 = tpu.memref_slice %arg6[%dma_start3A_282, %mul3A_281] : memref<2x327680xi32, #tpu.memory_space<hbm>> -> memref<1x128xi32, #tpu.memory_space<hbm>>
          %dma_start3A_288 = tpu.memref_squeeze %dma_start3A_287 : memref<1x128xi32, #tpu.memory_space<hbm>> -> memref<128xi32, #tpu.memory_space<hbm>>
          %dma_start3A_289 = arith.constant 0 : i32
          %dma_start3A_290 = tpu.memref_slice %arg12[%dma_start3A_283, %dma_start3A_289] : memref<2x128xi32, #tpu.memory_space<vmem>> -> memref<1x128xi32, #tpu.memory_space<vmem>>
          %dma_start3A_291 = tpu.memref_squeeze %dma_start3A_290 : memref<1x128xi32, #tpu.memory_space<vmem>> -> memref<128xi32, #tpu.memory_space<vmem>>
          %dma_start3A_292 = tpu.memref_slice %arg6[%dma_start3A_282, %mul3A_281] : memref<2x327680xi32, #tpu.memory_space<hbm>> -> memref<1x128xi32, #tpu.memory_space<hbm>>
          %dma_start3A_293 = tpu.memref_squeeze %dma_start3A_292 : memref<1x128xi32, #tpu.memory_space<hbm>> -> memref<128xi32, #tpu.memory_space<hbm>>
          tpu.enqueue_dma source(%dma_start3A_293 : memref<128xi32, #tpu.memory_space<hbm>>) target(%dma_start3A_291 : memref<128xi32, #tpu.memory_space<vmem>>) target_semaphore(%arg19 : memref<!tpu.dma_semaphore, #tpu.memory_space<semaphore_mem>>)
          %dma_start3A_294 = arith.constant 1 : i32
          %dma_start3A_295 = arith.constant 0 : i32
          %dma_start3A_296 = arith.constant 0 : i32
          %dma_start3A_297 = tpu.memref_slice %arg13[%dma_start3A_295, %dma_start3A_296] : memref<2x128xi32, #tpu.memory_space<vmem>> -> memref<1x128xi32, #tpu.memory_space<vmem>>
          %dma_start3A_298 = tpu.memref_squeeze %dma_start3A_297 : memref<1x128xi32, #tpu.memory_space<vmem>> -> memref<128xi32, #tpu.memory_space<vmem>>
          %dma_start3A_299 = tpu.memref_slice %arg6[%dma_start3A_294, %mul3A_281] : memref<2x327680xi32, #tpu.memory_space<hbm>> -> memref<1x128xi32, #tpu.memory_space<hbm>>
          %dma_start3A_300 = tpu.memref_squeeze %dma_start3A_299 : memref<1x128xi32, #tpu.memory_space<hbm>> -> memref<128xi32, #tpu.memory_space<hbm>>
          %dma_start3A_301 = arith.constant 0 : i32
          %dma_start3A_302 = tpu.memref_slice %arg13[%dma_start3A_295, %dma_start3A_301] : memref<2x128xi32, #tpu.memory_space<vmem>> -> memref<1x128xi32, #tpu.memory_space<vmem>>
          %dma_start3A_303 = tpu.memref_squeeze %dma_start3A_302 : memref<1x128xi32, #tpu.memory_space<vmem>> -> memref<128xi32, #tpu.memory_space<vmem>>
          %dma_start3A_304 = tpu.memref_slice %arg6[%dma_start3A_294, %mul3A_281] : memref<2x327680xi32, #tpu.memory_space<hbm>> -> memref<1x128xi32, #tpu.memory_space<hbm>>
          %dma_start3A_305 = tpu.memref_squeeze %dma_start3A_304 : memref<1x128xi32, #tpu.memory_space<hbm>> -> memref<128xi32, #tpu.memory_space<hbm>>
          tpu.enqueue_dma source(%dma_start3A_305 : memref<128xi32, #tpu.memory_space<hbm>>) target(%dma_start3A_303 : memref<128xi32, #tpu.memory_space<vmem>>) target_semaphore(%arg19 : memref<!tpu.dma_semaphore, #tpu.memory_space<semaphore_mem>>)
          %add3A_306 = arith.constant 2 : i32
          %add3A_307 = arith.addi %mul3A_207, %add3A_306 : i32
          %mul3A_308 = arith.constant 16 : i32
          %mul3A_309 = arith.muli %add3A_307, %mul3A_308 : i32
          %add3A_310 = arith.addi %mul3A_309, %arg1 : i32
          %mul3A_311 = arith.constant 128 : i32
          %mul3A_312 = arith.muli %add3A_310, %mul3A_311 : i32
          %dma_wait3A_313 = arith.constant 0 : i32
          %dma_wait3A_314 = arith.constant 0 : i32
          %dma_wait3A_315 = arith.constant 0 : i32
          %dma_wait3A_316 = tpu.memref_slice %arg12[%dma_wait3A_314, %dma_wait3A_315] : memref<2x128xi32, #tpu.memory_space<vmem>> -> memref<1x128xi32, #tpu.memory_space<vmem>>
          %dma_wait3A_317 = tpu.memref_squeeze %dma_wait3A_316 : memref<1x128xi32, #tpu.memory_space<vmem>> -> memref<128xi32, #tpu.memory_space<vmem>>
          %dma_wait3A_318 = tpu.memref_slice %arg6[%dma_wait3A_313, %mul3A_312] : memref<2x327680xi32, #tpu.memory_space<hbm>> -> memref<1x128xi32, #tpu.memory_space<hbm>>
          %dma_wait3A_319 = tpu.memref_squeeze %dma_wait3A_318 : memref<1x128xi32, #tpu.memory_space<hbm>> -> memref<128xi32, #tpu.memory_space<hbm>>
          %dma_wait3A_320 = arith.constant 0 : i32
          %dma_wait3A_321 = tpu.memref_slice %arg12[%dma_wait3A_314, %dma_wait3A_320] : memref<2x128xi32, #tpu.memory_space<vmem>> -> memref<1x128xi32, #tpu.memory_space<vmem>>
          %dma_wait3A_322 = tpu.memref_squeeze %dma_wait3A_321 : memref<1x128xi32, #tpu.memory_space<vmem>> -> memref<128xi32, #tpu.memory_space<vmem>>
          %dma_wait3A_323 = tpu.memref_slice %arg6[%dma_wait3A_313, %mul3A_312] : memref<2x327680xi32, #tpu.memory_space<hbm>> -> memref<1x128xi32, #tpu.memory_space<hbm>>
          %dma_wait3A_324 = tpu.memref_squeeze %dma_wait3A_323 : memref<1x128xi32, #tpu.memory_space<hbm>> -> memref<128xi32, #tpu.memory_space<hbm>>
          tpu.wait_dma2 semaphore(%arg19 : memref<!tpu.dma_semaphore, #tpu.memory_space<semaphore_mem>>) src(%dma_wait3A_324 : memref<128xi32, #tpu.memory_space<hbm>>) dst(%dma_wait3A_322 : memref<128xi32, #tpu.memory_space<vmem>>)
          %dma_wait3A_325 = arith.constant 1 : i32
          %dma_wait3A_326 = arith.constant 0 : i32
          %dma_wait3A_327 = arith.constant 0 : i32
          %dma_wait3A_328 = tpu.memref_slice %arg13[%dma_wait3A_326, %dma_wait3A_327] : memref<2x128xi32, #tpu.memory_space<vmem>> -> memref<1x128xi32, #tpu.memory_space<vmem>>
          %dma_wait3A_329 = tpu.memref_squeeze %dma_wait3A_328 : memref<1x128xi32, #tpu.memory_space<vmem>> -> memref<128xi32, #tpu.memory_space<vmem>>
          %dma_wait3A_330 = tpu.memref_slice %arg6[%dma_wait3A_325, %mul3A_312] : memref<2x327680xi32, #tpu.memory_space<hbm>> -> memref<1x128xi32, #tpu.memory_space<hbm>>
          %dma_wait3A_331 = tpu.memref_squeeze %dma_wait3A_330 : memref<1x128xi32, #tpu.memory_space<hbm>> -> memref<128xi32, #tpu.memory_space<hbm>>
          %dma_wait3A_332 = arith.constant 0 : i32
          %dma_wait3A_333 = tpu.memref_slice %arg13[%dma_wait3A_326, %dma_wait3A_332] : memref<2x128xi32, #tpu.memory_space<vmem>> -> memref<1x128xi32, #tpu.memory_space<vmem>>
          %dma_wait3A_334 = tpu.memref_squeeze %dma_wait3A_333 : memref<1x128xi32, #tpu.memory_space<vmem>> -> memref<128xi32, #tpu.memory_space<vmem>>
          %dma_wait3A_335 = tpu.memref_slice %arg6[%dma_wait3A_325, %mul3A_312] : memref<2x327680xi32, #tpu.memory_space<hbm>> -> memref<1x128xi32, #tpu.memory_space<hbm>>
          %dma_wait3A_336 = tpu.memref_squeeze %dma_wait3A_335 : memref<1x128xi32, #tpu.memory_space<hbm>> -> memref<128xi32, #tpu.memory_space<hbm>>
          tpu.wait_dma2 semaphore(%arg19 : memref<!tpu.dma_semaphore, #tpu.memory_space<semaphore_mem>>) src(%dma_wait3A_336 : memref<128xi32, #tpu.memory_space<hbm>>) dst(%dma_wait3A_334 : memref<128xi32, #tpu.memory_space<vmem>>)
          %dma_start3A_337 = arith.constant 0 : i32
          %dma_start3A_338 = arith.constant 0 : i32
          %dma_start3A_339 = tpu.memref_slice %arg12[%dma_start3A_337, %dma_start3A_338] : memref<2x128xi32, #tpu.memory_space<vmem>> -> memref<1x128xi32, #tpu.memory_space<vmem>>
          %dma_start3A_340 = tpu.memref_squeeze %dma_start3A_339 : memref<1x128xi32, #tpu.memory_space<vmem>> -> memref<128xi32, #tpu.memory_space<vmem>>
          %dma_start3A_341 = arith.constant 0 : i32
          %dma_start3A_342 = arith.constant 0 : i32
          %dma_start3A_343 = tpu.memref_slice %arg3[%dma_start3A_341, %dma_start3A_342] : memref<10240x128xf32, #tpu.memory_space<hbm>> -> memref<10240x128xf32, #tpu.memory_space<hbm>>
          tpu.enqueue_indirect_dma source(%dma_start3A_343 : memref<10240x128xf32, #tpu.memory_space<hbm>>) target(%arg14 : memref<128x128xf32, #tpu.memory_space<vmem>>) offsets(%dma_start3A_340 : memref<128xi32, #tpu.memory_space<vmem>>) semaphore(%arg17 : memref<!tpu.dma_semaphore, #tpu.memory_space<semaphore_mem>>)
        } else {
        }
        %dma_wait3A_259 = arith.constant 1 : i32
        %dma_wait3A_260 = arith.constant 0 : i32
        %dma_wait3A_261 = tpu.memref_slice %arg12[%dma_wait3A_259, %dma_wait3A_260] : memref<2x128xi32, #tpu.memory_space<vmem>> -> memref<1x128xi32, #tpu.memory_space<vmem>>
        %dma_wait3A_262 = tpu.memref_squeeze %dma_wait3A_261 : memref<1x128xi32, #tpu.memory_space<vmem>> -> memref<128xi32, #tpu.memory_space<vmem>>
        %dma_wait3A_263 = arith.constant 0 : i32
        %dma_wait3A_264 = arith.constant 0 : i32
        %dma_wait3A_265 = tpu.memref_slice %arg3[%dma_wait3A_263, %dma_wait3A_264] : memref<10240x128xf32, #tpu.memory_space<hbm>> -> memref<10240x128xf32, #tpu.memory_space<hbm>>
        tpu.wait_indirect_dma semaphore(%arg18 : memref<!tpu.dma_semaphore, #tpu.memory_space<semaphore_mem>>) src(%dma_wait3A_265 : memref<10240x128xf32, #tpu.memory_space<hbm>>) dst(%arg15 : memref<128x128xf32, #tpu.memory_space<vmem>>)
        %run_scoped3A_266 = arith.constant 1 : i32
        "tpu.region"() ({
          %run_scoped3A_275 = tpu.sem_alloc : memref<!tpu.dma_semaphore, #tpu.memory_space<semaphore_mem>>
          %dma_start3A_276 = arith.constant 0 : i32
          %dma_start3A_277 = tpu.memref_slice %arg13[%run_scoped3A_266, %dma_start3A_276] : memref<2x128xi32, #tpu.memory_space<vmem>> -> memref<1x128xi32, #tpu.memory_space<vmem>>
          %dma_start3A_278 = tpu.memref_squeeze %dma_start3A_277 : memref<1x128xi32, #tpu.memory_space<vmem>> -> memref<128xi32, #tpu.memory_space<vmem>>
          %dma_start3A_279 = arith.constant 0 : i32
          %dma_start3A_280 = arith.constant 0 : i32
          %dma_start3A_281 = tpu.memref_slice %arg16[%dma_start3A_279, %dma_start3A_280] : memref<10240x128xf32, #tpu.memory_space<vmem_shared>> -> memref<10240x128xf32, #tpu.memory_space<vmem_shared>>
          tpu.enqueue_indirect_dma source(%arg15 : memref<128x128xf32, #tpu.memory_space<vmem>>) target(%dma_start3A_281 : memref<10240x128xf32, #tpu.memory_space<vmem_shared>>) offsets(%dma_start3A_278 : memref<128xi32, #tpu.memory_space<vmem>>) semaphore(%run_scoped3A_275 : memref<!tpu.dma_semaphore, #tpu.memory_space<semaphore_mem>>) {add = true}
          %dma_wait3A_282 = arith.constant 0 : i32
          %dma_wait3A_283 = tpu.memref_slice %arg13[%run_scoped3A_266, %dma_wait3A_282] : memref<2x128xi32, #tpu.memory_space<vmem>> -> memref<1x128xi32, #tpu.memory_space<vmem>>
          %dma_wait3A_284 = tpu.memref_squeeze %dma_wait3A_283 : memref<1x128xi32, #tpu.memory_space<vmem>> -> memref<128xi32, #tpu.memory_space<vmem>>
          %dma_wait3A_285 = arith.constant 0 : i32
          %dma_wait3A_286 = arith.constant 0 : i32
          %dma_wait3A_287 = tpu.memref_slice %arg16[%dma_wait3A_285, %dma_wait3A_286] : memref<10240x128xf32, #tpu.memory_space<vmem_shared>> -> memref<10240x128xf32, #tpu.memory_space<vmem_shared>>
          tpu.wait_indirect_dma semaphore(%run_scoped3A_275 : memref<!tpu.dma_semaphore, #tpu.memory_space<semaphore_mem>>) src(%arg15 : memref<128x128xf32, #tpu.memory_space<vmem>>) dst(%dma_wait3A_287 : memref<10240x128xf32, #tpu.memory_space<vmem_shared>>)
          tpu.yield
        }) : () -> ()
        %add3A_267 = arith.constant 3 : i32
        %add3A_268 = arith.addi %mul3A_207, %add3A_267 : i32
        %lt3A_269 = arith.constant 160 : i32
        %lt3A_270 = arith.cmpi slt, %add3A_268, %lt3A_269 : i32
        %convert_element_type3A_271 = arith.extui %lt3A_270 : i1 to i32
        %cond3A_272 = arith.constant 0 : i32
        %cond3A_273 = arith.cmpi ne, %convert_element_type3A_271, %cond3A_272 : i32
        scf.if %cond3A_273 {
          %add3A_275 = arith.constant 3 : i32
          %add3A_276 = arith.addi %mul3A_207, %add3A_275 : i32
          %mul3A_277 = arith.constant 16 : i32
          %mul3A_278 = arith.muli %add3A_276, %mul3A_277 : i32
          %add3A_279 = arith.addi %mul3A_278, %arg1 : i32
          %mul3A_280 = arith.constant 128 : i32
          %mul3A_281 = arith.muli %add3A_279, %mul3A_280 : i32
          %dma_start3A_282 = arith.constant 0 : i32
          %dma_start3A_283 = arith.constant 1 : i32
          %dma_start3A_284 = arith.constant 0 : i32
          %dma_start3A_285 = tpu.memref_slice %arg12[%dma_start3A_283, %dma_start3A_284] : memref<2x128xi32, #tpu.memory_space<vmem>> -> memref<1x128xi32, #tpu.memory_space<vmem>>
          %dma_start3A_286 = tpu.memref_squeeze %dma_start3A_285 : memref<1x128xi32, #tpu.memory_space<vmem>> -> memref<128xi32, #tpu.memory_space<vmem>>
          %dma_start3A_287 = tpu.memref_slice %arg6[%dma_start3A_282, %mul3A_281] : memref<2x327680xi32, #tpu.memory_space<hbm>> -> memref<1x128xi32, #tpu.memory_space<hbm>>
          %dma_start3A_288 = tpu.memref_squeeze %dma_start3A_287 : memref<1x128xi32, #tpu.memory_space<hbm>> -> memref<128xi32, #tpu.memory_space<hbm>>
          %dma_start3A_289 = arith.constant 0 : i32
          %dma_start3A_290 = tpu.memref_slice %arg12[%dma_start3A_283, %dma_start3A_289] : memref<2x128xi32, #tpu.memory_space<vmem>> -> memref<1x128xi32, #tpu.memory_space<vmem>>
          %dma_start3A_291 = tpu.memref_squeeze %dma_start3A_290 : memref<1x128xi32, #tpu.memory_space<vmem>> -> memref<128xi32, #tpu.memory_space<vmem>>
          %dma_start3A_292 = tpu.memref_slice %arg6[%dma_start3A_282, %mul3A_281] : memref<2x327680xi32, #tpu.memory_space<hbm>> -> memref<1x128xi32, #tpu.memory_space<hbm>>
          %dma_start3A_293 = tpu.memref_squeeze %dma_start3A_292 : memref<1x128xi32, #tpu.memory_space<hbm>> -> memref<128xi32, #tpu.memory_space<hbm>>
          tpu.enqueue_dma source(%dma_start3A_293 : memref<128xi32, #tpu.memory_space<hbm>>) target(%dma_start3A_291 : memref<128xi32, #tpu.memory_space<vmem>>) target_semaphore(%arg20 : memref<!tpu.dma_semaphore, #tpu.memory_space<semaphore_mem>>)
          %dma_start3A_294 = arith.constant 1 : i32
          %dma_start3A_295 = arith.constant 1 : i32
          %dma_start3A_296 = arith.constant 0 : i32
          %dma_start3A_297 = tpu.memref_slice %arg13[%dma_start3A_295, %dma_start3A_296] : memref<2x128xi32, #tpu.memory_space<vmem>> -> memref<1x128xi32, #tpu.memory_space<vmem>>
          %dma_start3A_298 = tpu.memref_squeeze %dma_start3A_297 : memref<1x128xi32, #tpu.memory_space<vmem>> -> memref<128xi32, #tpu.memory_space<vmem>>
          %dma_start3A_299 = tpu.memref_slice %arg6[%dma_start3A_294, %mul3A_281] : memref<2x327680xi32, #tpu.memory_space<hbm>> -> memref<1x128xi32, #tpu.memory_space<hbm>>
          %dma_start3A_300 = tpu.memref_squeeze %dma_start3A_299 : memref<1x128xi32, #tpu.memory_space<hbm>> -> memref<128xi32, #tpu.memory_space<hbm>>
          %dma_start3A_301 = arith.constant 0 : i32
          %dma_start3A_302 = tpu.memref_slice %arg13[%dma_start3A_295, %dma_start3A_301] : memref<2x128xi32, #tpu.memory_space<vmem>> -> memref<1x128xi32, #tpu.memory_space<vmem>>
          %dma_start3A_303 = tpu.memref_squeeze %dma_start3A_302 : memref<1x128xi32, #tpu.memory_space<vmem>> -> memref<128xi32, #tpu.memory_space<vmem>>
          %dma_start3A_304 = tpu.memref_slice %arg6[%dma_start3A_294, %mul3A_281] : memref<2x327680xi32, #tpu.memory_space<hbm>> -> memref<1x128xi32, #tpu.memory_space<hbm>>
          %dma_start3A_305 = tpu.memref_squeeze %dma_start3A_304 : memref<1x128xi32, #tpu.memory_space<hbm>> -> memref<128xi32, #tpu.memory_space<hbm>>
          tpu.enqueue_dma source(%dma_start3A_305 : memref<128xi32, #tpu.memory_space<hbm>>) target(%dma_start3A_303 : memref<128xi32, #tpu.memory_space<vmem>>) target_semaphore(%arg20 : memref<!tpu.dma_semaphore, #tpu.memory_space<semaphore_mem>>)
        } else {
        }
        %scan3A_274 = arith.constant 0 : i32
        scf.yield %scan3A_274 : i32
      }
      %scan3A_202 = arith.constant 80 : i32
      %barrier3A_203 = arith.constant 0 : index
      tpu.barrier barrier_id(%barrier3A_203)
      "tpu.region"() ({
        %run_scoped3A = tpu.sem_alloc : memref<!tpu.dma_semaphore, #tpu.memory_space<semaphore_mem>>
        %dma_start3A_204 = arith.constant 0 : i32
        %dma_start3A_205 = tpu.memref_slice %arg9[%mul3A_0, %dma_start3A_204] : memref<10240x128xf32, #tpu.memory_space<hbm>> -> memref<640x128xf32, #tpu.memory_space<hbm>>
        %dma_start3A_206 = arith.constant 0 : i32
        %dma_start3A_207 = tpu.memref_slice %arg16[%mul3A_0, %dma_start3A_206] : memref<10240x128xf32, #tpu.memory_space<vmem_shared>> -> memref<640x128xf32, #tpu.memory_space<vmem_shared>>
        tpu.enqueue_dma source(%dma_start3A_207 : memref<640x128xf32, #tpu.memory_space<vmem_shared>>) target(%dma_start3A_205 : memref<640x128xf32, #tpu.memory_space<hbm>>) target_semaphore(%run_scoped3A : memref<!tpu.dma_semaphore, #tpu.memory_space<semaphore_mem>>)
        %dma_wait3A_208 = arith.constant 0 : i32
        %dma_wait3A_209 = tpu.memref_slice %arg9[%mul3A_0, %dma_wait3A_208] : memref<10240x128xf32, #tpu.memory_space<hbm>> -> memref<640x128xf32, #tpu.memory_space<hbm>>
        %dma_wait3A_210 = arith.constant 0 : i32
        %dma_wait3A_211 = tpu.memref_slice %arg16[%mul3A_0, %dma_wait3A_210] : memref<10240x128xf32, #tpu.memory_space<vmem_shared>> -> memref<640x128xf32, #tpu.memory_space<vmem_shared>>
        tpu.wait_dma2 semaphore(%run_scoped3A : memref<!tpu.dma_semaphore, #tpu.memory_space<semaphore_mem>>) src(%dma_wait3A_211 : memref<640x128xf32, #tpu.memory_space<vmem_shared>>) dst(%dma_wait3A_209 : memref<640x128xf32, #tpu.memory_space<hbm>>)
        tpu.yield
      }) : () -> ()
    } else {
    }
    %eq3A_3 = arith.constant 1 : i32
    %eq3A_4 = arith.cmpi eq, %arg0, %eq3A_3 : i32
    %convert_element_type3A_5 = arith.extui %eq3A_4 : i1 to i32
    %cond3A_6 = arith.constant 0 : i32
    %cond3A_7 = arith.cmpi ne, %convert_element_type3A_5, %cond3A_6 : i32
    scf.if %cond3A_7 {
      "tpu.region"() ({
        %run_scoped3A = tpu.sem_alloc : memref<!tpu.dma_semaphore, #tpu.memory_space<semaphore_mem>>
        %dma_start3A_204 = arith.constant 0 : i32
        %dma_start3A_205 = tpu.memref_slice %arg16[%mul3A_0, %dma_start3A_204] : memref<10240x128xf32, #tpu.memory_space<vmem_shared>> -> memref<640x128xf32, #tpu.memory_space<vmem_shared>>
        %dma_start3A_206 = arith.constant 0 : i32
        %dma_start3A_207 = tpu.memref_slice %arg7[%mul3A_0, %dma_start3A_206] : memref<10240x128xf32, #tpu.memory_space<hbm>> -> memref<640x128xf32, #tpu.memory_space<hbm>>
        tpu.enqueue_dma source(%dma_start3A_207 : memref<640x128xf32, #tpu.memory_space<hbm>>) target(%dma_start3A_205 : memref<640x128xf32, #tpu.memory_space<vmem_shared>>) target_semaphore(%run_scoped3A : memref<!tpu.dma_semaphore, #tpu.memory_space<semaphore_mem>>)
        %dma_wait3A_208 = arith.constant 0 : i32
        %dma_wait3A_209 = tpu.memref_slice %arg16[%mul3A_0, %dma_wait3A_208] : memref<10240x128xf32, #tpu.memory_space<vmem_shared>> -> memref<640x128xf32, #tpu.memory_space<vmem_shared>>
        %dma_wait3A_210 = arith.constant 0 : i32
        %dma_wait3A_211 = tpu.memref_slice %arg7[%mul3A_0, %dma_wait3A_210] : memref<10240x128xf32, #tpu.memory_space<hbm>> -> memref<640x128xf32, #tpu.memory_space<hbm>>
        tpu.wait_dma2 semaphore(%run_scoped3A : memref<!tpu.dma_semaphore, #tpu.memory_space<semaphore_mem>>) src(%dma_wait3A_211 : memref<640x128xf32, #tpu.memory_space<hbm>>) dst(%dma_wait3A_209 : memref<640x128xf32, #tpu.memory_space<vmem_shared>>)
        tpu.yield
      }) : () -> ()
      %barrier3A = arith.constant 0 : index
      tpu.barrier barrier_id(%barrier3A)
      %add3A = arith.constant 0 : i32
      %add3A_8 = arith.addi %add3A, %arg1 : i32
      %mul3A_9 = arith.constant 128 : i32
      %mul3A_10 = arith.muli %add3A_8, %mul3A_9 : i32
      %dma_start3A = arith.constant 0 : i32
      %dma_start3A_11 = arith.constant 0 : i32
      %dma_start3A_12 = arith.constant 0 : i32
      %dma_start3A_13 = tpu.memref_slice %arg12[%dma_start3A_11, %dma_start3A_12] : memref<2x128xi32, #tpu.memory_space<vmem>> -> memref<1x128xi32, #tpu.memory_space<vmem>>
      %dma_start3A_14 = tpu.memref_squeeze %dma_start3A_13 : memref<1x128xi32, #tpu.memory_space<vmem>> -> memref<128xi32, #tpu.memory_space<vmem>>
      %dma_start3A_15 = tpu.memref_slice %arg6[%dma_start3A, %mul3A_10] : memref<2x327680xi32, #tpu.memory_space<hbm>> -> memref<1x128xi32, #tpu.memory_space<hbm>>
      %dma_start3A_16 = tpu.memref_squeeze %dma_start3A_15 : memref<1x128xi32, #tpu.memory_space<hbm>> -> memref<128xi32, #tpu.memory_space<hbm>>
      %dma_start3A_17 = arith.constant 0 : i32
      %dma_start3A_18 = tpu.memref_slice %arg12[%dma_start3A_11, %dma_start3A_17] : memref<2x128xi32, #tpu.memory_space<vmem>> -> memref<1x128xi32, #tpu.memory_space<vmem>>
      %dma_start3A_19 = tpu.memref_squeeze %dma_start3A_18 : memref<1x128xi32, #tpu.memory_space<vmem>> -> memref<128xi32, #tpu.memory_space<vmem>>
      %dma_start3A_20 = tpu.memref_slice %arg6[%dma_start3A, %mul3A_10] : memref<2x327680xi32, #tpu.memory_space<hbm>> -> memref<1x128xi32, #tpu.memory_space<hbm>>
      %dma_start3A_21 = tpu.memref_squeeze %dma_start3A_20 : memref<1x128xi32, #tpu.memory_space<hbm>> -> memref<128xi32, #tpu.memory_space<hbm>>
      tpu.enqueue_dma source(%dma_start3A_21 : memref<128xi32, #tpu.memory_space<hbm>>) target(%dma_start3A_19 : memref<128xi32, #tpu.memory_space<vmem>>) target_semaphore(%arg19 : memref<!tpu.dma_semaphore, #tpu.memory_space<semaphore_mem>>)
      %dma_start3A_22 = arith.constant 1 : i32
      %dma_start3A_23 = arith.constant 0 : i32
      %dma_start3A_24 = arith.constant 0 : i32
      %dma_start3A_25 = tpu.memref_slice %arg13[%dma_start3A_23, %dma_start3A_24] : memref<2x128xi32, #tpu.memory_space<vmem>> -> memref<1x128xi32, #tpu.memory_space<vmem>>
      %dma_start3A_26 = tpu.memref_squeeze %dma_start3A_25 : memref<1x128xi32, #tpu.memory_space<vmem>> -> memref<128xi32, #tpu.memory_space<vmem>>
      %dma_start3A_27 = tpu.memref_slice %arg6[%dma_start3A_22, %mul3A_10] : memref<2x327680xi32, #tpu.memory_space<hbm>> -> memref<1x128xi32, #tpu.memory_space<hbm>>
      %dma_start3A_28 = tpu.memref_squeeze %dma_start3A_27 : memref<1x128xi32, #tpu.memory_space<hbm>> -> memref<128xi32, #tpu.memory_space<hbm>>
      %dma_start3A_29 = arith.constant 0 : i32
      %dma_start3A_30 = tpu.memref_slice %arg13[%dma_start3A_23, %dma_start3A_29] : memref<2x128xi32, #tpu.memory_space<vmem>> -> memref<1x128xi32, #tpu.memory_space<vmem>>
      %dma_start3A_31 = tpu.memref_squeeze %dma_start3A_30 : memref<1x128xi32, #tpu.memory_space<vmem>> -> memref<128xi32, #tpu.memory_space<vmem>>
      %dma_start3A_32 = tpu.memref_slice %arg6[%dma_start3A_22, %mul3A_10] : memref<2x327680xi32, #tpu.memory_space<hbm>> -> memref<1x128xi32, #tpu.memory_space<hbm>>
      %dma_start3A_33 = tpu.memref_squeeze %dma_start3A_32 : memref<1x128xi32, #tpu.memory_space<hbm>> -> memref<128xi32, #tpu.memory_space<hbm>>
      tpu.enqueue_dma source(%dma_start3A_33 : memref<128xi32, #tpu.memory_space<hbm>>) target(%dma_start3A_31 : memref<128xi32, #tpu.memory_space<vmem>>) target_semaphore(%arg19 : memref<!tpu.dma_semaphore, #tpu.memory_space<semaphore_mem>>)
      %add3A_34 = arith.constant 16 : i32
      %add3A_35 = arith.addi %add3A_34, %arg1 : i32
      %mul3A_36 = arith.constant 128 : i32
      %mul3A_37 = arith.muli %add3A_35, %mul3A_36 : i32
      %dma_start3A_38 = arith.constant 0 : i32
      %dma_start3A_39 = arith.constant 1 : i32
      %dma_start3A_40 = arith.constant 0 : i32
      %dma_start3A_41 = tpu.memref_slice %arg12[%dma_start3A_39, %dma_start3A_40] : memref<2x128xi32, #tpu.memory_space<vmem>> -> memref<1x128xi32, #tpu.memory_space<vmem>>
      %dma_start3A_42 = tpu.memref_squeeze %dma_start3A_41 : memref<1x128xi32, #tpu.memory_space<vmem>> -> memref<128xi32, #tpu.memory_space<vmem>>
      %dma_start3A_43 = tpu.memref_slice %arg6[%dma_start3A_38, %mul3A_37] : memref<2x327680xi32, #tpu.memory_space<hbm>> -> memref<1x128xi32, #tpu.memory_space<hbm>>
      %dma_start3A_44 = tpu.memref_squeeze %dma_start3A_43 : memref<1x128xi32, #tpu.memory_space<hbm>> -> memref<128xi32, #tpu.memory_space<hbm>>
      %dma_start3A_45 = arith.constant 0 : i32
      %dma_start3A_46 = tpu.memref_slice %arg12[%dma_start3A_39, %dma_start3A_45] : memref<2x128xi32, #tpu.memory_space<vmem>> -> memref<1x128xi32, #tpu.memory_space<vmem>>
      %dma_start3A_47 = tpu.memref_squeeze %dma_start3A_46 : memref<1x128xi32, #tpu.memory_space<vmem>> -> memref<128xi32, #tpu.memory_space<vmem>>
      %dma_start3A_48 = tpu.memref_slice %arg6[%dma_start3A_38, %mul3A_37] : memref<2x327680xi32, #tpu.memory_space<hbm>> -> memref<1x128xi32, #tpu.memory_space<hbm>>
      %dma_start3A_49 = tpu.memref_squeeze %dma_start3A_48 : memref<1x128xi32, #tpu.memory_space<hbm>> -> memref<128xi32, #tpu.memory_space<hbm>>
      tpu.enqueue_dma source(%dma_start3A_49 : memref<128xi32, #tpu.memory_space<hbm>>) target(%dma_start3A_47 : memref<128xi32, #tpu.memory_space<vmem>>) target_semaphore(%arg20 : memref<!tpu.dma_semaphore, #tpu.memory_space<semaphore_mem>>)
      %dma_start3A_50 = arith.constant 1 : i32
      %dma_start3A_51 = arith.constant 1 : i32
      %dma_start3A_52 = arith.constant 0 : i32
      %dma_start3A_53 = tpu.memref_slice %arg13[%dma_start3A_51, %dma_start3A_52] : memref<2x128xi32, #tpu.memory_space<vmem>> -> memref<1x128xi32, #tpu.memory_space<vmem>>
      %dma_start3A_54 = tpu.memref_squeeze %dma_start3A_53 : memref<1x128xi32, #tpu.memory_space<vmem>> -> memref<128xi32, #tpu.memory_space<vmem>>
      %dma_start3A_55 = tpu.memref_slice %arg6[%dma_start3A_50, %mul3A_37] : memref<2x327680xi32, #tpu.memory_space<hbm>> -> memref<1x128xi32, #tpu.memory_space<hbm>>
      %dma_start3A_56 = tpu.memref_squeeze %dma_start3A_55 : memref<1x128xi32, #tpu.memory_space<hbm>> -> memref<128xi32, #tpu.memory_space<hbm>>
      %dma_start3A_57 = arith.constant 0 : i32
      %dma_start3A_58 = tpu.memref_slice %arg13[%dma_start3A_51, %dma_start3A_57] : memref<2x128xi32, #tpu.memory_space<vmem>> -> memref<1x128xi32, #tpu.memory_space<vmem>>
      %dma_start3A_59 = tpu.memref_squeeze %dma_start3A_58 : memref<1x128xi32, #tpu.memory_space<vmem>> -> memref<128xi32, #tpu.memory_space<vmem>>
      %dma_start3A_60 = tpu.memref_slice %arg6[%dma_start3A_50, %mul3A_37] : memref<2x327680xi32, #tpu.memory_space<hbm>> -> memref<1x128xi32, #tpu.memory_space<hbm>>
      %dma_start3A_61 = tpu.memref_squeeze %dma_start3A_60 : memref<1x128xi32, #tpu.memory_space<hbm>> -> memref<128xi32, #tpu.memory_space<hbm>>
      tpu.enqueue_dma source(%dma_start3A_61 : memref<128xi32, #tpu.memory_space<hbm>>) target(%dma_start3A_59 : memref<128xi32, #tpu.memory_space<vmem>>) target_semaphore(%arg20 : memref<!tpu.dma_semaphore, #tpu.memory_space<semaphore_mem>>)
      %add3A_62 = arith.constant 0 : i32
      %add3A_63 = arith.addi %add3A_62, %arg1 : i32
      %mul3A_64 = arith.constant 128 : i32
      %mul3A_65 = arith.muli %add3A_63, %mul3A_64 : i32
      %dma_wait3A = arith.constant 0 : i32
      %dma_wait3A_66 = arith.constant 0 : i32
      %dma_wait3A_67 = arith.constant 0 : i32
      %dma_wait3A_68 = tpu.memref_slice %arg12[%dma_wait3A_66, %dma_wait3A_67] : memref<2x128xi32, #tpu.memory_space<vmem>> -> memref<1x128xi32, #tpu.memory_space<vmem>>
      %dma_wait3A_69 = tpu.memref_squeeze %dma_wait3A_68 : memref<1x128xi32, #tpu.memory_space<vmem>> -> memref<128xi32, #tpu.memory_space<vmem>>
      %dma_wait3A_70 = tpu.memref_slice %arg6[%dma_wait3A, %mul3A_65] : memref<2x327680xi32, #tpu.memory_space<hbm>> -> memref<1x128xi32, #tpu.memory_space<hbm>>
      %dma_wait3A_71 = tpu.memref_squeeze %dma_wait3A_70 : memref<1x128xi32, #tpu.memory_space<hbm>> -> memref<128xi32, #tpu.memory_space<hbm>>
      %dma_wait3A_72 = arith.constant 0 : i32
      %dma_wait3A_73 = tpu.memref_slice %arg12[%dma_wait3A_66, %dma_wait3A_72] : memref<2x128xi32, #tpu.memory_space<vmem>> -> memref<1x128xi32, #tpu.memory_space<vmem>>
      %dma_wait3A_74 = tpu.memref_squeeze %dma_wait3A_73 : memref<1x128xi32, #tpu.memory_space<vmem>> -> memref<128xi32, #tpu.memory_space<vmem>>
      %dma_wait3A_75 = tpu.memref_slice %arg6[%dma_wait3A, %mul3A_65] : memref<2x327680xi32, #tpu.memory_space<hbm>> -> memref<1x128xi32, #tpu.memory_space<hbm>>
      %dma_wait3A_76 = tpu.memref_squeeze %dma_wait3A_75 : memref<1x128xi32, #tpu.memory_space<hbm>> -> memref<128xi32, #tpu.memory_space<hbm>>
      tpu.wait_dma2 semaphore(%arg19 : memref<!tpu.dma_semaphore, #tpu.memory_space<semaphore_mem>>) src(%dma_wait3A_76 : memref<128xi32, #tpu.memory_space<hbm>>) dst(%dma_wait3A_74 : memref<128xi32, #tpu.memory_space<vmem>>)
      %dma_wait3A_77 = arith.constant 1 : i32
      %dma_wait3A_78 = arith.constant 0 : i32
      %dma_wait3A_79 = arith.constant 0 : i32
      %dma_wait3A_80 = tpu.memref_slice %arg13[%dma_wait3A_78, %dma_wait3A_79] : memref<2x128xi32, #tpu.memory_space<vmem>> -> memref<1x128xi32, #tpu.memory_space<vmem>>
      %dma_wait3A_81 = tpu.memref_squeeze %dma_wait3A_80 : memref<1x128xi32, #tpu.memory_space<vmem>> -> memref<128xi32, #tpu.memory_space<vmem>>
      %dma_wait3A_82 = tpu.memref_slice %arg6[%dma_wait3A_77, %mul3A_65] : memref<2x327680xi32, #tpu.memory_space<hbm>> -> memref<1x128xi32, #tpu.memory_space<hbm>>
      %dma_wait3A_83 = tpu.memref_squeeze %dma_wait3A_82 : memref<1x128xi32, #tpu.memory_space<hbm>> -> memref<128xi32, #tpu.memory_space<hbm>>
      %dma_wait3A_84 = arith.constant 0 : i32
      %dma_wait3A_85 = tpu.memref_slice %arg13[%dma_wait3A_78, %dma_wait3A_84] : memref<2x128xi32, #tpu.memory_space<vmem>> -> memref<1x128xi32, #tpu.memory_space<vmem>>
      %dma_wait3A_86 = tpu.memref_squeeze %dma_wait3A_85 : memref<1x128xi32, #tpu.memory_space<vmem>> -> memref<128xi32, #tpu.memory_space<vmem>>
      %dma_wait3A_87 = tpu.memref_slice %arg6[%dma_wait3A_77, %mul3A_65] : memref<2x327680xi32, #tpu.memory_space<hbm>> -> memref<1x128xi32, #tpu.memory_space<hbm>>
      %dma_wait3A_88 = tpu.memref_squeeze %dma_wait3A_87 : memref<1x128xi32, #tpu.memory_space<hbm>> -> memref<128xi32, #tpu.memory_space<hbm>>
      tpu.wait_dma2 semaphore(%arg19 : memref<!tpu.dma_semaphore, #tpu.memory_space<semaphore_mem>>) src(%dma_wait3A_88 : memref<128xi32, #tpu.memory_space<hbm>>) dst(%dma_wait3A_86 : memref<128xi32, #tpu.memory_space<vmem>>)
      %dma_start3A_89 = arith.constant 0 : i32
      %dma_start3A_90 = arith.constant 0 : i32
      %dma_start3A_91 = tpu.memref_slice %arg12[%dma_start3A_89, %dma_start3A_90] : memref<2x128xi32, #tpu.memory_space<vmem>> -> memref<1x128xi32, #tpu.memory_space<vmem>>
      %dma_start3A_92 = tpu.memref_squeeze %dma_start3A_91 : memref<1x128xi32, #tpu.memory_space<vmem>> -> memref<128xi32, #tpu.memory_space<vmem>>
      %dma_start3A_93 = arith.constant 0 : i32
      %dma_start3A_94 = arith.constant 0 : i32
      %dma_start3A_95 = tpu.memref_slice %arg4[%dma_start3A_93, %dma_start3A_94] : memref<10240x128xf32, #tpu.memory_space<hbm>> -> memref<10240x128xf32, #tpu.memory_space<hbm>>
      tpu.enqueue_indirect_dma source(%dma_start3A_95 : memref<10240x128xf32, #tpu.memory_space<hbm>>) target(%arg14 : memref<128x128xf32, #tpu.memory_space<vmem>>) offsets(%dma_start3A_92 : memref<128xi32, #tpu.memory_space<vmem>>) semaphore(%arg17 : memref<!tpu.dma_semaphore, #tpu.memory_space<semaphore_mem>>)
      %scan3A = arith.constant 0 : i32
      %scan3A_96 = arith.constant 0 : i32
      %scan3A_97 = arith.constant 80 : i32
      %scan3A_98 = arith.addi %scan3A_96, %scan3A_97 : i32
      %scan3A_99 = arith.constant 1 : i32
      %scan3A_100 = scf.for %scan3A_204 = %scan3A_96 to %scan3A_98 step %scan3A_99 iter_args(%scan3A_205 = %scan3A) -> (i32)  : i32 {
        %mul3A_206 = arith.constant 2 : i32
        %mul3A_207 = arith.muli %mul3A_206, %scan3A_204 : i32
        %add3A_208 = arith.constant 1 : i32
        %add3A_209 = arith.addi %mul3A_207, %add3A_208 : i32
        %mul3A_210 = arith.constant 16 : i32
        %mul3A_211 = arith.muli %add3A_209, %mul3A_210 : i32
        %add3A_212 = arith.addi %mul3A_211, %arg1 : i32
        %mul3A_213 = arith.constant 128 : i32
        %mul3A_214 = arith.muli %add3A_212, %mul3A_213 : i32
        %dma_wait3A_215 = arith.constant 0 : i32
        %dma_wait3A_216 = arith.constant 1 : i32
        %dma_wait3A_217 = arith.constant 0 : i32
        %dma_wait3A_218 = tpu.memref_slice %arg12[%dma_wait3A_216, %dma_wait3A_217] : memref<2x128xi32, #tpu.memory_space<vmem>> -> memref<1x128xi32, #tpu.memory_space<vmem>>
        %dma_wait3A_219 = tpu.memref_squeeze %dma_wait3A_218 : memref<1x128xi32, #tpu.memory_space<vmem>> -> memref<128xi32, #tpu.memory_space<vmem>>
        %dma_wait3A_220 = tpu.memref_slice %arg6[%dma_wait3A_215, %mul3A_214] : memref<2x327680xi32, #tpu.memory_space<hbm>> -> memref<1x128xi32, #tpu.memory_space<hbm>>
        %dma_wait3A_221 = tpu.memref_squeeze %dma_wait3A_220 : memref<1x128xi32, #tpu.memory_space<hbm>> -> memref<128xi32, #tpu.memory_space<hbm>>
        %dma_wait3A_222 = arith.constant 0 : i32
        %dma_wait3A_223 = tpu.memref_slice %arg12[%dma_wait3A_216, %dma_wait3A_222] : memref<2x128xi32, #tpu.memory_space<vmem>> -> memref<1x128xi32, #tpu.memory_space<vmem>>
        %dma_wait3A_224 = tpu.memref_squeeze %dma_wait3A_223 : memref<1x128xi32, #tpu.memory_space<vmem>> -> memref<128xi32, #tpu.memory_space<vmem>>
        %dma_wait3A_225 = tpu.memref_slice %arg6[%dma_wait3A_215, %mul3A_214] : memref<2x327680xi32, #tpu.memory_space<hbm>> -> memref<1x128xi32, #tpu.memory_space<hbm>>
        %dma_wait3A_226 = tpu.memref_squeeze %dma_wait3A_225 : memref<1x128xi32, #tpu.memory_space<hbm>> -> memref<128xi32, #tpu.memory_space<hbm>>
        tpu.wait_dma2 semaphore(%arg20 : memref<!tpu.dma_semaphore, #tpu.memory_space<semaphore_mem>>) src(%dma_wait3A_226 : memref<128xi32, #tpu.memory_space<hbm>>) dst(%dma_wait3A_224 : memref<128xi32, #tpu.memory_space<vmem>>)
        %dma_wait3A_227 = arith.constant 1 : i32
        %dma_wait3A_228 = arith.constant 1 : i32
        %dma_wait3A_229 = arith.constant 0 : i32
        %dma_wait3A_230 = tpu.memref_slice %arg13[%dma_wait3A_228, %dma_wait3A_229] : memref<2x128xi32, #tpu.memory_space<vmem>> -> memref<1x128xi32, #tpu.memory_space<vmem>>
        %dma_wait3A_231 = tpu.memref_squeeze %dma_wait3A_230 : memref<1x128xi32, #tpu.memory_space<vmem>> -> memref<128xi32, #tpu.memory_space<vmem>>
        %dma_wait3A_232 = tpu.memref_slice %arg6[%dma_wait3A_227, %mul3A_214] : memref<2x327680xi32, #tpu.memory_space<hbm>> -> memref<1x128xi32, #tpu.memory_space<hbm>>
        %dma_wait3A_233 = tpu.memref_squeeze %dma_wait3A_232 : memref<1x128xi32, #tpu.memory_space<hbm>> -> memref<128xi32, #tpu.memory_space<hbm>>
        %dma_wait3A_234 = arith.constant 0 : i32
        %dma_wait3A_235 = tpu.memref_slice %arg13[%dma_wait3A_228, %dma_wait3A_234] : memref<2x128xi32, #tpu.memory_space<vmem>> -> memref<1x128xi32, #tpu.memory_space<vmem>>
        %dma_wait3A_236 = tpu.memref_squeeze %dma_wait3A_235 : memref<1x128xi32, #tpu.memory_space<vmem>> -> memref<128xi32, #tpu.memory_space<vmem>>
        %dma_wait3A_237 = tpu.memref_slice %arg6[%dma_wait3A_227, %mul3A_214] : memref<2x327680xi32, #tpu.memory_space<hbm>> -> memref<1x128xi32, #tpu.memory_space<hbm>>
        %dma_wait3A_238 = tpu.memref_squeeze %dma_wait3A_237 : memref<1x128xi32, #tpu.memory_space<hbm>> -> memref<128xi32, #tpu.memory_space<hbm>>
        tpu.wait_dma2 semaphore(%arg20 : memref<!tpu.dma_semaphore, #tpu.memory_space<semaphore_mem>>) src(%dma_wait3A_238 : memref<128xi32, #tpu.memory_space<hbm>>) dst(%dma_wait3A_236 : memref<128xi32, #tpu.memory_space<vmem>>)
        %dma_start3A_239 = arith.constant 1 : i32
        %dma_start3A_240 = arith.constant 0 : i32
        %dma_start3A_241 = tpu.memref_slice %arg12[%dma_start3A_239, %dma_start3A_240] : memref<2x128xi32, #tpu.memory_space<vmem>> -> memref<1x128xi32, #tpu.memory_space<vmem>>
        %dma_start3A_242 = tpu.memref_squeeze %dma_start3A_241 : memref<1x128xi32, #tpu.memory_space<vmem>> -> memref<128xi32, #tpu.memory_space<vmem>>
        %dma_start3A_243 = arith.constant 0 : i32
        %dma_start3A_244 = arith.constant 0 : i32
        %dma_start3A_245 = tpu.memref_slice %arg4[%dma_start3A_243, %dma_start3A_244] : memref<10240x128xf32, #tpu.memory_space<hbm>> -> memref<10240x128xf32, #tpu.memory_space<hbm>>
        tpu.enqueue_indirect_dma source(%dma_start3A_245 : memref<10240x128xf32, #tpu.memory_space<hbm>>) target(%arg15 : memref<128x128xf32, #tpu.memory_space<vmem>>) offsets(%dma_start3A_242 : memref<128xi32, #tpu.memory_space<vmem>>) semaphore(%arg18 : memref<!tpu.dma_semaphore, #tpu.memory_space<semaphore_mem>>)
        %dma_wait3A_246 = arith.constant 0 : i32
        %dma_wait3A_247 = arith.constant 0 : i32
        %dma_wait3A_248 = tpu.memref_slice %arg12[%dma_wait3A_246, %dma_wait3A_247] : memref<2x128xi32, #tpu.memory_space<vmem>> -> memref<1x128xi32, #tpu.memory_space<vmem>>
        %dma_wait3A_249 = tpu.memref_squeeze %dma_wait3A_248 : memref<1x128xi32, #tpu.memory_space<vmem>> -> memref<128xi32, #tpu.memory_space<vmem>>
        %dma_wait3A_250 = arith.constant 0 : i32
        %dma_wait3A_251 = arith.constant 0 : i32
        %dma_wait3A_252 = tpu.memref_slice %arg4[%dma_wait3A_250, %dma_wait3A_251] : memref<10240x128xf32, #tpu.memory_space<hbm>> -> memref<10240x128xf32, #tpu.memory_space<hbm>>
        tpu.wait_indirect_dma semaphore(%arg17 : memref<!tpu.dma_semaphore, #tpu.memory_space<semaphore_mem>>) src(%dma_wait3A_252 : memref<10240x128xf32, #tpu.memory_space<hbm>>) dst(%arg14 : memref<128x128xf32, #tpu.memory_space<vmem>>)
        %run_scoped3A = arith.constant 0 : i32
        "tpu.region"() ({
          %run_scoped3A_275 = tpu.sem_alloc : memref<!tpu.dma_semaphore, #tpu.memory_space<semaphore_mem>>
          %dma_start3A_276 = arith.constant 0 : i32
          %dma_start3A_277 = tpu.memref_slice %arg13[%run_scoped3A, %dma_start3A_276] : memref<2x128xi32, #tpu.memory_space<vmem>> -> memref<1x128xi32, #tpu.memory_space<vmem>>
          %dma_start3A_278 = tpu.memref_squeeze %dma_start3A_277 : memref<1x128xi32, #tpu.memory_space<vmem>> -> memref<128xi32, #tpu.memory_space<vmem>>
          %dma_start3A_279 = arith.constant 0 : i32
          %dma_start3A_280 = arith.constant 0 : i32
          %dma_start3A_281 = tpu.memref_slice %arg16[%dma_start3A_279, %dma_start3A_280] : memref<10240x128xf32, #tpu.memory_space<vmem_shared>> -> memref<10240x128xf32, #tpu.memory_space<vmem_shared>>
          tpu.enqueue_indirect_dma source(%arg14 : memref<128x128xf32, #tpu.memory_space<vmem>>) target(%dma_start3A_281 : memref<10240x128xf32, #tpu.memory_space<vmem_shared>>) offsets(%dma_start3A_278 : memref<128xi32, #tpu.memory_space<vmem>>) semaphore(%run_scoped3A_275 : memref<!tpu.dma_semaphore, #tpu.memory_space<semaphore_mem>>) {add = true}
          %dma_wait3A_282 = arith.constant 0 : i32
          %dma_wait3A_283 = tpu.memref_slice %arg13[%run_scoped3A, %dma_wait3A_282] : memref<2x128xi32, #tpu.memory_space<vmem>> -> memref<1x128xi32, #tpu.memory_space<vmem>>
          %dma_wait3A_284 = tpu.memref_squeeze %dma_wait3A_283 : memref<1x128xi32, #tpu.memory_space<vmem>> -> memref<128xi32, #tpu.memory_space<vmem>>
          %dma_wait3A_285 = arith.constant 0 : i32
          %dma_wait3A_286 = arith.constant 0 : i32
          %dma_wait3A_287 = tpu.memref_slice %arg16[%dma_wait3A_285, %dma_wait3A_286] : memref<10240x128xf32, #tpu.memory_space<vmem_shared>> -> memref<10240x128xf32, #tpu.memory_space<vmem_shared>>
          tpu.wait_indirect_dma semaphore(%run_scoped3A_275 : memref<!tpu.dma_semaphore, #tpu.memory_space<semaphore_mem>>) src(%arg14 : memref<128x128xf32, #tpu.memory_space<vmem>>) dst(%dma_wait3A_287 : memref<10240x128xf32, #tpu.memory_space<vmem_shared>>)
          tpu.yield
        }) : () -> ()
        %add3A_253 = arith.constant 2 : i32
        %add3A_254 = arith.addi %mul3A_207, %add3A_253 : i32
        %lt3A = arith.constant 160 : i32
        %lt3A_255 = arith.cmpi slt, %add3A_254, %lt3A : i32
        %convert_element_type3A_256 = arith.extui %lt3A_255 : i1 to i32
        %cond3A_257 = arith.constant 0 : i32
        %cond3A_258 = arith.cmpi ne, %convert_element_type3A_256, %cond3A_257 : i32
        scf.if %cond3A_258 {
          %add3A_275 = arith.constant 2 : i32
          %add3A_276 = arith.addi %mul3A_207, %add3A_275 : i32
          %mul3A_277 = arith.constant 16 : i32
          %mul3A_278 = arith.muli %add3A_276, %mul3A_277 : i32
          %add3A_279 = arith.addi %mul3A_278, %arg1 : i32
          %mul3A_280 = arith.constant 128 : i32
          %mul3A_281 = arith.muli %add3A_279, %mul3A_280 : i32
          %dma_start3A_282 = arith.constant 0 : i32
          %dma_start3A_283 = arith.constant 0 : i32
          %dma_start3A_284 = arith.constant 0 : i32
          %dma_start3A_285 = tpu.memref_slice %arg12[%dma_start3A_283, %dma_start3A_284] : memref<2x128xi32, #tpu.memory_space<vmem>> -> memref<1x128xi32, #tpu.memory_space<vmem>>
          %dma_start3A_286 = tpu.memref_squeeze %dma_start3A_285 : memref<1x128xi32, #tpu.memory_space<vmem>> -> memref<128xi32, #tpu.memory_space<vmem>>
          %dma_start3A_287 = tpu.memref_slice %arg6[%dma_start3A_282, %mul3A_281] : memref<2x327680xi32, #tpu.memory_space<hbm>> -> memref<1x128xi32, #tpu.memory_space<hbm>>
          %dma_start3A_288 = tpu.memref_squeeze %dma_start3A_287 : memref<1x128xi32, #tpu.memory_space<hbm>> -> memref<128xi32, #tpu.memory_space<hbm>>
          %dma_start3A_289 = arith.constant 0 : i32
          %dma_start3A_290 = tpu.memref_slice %arg12[%dma_start3A_283, %dma_start3A_289] : memref<2x128xi32, #tpu.memory_space<vmem>> -> memref<1x128xi32, #tpu.memory_space<vmem>>
          %dma_start3A_291 = tpu.memref_squeeze %dma_start3A_290 : memref<1x128xi32, #tpu.memory_space<vmem>> -> memref<128xi32, #tpu.memory_space<vmem>>
          %dma_start3A_292 = tpu.memref_slice %arg6[%dma_start3A_282, %mul3A_281] : memref<2x327680xi32, #tpu.memory_space<hbm>> -> memref<1x128xi32, #tpu.memory_space<hbm>>
          %dma_start3A_293 = tpu.memref_squeeze %dma_start3A_292 : memref<1x128xi32, #tpu.memory_space<hbm>> -> memref<128xi32, #tpu.memory_space<hbm>>
          tpu.enqueue_dma source(%dma_start3A_293 : memref<128xi32, #tpu.memory_space<hbm>>) target(%dma_start3A_291 : memref<128xi32, #tpu.memory_space<vmem>>) target_semaphore(%arg19 : memref<!tpu.dma_semaphore, #tpu.memory_space<semaphore_mem>>)
          %dma_start3A_294 = arith.constant 1 : i32
          %dma_start3A_295 = arith.constant 0 : i32
          %dma_start3A_296 = arith.constant 0 : i32
          %dma_start3A_297 = tpu.memref_slice %arg13[%dma_start3A_295, %dma_start3A_296] : memref<2x128xi32, #tpu.memory_space<vmem>> -> memref<1x128xi32, #tpu.memory_space<vmem>>
          %dma_start3A_298 = tpu.memref_squeeze %dma_start3A_297 : memref<1x128xi32, #tpu.memory_space<vmem>> -> memref<128xi32, #tpu.memory_space<vmem>>
          %dma_start3A_299 = tpu.memref_slice %arg6[%dma_start3A_294, %mul3A_281] : memref<2x327680xi32, #tpu.memory_space<hbm>> -> memref<1x128xi32, #tpu.memory_space<hbm>>
          %dma_start3A_300 = tpu.memref_squeeze %dma_start3A_299 : memref<1x128xi32, #tpu.memory_space<hbm>> -> memref<128xi32, #tpu.memory_space<hbm>>
          %dma_start3A_301 = arith.constant 0 : i32
          %dma_start3A_302 = tpu.memref_slice %arg13[%dma_start3A_295, %dma_start3A_301] : memref<2x128xi32, #tpu.memory_space<vmem>> -> memref<1x128xi32, #tpu.memory_space<vmem>>
          %dma_start3A_303 = tpu.memref_squeeze %dma_start3A_302 : memref<1x128xi32, #tpu.memory_space<vmem>> -> memref<128xi32, #tpu.memory_space<vmem>>
          %dma_start3A_304 = tpu.memref_slice %arg6[%dma_start3A_294, %mul3A_281] : memref<2x327680xi32, #tpu.memory_space<hbm>> -> memref<1x128xi32, #tpu.memory_space<hbm>>
          %dma_start3A_305 = tpu.memref_squeeze %dma_start3A_304 : memref<1x128xi32, #tpu.memory_space<hbm>> -> memref<128xi32, #tpu.memory_space<hbm>>
          tpu.enqueue_dma source(%dma_start3A_305 : memref<128xi32, #tpu.memory_space<hbm>>) target(%dma_start3A_303 : memref<128xi32, #tpu.memory_space<vmem>>) target_semaphore(%arg19 : memref<!tpu.dma_semaphore, #tpu.memory_space<semaphore_mem>>)
          %add3A_306 = arith.constant 2 : i32
          %add3A_307 = arith.addi %mul3A_207, %add3A_306 : i32
          %mul3A_308 = arith.constant 16 : i32
          %mul3A_309 = arith.muli %add3A_307, %mul3A_308 : i32
          %add3A_310 = arith.addi %mul3A_309, %arg1 : i32
          %mul3A_311 = arith.constant 128 : i32
          %mul3A_312 = arith.muli %add3A_310, %mul3A_311 : i32
          %dma_wait3A_313 = arith.constant 0 : i32
          %dma_wait3A_314 = arith.constant 0 : i32
          %dma_wait3A_315 = arith.constant 0 : i32
          %dma_wait3A_316 = tpu.memref_slice %arg12[%dma_wait3A_314, %dma_wait3A_315] : memref<2x128xi32, #tpu.memory_space<vmem>> -> memref<1x128xi32, #tpu.memory_space<vmem>>
          %dma_wait3A_317 = tpu.memref_squeeze %dma_wait3A_316 : memref<1x128xi32, #tpu.memory_space<vmem>> -> memref<128xi32, #tpu.memory_space<vmem>>
          %dma_wait3A_318 = tpu.memref_slice %arg6[%dma_wait3A_313, %mul3A_312] : memref<2x327680xi32, #tpu.memory_space<hbm>> -> memref<1x128xi32, #tpu.memory_space<hbm>>
          %dma_wait3A_319 = tpu.memref_squeeze %dma_wait3A_318 : memref<1x128xi32, #tpu.memory_space<hbm>> -> memref<128xi32, #tpu.memory_space<hbm>>
          %dma_wait3A_320 = arith.constant 0 : i32
          %dma_wait3A_321 = tpu.memref_slice %arg12[%dma_wait3A_314, %dma_wait3A_320] : memref<2x128xi32, #tpu.memory_space<vmem>> -> memref<1x128xi32, #tpu.memory_space<vmem>>
          %dma_wait3A_322 = tpu.memref_squeeze %dma_wait3A_321 : memref<1x128xi32, #tpu.memory_space<vmem>> -> memref<128xi32, #tpu.memory_space<vmem>>
          %dma_wait3A_323 = tpu.memref_slice %arg6[%dma_wait3A_313, %mul3A_312] : memref<2x327680xi32, #tpu.memory_space<hbm>> -> memref<1x128xi32, #tpu.memory_space<hbm>>
          %dma_wait3A_324 = tpu.memref_squeeze %dma_wait3A_323 : memref<1x128xi32, #tpu.memory_space<hbm>> -> memref<128xi32, #tpu.memory_space<hbm>>
          tpu.wait_dma2 semaphore(%arg19 : memref<!tpu.dma_semaphore, #tpu.memory_space<semaphore_mem>>) src(%dma_wait3A_324 : memref<128xi32, #tpu.memory_space<hbm>>) dst(%dma_wait3A_322 : memref<128xi32, #tpu.memory_space<vmem>>)
          %dma_wait3A_325 = arith.constant 1 : i32
          %dma_wait3A_326 = arith.constant 0 : i32
          %dma_wait3A_327 = arith.constant 0 : i32
          %dma_wait3A_328 = tpu.memref_slice %arg13[%dma_wait3A_326, %dma_wait3A_327] : memref<2x128xi32, #tpu.memory_space<vmem>> -> memref<1x128xi32, #tpu.memory_space<vmem>>
          %dma_wait3A_329 = tpu.memref_squeeze %dma_wait3A_328 : memref<1x128xi32, #tpu.memory_space<vmem>> -> memref<128xi32, #tpu.memory_space<vmem>>
          %dma_wait3A_330 = tpu.memref_slice %arg6[%dma_wait3A_325, %mul3A_312] : memref<2x327680xi32, #tpu.memory_space<hbm>> -> memref<1x128xi32, #tpu.memory_space<hbm>>
          %dma_wait3A_331 = tpu.memref_squeeze %dma_wait3A_330 : memref<1x128xi32, #tpu.memory_space<hbm>> -> memref<128xi32, #tpu.memory_space<hbm>>
          %dma_wait3A_332 = arith.constant 0 : i32
          %dma_wait3A_333 = tpu.memref_slice %arg13[%dma_wait3A_326, %dma_wait3A_332] : memref<2x128xi32, #tpu.memory_space<vmem>> -> memref<1x128xi32, #tpu.memory_space<vmem>>
          %dma_wait3A_334 = tpu.memref_squeeze %dma_wait3A_333 : memref<1x128xi32, #tpu.memory_space<vmem>> -> memref<128xi32, #tpu.memory_space<vmem>>
          %dma_wait3A_335 = tpu.memref_slice %arg6[%dma_wait3A_325, %mul3A_312] : memref<2x327680xi32, #tpu.memory_space<hbm>> -> memref<1x128xi32, #tpu.memory_space<hbm>>
          %dma_wait3A_336 = tpu.memref_squeeze %dma_wait3A_335 : memref<1x128xi32, #tpu.memory_space<hbm>> -> memref<128xi32, #tpu.memory_space<hbm>>
          tpu.wait_dma2 semaphore(%arg19 : memref<!tpu.dma_semaphore, #tpu.memory_space<semaphore_mem>>) src(%dma_wait3A_336 : memref<128xi32, #tpu.memory_space<hbm>>) dst(%dma_wait3A_334 : memref<128xi32, #tpu.memory_space<vmem>>)
          %dma_start3A_337 = arith.constant 0 : i32
          %dma_start3A_338 = arith.constant 0 : i32
          %dma_start3A_339 = tpu.memref_slice %arg12[%dma_start3A_337, %dma_start3A_338] : memref<2x128xi32, #tpu.memory_space<vmem>> -> memref<1x128xi32, #tpu.memory_space<vmem>>
          %dma_start3A_340 = tpu.memref_squeeze %dma_start3A_339 : memref<1x128xi32, #tpu.memory_space<vmem>> -> memref<128xi32, #tpu.memory_space<vmem>>
          %dma_start3A_341 = arith.constant 0 : i32
          %dma_start3A_342 = arith.constant 0 : i32
          %dma_start3A_343 = tpu.memref_slice %arg4[%dma_start3A_341, %dma_start3A_342] : memref<10240x128xf32, #tpu.memory_space<hbm>> -> memref<10240x128xf32, #tpu.memory_space<hbm>>
          tpu.enqueue_indirect_dma source(%dma_start3A_343 : memref<10240x128xf32, #tpu.memory_space<hbm>>) target(%arg14 : memref<128x128xf32, #tpu.memory_space<vmem>>) offsets(%dma_start3A_340 : memref<128xi32, #tpu.memory_space<vmem>>) semaphore(%arg17 : memref<!tpu.dma_semaphore, #tpu.memory_space<semaphore_mem>>)
        } else {
        }
        %dma_wait3A_259 = arith.constant 1 : i32
        %dma_wait3A_260 = arith.constant 0 : i32
        %dma_wait3A_261 = tpu.memref_slice %arg12[%dma_wait3A_259, %dma_wait3A_260] : memref<2x128xi32, #tpu.memory_space<vmem>> -> memref<1x128xi32, #tpu.memory_space<vmem>>
        %dma_wait3A_262 = tpu.memref_squeeze %dma_wait3A_261 : memref<1x128xi32, #tpu.memory_space<vmem>> -> memref<128xi32, #tpu.memory_space<vmem>>
        %dma_wait3A_263 = arith.constant 0 : i32
        %dma_wait3A_264 = arith.constant 0 : i32
        %dma_wait3A_265 = tpu.memref_slice %arg4[%dma_wait3A_263, %dma_wait3A_264] : memref<10240x128xf32, #tpu.memory_space<hbm>> -> memref<10240x128xf32, #tpu.memory_space<hbm>>
        tpu.wait_indirect_dma semaphore(%arg18 : memref<!tpu.dma_semaphore, #tpu.memory_space<semaphore_mem>>) src(%dma_wait3A_265 : memref<10240x128xf32, #tpu.memory_space<hbm>>) dst(%arg15 : memref<128x128xf32, #tpu.memory_space<vmem>>)
        %run_scoped3A_266 = arith.constant 1 : i32
        "tpu.region"() ({
          %run_scoped3A_275 = tpu.sem_alloc : memref<!tpu.dma_semaphore, #tpu.memory_space<semaphore_mem>>
          %dma_start3A_276 = arith.constant 0 : i32
          %dma_start3A_277 = tpu.memref_slice %arg13[%run_scoped3A_266, %dma_start3A_276] : memref<2x128xi32, #tpu.memory_space<vmem>> -> memref<1x128xi32, #tpu.memory_space<vmem>>
          %dma_start3A_278 = tpu.memref_squeeze %dma_start3A_277 : memref<1x128xi32, #tpu.memory_space<vmem>> -> memref<128xi32, #tpu.memory_space<vmem>>
          %dma_start3A_279 = arith.constant 0 : i32
          %dma_start3A_280 = arith.constant 0 : i32
          %dma_start3A_281 = tpu.memref_slice %arg16[%dma_start3A_279, %dma_start3A_280] : memref<10240x128xf32, #tpu.memory_space<vmem_shared>> -> memref<10240x128xf32, #tpu.memory_space<vmem_shared>>
          tpu.enqueue_indirect_dma source(%arg15 : memref<128x128xf32, #tpu.memory_space<vmem>>) target(%dma_start3A_281 : memref<10240x128xf32, #tpu.memory_space<vmem_shared>>) offsets(%dma_start3A_278 : memref<128xi32, #tpu.memory_space<vmem>>) semaphore(%run_scoped3A_275 : memref<!tpu.dma_semaphore, #tpu.memory_space<semaphore_mem>>) {add = true}
          %dma_wait3A_282 = arith.constant 0 : i32
          %dma_wait3A_283 = tpu.memref_slice %arg13[%run_scoped3A_266, %dma_wait3A_282] : memref<2x128xi32, #tpu.memory_space<vmem>> -> memref<1x128xi32, #tpu.memory_space<vmem>>
          %dma_wait3A_284 = tpu.memref_squeeze %dma_wait3A_283 : memref<1x128xi32, #tpu.memory_space<vmem>> -> memref<128xi32, #tpu.memory_space<vmem>>
          %dma_wait3A_285 = arith.constant 0 : i32
          %dma_wait3A_286 = arith.constant 0 : i32
          %dma_wait3A_287 = tpu.memref_slice %arg16[%dma_wait3A_285, %dma_wait3A_286] : memref<10240x128xf32, #tpu.memory_space<vmem_shared>> -> memref<10240x128xf32, #tpu.memory_space<vmem_shared>>
          tpu.wait_indirect_dma semaphore(%run_scoped3A_275 : memref<!tpu.dma_semaphore, #tpu.memory_space<semaphore_mem>>) src(%arg15 : memref<128x128xf32, #tpu.memory_space<vmem>>) dst(%dma_wait3A_287 : memref<10240x128xf32, #tpu.memory_space<vmem_shared>>)
          tpu.yield
        }) : () -> ()
        %add3A_267 = arith.constant 3 : i32
        %add3A_268 = arith.addi %mul3A_207, %add3A_267 : i32
        %lt3A_269 = arith.constant 160 : i32
        %lt3A_270 = arith.cmpi slt, %add3A_268, %lt3A_269 : i32
        %convert_element_type3A_271 = arith.extui %lt3A_270 : i1 to i32
        %cond3A_272 = arith.constant 0 : i32
        %cond3A_273 = arith.cmpi ne, %convert_element_type3A_271, %cond3A_272 : i32
        scf.if %cond3A_273 {
          %add3A_275 = arith.constant 3 : i32
          %add3A_276 = arith.addi %mul3A_207, %add3A_275 : i32
          %mul3A_277 = arith.constant 16 : i32
          %mul3A_278 = arith.muli %add3A_276, %mul3A_277 : i32
          %add3A_279 = arith.addi %mul3A_278, %arg1 : i32
          %mul3A_280 = arith.constant 128 : i32
          %mul3A_281 = arith.muli %add3A_279, %mul3A_280 : i32
          %dma_start3A_282 = arith.constant 0 : i32
          %dma_start3A_283 = arith.constant 1 : i32
          %dma_start3A_284 = arith.constant 0 : i32
          %dma_start3A_285 = tpu.memref_slice %arg12[%dma_start3A_283, %dma_start3A_284] : memref<2x128xi32, #tpu.memory_space<vmem>> -> memref<1x128xi32, #tpu.memory_space<vmem>>
          %dma_start3A_286 = tpu.memref_squeeze %dma_start3A_285 : memref<1x128xi32, #tpu.memory_space<vmem>> -> memref<128xi32, #tpu.memory_space<vmem>>
          %dma_start3A_287 = tpu.memref_slice %arg6[%dma_start3A_282, %mul3A_281] : memref<2x327680xi32, #tpu.memory_space<hbm>> -> memref<1x128xi32, #tpu.memory_space<hbm>>
          %dma_start3A_288 = tpu.memref_squeeze %dma_start3A_287 : memref<1x128xi32, #tpu.memory_space<hbm>> -> memref<128xi32, #tpu.memory_space<hbm>>
          %dma_start3A_289 = arith.constant 0 : i32
          %dma_start3A_290 = tpu.memref_slice %arg12[%dma_start3A_283, %dma_start3A_289] : memref<2x128xi32, #tpu.memory_space<vmem>> -> memref<1x128xi32, #tpu.memory_space<vmem>>
          %dma_start3A_291 = tpu.memref_squeeze %dma_start3A_290 : memref<1x128xi32, #tpu.memory_space<vmem>> -> memref<128xi32, #tpu.memory_space<vmem>>
          %dma_start3A_292 = tpu.memref_slice %arg6[%dma_start3A_282, %mul3A_281] : memref<2x327680xi32, #tpu.memory_space<hbm>> -> memref<1x128xi32, #tpu.memory_space<hbm>>
          %dma_start3A_293 = tpu.memref_squeeze %dma_start3A_292 : memref<1x128xi32, #tpu.memory_space<hbm>> -> memref<128xi32, #tpu.memory_space<hbm>>
          tpu.enqueue_dma source(%dma_start3A_293 : memref<128xi32, #tpu.memory_space<hbm>>) target(%dma_start3A_291 : memref<128xi32, #tpu.memory_space<vmem>>) target_semaphore(%arg20 : memref<!tpu.dma_semaphore, #tpu.memory_space<semaphore_mem>>)
          %dma_start3A_294 = arith.constant 1 : i32
          %dma_start3A_295 = arith.constant 1 : i32
          %dma_start3A_296 = arith.constant 0 : i32
          %dma_start3A_297 = tpu.memref_slice %arg13[%dma_start3A_295, %dma_start3A_296] : memref<2x128xi32, #tpu.memory_space<vmem>> -> memref<1x128xi32, #tpu.memory_space<vmem>>
          %dma_start3A_298 = tpu.memref_squeeze %dma_start3A_297 : memref<1x128xi32, #tpu.memory_space<vmem>> -> memref<128xi32, #tpu.memory_space<vmem>>
          %dma_start3A_299 = tpu.memref_slice %arg6[%dma_start3A_294, %mul3A_281] : memref<2x327680xi32, #tpu.memory_space<hbm>> -> memref<1x128xi32, #tpu.memory_space<hbm>>
          %dma_start3A_300 = tpu.memref_squeeze %dma_start3A_299 : memref<1x128xi32, #tpu.memory_space<hbm>> -> memref<128xi32, #tpu.memory_space<hbm>>
          %dma_start3A_301 = arith.constant 0 : i32
          %dma_start3A_302 = tpu.memref_slice %arg13[%dma_start3A_295, %dma_start3A_301] : memref<2x128xi32, #tpu.memory_space<vmem>> -> memref<1x128xi32, #tpu.memory_space<vmem>>
          %dma_start3A_303 = tpu.memref_squeeze %dma_start3A_302 : memref<1x128xi32, #tpu.memory_space<vmem>> -> memref<128xi32, #tpu.memory_space<vmem>>
          %dma_start3A_304 = tpu.memref_slice %arg6[%dma_start3A_294, %mul3A_281] : memref<2x327680xi32, #tpu.memory_space<hbm>> -> memref<1x128xi32, #tpu.memory_space<hbm>>
          %dma_start3A_305 = tpu.memref_squeeze %dma_start3A_304 : memref<1x128xi32, #tpu.memory_space<hbm>> -> memref<128xi32, #tpu.memory_space<hbm>>
          tpu.enqueue_dma source(%dma_start3A_305 : memref<128xi32, #tpu.memory_space<hbm>>) target(%dma_start3A_303 : memref<128xi32, #tpu.memory_space<vmem>>) target_semaphore(%arg20 : memref<!tpu.dma_semaphore, #tpu.memory_space<semaphore_mem>>)
        } else {
        }
        %scan3A_274 = arith.constant 0 : i32
        scf.yield %scan3A_274 : i32
      }
      %scan3A_101 = arith.constant 80 : i32
      %barrier3A_102 = arith.constant 0 : index
      tpu.barrier barrier_id(%barrier3A_102)
      "tpu.region"() ({
        %run_scoped3A = tpu.sem_alloc : memref<!tpu.dma_semaphore, #tpu.memory_space<semaphore_mem>>
        %dma_start3A_204 = arith.constant 0 : i32
        %dma_start3A_205 = tpu.memref_slice %arg10[%mul3A_0, %dma_start3A_204] : memref<10240x128xf32, #tpu.memory_space<hbm>> -> memref<640x128xf32, #tpu.memory_space<hbm>>
        %dma_start3A_206 = arith.constant 0 : i32
        %dma_start3A_207 = tpu.memref_slice %arg16[%mul3A_0, %dma_start3A_206] : memref<10240x128xf32, #tpu.memory_space<vmem_shared>> -> memref<640x128xf32, #tpu.memory_space<vmem_shared>>
        tpu.enqueue_dma source(%dma_start3A_207 : memref<640x128xf32, #tpu.memory_space<vmem_shared>>) target(%dma_start3A_205 : memref<640x128xf32, #tpu.memory_space<hbm>>) target_semaphore(%run_scoped3A : memref<!tpu.dma_semaphore, #tpu.memory_space<semaphore_mem>>)
        %dma_wait3A_208 = arith.constant 0 : i32
        %dma_wait3A_209 = tpu.memref_slice %arg10[%mul3A_0, %dma_wait3A_208] : memref<10240x128xf32, #tpu.memory_space<hbm>> -> memref<640x128xf32, #tpu.memory_space<hbm>>
        %dma_wait3A_210 = arith.constant 0 : i32
        %dma_wait3A_211 = tpu.memref_slice %arg16[%mul3A_0, %dma_wait3A_210] : memref<10240x128xf32, #tpu.memory_space<vmem_shared>> -> memref<640x128xf32, #tpu.memory_space<vmem_shared>>
        tpu.wait_dma2 semaphore(%run_scoped3A : memref<!tpu.dma_semaphore, #tpu.memory_space<semaphore_mem>>) src(%dma_wait3A_211 : memref<640x128xf32, #tpu.memory_space<vmem_shared>>) dst(%dma_wait3A_209 : memref<640x128xf32, #tpu.memory_space<hbm>>)
        tpu.yield
      }) : () -> ()
      %barrier3A_103 = arith.constant 0 : index
      tpu.barrier barrier_id(%barrier3A_103)
      "tpu.region"() ({
        %run_scoped3A = tpu.sem_alloc : memref<!tpu.dma_semaphore, #tpu.memory_space<semaphore_mem>>
        %dma_start3A_204 = arith.constant 0 : i32
        %dma_start3A_205 = tpu.memref_slice %arg16[%mul3A_0, %dma_start3A_204] : memref<10240x128xf32, #tpu.memory_space<vmem_shared>> -> memref<640x128xf32, #tpu.memory_space<vmem_shared>>
        %dma_start3A_206 = arith.constant 0 : i32
        %dma_start3A_207 = tpu.memref_slice %arg7[%mul3A_0, %dma_start3A_206] : memref<10240x128xf32, #tpu.memory_space<hbm>> -> memref<640x128xf32, #tpu.memory_space<hbm>>
        tpu.enqueue_dma source(%dma_start3A_207 : memref<640x128xf32, #tpu.memory_space<hbm>>) target(%dma_start3A_205 : memref<640x128xf32, #tpu.memory_space<vmem_shared>>) target_semaphore(%run_scoped3A : memref<!tpu.dma_semaphore, #tpu.memory_space<semaphore_mem>>)
        %dma_wait3A_208 = arith.constant 0 : i32
        %dma_wait3A_209 = tpu.memref_slice %arg16[%mul3A_0, %dma_wait3A_208] : memref<10240x128xf32, #tpu.memory_space<vmem_shared>> -> memref<640x128xf32, #tpu.memory_space<vmem_shared>>
        %dma_wait3A_210 = arith.constant 0 : i32
        %dma_wait3A_211 = tpu.memref_slice %arg7[%mul3A_0, %dma_wait3A_210] : memref<10240x128xf32, #tpu.memory_space<hbm>> -> memref<640x128xf32, #tpu.memory_space<hbm>>
        tpu.wait_dma2 semaphore(%run_scoped3A : memref<!tpu.dma_semaphore, #tpu.memory_space<semaphore_mem>>) src(%dma_wait3A_211 : memref<640x128xf32, #tpu.memory_space<hbm>>) dst(%dma_wait3A_209 : memref<640x128xf32, #tpu.memory_space<vmem_shared>>)
        tpu.yield
      }) : () -> ()
      %barrier3A_104 = arith.constant 0 : index
      tpu.barrier barrier_id(%barrier3A_104)
      %add3A_105 = arith.constant 0 : i32
      %add3A_106 = arith.addi %add3A_105, %arg1 : i32
      %mul3A_107 = arith.constant 128 : i32
      %mul3A_108 = arith.muli %add3A_106, %mul3A_107 : i32
      %dma_start3A_109 = arith.constant 0 : i32
      %dma_start3A_110 = arith.constant 0 : i32
      %dma_start3A_111 = arith.constant 0 : i32
      %dma_start3A_112 = tpu.memref_slice %arg12[%dma_start3A_110, %dma_start3A_111] : memref<2x128xi32, #tpu.memory_space<vmem>> -> memref<1x128xi32, #tpu.memory_space<vmem>>
      %dma_start3A_113 = tpu.memref_squeeze %dma_start3A_112 : memref<1x128xi32, #tpu.memory_space<vmem>> -> memref<128xi32, #tpu.memory_space<vmem>>
      %dma_start3A_114 = tpu.memref_slice %arg6[%dma_start3A_109, %mul3A_108] : memref<2x327680xi32, #tpu.memory_space<hbm>> -> memref<1x128xi32, #tpu.memory_space<hbm>>
      %dma_start3A_115 = tpu.memref_squeeze %dma_start3A_114 : memref<1x128xi32, #tpu.memory_space<hbm>> -> memref<128xi32, #tpu.memory_space<hbm>>
      %dma_start3A_116 = arith.constant 0 : i32
      %dma_start3A_117 = tpu.memref_slice %arg12[%dma_start3A_110, %dma_start3A_116] : memref<2x128xi32, #tpu.memory_space<vmem>> -> memref<1x128xi32, #tpu.memory_space<vmem>>
      %dma_start3A_118 = tpu.memref_squeeze %dma_start3A_117 : memref<1x128xi32, #tpu.memory_space<vmem>> -> memref<128xi32, #tpu.memory_space<vmem>>
      %dma_start3A_119 = tpu.memref_slice %arg6[%dma_start3A_109, %mul3A_108] : memref<2x327680xi32, #tpu.memory_space<hbm>> -> memref<1x128xi32, #tpu.memory_space<hbm>>
      %dma_start3A_120 = tpu.memref_squeeze %dma_start3A_119 : memref<1x128xi32, #tpu.memory_space<hbm>> -> memref<128xi32, #tpu.memory_space<hbm>>
      tpu.enqueue_dma source(%dma_start3A_120 : memref<128xi32, #tpu.memory_space<hbm>>) target(%dma_start3A_118 : memref<128xi32, #tpu.memory_space<vmem>>) target_semaphore(%arg19 : memref<!tpu.dma_semaphore, #tpu.memory_space<semaphore_mem>>)
      %dma_start3A_121 = arith.constant 1 : i32
      %dma_start3A_122 = arith.constant 0 : i32
      %dma_start3A_123 = arith.constant 0 : i32
      %dma_start3A_124 = tpu.memref_slice %arg13[%dma_start3A_122, %dma_start3A_123] : memref<2x128xi32, #tpu.memory_space<vmem>> -> memref<1x128xi32, #tpu.memory_space<vmem>>
      %dma_start3A_125 = tpu.memref_squeeze %dma_start3A_124 : memref<1x128xi32, #tpu.memory_space<vmem>> -> memref<128xi32, #tpu.memory_space<vmem>>
      %dma_start3A_126 = tpu.memref_slice %arg6[%dma_start3A_121, %mul3A_108] : memref<2x327680xi32, #tpu.memory_space<hbm>> -> memref<1x128xi32, #tpu.memory_space<hbm>>
      %dma_start3A_127 = tpu.memref_squeeze %dma_start3A_126 : memref<1x128xi32, #tpu.memory_space<hbm>> -> memref<128xi32, #tpu.memory_space<hbm>>
      %dma_start3A_128 = arith.constant 0 : i32
      %dma_start3A_129 = tpu.memref_slice %arg13[%dma_start3A_122, %dma_start3A_128] : memref<2x128xi32, #tpu.memory_space<vmem>> -> memref<1x128xi32, #tpu.memory_space<vmem>>
      %dma_start3A_130 = tpu.memref_squeeze %dma_start3A_129 : memref<1x128xi32, #tpu.memory_space<vmem>> -> memref<128xi32, #tpu.memory_space<vmem>>
      %dma_start3A_131 = tpu.memref_slice %arg6[%dma_start3A_121, %mul3A_108] : memref<2x327680xi32, #tpu.memory_space<hbm>> -> memref<1x128xi32, #tpu.memory_space<hbm>>
      %dma_start3A_132 = tpu.memref_squeeze %dma_start3A_131 : memref<1x128xi32, #tpu.memory_space<hbm>> -> memref<128xi32, #tpu.memory_space<hbm>>
      tpu.enqueue_dma source(%dma_start3A_132 : memref<128xi32, #tpu.memory_space<hbm>>) target(%dma_start3A_130 : memref<128xi32, #tpu.memory_space<vmem>>) target_semaphore(%arg19 : memref<!tpu.dma_semaphore, #tpu.memory_space<semaphore_mem>>)
      %add3A_133 = arith.constant 16 : i32
      %add3A_134 = arith.addi %add3A_133, %arg1 : i32
      %mul3A_135 = arith.constant 128 : i32
      %mul3A_136 = arith.muli %add3A_134, %mul3A_135 : i32
      %dma_start3A_137 = arith.constant 0 : i32
      %dma_start3A_138 = arith.constant 1 : i32
      %dma_start3A_139 = arith.constant 0 : i32
      %dma_start3A_140 = tpu.memref_slice %arg12[%dma_start3A_138, %dma_start3A_139] : memref<2x128xi32, #tpu.memory_space<vmem>> -> memref<1x128xi32, #tpu.memory_space<vmem>>
      %dma_start3A_141 = tpu.memref_squeeze %dma_start3A_140 : memref<1x128xi32, #tpu.memory_space<vmem>> -> memref<128xi32, #tpu.memory_space<vmem>>
      %dma_start3A_142 = tpu.memref_slice %arg6[%dma_start3A_137, %mul3A_136] : memref<2x327680xi32, #tpu.memory_space<hbm>> -> memref<1x128xi32, #tpu.memory_space<hbm>>
      %dma_start3A_143 = tpu.memref_squeeze %dma_start3A_142 : memref<1x128xi32, #tpu.memory_space<hbm>> -> memref<128xi32, #tpu.memory_space<hbm>>
      %dma_start3A_144 = arith.constant 0 : i32
      %dma_start3A_145 = tpu.memref_slice %arg12[%dma_start3A_138, %dma_start3A_144] : memref<2x128xi32, #tpu.memory_space<vmem>> -> memref<1x128xi32, #tpu.memory_space<vmem>>
      %dma_start3A_146 = tpu.memref_squeeze %dma_start3A_145 : memref<1x128xi32, #tpu.memory_space<vmem>> -> memref<128xi32, #tpu.memory_space<vmem>>
      %dma_start3A_147 = tpu.memref_slice %arg6[%dma_start3A_137, %mul3A_136] : memref<2x327680xi32, #tpu.memory_space<hbm>> -> memref<1x128xi32, #tpu.memory_space<hbm>>
      %dma_start3A_148 = tpu.memref_squeeze %dma_start3A_147 : memref<1x128xi32, #tpu.memory_space<hbm>> -> memref<128xi32, #tpu.memory_space<hbm>>
      tpu.enqueue_dma source(%dma_start3A_148 : memref<128xi32, #tpu.memory_space<hbm>>) target(%dma_start3A_146 : memref<128xi32, #tpu.memory_space<vmem>>) target_semaphore(%arg20 : memref<!tpu.dma_semaphore, #tpu.memory_space<semaphore_mem>>)
      %dma_start3A_149 = arith.constant 1 : i32
      %dma_start3A_150 = arith.constant 1 : i32
      %dma_start3A_151 = arith.constant 0 : i32
      %dma_start3A_152 = tpu.memref_slice %arg13[%dma_start3A_150, %dma_start3A_151] : memref<2x128xi32, #tpu.memory_space<vmem>> -> memref<1x128xi32, #tpu.memory_space<vmem>>
      %dma_start3A_153 = tpu.memref_squeeze %dma_start3A_152 : memref<1x128xi32, #tpu.memory_space<vmem>> -> memref<128xi32, #tpu.memory_space<vmem>>
      %dma_start3A_154 = tpu.memref_slice %arg6[%dma_start3A_149, %mul3A_136] : memref<2x327680xi32, #tpu.memory_space<hbm>> -> memref<1x128xi32, #tpu.memory_space<hbm>>
      %dma_start3A_155 = tpu.memref_squeeze %dma_start3A_154 : memref<1x128xi32, #tpu.memory_space<hbm>> -> memref<128xi32, #tpu.memory_space<hbm>>
      %dma_start3A_156 = arith.constant 0 : i32
      %dma_start3A_157 = tpu.memref_slice %arg13[%dma_start3A_150, %dma_start3A_156] : memref<2x128xi32, #tpu.memory_space<vmem>> -> memref<1x128xi32, #tpu.memory_space<vmem>>
      %dma_start3A_158 = tpu.memref_squeeze %dma_start3A_157 : memref<1x128xi32, #tpu.memory_space<vmem>> -> memref<128xi32, #tpu.memory_space<vmem>>
      %dma_start3A_159 = tpu.memref_slice %arg6[%dma_start3A_149, %mul3A_136] : memref<2x327680xi32, #tpu.memory_space<hbm>> -> memref<1x128xi32, #tpu.memory_space<hbm>>
      %dma_start3A_160 = tpu.memref_squeeze %dma_start3A_159 : memref<1x128xi32, #tpu.memory_space<hbm>> -> memref<128xi32, #tpu.memory_space<hbm>>
      tpu.enqueue_dma source(%dma_start3A_160 : memref<128xi32, #tpu.memory_space<hbm>>) target(%dma_start3A_158 : memref<128xi32, #tpu.memory_space<vmem>>) target_semaphore(%arg20 : memref<!tpu.dma_semaphore, #tpu.memory_space<semaphore_mem>>)
      %add3A_161 = arith.constant 0 : i32
      %add3A_162 = arith.addi %add3A_161, %arg1 : i32
      %mul3A_163 = arith.constant 128 : i32
      %mul3A_164 = arith.muli %add3A_162, %mul3A_163 : i32
      %dma_wait3A_165 = arith.constant 0 : i32
      %dma_wait3A_166 = arith.constant 0 : i32
      %dma_wait3A_167 = arith.constant 0 : i32
      %dma_wait3A_168 = tpu.memref_slice %arg12[%dma_wait3A_166, %dma_wait3A_167] : memref<2x128xi32, #tpu.memory_space<vmem>> -> memref<1x128xi32, #tpu.memory_space<vmem>>
      %dma_wait3A_169 = tpu.memref_squeeze %dma_wait3A_168 : memref<1x128xi32, #tpu.memory_space<vmem>> -> memref<128xi32, #tpu.memory_space<vmem>>
      %dma_wait3A_170 = tpu.memref_slice %arg6[%dma_wait3A_165, %mul3A_164] : memref<2x327680xi32, #tpu.memory_space<hbm>> -> memref<1x128xi32, #tpu.memory_space<hbm>>
      %dma_wait3A_171 = tpu.memref_squeeze %dma_wait3A_170 : memref<1x128xi32, #tpu.memory_space<hbm>> -> memref<128xi32, #tpu.memory_space<hbm>>
      %dma_wait3A_172 = arith.constant 0 : i32
      %dma_wait3A_173 = tpu.memref_slice %arg12[%dma_wait3A_166, %dma_wait3A_172] : memref<2x128xi32, #tpu.memory_space<vmem>> -> memref<1x128xi32, #tpu.memory_space<vmem>>
      %dma_wait3A_174 = tpu.memref_squeeze %dma_wait3A_173 : memref<1x128xi32, #tpu.memory_space<vmem>> -> memref<128xi32, #tpu.memory_space<vmem>>
      %dma_wait3A_175 = tpu.memref_slice %arg6[%dma_wait3A_165, %mul3A_164] : memref<2x327680xi32, #tpu.memory_space<hbm>> -> memref<1x128xi32, #tpu.memory_space<hbm>>
      %dma_wait3A_176 = tpu.memref_squeeze %dma_wait3A_175 : memref<1x128xi32, #tpu.memory_space<hbm>> -> memref<128xi32, #tpu.memory_space<hbm>>
      tpu.wait_dma2 semaphore(%arg19 : memref<!tpu.dma_semaphore, #tpu.memory_space<semaphore_mem>>) src(%dma_wait3A_176 : memref<128xi32, #tpu.memory_space<hbm>>) dst(%dma_wait3A_174 : memref<128xi32, #tpu.memory_space<vmem>>)
      %dma_wait3A_177 = arith.constant 1 : i32
      %dma_wait3A_178 = arith.constant 0 : i32
      %dma_wait3A_179 = arith.constant 0 : i32
      %dma_wait3A_180 = tpu.memref_slice %arg13[%dma_wait3A_178, %dma_wait3A_179] : memref<2x128xi32, #tpu.memory_space<vmem>> -> memref<1x128xi32, #tpu.memory_space<vmem>>
      %dma_wait3A_181 = tpu.memref_squeeze %dma_wait3A_180 : memref<1x128xi32, #tpu.memory_space<vmem>> -> memref<128xi32, #tpu.memory_space<vmem>>
      %dma_wait3A_182 = tpu.memref_slice %arg6[%dma_wait3A_177, %mul3A_164] : memref<2x327680xi32, #tpu.memory_space<hbm>> -> memref<1x128xi32, #tpu.memory_space<hbm>>
      %dma_wait3A_183 = tpu.memref_squeeze %dma_wait3A_182 : memref<1x128xi32, #tpu.memory_space<hbm>> -> memref<128xi32, #tpu.memory_space<hbm>>
      %dma_wait3A_184 = arith.constant 0 : i32
      %dma_wait3A_185 = tpu.memref_slice %arg13[%dma_wait3A_178, %dma_wait3A_184] : memref<2x128xi32, #tpu.memory_space<vmem>> -> memref<1x128xi32, #tpu.memory_space<vmem>>
      %dma_wait3A_186 = tpu.memref_squeeze %dma_wait3A_185 : memref<1x128xi32, #tpu.memory_space<vmem>> -> memref<128xi32, #tpu.memory_space<vmem>>
      %dma_wait3A_187 = tpu.memref_slice %arg6[%dma_wait3A_177, %mul3A_164] : memref<2x327680xi32, #tpu.memory_space<hbm>> -> memref<1x128xi32, #tpu.memory_space<hbm>>
      %dma_wait3A_188 = tpu.memref_squeeze %dma_wait3A_187 : memref<1x128xi32, #tpu.memory_space<hbm>> -> memref<128xi32, #tpu.memory_space<hbm>>
      tpu.wait_dma2 semaphore(%arg19 : memref<!tpu.dma_semaphore, #tpu.memory_space<semaphore_mem>>) src(%dma_wait3A_188 : memref<128xi32, #tpu.memory_space<hbm>>) dst(%dma_wait3A_186 : memref<128xi32, #tpu.memory_space<vmem>>)
      %dma_start3A_189 = arith.constant 0 : i32
      %dma_start3A_190 = arith.constant 0 : i32
      %dma_start3A_191 = tpu.memref_slice %arg12[%dma_start3A_189, %dma_start3A_190] : memref<2x128xi32, #tpu.memory_space<vmem>> -> memref<1x128xi32, #tpu.memory_space<vmem>>
      %dma_start3A_192 = tpu.memref_squeeze %dma_start3A_191 : memref<1x128xi32, #tpu.memory_space<vmem>> -> memref<128xi32, #tpu.memory_space<vmem>>
      %dma_start3A_193 = arith.constant 0 : i32
      %dma_start3A_194 = arith.constant 0 : i32
      %dma_start3A_195 = tpu.memref_slice %arg5[%dma_start3A_193, %dma_start3A_194] : memref<10240x128xf32, #tpu.memory_space<hbm>> -> memref<10240x128xf32, #tpu.memory_space<hbm>>
      tpu.enqueue_indirect_dma source(%dma_start3A_195 : memref<10240x128xf32, #tpu.memory_space<hbm>>) target(%arg14 : memref<128x128xf32, #tpu.memory_space<vmem>>) offsets(%dma_start3A_192 : memref<128xi32, #tpu.memory_space<vmem>>) semaphore(%arg17 : memref<!tpu.dma_semaphore, #tpu.memory_space<semaphore_mem>>)
      %scan3A_196 = arith.constant 0 : i32
      %scan3A_197 = arith.constant 0 : i32
      %scan3A_198 = arith.constant 80 : i32
      %scan3A_199 = arith.addi %scan3A_197, %scan3A_198 : i32
      %scan3A_200 = arith.constant 1 : i32
      %scan3A_201 = scf.for %scan3A_204 = %scan3A_197 to %scan3A_199 step %scan3A_200 iter_args(%scan3A_205 = %scan3A_196) -> (i32)  : i32 {
        %mul3A_206 = arith.constant 2 : i32
        %mul3A_207 = arith.muli %mul3A_206, %scan3A_204 : i32
        %add3A_208 = arith.constant 1 : i32
        %add3A_209 = arith.addi %mul3A_207, %add3A_208 : i32
        %mul3A_210 = arith.constant 16 : i32
        %mul3A_211 = arith.muli %add3A_209, %mul3A_210 : i32
        %add3A_212 = arith.addi %mul3A_211, %arg1 : i32
        %mul3A_213 = arith.constant 128 : i32
        %mul3A_214 = arith.muli %add3A_212, %mul3A_213 : i32
        %dma_wait3A_215 = arith.constant 0 : i32
        %dma_wait3A_216 = arith.constant 1 : i32
        %dma_wait3A_217 = arith.constant 0 : i32
        %dma_wait3A_218 = tpu.memref_slice %arg12[%dma_wait3A_216, %dma_wait3A_217] : memref<2x128xi32, #tpu.memory_space<vmem>> -> memref<1x128xi32, #tpu.memory_space<vmem>>
        %dma_wait3A_219 = tpu.memref_squeeze %dma_wait3A_218 : memref<1x128xi32, #tpu.memory_space<vmem>> -> memref<128xi32, #tpu.memory_space<vmem>>
        %dma_wait3A_220 = tpu.memref_slice %arg6[%dma_wait3A_215, %mul3A_214] : memref<2x327680xi32, #tpu.memory_space<hbm>> -> memref<1x128xi32, #tpu.memory_space<hbm>>
        %dma_wait3A_221 = tpu.memref_squeeze %dma_wait3A_220 : memref<1x128xi32, #tpu.memory_space<hbm>> -> memref<128xi32, #tpu.memory_space<hbm>>
        %dma_wait3A_222 = arith.constant 0 : i32
        %dma_wait3A_223 = tpu.memref_slice %arg12[%dma_wait3A_216, %dma_wait3A_222] : memref<2x128xi32, #tpu.memory_space<vmem>> -> memref<1x128xi32, #tpu.memory_space<vmem>>
        %dma_wait3A_224 = tpu.memref_squeeze %dma_wait3A_223 : memref<1x128xi32, #tpu.memory_space<vmem>> -> memref<128xi32, #tpu.memory_space<vmem>>
        %dma_wait3A_225 = tpu.memref_slice %arg6[%dma_wait3A_215, %mul3A_214] : memref<2x327680xi32, #tpu.memory_space<hbm>> -> memref<1x128xi32, #tpu.memory_space<hbm>>
        %dma_wait3A_226 = tpu.memref_squeeze %dma_wait3A_225 : memref<1x128xi32, #tpu.memory_space<hbm>> -> memref<128xi32, #tpu.memory_space<hbm>>
        tpu.wait_dma2 semaphore(%arg20 : memref<!tpu.dma_semaphore, #tpu.memory_space<semaphore_mem>>) src(%dma_wait3A_226 : memref<128xi32, #tpu.memory_space<hbm>>) dst(%dma_wait3A_224 : memref<128xi32, #tpu.memory_space<vmem>>)
        %dma_wait3A_227 = arith.constant 1 : i32
        %dma_wait3A_228 = arith.constant 1 : i32
        %dma_wait3A_229 = arith.constant 0 : i32
        %dma_wait3A_230 = tpu.memref_slice %arg13[%dma_wait3A_228, %dma_wait3A_229] : memref<2x128xi32, #tpu.memory_space<vmem>> -> memref<1x128xi32, #tpu.memory_space<vmem>>
        %dma_wait3A_231 = tpu.memref_squeeze %dma_wait3A_230 : memref<1x128xi32, #tpu.memory_space<vmem>> -> memref<128xi32, #tpu.memory_space<vmem>>
        %dma_wait3A_232 = tpu.memref_slice %arg6[%dma_wait3A_227, %mul3A_214] : memref<2x327680xi32, #tpu.memory_space<hbm>> -> memref<1x128xi32, #tpu.memory_space<hbm>>
        %dma_wait3A_233 = tpu.memref_squeeze %dma_wait3A_232 : memref<1x128xi32, #tpu.memory_space<hbm>> -> memref<128xi32, #tpu.memory_space<hbm>>
        %dma_wait3A_234 = arith.constant 0 : i32
        %dma_wait3A_235 = tpu.memref_slice %arg13[%dma_wait3A_228, %dma_wait3A_234] : memref<2x128xi32, #tpu.memory_space<vmem>> -> memref<1x128xi32, #tpu.memory_space<vmem>>
        %dma_wait3A_236 = tpu.memref_squeeze %dma_wait3A_235 : memref<1x128xi32, #tpu.memory_space<vmem>> -> memref<128xi32, #tpu.memory_space<vmem>>
        %dma_wait3A_237 = tpu.memref_slice %arg6[%dma_wait3A_227, %mul3A_214] : memref<2x327680xi32, #tpu.memory_space<hbm>> -> memref<1x128xi32, #tpu.memory_space<hbm>>
        %dma_wait3A_238 = tpu.memref_squeeze %dma_wait3A_237 : memref<1x128xi32, #tpu.memory_space<hbm>> -> memref<128xi32, #tpu.memory_space<hbm>>
        tpu.wait_dma2 semaphore(%arg20 : memref<!tpu.dma_semaphore, #tpu.memory_space<semaphore_mem>>) src(%dma_wait3A_238 : memref<128xi32, #tpu.memory_space<hbm>>) dst(%dma_wait3A_236 : memref<128xi32, #tpu.memory_space<vmem>>)
        %dma_start3A_239 = arith.constant 1 : i32
        %dma_start3A_240 = arith.constant 0 : i32
        %dma_start3A_241 = tpu.memref_slice %arg12[%dma_start3A_239, %dma_start3A_240] : memref<2x128xi32, #tpu.memory_space<vmem>> -> memref<1x128xi32, #tpu.memory_space<vmem>>
        %dma_start3A_242 = tpu.memref_squeeze %dma_start3A_241 : memref<1x128xi32, #tpu.memory_space<vmem>> -> memref<128xi32, #tpu.memory_space<vmem>>
        %dma_start3A_243 = arith.constant 0 : i32
        %dma_start3A_244 = arith.constant 0 : i32
        %dma_start3A_245 = tpu.memref_slice %arg5[%dma_start3A_243, %dma_start3A_244] : memref<10240x128xf32, #tpu.memory_space<hbm>> -> memref<10240x128xf32, #tpu.memory_space<hbm>>
        tpu.enqueue_indirect_dma source(%dma_start3A_245 : memref<10240x128xf32, #tpu.memory_space<hbm>>) target(%arg15 : memref<128x128xf32, #tpu.memory_space<vmem>>) offsets(%dma_start3A_242 : memref<128xi32, #tpu.memory_space<vmem>>) semaphore(%arg18 : memref<!tpu.dma_semaphore, #tpu.memory_space<semaphore_mem>>)
        %dma_wait3A_246 = arith.constant 0 : i32
        %dma_wait3A_247 = arith.constant 0 : i32
        %dma_wait3A_248 = tpu.memref_slice %arg12[%dma_wait3A_246, %dma_wait3A_247] : memref<2x128xi32, #tpu.memory_space<vmem>> -> memref<1x128xi32, #tpu.memory_space<vmem>>
        %dma_wait3A_249 = tpu.memref_squeeze %dma_wait3A_248 : memref<1x128xi32, #tpu.memory_space<vmem>> -> memref<128xi32, #tpu.memory_space<vmem>>
        %dma_wait3A_250 = arith.constant 0 : i32
        %dma_wait3A_251 = arith.constant 0 : i32
        %dma_wait3A_252 = tpu.memref_slice %arg5[%dma_wait3A_250, %dma_wait3A_251] : memref<10240x128xf32, #tpu.memory_space<hbm>> -> memref<10240x128xf32, #tpu.memory_space<hbm>>
        tpu.wait_indirect_dma semaphore(%arg17 : memref<!tpu.dma_semaphore, #tpu.memory_space<semaphore_mem>>) src(%dma_wait3A_252 : memref<10240x128xf32, #tpu.memory_space<hbm>>) dst(%arg14 : memref<128x128xf32, #tpu.memory_space<vmem>>)
        %run_scoped3A = arith.constant 0 : i32
        "tpu.region"() ({
          %run_scoped3A_275 = tpu.sem_alloc : memref<!tpu.dma_semaphore, #tpu.memory_space<semaphore_mem>>
          %dma_start3A_276 = arith.constant 0 : i32
          %dma_start3A_277 = tpu.memref_slice %arg13[%run_scoped3A, %dma_start3A_276] : memref<2x128xi32, #tpu.memory_space<vmem>> -> memref<1x128xi32, #tpu.memory_space<vmem>>
          %dma_start3A_278 = tpu.memref_squeeze %dma_start3A_277 : memref<1x128xi32, #tpu.memory_space<vmem>> -> memref<128xi32, #tpu.memory_space<vmem>>
          %dma_start3A_279 = arith.constant 0 : i32
          %dma_start3A_280 = arith.constant 0 : i32
          %dma_start3A_281 = tpu.memref_slice %arg16[%dma_start3A_279, %dma_start3A_280] : memref<10240x128xf32, #tpu.memory_space<vmem_shared>> -> memref<10240x128xf32, #tpu.memory_space<vmem_shared>>
          tpu.enqueue_indirect_dma source(%arg14 : memref<128x128xf32, #tpu.memory_space<vmem>>) target(%dma_start3A_281 : memref<10240x128xf32, #tpu.memory_space<vmem_shared>>) offsets(%dma_start3A_278 : memref<128xi32, #tpu.memory_space<vmem>>) semaphore(%run_scoped3A_275 : memref<!tpu.dma_semaphore, #tpu.memory_space<semaphore_mem>>) {add = true}
          %dma_wait3A_282 = arith.constant 0 : i32
          %dma_wait3A_283 = tpu.memref_slice %arg13[%run_scoped3A, %dma_wait3A_282] : memref<2x128xi32, #tpu.memory_space<vmem>> -> memref<1x128xi32, #tpu.memory_space<vmem>>
          %dma_wait3A_284 = tpu.memref_squeeze %dma_wait3A_283 : memref<1x128xi32, #tpu.memory_space<vmem>> -> memref<128xi32, #tpu.memory_space<vmem>>
          %dma_wait3A_285 = arith.constant 0 : i32
          %dma_wait3A_286 = arith.constant 0 : i32
          %dma_wait3A_287 = tpu.memref_slice %arg16[%dma_wait3A_285, %dma_wait3A_286] : memref<10240x128xf32, #tpu.memory_space<vmem_shared>> -> memref<10240x128xf32, #tpu.memory_space<vmem_shared>>
          tpu.wait_indirect_dma semaphore(%run_scoped3A_275 : memref<!tpu.dma_semaphore, #tpu.memory_space<semaphore_mem>>) src(%arg14 : memref<128x128xf32, #tpu.memory_space<vmem>>) dst(%dma_wait3A_287 : memref<10240x128xf32, #tpu.memory_space<vmem_shared>>)
          tpu.yield
        }) : () -> ()
        %add3A_253 = arith.constant 2 : i32
        %add3A_254 = arith.addi %mul3A_207, %add3A_253 : i32
        %lt3A = arith.constant 160 : i32
        %lt3A_255 = arith.cmpi slt, %add3A_254, %lt3A : i32
        %convert_element_type3A_256 = arith.extui %lt3A_255 : i1 to i32
        %cond3A_257 = arith.constant 0 : i32
        %cond3A_258 = arith.cmpi ne, %convert_element_type3A_256, %cond3A_257 : i32
        scf.if %cond3A_258 {
          %add3A_275 = arith.constant 2 : i32
          %add3A_276 = arith.addi %mul3A_207, %add3A_275 : i32
          %mul3A_277 = arith.constant 16 : i32
          %mul3A_278 = arith.muli %add3A_276, %mul3A_277 : i32
          %add3A_279 = arith.addi %mul3A_278, %arg1 : i32
          %mul3A_280 = arith.constant 128 : i32
          %mul3A_281 = arith.muli %add3A_279, %mul3A_280 : i32
          %dma_start3A_282 = arith.constant 0 : i32
          %dma_start3A_283 = arith.constant 0 : i32
          %dma_start3A_284 = arith.constant 0 : i32
          %dma_start3A_285 = tpu.memref_slice %arg12[%dma_start3A_283, %dma_start3A_284] : memref<2x128xi32, #tpu.memory_space<vmem>> -> memref<1x128xi32, #tpu.memory_space<vmem>>
          %dma_start3A_286 = tpu.memref_squeeze %dma_start3A_285 : memref<1x128xi32, #tpu.memory_space<vmem>> -> memref<128xi32, #tpu.memory_space<vmem>>
          %dma_start3A_287 = tpu.memref_slice %arg6[%dma_start3A_282, %mul3A_281] : memref<2x327680xi32, #tpu.memory_space<hbm>> -> memref<1x128xi32, #tpu.memory_space<hbm>>
          %dma_start3A_288 = tpu.memref_squeeze %dma_start3A_287 : memref<1x128xi32, #tpu.memory_space<hbm>> -> memref<128xi32, #tpu.memory_space<hbm>>
          %dma_start3A_289 = arith.constant 0 : i32
          %dma_start3A_290 = tpu.memref_slice %arg12[%dma_start3A_283, %dma_start3A_289] : memref<2x128xi32, #tpu.memory_space<vmem>> -> memref<1x128xi32, #tpu.memory_space<vmem>>
          %dma_start3A_291 = tpu.memref_squeeze %dma_start3A_290 : memref<1x128xi32, #tpu.memory_space<vmem>> -> memref<128xi32, #tpu.memory_space<vmem>>
          %dma_start3A_292 = tpu.memref_slice %arg6[%dma_start3A_282, %mul3A_281] : memref<2x327680xi32, #tpu.memory_space<hbm>> -> memref<1x128xi32, #tpu.memory_space<hbm>>
          %dma_start3A_293 = tpu.memref_squeeze %dma_start3A_292 : memref<1x128xi32, #tpu.memory_space<hbm>> -> memref<128xi32, #tpu.memory_space<hbm>>
          tpu.enqueue_dma source(%dma_start3A_293 : memref<128xi32, #tpu.memory_space<hbm>>) target(%dma_start3A_291 : memref<128xi32, #tpu.memory_space<vmem>>) target_semaphore(%arg19 : memref<!tpu.dma_semaphore, #tpu.memory_space<semaphore_mem>>)
          %dma_start3A_294 = arith.constant 1 : i32
          %dma_start3A_295 = arith.constant 0 : i32
          %dma_start3A_296 = arith.constant 0 : i32
          %dma_start3A_297 = tpu.memref_slice %arg13[%dma_start3A_295, %dma_start3A_296] : memref<2x128xi32, #tpu.memory_space<vmem>> -> memref<1x128xi32, #tpu.memory_space<vmem>>
          %dma_start3A_298 = tpu.memref_squeeze %dma_start3A_297 : memref<1x128xi32, #tpu.memory_space<vmem>> -> memref<128xi32, #tpu.memory_space<vmem>>
          %dma_start3A_299 = tpu.memref_slice %arg6[%dma_start3A_294, %mul3A_281] : memref<2x327680xi32, #tpu.memory_space<hbm>> -> memref<1x128xi32, #tpu.memory_space<hbm>>
          %dma_start3A_300 = tpu.memref_squeeze %dma_start3A_299 : memref<1x128xi32, #tpu.memory_space<hbm>> -> memref<128xi32, #tpu.memory_space<hbm>>
          %dma_start3A_301 = arith.constant 0 : i32
          %dma_start3A_302 = tpu.memref_slice %arg13[%dma_start3A_295, %dma_start3A_301] : memref<2x128xi32, #tpu.memory_space<vmem>> -> memref<1x128xi32, #tpu.memory_space<vmem>>
          %dma_start3A_303 = tpu.memref_squeeze %dma_start3A_302 : memref<1x128xi32, #tpu.memory_space<vmem>> -> memref<128xi32, #tpu.memory_space<vmem>>
          %dma_start3A_304 = tpu.memref_slice %arg6[%dma_start3A_294, %mul3A_281] : memref<2x327680xi32, #tpu.memory_space<hbm>> -> memref<1x128xi32, #tpu.memory_space<hbm>>
          %dma_start3A_305 = tpu.memref_squeeze %dma_start3A_304 : memref<1x128xi32, #tpu.memory_space<hbm>> -> memref<128xi32, #tpu.memory_space<hbm>>
          tpu.enqueue_dma source(%dma_start3A_305 : memref<128xi32, #tpu.memory_space<hbm>>) target(%dma_start3A_303 : memref<128xi32, #tpu.memory_space<vmem>>) target_semaphore(%arg19 : memref<!tpu.dma_semaphore, #tpu.memory_space<semaphore_mem>>)
          %add3A_306 = arith.constant 2 : i32
          %add3A_307 = arith.addi %mul3A_207, %add3A_306 : i32
          %mul3A_308 = arith.constant 16 : i32
          %mul3A_309 = arith.muli %add3A_307, %mul3A_308 : i32
          %add3A_310 = arith.addi %mul3A_309, %arg1 : i32
          %mul3A_311 = arith.constant 128 : i32
          %mul3A_312 = arith.muli %add3A_310, %mul3A_311 : i32
          %dma_wait3A_313 = arith.constant 0 : i32
          %dma_wait3A_314 = arith.constant 0 : i32
          %dma_wait3A_315 = arith.constant 0 : i32
          %dma_wait3A_316 = tpu.memref_slice %arg12[%dma_wait3A_314, %dma_wait3A_315] : memref<2x128xi32, #tpu.memory_space<vmem>> -> memref<1x128xi32, #tpu.memory_space<vmem>>
          %dma_wait3A_317 = tpu.memref_squeeze %dma_wait3A_316 : memref<1x128xi32, #tpu.memory_space<vmem>> -> memref<128xi32, #tpu.memory_space<vmem>>
          %dma_wait3A_318 = tpu.memref_slice %arg6[%dma_wait3A_313, %mul3A_312] : memref<2x327680xi32, #tpu.memory_space<hbm>> -> memref<1x128xi32, #tpu.memory_space<hbm>>
          %dma_wait3A_319 = tpu.memref_squeeze %dma_wait3A_318 : memref<1x128xi32, #tpu.memory_space<hbm>> -> memref<128xi32, #tpu.memory_space<hbm>>
          %dma_wait3A_320 = arith.constant 0 : i32
          %dma_wait3A_321 = tpu.memref_slice %arg12[%dma_wait3A_314, %dma_wait3A_320] : memref<2x128xi32, #tpu.memory_space<vmem>> -> memref<1x128xi32, #tpu.memory_space<vmem>>
          %dma_wait3A_322 = tpu.memref_squeeze %dma_wait3A_321 : memref<1x128xi32, #tpu.memory_space<vmem>> -> memref<128xi32, #tpu.memory_space<vmem>>
          %dma_wait3A_323 = tpu.memref_slice %arg6[%dma_wait3A_313, %mul3A_312] : memref<2x327680xi32, #tpu.memory_space<hbm>> -> memref<1x128xi32, #tpu.memory_space<hbm>>
          %dma_wait3A_324 = tpu.memref_squeeze %dma_wait3A_323 : memref<1x128xi32, #tpu.memory_space<hbm>> -> memref<128xi32, #tpu.memory_space<hbm>>
          tpu.wait_dma2 semaphore(%arg19 : memref<!tpu.dma_semaphore, #tpu.memory_space<semaphore_mem>>) src(%dma_wait3A_324 : memref<128xi32, #tpu.memory_space<hbm>>) dst(%dma_wait3A_322 : memref<128xi32, #tpu.memory_space<vmem>>)
          %dma_wait3A_325 = arith.constant 1 : i32
          %dma_wait3A_326 = arith.constant 0 : i32
          %dma_wait3A_327 = arith.constant 0 : i32
          %dma_wait3A_328 = tpu.memref_slice %arg13[%dma_wait3A_326, %dma_wait3A_327] : memref<2x128xi32, #tpu.memory_space<vmem>> -> memref<1x128xi32, #tpu.memory_space<vmem>>
          %dma_wait3A_329 = tpu.memref_squeeze %dma_wait3A_328 : memref<1x128xi32, #tpu.memory_space<vmem>> -> memref<128xi32, #tpu.memory_space<vmem>>
          %dma_wait3A_330 = tpu.memref_slice %arg6[%dma_wait3A_325, %mul3A_312] : memref<2x327680xi32, #tpu.memory_space<hbm>> -> memref<1x128xi32, #tpu.memory_space<hbm>>
          %dma_wait3A_331 = tpu.memref_squeeze %dma_wait3A_330 : memref<1x128xi32, #tpu.memory_space<hbm>> -> memref<128xi32, #tpu.memory_space<hbm>>
          %dma_wait3A_332 = arith.constant 0 : i32
          %dma_wait3A_333 = tpu.memref_slice %arg13[%dma_wait3A_326, %dma_wait3A_332] : memref<2x128xi32, #tpu.memory_space<vmem>> -> memref<1x128xi32, #tpu.memory_space<vmem>>
          %dma_wait3A_334 = tpu.memref_squeeze %dma_wait3A_333 : memref<1x128xi32, #tpu.memory_space<vmem>> -> memref<128xi32, #tpu.memory_space<vmem>>
          %dma_wait3A_335 = tpu.memref_slice %arg6[%dma_wait3A_325, %mul3A_312] : memref<2x327680xi32, #tpu.memory_space<hbm>> -> memref<1x128xi32, #tpu.memory_space<hbm>>
          %dma_wait3A_336 = tpu.memref_squeeze %dma_wait3A_335 : memref<1x128xi32, #tpu.memory_space<hbm>> -> memref<128xi32, #tpu.memory_space<hbm>>
          tpu.wait_dma2 semaphore(%arg19 : memref<!tpu.dma_semaphore, #tpu.memory_space<semaphore_mem>>) src(%dma_wait3A_336 : memref<128xi32, #tpu.memory_space<hbm>>) dst(%dma_wait3A_334 : memref<128xi32, #tpu.memory_space<vmem>>)
          %dma_start3A_337 = arith.constant 0 : i32
          %dma_start3A_338 = arith.constant 0 : i32
          %dma_start3A_339 = tpu.memref_slice %arg12[%dma_start3A_337, %dma_start3A_338] : memref<2x128xi32, #tpu.memory_space<vmem>> -> memref<1x128xi32, #tpu.memory_space<vmem>>
          %dma_start3A_340 = tpu.memref_squeeze %dma_start3A_339 : memref<1x128xi32, #tpu.memory_space<vmem>> -> memref<128xi32, #tpu.memory_space<vmem>>
          %dma_start3A_341 = arith.constant 0 : i32
          %dma_start3A_342 = arith.constant 0 : i32
          %dma_start3A_343 = tpu.memref_slice %arg5[%dma_start3A_341, %dma_start3A_342] : memref<10240x128xf32, #tpu.memory_space<hbm>> -> memref<10240x128xf32, #tpu.memory_space<hbm>>
          tpu.enqueue_indirect_dma source(%dma_start3A_343 : memref<10240x128xf32, #tpu.memory_space<hbm>>) target(%arg14 : memref<128x128xf32, #tpu.memory_space<vmem>>) offsets(%dma_start3A_340 : memref<128xi32, #tpu.memory_space<vmem>>) semaphore(%arg17 : memref<!tpu.dma_semaphore, #tpu.memory_space<semaphore_mem>>)
        } else {
        }
        %dma_wait3A_259 = arith.constant 1 : i32
        %dma_wait3A_260 = arith.constant 0 : i32
        %dma_wait3A_261 = tpu.memref_slice %arg12[%dma_wait3A_259, %dma_wait3A_260] : memref<2x128xi32, #tpu.memory_space<vmem>> -> memref<1x128xi32, #tpu.memory_space<vmem>>
        %dma_wait3A_262 = tpu.memref_squeeze %dma_wait3A_261 : memref<1x128xi32, #tpu.memory_space<vmem>> -> memref<128xi32, #tpu.memory_space<vmem>>
        %dma_wait3A_263 = arith.constant 0 : i32
        %dma_wait3A_264 = arith.constant 0 : i32
        %dma_wait3A_265 = tpu.memref_slice %arg5[%dma_wait3A_263, %dma_wait3A_264] : memref<10240x128xf32, #tpu.memory_space<hbm>> -> memref<10240x128xf32, #tpu.memory_space<hbm>>
        tpu.wait_indirect_dma semaphore(%arg18 : memref<!tpu.dma_semaphore, #tpu.memory_space<semaphore_mem>>) src(%dma_wait3A_265 : memref<10240x128xf32, #tpu.memory_space<hbm>>) dst(%arg15 : memref<128x128xf32, #tpu.memory_space<vmem>>)
        %run_scoped3A_266 = arith.constant 1 : i32
        "tpu.region"() ({
          %run_scoped3A_275 = tpu.sem_alloc : memref<!tpu.dma_semaphore, #tpu.memory_space<semaphore_mem>>
          %dma_start3A_276 = arith.constant 0 : i32
          %dma_start3A_277 = tpu.memref_slice %arg13[%run_scoped3A_266, %dma_start3A_276] : memref<2x128xi32, #tpu.memory_space<vmem>> -> memref<1x128xi32, #tpu.memory_space<vmem>>
          %dma_start3A_278 = tpu.memref_squeeze %dma_start3A_277 : memref<1x128xi32, #tpu.memory_space<vmem>> -> memref<128xi32, #tpu.memory_space<vmem>>
          %dma_start3A_279 = arith.constant 0 : i32
          %dma_start3A_280 = arith.constant 0 : i32
          %dma_start3A_281 = tpu.memref_slice %arg16[%dma_start3A_279, %dma_start3A_280] : memref<10240x128xf32, #tpu.memory_space<vmem_shared>> -> memref<10240x128xf32, #tpu.memory_space<vmem_shared>>
          tpu.enqueue_indirect_dma source(%arg15 : memref<128x128xf32, #tpu.memory_space<vmem>>) target(%dma_start3A_281 : memref<10240x128xf32, #tpu.memory_space<vmem_shared>>) offsets(%dma_start3A_278 : memref<128xi32, #tpu.memory_space<vmem>>) semaphore(%run_scoped3A_275 : memref<!tpu.dma_semaphore, #tpu.memory_space<semaphore_mem>>) {add = true}
          %dma_wait3A_282 = arith.constant 0 : i32
          %dma_wait3A_283 = tpu.memref_slice %arg13[%run_scoped3A_266, %dma_wait3A_282] : memref<2x128xi32, #tpu.memory_space<vmem>> -> memref<1x128xi32, #tpu.memory_space<vmem>>
          %dma_wait3A_284 = tpu.memref_squeeze %dma_wait3A_283 : memref<1x128xi32, #tpu.memory_space<vmem>> -> memref<128xi32, #tpu.memory_space<vmem>>
          %dma_wait3A_285 = arith.constant 0 : i32
          %dma_wait3A_286 = arith.constant 0 : i32
          %dma_wait3A_287 = tpu.memref_slice %arg16[%dma_wait3A_285, %dma_wait3A_286] : memref<10240x128xf32, #tpu.memory_space<vmem_shared>> -> memref<10240x128xf32, #tpu.memory_space<vmem_shared>>
          tpu.wait_indirect_dma semaphore(%run_scoped3A_275 : memref<!tpu.dma_semaphore, #tpu.memory_space<semaphore_mem>>) src(%arg15 : memref<128x128xf32, #tpu.memory_space<vmem>>) dst(%dma_wait3A_287 : memref<10240x128xf32, #tpu.memory_space<vmem_shared>>)
          tpu.yield
        }) : () -> ()
        %add3A_267 = arith.constant 3 : i32
        %add3A_268 = arith.addi %mul3A_207, %add3A_267 : i32
        %lt3A_269 = arith.constant 160 : i32
        %lt3A_270 = arith.cmpi slt, %add3A_268, %lt3A_269 : i32
        %convert_element_type3A_271 = arith.extui %lt3A_270 : i1 to i32
        %cond3A_272 = arith.constant 0 : i32
        %cond3A_273 = arith.cmpi ne, %convert_element_type3A_271, %cond3A_272 : i32
        scf.if %cond3A_273 {
          %add3A_275 = arith.constant 3 : i32
          %add3A_276 = arith.addi %mul3A_207, %add3A_275 : i32
          %mul3A_277 = arith.constant 16 : i32
          %mul3A_278 = arith.muli %add3A_276, %mul3A_277 : i32
          %add3A_279 = arith.addi %mul3A_278, %arg1 : i32
          %mul3A_280 = arith.constant 128 : i32
          %mul3A_281 = arith.muli %add3A_279, %mul3A_280 : i32
          %dma_start3A_282 = arith.constant 0 : i32
          %dma_start3A_283 = arith.constant 1 : i32
          %dma_start3A_284 = arith.constant 0 : i32
          %dma_start3A_285 = tpu.memref_slice %arg12[%dma_start3A_283, %dma_start3A_284] : memref<2x128xi32, #tpu.memory_space<vmem>> -> memref<1x128xi32, #tpu.memory_space<vmem>>
          %dma_start3A_286 = tpu.memref_squeeze %dma_start3A_285 : memref<1x128xi32, #tpu.memory_space<vmem>> -> memref<128xi32, #tpu.memory_space<vmem>>
          %dma_start3A_287 = tpu.memref_slice %arg6[%dma_start3A_282, %mul3A_281] : memref<2x327680xi32, #tpu.memory_space<hbm>> -> memref<1x128xi32, #tpu.memory_space<hbm>>
          %dma_start3A_288 = tpu.memref_squeeze %dma_start3A_287 : memref<1x128xi32, #tpu.memory_space<hbm>> -> memref<128xi32, #tpu.memory_space<hbm>>
          %dma_start3A_289 = arith.constant 0 : i32
          %dma_start3A_290 = tpu.memref_slice %arg12[%dma_start3A_283, %dma_start3A_289] : memref<2x128xi32, #tpu.memory_space<vmem>> -> memref<1x128xi32, #tpu.memory_space<vmem>>
          %dma_start3A_291 = tpu.memref_squeeze %dma_start3A_290 : memref<1x128xi32, #tpu.memory_space<vmem>> -> memref<128xi32, #tpu.memory_space<vmem>>
          %dma_start3A_292 = tpu.memref_slice %arg6[%dma_start3A_282, %mul3A_281] : memref<2x327680xi32, #tpu.memory_space<hbm>> -> memref<1x128xi32, #tpu.memory_space<hbm>>
          %dma_start3A_293 = tpu.memref_squeeze %dma_start3A_292 : memref<1x128xi32, #tpu.memory_space<hbm>> -> memref<128xi32, #tpu.memory_space<hbm>>
          tpu.enqueue_dma source(%dma_start3A_293 : memref<128xi32, #tpu.memory_space<hbm>>) target(%dma_start3A_291 : memref<128xi32, #tpu.memory_space<vmem>>) target_semaphore(%arg20 : memref<!tpu.dma_semaphore, #tpu.memory_space<semaphore_mem>>)
          %dma_start3A_294 = arith.constant 1 : i32
          %dma_start3A_295 = arith.constant 1 : i32
          %dma_start3A_296 = arith.constant 0 : i32
          %dma_start3A_297 = tpu.memref_slice %arg13[%dma_start3A_295, %dma_start3A_296] : memref<2x128xi32, #tpu.memory_space<vmem>> -> memref<1x128xi32, #tpu.memory_space<vmem>>
          %dma_start3A_298 = tpu.memref_squeeze %dma_start3A_297 : memref<1x128xi32, #tpu.memory_space<vmem>> -> memref<128xi32, #tpu.memory_space<vmem>>
          %dma_start3A_299 = tpu.memref_slice %arg6[%dma_start3A_294, %mul3A_281] : memref<2x327680xi32, #tpu.memory_space<hbm>> -> memref<1x128xi32, #tpu.memory_space<hbm>>
          %dma_start3A_300 = tpu.memref_squeeze %dma_start3A_299 : memref<1x128xi32, #tpu.memory_space<hbm>> -> memref<128xi32, #tpu.memory_space<hbm>>
          %dma_start3A_301 = arith.constant 0 : i32
          %dma_start3A_302 = tpu.memref_slice %arg13[%dma_start3A_295, %dma_start3A_301] : memref<2x128xi32, #tpu.memory_space<vmem>> -> memref<1x128xi32, #tpu.memory_space<vmem>>
          %dma_start3A_303 = tpu.memref_squeeze %dma_start3A_302 : memref<1x128xi32, #tpu.memory_space<vmem>> -> memref<128xi32, #tpu.memory_space<vmem>>
          %dma_start3A_304 = tpu.memref_slice %arg6[%dma_start3A_294, %mul3A_281] : memref<2x327680xi32, #tpu.memory_space<hbm>> -> memref<1x128xi32, #tpu.memory_space<hbm>>
          %dma_start3A_305 = tpu.memref_squeeze %dma_start3A_304 : memref<1x128xi32, #tpu.memory_space<hbm>> -> memref<128xi32, #tpu.memory_space<hbm>>
          tpu.enqueue_dma source(%dma_start3A_305 : memref<128xi32, #tpu.memory_space<hbm>>) target(%dma_start3A_303 : memref<128xi32, #tpu.memory_space<vmem>>) target_semaphore(%arg20 : memref<!tpu.dma_semaphore, #tpu.memory_space<semaphore_mem>>)
        } else {
        }
        %scan3A_274 = arith.constant 0 : i32
        scf.yield %scan3A_274 : i32
      }
      %scan3A_202 = arith.constant 80 : i32
      %barrier3A_203 = arith.constant 0 : index
      tpu.barrier barrier_id(%barrier3A_203)
      "tpu.region"() ({
        %run_scoped3A = tpu.sem_alloc : memref<!tpu.dma_semaphore, #tpu.memory_space<semaphore_mem>>
        %dma_start3A_204 = arith.constant 0 : i32
        %dma_start3A_205 = tpu.memref_slice %arg11[%mul3A_0, %dma_start3A_204] : memref<10240x128xf32, #tpu.memory_space<hbm>> -> memref<640x128xf32, #tpu.memory_space<hbm>>
        %dma_start3A_206 = arith.constant 0 : i32
        %dma_start3A_207 = tpu.memref_slice %arg16[%mul3A_0, %dma_start3A_206] : memref<10240x128xf32, #tpu.memory_space<vmem_shared>> -> memref<640x128xf32, #tpu.memory_space<vmem_shared>>
        tpu.enqueue_dma source(%dma_start3A_207 : memref<640x128xf32, #tpu.memory_space<vmem_shared>>) target(%dma_start3A_205 : memref<640x128xf32, #tpu.memory_space<hbm>>) target_semaphore(%run_scoped3A : memref<!tpu.dma_semaphore, #tpu.memory_space<semaphore_mem>>)
        %dma_wait3A_208 = arith.constant 0 : i32
        %dma_wait3A_209 = tpu.memref_slice %arg11[%mul3A_0, %dma_wait3A_208] : memref<10240x128xf32, #tpu.memory_space<hbm>> -> memref<640x128xf32, #tpu.memory_space<hbm>>
        %dma_wait3A_210 = arith.constant 0 : i32
        %dma_wait3A_211 = tpu.memref_slice %arg16[%mul3A_0, %dma_wait3A_210] : memref<10240x128xf32, #tpu.memory_space<vmem_shared>> -> memref<640x128xf32, #tpu.memory_space<vmem_shared>>
        tpu.wait_dma2 semaphore(%run_scoped3A : memref<!tpu.dma_semaphore, #tpu.memory_space<semaphore_mem>>) src(%dma_wait3A_211 : memref<640x128xf32, #tpu.memory_space<vmem_shared>>) dst(%dma_wait3A_209 : memref<640x128xf32, #tpu.memory_space<hbm>>)
        tpu.yield
      }) : () -> ()
    } else {
    }
    return
  }
}

module attributes {stable_mosaic.version = 14 : i64} {
  func.func @body(%arg0: i32, %arg1: memref<1280x128xf32, #tpu.memory_space<vmem>>, %arg2: memref<2x1280x128xf32, #tpu.memory_space<vmem>>, %arg3: memref<1280x1xf32, #tpu.memory_space<vmem>>, %arg4: memref<1x128xf32, #tpu.memory_space<vmem>>, %arg5: memref<1280x128xf32, #tpu.memory_space<vmem>>, %arg6: memref<1280x1xf32, #tpu.memory_space<vmem>>, %arg7: memref<1280x1xf32, #tpu.memory_space<vmem>>, %arg8: memref<1280x1xf32, #tpu.memory_space<vmem>>) attributes {dimension_semantics = [#tpu.dimension_semantics<arbitrary>], iteration_bounds = array<i64: 8>, scalar_prefetch = 0 : i64, scratch_operands = 0 : i64, tpu.core_type = #tpu.core_type<tc>, window_params = [{transform_indices = @transform_0, window_bounds = array<i64: 1280, 128>}, {transform_indices = @transform_1, window_bounds = array<i64: 2, 1280, 128>}, {transform_indices = @transform_2, window_bounds = array<i64: 1280, 1>}, {pipeline_mode = #tpu.pipeline_mode<synchronous>, transform_indices = @transform_3, window_bounds = array<i64: 1, 128>}, {transform_indices = @transform_4, window_bounds = array<i64: 1280, 128>}, {transform_indices = @transform_5, window_bounds = array<i64: 1280, 1>}, {transform_indices = @transform_6, window_bounds = array<i64: 1280, 1>}, {transform_indices = @transform_7, window_bounds = array<i64: 1280, 1>}]} {
    %get3A = arith.constant 0 : index
    %get3A_0 = arith.constant 0 : index
    %get3A_1 = arith.constant 0 : index
    %get3A_2 = vector.load %arg2[%get3A, %get3A_0, %get3A_1] : memref<2x1280x128xf32, #tpu.memory_space<vmem>>, vector<1x1280x1xf32>
    %get3A_3 = vector.shape_cast %get3A_2 : vector<1x1280x1xf32> to vector<1280x1xf32>
    %get3A_4 = arith.constant 1 : index
    %get3A_5 = arith.constant 0 : index
    %get3A_6 = arith.constant 0 : index
    %get3A_7 = vector.load %arg2[%get3A_4, %get3A_5, %get3A_6] : memref<2x1280x128xf32, #tpu.memory_space<vmem>>, vector<1x1280x1xf32>
    %get3A_8 = vector.shape_cast %get3A_7 : vector<1x1280x1xf32> to vector<1280x1xf32>
    %gt3A = arith.constant 0.000000e+00 : f32
    %gt3A_9 = vector.broadcast %gt3A : f32 to vector<1280x1xf32>
    %gt3A_10 = arith.cmpf ogt, %get3A_3, %gt3A_9 : vector<1280x1xf32>
    %max3A = arith.constant 1.000000e-30 : f32
    %max3A_11 = vector.broadcast %max3A : f32 to vector<1280x1xf32>
    %max3A_12 = arith.maximumf %get3A_3, %max3A_11 : vector<1280x1xf32>
    %rsqrt3A = math.rsqrt %max3A_12 : vector<1280x1xf32>
    %jit3A = arith.constant 0.000000e+00 : f32
    %broadcast_in_dim3A = vector.broadcast %jit3A : f32 to vector<1280x1xf32>
    %select_n3A = arith.select %gt3A_10, %rsqrt3A, %broadcast_in_dim3A : vector<1280x1xi1>, vector<1280x1xf32>
    %gt3A_13 = arith.constant 0.000000e+00 : f32
    %gt3A_14 = vector.broadcast %gt3A_13 : f32 to vector<1280x1xf32>
    %gt3A_15 = arith.cmpf ogt, %get3A_8, %gt3A_14 : vector<1280x1xf32>
    %max3A_16 = arith.constant 1.000000e-30 : f32
    %max3A_17 = vector.broadcast %max3A_16 : f32 to vector<1280x1xf32>
    %max3A_18 = arith.maximumf %get3A_8, %max3A_17 : vector<1280x1xf32>
    %rsqrt3A_19 = math.rsqrt %max3A_18 : vector<1280x1xf32>
    %jit3A_20 = arith.constant 0.000000e+00 : f32
    %broadcast_in_dim3A_21 = vector.broadcast %jit3A_20 : f32 to vector<1280x1xf32>
    %select_n3A_22 = arith.select %gt3A_15, %rsqrt3A_19, %broadcast_in_dim3A_21 : vector<1280x1xi1>, vector<1280x1xf32>
    %get3A_23 = arith.constant 0 : index
    %get3A_24 = arith.constant 0 : index
    %get3A_25 = vector.load %arg3[%get3A_23, %get3A_24] : memref<1280x1xf32, #tpu.memory_space<vmem>>, vector<1280x1xf32>
    %get3A_26 = arith.constant 0 : index
    %get3A_27 = arith.constant 0 : index
    %get3A_28 = vector.load %arg1[%get3A_26, %get3A_27] : memref<1280x128xf32, #tpu.memory_space<vmem>>, vector<1280x128xf32>
    %mul3A = vector.broadcast %get3A_25 : vector<1280x1xf32> to vector<1280x128xf32>
    %mul3A_29 = arith.mulf %get3A_28, %mul3A : vector<1280x128xf32>
    %sub3A = arith.constant 1.000000e+00 : f32
    %sub3A_30 = vector.broadcast %sub3A : f32 to vector<1280x1xf32>
    %sub3A_31 = arith.subf %sub3A_30, %get3A_25 : vector<1280x1xf32>
    %get3A_32 = arith.constant 0 : index
    %get3A_33 = arith.constant 0 : index
    %get3A_34 = vector.load %arg4[%get3A_32, %get3A_33] : memref<1x128xf32, #tpu.memory_space<vmem>>, vector<1x128xf32>
    %mul3A_35 = vector.broadcast %sub3A_31 : vector<1280x1xf32> to vector<1280x128xf32>
    %mul3A_36 = vector.broadcast %get3A_34 : vector<1x128xf32> to vector<1280x128xf32>
    %mul3A_37 = arith.mulf %mul3A_35, %mul3A_36 : vector<1280x128xf32>
    %add3A = arith.addf %mul3A_29, %mul3A_37 : vector<1280x128xf32>
    %mul3A_38 = vector.broadcast %select_n3A : vector<1280x1xf32> to vector<1280x128xf32>
    %mul3A_39 = arith.mulf %add3A, %mul3A_38 : vector<1280x128xf32>
    %swap3A = arith.constant 0 : index
    %swap3A_40 = arith.constant 0 : index
    %swap3A_41 = vector.load %arg5[%swap3A, %swap3A_40] : memref<1280x128xf32, #tpu.memory_space<vmem>>, vector<1280x128xf32>
    tpu.vector_store %arg5[%swap3A, %swap3A_40], %mul3A_39 {strides = array<i32>} : memref<1280x128xf32, #tpu.memory_space<vmem>>, vector<1280x128xf32>,
    %swap3A_42 = arith.constant 0 : index
    %swap3A_43 = arith.constant 0 : index
    %swap3A_44 = vector.load %arg6[%swap3A_42, %swap3A_43] : memref<1280x1xf32, #tpu.memory_space<vmem>>, vector<1280x1xf32>
    tpu.vector_store %arg6[%swap3A_42, %swap3A_43], %select_n3A_22 {strides = array<i32>} : memref<1280x1xf32, #tpu.memory_space<vmem>>, vector<1280x1xf32>,
    %swap3A_45 = arith.constant 0 : index
    %swap3A_46 = arith.constant 0 : index
    %swap3A_47 = vector.load %arg7[%swap3A_45, %swap3A_46] : memref<1280x1xf32, #tpu.memory_space<vmem>>, vector<1280x1xf32>
    tpu.vector_store %arg7[%swap3A_45, %swap3A_46], %select_n3A {strides = array<i32>} : memref<1280x1xf32, #tpu.memory_space<vmem>>, vector<1280x1xf32>,
    %mul3A_48 = arith.mulf %get3A_25, %select_n3A : vector<1280x1xf32>
    %swap3A_49 = arith.constant 0 : index
    %swap3A_50 = arith.constant 0 : index
    %swap3A_51 = vector.load %arg8[%swap3A_49, %swap3A_50] : memref<1280x1xf32, #tpu.memory_space<vmem>>, vector<1280x1xf32>
    tpu.vector_store %arg8[%swap3A_49, %swap3A_50], %mul3A_48 {strides = array<i32>} : memref<1280x1xf32, #tpu.memory_space<vmem>>, vector<1280x1xf32>,
    return
  }
  func.func @transform_0(%arg0: i32) -> (i32, i32) {
    %c0_i32 = arith.constant 0 : i32
    %c0_i32_0 = arith.constant 0 : i32
    return %arg0, %c0_i32 : i32, i32
  }
  func.func @transform_1(%arg0: i32) -> (i32, i32, i32) {
    %c0_i32 = arith.constant 0 : i32
    %c0_i32_0 = arith.constant 0 : i32
    %c0_i32_1 = arith.constant 0 : i32
    return %c0_i32, %arg0, %c0_i32_0 : i32, i32, i32
  }
  func.func @transform_2(%arg0: i32) -> (i32, i32) {
    %c0_i32 = arith.constant 0 : i32
    %c0_i32_0 = arith.constant 0 : i32
    return %arg0, %c0_i32 : i32, i32
  }
  func.func @transform_3(%arg0: i32) -> (i32, i32) {
    %c0_i32 = arith.constant 0 : i32
    %c0_i32_0 = arith.constant 0 : i32
    %c0_i32_1 = arith.constant 0 : i32
    return %c0_i32, %c0_i32_0 : i32, i32
  }
  func.func @transform_4(%arg0: i32) -> (i32, i32) {
    %c0_i32 = arith.constant 0 : i32
    %c0_i32_0 = arith.constant 0 : i32
    return %arg0, %c0_i32 : i32, i32
  }
  func.func @transform_5(%arg0: i32) -> (i32, i32) {
    %c0_i32 = arith.constant 0 : i32
    %c0_i32_0 = arith.constant 0 : i32
    return %arg0, %c0_i32 : i32, i32
  }
  func.func @transform_6(%arg0: i32) -> (i32, i32) {
    %c0_i32 = arith.constant 0 : i32
    %c0_i32_0 = arith.constant 0 : i32
    return %arg0, %c0_i32 : i32, i32
  }
  func.func @transform_7(%arg0: i32) -> (i32, i32) {
    %c0_i32 = arith.constant 0 : i32
    %c0_i32_0 = arith.constant 0 : i32
    return %arg0, %c0_i32 : i32, i32
  }
}

module attributes {stable_mosaic.version = 14 : i64} {
  func.func @body(%arg0: i32, %arg1: i32, %arg2: memref<2x1280x128xf32, #tpu.memory_space<vmem>>, %arg3: memref<128x128xf32, #tpu.memory_space<vmem>>, %arg4: memref<1x128xf32, #tpu.memory_space<vmem>>, %arg5: memref<1280x1xf32, #tpu.memory_space<vmem>>, %arg6: memref<1280x1xf32, #tpu.memory_space<vmem>>, %arg7: memref<1x1280x128xf32, #tpu.memory_space<vmem>>) attributes {dimension_semantics = [#tpu.dimension_semantics<arbitrary>, #tpu.dimension_semantics<arbitrary>], iteration_bounds = array<i64: 8, 4>, scalar_prefetch = 0 : i64, scratch_operands = 0 : i64, tpu.core_type = #tpu.core_type<tc>, window_params = [{transform_indices = @transform_0, window_bounds = array<i64: 2, 1280, 128>}, {transform_indices = @transform_1, window_bounds = array<i64: 128, 128>}, {transform_indices = @transform_2, window_bounds = array<i64: 1, 128>}, {transform_indices = @transform_3, window_bounds = array<i64: 1280, 1>}, {transform_indices = @transform_4, window_bounds = array<i64: 1280, 1>}, {transform_indices = @transform_5, window_bounds = array<i64: 1, 1280, 128>}]} {
    %get3A = arith.constant 0 : index
    %get3A_0 = arith.constant 0 : index
    %get3A_1 = arith.constant 0 : index
    %get3A_2 = vector.load %arg2[%get3A, %get3A_0, %get3A_1] : memref<2x1280x128xf32, #tpu.memory_space<vmem>>, vector<1x1280x128xf32>
    %get3A_3 = vector.shape_cast %get3A_2 : vector<1x1280x128xf32> to vector<1280x128xf32>
    %get3A_4 = arith.constant 1 : index
    %get3A_5 = arith.constant 0 : index
    %get3A_6 = arith.constant 0 : index
    %get3A_7 = vector.load %arg2[%get3A_4, %get3A_5, %get3A_6] : memref<2x1280x128xf32, #tpu.memory_space<vmem>>, vector<1x1280x128xf32>
    %get3A_8 = vector.shape_cast %get3A_7 : vector<1x1280x128xf32> to vector<1280x128xf32>
    %add3A = arith.addf %get3A_3, %get3A_8 : vector<1280x128xf32>
    %get3A_9 = arith.constant 0 : index
    %get3A_10 = arith.constant 0 : index
    %get3A_11 = vector.load %arg3[%get3A_9, %get3A_10] : memref<128x128xf32, #tpu.memory_space<vmem>>, vector<128x128xf32>
    %dot_general3A = arith.constant dense<0.000000e+00> : vector<1280x128xf32>
    %dot_general3A_12 = tpu.matmul %add3A, %get3A_11, %dot_general3A {dimension_numbers = #tpu.dot_dimension_numbers<[1], [0], [0], [1], [0, 0, 1, 1], [], []>, transpose_lhs_hint = false} : vector<1280x128xf32>, vector<128x128xf32>, vector<1280x128xf32> -> vector<1280x128xf32>
    %get3A_13 = arith.constant 0 : index
    %get3A_14 = arith.constant 0 : index
    %get3A_15 = vector.load %arg5[%get3A_13, %get3A_14] : memref<1280x1xf32, #tpu.memory_space<vmem>>, vector<1280x1xf32>
    %mul3A = vector.broadcast %get3A_15 : vector<1280x1xf32> to vector<1280x128xf32>
    %mul3A_16 = arith.mulf %dot_general3A_12, %mul3A : vector<1280x128xf32>
    %get3A_17 = arith.constant 0 : index
    %get3A_18 = arith.constant 0 : index
    %get3A_19 = vector.load %arg4[%get3A_17, %get3A_18] : memref<1x128xf32, #tpu.memory_space<vmem>>, vector<1x128xf32>
    %add3A_20 = vector.broadcast %get3A_19 : vector<1x128xf32> to vector<1280x128xf32>
    %add3A_21 = arith.addf %mul3A_16, %add3A_20 : vector<1280x128xf32>
    %max3A = arith.constant 0.000000e+00 : f32
    %max3A_22 = vector.broadcast %max3A : f32 to vector<1280x128xf32>
    %max3A_23 = arith.maximumf %add3A_21, %max3A_22 : vector<1280x128xf32>
    %get3A_24 = arith.constant 0 : index
    %get3A_25 = arith.constant 0 : index
    %get3A_26 = vector.load %arg6[%get3A_24, %get3A_25] : memref<1280x1xf32, #tpu.memory_space<vmem>>, vector<1280x1xf32>
    %mul3A_27 = vector.broadcast %get3A_26 : vector<1280x1xf32> to vector<1280x128xf32>
    %mul3A_28 = arith.mulf %max3A_23, %mul3A_27 : vector<1280x128xf32>
    %swap3A = arith.constant 0 : index
    %swap3A_29 = arith.constant 0 : index
    %swap3A_30 = arith.constant 0 : index
    %swap3A_31 = vector.load %arg7[%swap3A, %swap3A_29, %swap3A_30] : memref<1x1280x128xf32, #tpu.memory_space<vmem>>, vector<1x1280x128xf32>
    %swap3A_32 = vector.shape_cast %swap3A_31 : vector<1x1280x128xf32> to vector<1280x128xf32>
    %swap3A_33 = vector.shape_cast %mul3A_28 : vector<1280x128xf32> to vector<1x1280x128xf32>
    tpu.vector_store %arg7[%swap3A, %swap3A_29, %swap3A_30], %swap3A_33 {strides = array<i32>} : memref<1x1280x128xf32, #tpu.memory_space<vmem>>, vector<1x1280x128xf32>,
    return
  }
  func.func @transform_0(%arg0: i32, %arg1: i32) -> (i32, i32, i32) {
    %c0_i32 = arith.constant 0 : i32
    %c0_i32_0 = arith.constant 0 : i32
    %c0_i32_1 = arith.constant 0 : i32
    return %c0_i32, %arg0, %c0_i32_0 : i32, i32, i32
  }
  func.func @transform_1(%arg0: i32, %arg1: i32) -> (i32, i32) {
    %c0_i32 = arith.constant 0 : i32
    %c0_i32_0 = arith.constant 0 : i32
    return %c0_i32, %arg1 : i32, i32
  }
  func.func @transform_2(%arg0: i32, %arg1: i32) -> (i32, i32) {
    %c0_i32 = arith.constant 0 : i32
    %c0_i32_0 = arith.constant 0 : i32
    return %c0_i32, %arg1 : i32, i32
  }
  func.func @transform_3(%arg0: i32, %arg1: i32) -> (i32, i32) {
    %c0_i32 = arith.constant 0 : i32
    %c0_i32_0 = arith.constant 0 : i32
    return %arg0, %c0_i32 : i32, i32
  }
  func.func @transform_4(%arg0: i32, %arg1: i32) -> (i32, i32) {
    %c0_i32 = arith.constant 0 : i32
    %c0_i32_0 = arith.constant 0 : i32
    return %arg0, %c0_i32 : i32, i32
  }
  func.func @transform_5(%arg0: i32, %arg1: i32) -> (i32, i32, i32) {
    %c0_i32 = arith.constant 0 : i32
    %c0_i32_0 = arith.constant 0 : i32
    return %arg1, %arg0, %c0_i32 : i32, i32, i32
  }
}

module attributes {stable_mosaic.version = 14 : i64} {
  func.func @body(%arg0: i32, %arg1: memref<1280x128xf32, #tpu.memory_space<vmem>>, %arg2: memref<1280x128xf32, #tpu.memory_space<vmem>>, %arg3: memref<1280x128xf32, #tpu.memory_space<vmem>>, %arg4: memref<1280x128xf32, #tpu.memory_space<vmem>>, %arg5: memref<512x512xf32, #tpu.memory_space<vmem>>, %arg6: memref<1x512xf32, #tpu.memory_space<vmem>>, %arg7: memref<1280x1xf32, #tpu.memory_space<vmem>>, %arg8: memref<1280x1xf32, #tpu.memory_space<vmem>>, %arg9: memref<512x512xf32, #tpu.memory_space<vmem>>, %arg10: memref<512x128xf32, #tpu.memory_space<vmem>>, %arg11: memref<1280x512xf32, #tpu.memory_space<vmem>>, %arg12: memref<1280x128xf32, #tpu.memory_space<vmem>>) attributes {dimension_semantics = [#tpu.dimension_semantics<arbitrary>], iteration_bounds = array<i64: 8>, scalar_prefetch = 0 : i64, scratch_operands = 0 : i64, tpu.core_type = #tpu.core_type<tc>, window_params = [{transform_indices = @transform_0, window_bounds = array<i64: 1280, 128>}, {transform_indices = @transform_1, window_bounds = array<i64: 1280, 128>}, {transform_indices = @transform_2, window_bounds = array<i64: 1280, 128>}, {transform_indices = @transform_3, window_bounds = array<i64: 1280, 128>}, {pipeline_mode = #tpu.pipeline_mode<synchronous>, transform_indices = @transform_4, window_bounds = array<i64: 512, 512>}, {pipeline_mode = #tpu.pipeline_mode<synchronous>, transform_indices = @transform_5, window_bounds = array<i64: 1, 512>}, {transform_indices = @transform_6, window_bounds = array<i64: 1280, 1>}, {transform_indices = @transform_7, window_bounds = array<i64: 1280, 1>}, {pipeline_mode = #tpu.pipeline_mode<synchronous>, transform_indices = @transform_8, window_bounds = array<i64: 512, 512>}, {pipeline_mode = #tpu.pipeline_mode<synchronous>, transform_indices = @transform_9, window_bounds = array<i64: 512, 128>}, {transform_indices = @transform_10, window_bounds = array<i64: 1280, 512>}, {transform_indices = @transform_11, window_bounds = array<i64: 1280, 128>}]} {
    %get3A = arith.constant 0 : index
    %get3A_0 = arith.constant 0 : index
    %get3A_1 = vector.load %arg1[%get3A, %get3A_0] : memref<1280x128xf32, #tpu.memory_space<vmem>>, vector<1280x128xf32>
    %get3A_2 = arith.constant 0 : index
    %get3A_3 = arith.constant 0 : index
    %get3A_4 = vector.load %arg5[%get3A_2, %get3A_3] : memref<512x512xf32, #tpu.memory_space<vmem>>, vector<128x512xf32>
    %dot_general3A = arith.constant dense<0.000000e+00> : vector<1280x512xf32>
    %dot_general3A_5 = tpu.matmul %get3A_1, %get3A_4, %dot_general3A {dimension_numbers = #tpu.dot_dimension_numbers<[1], [0], [0], [1], [0, 0, 1, 1], [], []>, transpose_lhs_hint = false} : vector<1280x128xf32>, vector<128x512xf32>, vector<1280x512xf32> -> vector<1280x512xf32>
    %get3A_6 = arith.constant 0 : index
    %get3A_7 = arith.constant 0 : index
    %get3A_8 = vector.load %arg2[%get3A_6, %get3A_7] : memref<1280x128xf32, #tpu.memory_space<vmem>>, vector<1280x128xf32>
    %get3A_9 = arith.constant 128 : index
    %get3A_10 = arith.constant 0 : index
    %get3A_11 = vector.load %arg5[%get3A_9, %get3A_10] : memref<512x512xf32, #tpu.memory_space<vmem>>, vector<128x512xf32>
    %dot_general3A_12 = arith.constant dense<0.000000e+00> : vector<1280x512xf32>
    %dot_general3A_13 = tpu.matmul %get3A_8, %get3A_11, %dot_general3A_12 {dimension_numbers = #tpu.dot_dimension_numbers<[1], [0], [0], [1], [0, 0, 1, 1], [], []>, transpose_lhs_hint = false} : vector<1280x128xf32>, vector<128x512xf32>, vector<1280x512xf32> -> vector<1280x512xf32>
    %add3A = arith.addf %dot_general3A_5, %dot_general3A_13 : vector<1280x512xf32>
    %get3A_14 = arith.constant 0 : index
    %get3A_15 = arith.constant 0 : index
    %get3A_16 = vector.load %arg3[%get3A_14, %get3A_15] : memref<1280x128xf32, #tpu.memory_space<vmem>>, vector<1280x128xf32>
    %get3A_17 = arith.constant 256 : index
    %get3A_18 = arith.constant 0 : index
    %get3A_19 = vector.load %arg5[%get3A_17, %get3A_18] : memref<512x512xf32, #tpu.memory_space<vmem>>, vector<128x512xf32>
    %dot_general3A_20 = arith.constant dense<0.000000e+00> : vector<1280x512xf32>
    %dot_general3A_21 = tpu.matmul %get3A_16, %get3A_19, %dot_general3A_20 {dimension_numbers = #tpu.dot_dimension_numbers<[1], [0], [0], [1], [0, 0, 1, 1], [], []>, transpose_lhs_hint = false} : vector<1280x128xf32>, vector<128x512xf32>, vector<1280x512xf32> -> vector<1280x512xf32>
    %add3A_22 = arith.addf %add3A, %dot_general3A_21 : vector<1280x512xf32>
    %get3A_23 = arith.constant 0 : index
    %get3A_24 = arith.constant 0 : index
    %get3A_25 = vector.load %arg4[%get3A_23, %get3A_24] : memref<1280x128xf32, #tpu.memory_space<vmem>>, vector<1280x128xf32>
    %get3A_26 = arith.constant 384 : index
    %get3A_27 = arith.constant 0 : index
    %get3A_28 = vector.load %arg5[%get3A_26, %get3A_27] : memref<512x512xf32, #tpu.memory_space<vmem>>, vector<128x512xf32>
    %dot_general3A_29 = arith.constant dense<0.000000e+00> : vector<1280x512xf32>
    %dot_general3A_30 = tpu.matmul %get3A_25, %get3A_28, %dot_general3A_29 {dimension_numbers = #tpu.dot_dimension_numbers<[1], [0], [0], [1], [0, 0, 1, 1], [], []>, transpose_lhs_hint = false} : vector<1280x128xf32>, vector<128x512xf32>, vector<1280x512xf32> -> vector<1280x512xf32>
    %add3A_31 = arith.addf %add3A_22, %dot_general3A_30 : vector<1280x512xf32>
    %get3A_32 = arith.constant 0 : index
    %get3A_33 = arith.constant 0 : index
    %get3A_34 = vector.load %arg7[%get3A_32, %get3A_33] : memref<1280x1xf32, #tpu.memory_space<vmem>>, vector<1280x1xf32>
    %mul3A = vector.broadcast %get3A_34 : vector<1280x1xf32> to vector<1280x512xf32>
    %mul3A_35 = arith.mulf %add3A_31, %mul3A : vector<1280x512xf32>
    %get3A_36 = arith.constant 0 : index
    %get3A_37 = arith.constant 0 : index
    %get3A_38 = vector.load %arg6[%get3A_36, %get3A_37] : memref<1x512xf32, #tpu.memory_space<vmem>>, vector<1x512xf32>
    %add3A_39 = vector.broadcast %get3A_38 : vector<1x512xf32> to vector<1280x512xf32>
    %add3A_40 = arith.addf %mul3A_35, %add3A_39 : vector<1280x512xf32>
    %max3A = arith.constant 0.000000e+00 : f32
    %max3A_41 = vector.broadcast %max3A : f32 to vector<1280x512xf32>
    %max3A_42 = arith.maximumf %add3A_40, %max3A_41 : vector<1280x512xf32>
    %swap3A = arith.constant 0 : index
    %swap3A_43 = arith.constant 0 : index
    %swap3A_44 = vector.load %arg11[%swap3A, %swap3A_43] : memref<1280x512xf32, #tpu.memory_space<vmem>>, vector<1280x512xf32>
    tpu.vector_store %arg11[%swap3A, %swap3A_43], %max3A_42 {strides = array<i32>} : memref<1280x512xf32, #tpu.memory_space<vmem>>, vector<1280x512xf32>,
    %get3A_45 = arith.constant 0 : index
    %get3A_46 = arith.constant 0 : index
    %get3A_47 = vector.load %arg9[%get3A_45, %get3A_46] : memref<512x512xf32, #tpu.memory_space<vmem>>, vector<512x512xf32>
    %get3A_48 = arith.constant 0 : index
    %get3A_49 = arith.constant 0 : index
    %get3A_50 = vector.load %arg10[%get3A_48, %get3A_49] : memref<512x128xf32, #tpu.memory_space<vmem>>, vector<512x128xf32>
    %dot_general3A_51 = arith.constant dense<0.000000e+00> : vector<512x128xf32>
    %dot_general3A_52 = tpu.matmul %get3A_47, %get3A_50, %dot_general3A_51 {dimension_numbers = #tpu.dot_dimension_numbers<[1], [0], [0], [1], [0, 0, 1, 1], [], []>, transpose_lhs_hint = false} : vector<512x512xf32>, vector<512x128xf32>, vector<512x128xf32> -> vector<512x128xf32>
    %get3A_53 = arith.constant 0 : index
    %get3A_54 = arith.constant 0 : index
    %get3A_55 = vector.load %arg8[%get3A_53, %get3A_54] : memref<1280x1xf32, #tpu.memory_space<vmem>>, vector<1280x1xf32>
    %mul3A_56 = vector.broadcast %get3A_55 : vector<1280x1xf32> to vector<1280x512xf32>
    %mul3A_57 = arith.mulf %max3A_42, %mul3A_56 : vector<1280x512xf32>
    %dot_general3A_58 = arith.constant dense<0.000000e+00> : vector<1280x128xf32>
    %dot_general3A_59 = tpu.matmul %mul3A_57, %dot_general3A_52, %dot_general3A_58 {dimension_numbers = #tpu.dot_dimension_numbers<[1], [0], [0], [1], [0, 0, 1, 1], [], []>, transpose_lhs_hint = false} : vector<1280x512xf32>, vector<512x128xf32>, vector<1280x128xf32> -> vector<1280x128xf32>
    %swap3A_60 = arith.constant 0 : index
    %swap3A_61 = arith.constant 0 : index
    %swap3A_62 = vector.load %arg12[%swap3A_60, %swap3A_61] : memref<1280x128xf32, #tpu.memory_space<vmem>>, vector<1280x128xf32>
    tpu.vector_store %arg12[%swap3A_60, %swap3A_61], %dot_general3A_59 {strides = array<i32>} : memref<1280x128xf32, #tpu.memory_space<vmem>>, vector<1280x128xf32>,
    return
  }
  func.func @transform_0(%arg0: i32) -> (i32, i32) {
    %c0_i32 = arith.constant 0 : i32
    %c0_i32_0 = arith.constant 0 : i32
    return %arg0, %c0_i32 : i32, i32
  }
  func.func @transform_1(%arg0: i32) -> (i32, i32) {
    %c0_i32 = arith.constant 0 : i32
    %c0_i32_0 = arith.constant 0 : i32
    return %arg0, %c0_i32 : i32, i32
  }
  func.func @transform_2(%arg0: i32) -> (i32, i32) {
    %c0_i32 = arith.constant 0 : i32
    %c0_i32_0 = arith.constant 0 : i32
    return %arg0, %c0_i32 : i32, i32
  }
  func.func @transform_3(%arg0: i32) -> (i32, i32) {
    %c0_i32 = arith.constant 0 : i32
    %c0_i32_0 = arith.constant 0 : i32
    return %arg0, %c0_i32 : i32, i32
  }
  func.func @transform_4(%arg0: i32) -> (i32, i32) {
    %c0_i32 = arith.constant 0 : i32
    %c0_i32_0 = arith.constant 0 : i32
    %c0_i32_1 = arith.constant 0 : i32
    return %c0_i32, %c0_i32_0 : i32, i32
  }
  func.func @transform_5(%arg0: i32) -> (i32, i32) {
    %c0_i32 = arith.constant 0 : i32
    %c0_i32_0 = arith.constant 0 : i32
    %c0_i32_1 = arith.constant 0 : i32
    return %c0_i32, %c0_i32_0 : i32, i32
  }
  func.func @transform_6(%arg0: i32) -> (i32, i32) {
    %c0_i32 = arith.constant 0 : i32
    %c0_i32_0 = arith.constant 0 : i32
    return %arg0, %c0_i32 : i32, i32
  }
  func.func @transform_7(%arg0: i32) -> (i32, i32) {
    %c0_i32 = arith.constant 0 : i32
    %c0_i32_0 = arith.constant 0 : i32
    return %arg0, %c0_i32 : i32, i32
  }
  func.func @transform_8(%arg0: i32) -> (i32, i32) {
    %c0_i32 = arith.constant 0 : i32
    %c0_i32_0 = arith.constant 0 : i32
    %c0_i32_1 = arith.constant 0 : i32
    return %c0_i32, %c0_i32_0 : i32, i32
  }
  func.func @transform_9(%arg0: i32) -> (i32, i32) {
    %c0_i32 = arith.constant 0 : i32
    %c0_i32_0 = arith.constant 0 : i32
    %c0_i32_1 = arith.constant 0 : i32
    return %c0_i32, %c0_i32_0 : i32, i32
  }
  func.func @transform_10(%arg0: i32) -> (i32, i32) {
    %c0_i32 = arith.constant 0 : i32
    %c0_i32_0 = arith.constant 0 : i32
    return %arg0, %c0_i32 : i32, i32
  }
  func.func @transform_11(%arg0: i32) -> (i32, i32) {
    %c0_i32 = arith.constant 0 : i32
    %c0_i32_0 = arith.constant 0 : i32
    return %arg0, %c0_i32 : i32, i32
  }
}

module attributes {stable_mosaic.version = 14 : i64} {
  func.func @body(%arg0: i32, %arg1: memref<2x1280x128xf32, #tpu.memory_space<vmem>>, %arg2: memref<1x128xf32, #tpu.memory_space<vmem>>, %arg3: memref<1280x1xf32, #tpu.memory_space<vmem>>, %arg4: memref<1280x1xf32, #tpu.memory_space<vmem>>, %arg5: memref<1280x128xf32, #tpu.memory_space<vmem>>, %arg6: memref<1280x128xf32, #tpu.memory_space<vmem>>, %arg7: memref<1x1xf32, #tpu.memory_space<vmem>>) attributes {dimension_semantics = [#tpu.dimension_semantics<arbitrary>], iteration_bounds = array<i64: 8>, scalar_prefetch = 0 : i64, scratch_operands = 0 : i64, tpu.core_type = #tpu.core_type<tc>, window_params = [{transform_indices = @transform_0, window_bounds = array<i64: 2, 1280, 128>}, {pipeline_mode = #tpu.pipeline_mode<synchronous>, transform_indices = @transform_1, window_bounds = array<i64: 1, 128>}, {transform_indices = @transform_2, window_bounds = array<i64: 1280, 1>}, {transform_indices = @transform_3, window_bounds = array<i64: 1280, 1>}, {transform_indices = @transform_4, window_bounds = array<i64: 1280, 128>}, {transform_indices = @transform_5, window_bounds = array<i64: 1280, 128>}, {pipeline_mode = #tpu.pipeline_mode<synchronous>, transform_indices = @transform_6, window_bounds = array<i64: 1, 1>}]} {
    %get3A = arith.constant 0 : index
    %get3A_0 = arith.constant 0 : index
    %get3A_1 = arith.constant 0 : index
    %get3A_2 = vector.load %arg1[%get3A, %get3A_0, %get3A_1] : memref<2x1280x128xf32, #tpu.memory_space<vmem>>, vector<1x1280x128xf32>
    %get3A_3 = vector.shape_cast %get3A_2 : vector<1x1280x128xf32> to vector<1280x128xf32>
    %get3A_4 = arith.constant 1 : index
    %get3A_5 = arith.constant 0 : index
    %get3A_6 = arith.constant 0 : index
    %get3A_7 = vector.load %arg1[%get3A_4, %get3A_5, %get3A_6] : memref<2x1280x128xf32, #tpu.memory_space<vmem>>, vector<1x1280x128xf32>
    %get3A_8 = vector.shape_cast %get3A_7 : vector<1x1280x128xf32> to vector<1280x128xf32>
    %add3A = arith.addf %get3A_3, %get3A_8 : vector<1280x128xf32>
    %get3A_9 = arith.constant 0 : index
    %get3A_10 = arith.constant 0 : index
    %get3A_11 = vector.load %arg3[%get3A_9, %get3A_10] : memref<1280x1xf32, #tpu.memory_space<vmem>>, vector<1280x1xf32>
    %mul3A = vector.broadcast %get3A_11 : vector<1280x1xf32> to vector<1280x128xf32>
    %mul3A_12 = arith.mulf %add3A, %mul3A : vector<1280x128xf32>
    %get3A_13 = arith.constant 0 : index
    %get3A_14 = arith.constant 0 : index
    %get3A_15 = vector.load %arg2[%get3A_13, %get3A_14] : memref<1x128xf32, #tpu.memory_space<vmem>>, vector<1x128xf32>
    %add3A_16 = vector.broadcast %get3A_15 : vector<1x128xf32> to vector<1280x128xf32>
    %add3A_17 = arith.addf %mul3A_12, %add3A_16 : vector<1280x128xf32>
    %swap3A = arith.constant 0 : index
    %swap3A_18 = arith.constant 0 : index
    %swap3A_19 = vector.load %arg6[%swap3A, %swap3A_18] : memref<1280x128xf32, #tpu.memory_space<vmem>>, vector<1280x128xf32>
    tpu.vector_store %arg6[%swap3A, %swap3A_18], %add3A_17 {strides = array<i32>} : memref<1280x128xf32, #tpu.memory_space<vmem>>, vector<1280x128xf32>,
    %get3A_20 = arith.constant 0 : index
    %get3A_21 = arith.constant 0 : index
    %get3A_22 = vector.load %arg4[%get3A_20, %get3A_21] : memref<1280x1xf32, #tpu.memory_space<vmem>>, vector<1280x1xf32>
    %sub3A = arith.constant 1.000000e+00 : f32
    %sub3A_23 = vector.broadcast %sub3A : f32 to vector<1280x1xf32>
    %sub3A_24 = arith.subf %sub3A_23, %get3A_22 : vector<1280x1xf32>
    %get3A_25 = arith.constant 0 : index
    %get3A_26 = arith.constant 0 : index
    %get3A_27 = vector.load %arg5[%get3A_25, %get3A_26] : memref<1280x128xf32, #tpu.memory_space<vmem>>, vector<1280x128xf32>
    %mul3A_28 = arith.mulf %add3A_17, %add3A_17 : vector<1280x128xf32>
    %reduce_sum3A = arith.constant dense<0.000000e+00> : vector<1280xf32>
    %reduce_sum3A_29 = vector.multi_reduction <add>, %mul3A_28, %reduce_sum3A [1] : vector<1280x128xf32> to vector<1280xf32>
    %broadcast_in_dim3A = vector.shape_cast %reduce_sum3A_29 : vector<1280xf32> to vector<1280x1xf32>
    %sqrt3A = math.sqrt %broadcast_in_dim3A : vector<1280x1xf32>
    %mul3A_30 = arith.mulf %get3A_27, %get3A_27 : vector<1280x128xf32>
    %reduce_sum3A_31 = arith.constant dense<0.000000e+00> : vector<1280xf32>
    %reduce_sum3A_32 = vector.multi_reduction <add>, %mul3A_30, %reduce_sum3A_31 [1] : vector<1280x128xf32> to vector<1280xf32>
    %broadcast_in_dim3A_33 = vector.shape_cast %reduce_sum3A_32 : vector<1280xf32> to vector<1280x1xf32>
    %sqrt3A_34 = math.sqrt %broadcast_in_dim3A_33 : vector<1280x1xf32>
    %max3A = arith.constant 9.99999996E-13 : f32
    %max3A_35 = vector.broadcast %max3A : f32 to vector<1280x1xf32>
    %max3A_36 = arith.maximumf %sqrt3A, %max3A_35 : vector<1280x1xf32>
    %div3A = vector.broadcast %max3A_36 : vector<1280x1xf32> to vector<1280x128xf32>
    %div3A_37 = arith.divf %add3A_17, %div3A : vector<1280x128xf32>
    %max3A_38 = arith.constant 9.99999996E-13 : f32
    %max3A_39 = vector.broadcast %max3A_38 : f32 to vector<1280x1xf32>
    %max3A_40 = arith.maximumf %sqrt3A_34, %max3A_39 : vector<1280x1xf32>
    %div3A_41 = vector.broadcast %max3A_40 : vector<1280x1xf32> to vector<1280x128xf32>
    %div3A_42 = arith.divf %get3A_27, %div3A_41 : vector<1280x128xf32>
    %mul3A_43 = arith.mulf %div3A_37, %div3A_42 : vector<1280x128xf32>
    %reduce_sum3A_44 = arith.constant dense<0.000000e+00> : vector<1280xf32>
    %reduce_sum3A_45 = vector.multi_reduction <add>, %mul3A_43, %reduce_sum3A_44 [1] : vector<1280x128xf32> to vector<1280xf32>
    %broadcast_in_dim3A_46 = vector.shape_cast %reduce_sum3A_45 : vector<1280xf32> to vector<1280x1xf32>
    %sub3A_47 = arith.constant 1.000000e+00 : f32
    %sub3A_48 = vector.broadcast %sub3A_47 : f32 to vector<1280x1xf32>
    %sub3A_49 = arith.subf %sub3A_48, %broadcast_in_dim3A_46 : vector<1280x1xf32>
    %integer_pow3A = arith.mulf %sub3A_49, %sub3A_49 : vector<1280x1xf32>
    %mul3A_50 = arith.mulf %sub3A_24, %integer_pow3A : vector<1280x1xf32>
    %reduce_sum3A_51 = vector.shape_cast %mul3A_50 : vector<1280x1xf32> to vector<1x1280x1xf32>
    %reduce_sum3A_52 = arith.constant dense<0.000000e+00> : vector<1xf32>
    %reduce_sum3A_53 = vector.multi_reduction <add>, %reduce_sum3A_51, %reduce_sum3A_52 [1, 2] : vector<1x1280x1xf32> to vector<1xf32>
    %reduce_sum3A_54 = vector.shape_cast %reduce_sum3A_53 : vector<1xf32> to vector<1x1x1xf32>
    %reduce_sum3A_55 = vector.extract %reduce_sum3A_54[0, 0, 0] : f32 from vector<1x1x1xf32>
    %broadcast_in_dim3A_56 = vector.broadcast %reduce_sum3A_55 : f32 to vector<1x1xf32>
    %eq3A = arith.constant 0 : i32
    %eq3A_57 = arith.cmpi eq, %arg0, %eq3A : i32
    %convert_element_type3A = arith.extui %eq3A_57 : i1 to i32
    %cond3A = arith.constant 0 : i32
    %cond3A_58 = arith.cmpi ne, %convert_element_type3A, %cond3A : i32
    scf.if %cond3A_58 {
      %swap3A_63 = arith.constant 0 : index
      %swap3A_64 = arith.constant 0 : index
      %swap3A_65 = vector.load %arg7[%swap3A_63, %swap3A_64] : memref<1x1xf32, #tpu.memory_space<vmem>>, vector<1x1xf32>
      tpu.vector_store %arg7[%swap3A_63, %swap3A_64], %broadcast_in_dim3A_56 {strides = array<i32>} : memref<1x1xf32, #tpu.memory_space<vmem>>, vector<1x1xf32>,
    } else {
    }
    %gt3A = arith.constant 0 : i32
    %gt3A_59 = arith.cmpi sgt, %arg0, %gt3A : i32
    %convert_element_type3A_60 = arith.extui %gt3A_59 : i1 to i32
    %cond3A_61 = arith.constant 0 : i32
    %cond3A_62 = arith.cmpi ne, %convert_element_type3A_60, %cond3A_61 : i32
    scf.if %cond3A_62 {
      %get3A_63 = arith.constant 0 : index
      %get3A_64 = arith.constant 0 : index
      %get3A_65 = vector.load %arg7[%get3A_63, %get3A_64] : memref<1x1xf32, #tpu.memory_space<vmem>>, vector<1x1xf32>
      %add3A_66 = arith.addf %get3A_65, %broadcast_in_dim3A_56 : vector<1x1xf32>
      %swap3A_67 = arith.constant 0 : index
      %swap3A_68 = arith.constant 0 : index
      %swap3A_69 = vector.load %arg7[%swap3A_67, %swap3A_68] : memref<1x1xf32, #tpu.memory_space<vmem>>, vector<1x1xf32>
      tpu.vector_store %arg7[%swap3A_67, %swap3A_68], %add3A_66 {strides = array<i32>} : memref<1x1xf32, #tpu.memory_space<vmem>>, vector<1x1xf32>,
    } else {
    }
    return
  }
  func.func @transform_0(%arg0: i32) -> (i32, i32, i32) {
    %c0_i32 = arith.constant 0 : i32
    %c0_i32_0 = arith.constant 0 : i32
    %c0_i32_1 = arith.constant 0 : i32
    return %c0_i32, %arg0, %c0_i32_0 : i32, i32, i32
  }
  func.func @transform_1(%arg0: i32) -> (i32, i32) {
    %c0_i32 = arith.constant 0 : i32
    %c0_i32_0 = arith.constant 0 : i32
    %c0_i32_1 = arith.constant 0 : i32
    return %c0_i32, %c0_i32_0 : i32, i32
  }
  func.func @transform_2(%arg0: i32) -> (i32, i32) {
    %c0_i32 = arith.constant 0 : i32
    %c0_i32_0 = arith.constant 0 : i32
    return %arg0, %c0_i32 : i32, i32
  }
  func.func @transform_3(%arg0: i32) -> (i32, i32) {
    %c0_i32 = arith.constant 0 : i32
    %c0_i32_0 = arith.constant 0 : i32
    return %arg0, %c0_i32 : i32, i32
  }
  func.func @transform_4(%arg0: i32) -> (i32, i32) {
    %c0_i32 = arith.constant 0 : i32
    %c0_i32_0 = arith.constant 0 : i32
    return %arg0, %c0_i32 : i32, i32
  }
  func.func @transform_5(%arg0: i32) -> (i32, i32) {
    %c0_i32 = arith.constant 0 : i32
    %c0_i32_0 = arith.constant 0 : i32
    return %arg0, %c0_i32 : i32, i32
  }
  func.func @transform_6(%arg0: i32) -> (i32, i32) {
    %c0_i32 = arith.constant 0 : i32
    %c0_i32_0 = arith.constant 0 : i32
    %c0_i32_1 = arith.constant 0 : i32
    return %c0_i32, %c0_i32_0 : i32, i32
  }
}

</mosaic_0001>

<sc_bundles>
// kernel: kernel.10.cloned.1.call-start
scs
__scs_entry_jumppad:
0x0: {  	(pc) =	sbr.rel $0x88, $3  }
0x1: {  	(tag) =	ssettag $0x0;
	lr =	simm.s32 $0x1  }
0x2: {  	[smem:$0x3F96] =	sst lr;
	_ =	strace $0xD0000000  }
0x3: {  	_ = 	snop  }
0x4: {  	_ = 	snop  }
0x5: {  	_ = 	snop  }
0x6: {  	_ = 	snop  }
0x7: {  	_ = 	snop  }
__scs_overlays_trampoline_lowered:
0x8: {  	[smem:$0x3FA5] =	sst s0  }
0x9: {  	[smem:$0x3FA6] =	sst s1  }
0xa: {  	[smem:$0x3FA7] =	sst s2  }
0xb: {  	[smem:$0x3FA8] =	sst s3  }
0xc: {  	[smem:$0x3FA9] =	sst s4  }
0xd: {  	[smem:$0x3FAA] =	sst s5  }
0xe: {  	[smem:$0x3FAB] =	sst s6  }
0xf: {  	[smem:$0x3FAC] =	sst s7  }
0x10: {  	[smem:$0x3FAD] =	sst s8  }
0x11: {  	[smem:$0x3FAE] =	sst s9;
	s0 =	simm.s32 @!p0 $0x0  }
0x12: {  	s1 =	sld [smem:$0x3F94];
	s0 =	simm.s32 @p0 $0x1  }
0x13: {  	[smem:$0x3FAF] =	sst s0;
	s0 =	simm.s32 @!p1 $0x0  }
0x14: {  	s2 =	sld [smem:$0x3F93];
	s0 =	simm.s32 @p1 $0x1  }
0x15: {  	[smem:$0x3FB0] =	sst s0;
	s0 =	simm.s32 @!p2 $0x0  }
0x16: {  	s3 =	sld [smem:$0x3FDB];
	s0 =	simm.s32 @p2 $0x1  }
0x17: {  	s4 =	simm.s32 $0x1BF5;
	[smem:$0x3FB2] =	sst s0  }
0x18: {  	s0 =	sld [smem:$0x3F95];
	_ =	swait.ge [sflag:s4], $0x0  }
0x19: {  	s7 =	sld [smem:$0x3F96]  }
0x1a: {  	s8 =	sadd.s32 $0xFFFFE003, lr  }
0x1b: {  	s9 =	sadd.s32 $0xFFFFFEF7, lr;
	s5 =	simm.s32 $0xFFFFFFFF;
	p2 =	slt.u32 s8, $0xFFFFF086  }
0x1c: {  	p1 =	slt.u32 s9, $0xF7A;
	s5 =	simm.s32 @!p2 $0x0  }
0x1d: {  	s5 =	simm.s32 @p1 $0x1;
	p0 =	seq.s32 s7, s2  }
0x1e: {  	s7 =	smul.u32 @!p0 $0xF7A, s2;
	p2 =	seq.s32 @!p0 s5, $0x0  }
0x1f: {  	s9 =	smul.u32 $0xF7A, s1;
	s8 =	simm.s32 @!p0 $0x1BF5;
	p2 =	por !p2, p0  }
0x20: {  	[sflag:s8] =	ssyncset.s32 @!p0 $0xFFFFF086;
	s6 =	sadd.s32 @!p0 s3, s7;
	s7 =	simm.s32 @!p0 $0x108  }
0x21: {  	s3 =	sadd.s32 s3, s9;
	s6 =	sadd.s32 @!p0 $0x88, s6;
	s7 =	simm.s32 @p2 $0x1082  }
0x22: {  	[simem:s7], [sflag:s8] =	dma.local @!p0 [hbm:s6], $0xF7A  }
0x23: {  	s9 =	sor.u32 $0xD0000000, s2;
	s6 =	simm.s32 $0x108;
	_ =	swait.ge @!p0 [sflag:s8], $0x0  }
0x24: {  	s3 =	sadd.s32 $0x88, s3;
	s6 =	simm.s32 @!p1 $0x1082;
	[sflag:s4] =	ssyncset.s32 $0xFFFFF086  }
0x25: {  	[simem:s6], [sflag:s4] =	dma.local [hbm:s3], $0xF7A  }
0x26: {  	[smem:$0x3F96] =	sst s1;
	(tag) =	ssettag s2;
	_ =	strace s9  }
0x27: {  	s1 =	sld [smem:$0x3FA6]  }
0x28: {  	s2 =	sld [smem:$0x3FA7]  }
0x29: {  	s4 =	sld [smem:$0x3FA9]  }
0x2a: {  	p0 =	seq.s32 s5, $0x0;
	s5 =	sld [smem:$0x3FAA]  }
0x2b: {  	s6 =	sld [smem:$0x3FAB]  }
0x2c: {  	s7 =	sld [smem:$0x3FAC]  }
0x2d: {  	s3 =	simm.s32 $0x108;
	s8 =	sld [smem:$0x3FAD]  }
0x2e: {  	s3 =	simm.s32 @!p0 $0x1082;
	s9 =	sld [smem:$0x3FAE]  }
0x2f: {  	lr =	sadd.s32 s0, s3;
	s0 =	sld [smem:$0x3FA5]  }
0x30: {  	s3 =	sld [smem:$0x3FA8]  }
0x31: {  	[smem:$0x3FB1] =	sst s10  }
0x32: {  	s10 =	sld [smem:$0x3FAF];
	_ =	sdelay $0x3  }
0x33: {  	p0 =	seq.s32 s10, $0x1;
	s10 =	sld [smem:$0x3FB1];
	_ =	sdelay $0x3  }
0x34: {  	[smem:$0x3FB1] =	sst s10  }
0x35: {  	s10 =	sld [smem:$0x3FB0];
	_ =	sdelay $0x3  }
0x36: {  	p1 =	seq.s32 s10, $0x1;
	s10 =	sld [smem:$0x3FB1];
	_ =	sdelay $0x3  }
0x37: {  	[smem:$0x3FB1] =	sst s10  }
0x38: {  	s10 =	sld [smem:$0x3FB2]  }
0x39: {  	_ = 	snop;
	(pc) =	sbr.ind lr, $3  }
0x3a: {  	_ = 	snop  }
0x3b: {  	_ = 	snop  }
0x3c: {  	p2 =	seq.s32 s10, $0x1;
	s10 =	sld [smem:$0x3FB1]  }
0x3d: {  	_ =	shalt  }
0x3e: {  	_ =	shalt  }
0x3f: {  	_ =	shalt  }
0x40: {  	_ =	shalt  }
0x41: {  	_ =	shalt  }
0x42: {  	_ =	shalt  }
0x43: {  	_ =	shalt  }
0x44: {  	_ =	shalt  }
0x45: {  	_ =	shalt  }
0x46: {  	_ =	shalt  }
0x47: {  	_ =	shalt  }
0x48: {  	_ =	shalt  }
0x49: {  	_ =	shalt  }
0x4a: {  	_ =	shalt  }
0x4b: {  	_ =	shalt  }
0x4c: {  	_ =	shalt  }
0x4d: {  	_ =	shalt  }
0x4e: {  	_ =	shalt  }
0x4f: {  	_ =	shalt  }
0x50: {  	_ =	shalt  }
0x51: {  	_ =	shalt  }
0x52: {  	_ =	shalt  }
0x53: {  	_ =	shalt  }
0x54: {  	_ =	shalt  }
0x55: {  	_ =	shalt  }
0x56: {  	_ =	shalt  }
0x57: {  	_ =	shalt  }
0x58: {  	_ =	shalt  }
0x59: {  	_ =	shalt  }
0x5a: {  	_ =	shalt  }
0x5b: {  	_ =	shalt  }
0x5c: {  	_ =	shalt  }
0x5d: {  	_ =	shalt  }
0x5e: {  	_ =	shalt  }
0x5f: {  	_ =	shalt  }
0x60: {  	_ =	shalt  }
0x61: {  	_ =	shalt  }
0x62: {  	_ =	shalt  }
0x63: {  	_ =	shalt  }
0x64: {  	_ =	shalt  }
0x65: {  	_ =	shalt  }
0x66: {  	_ =	shalt  }
0x67: {  	_ =	shalt  }
0x68: {  	_ =	shalt  }
0x69: {  	_ =	shalt  }
0x6a: {  	_ =	shalt  }
0x6b: {  	_ =	shalt  }
0x6c: {  	_ =	shalt  }
0x6d: {  	_ =	shalt  }
0x6e: {  	_ =	shalt  }
0x6f: {  	_ =	shalt  }
0x70: {  	_ =	shalt  }
0x71: {  	_ =	shalt  }
0x72: {  	_ =	shalt  }
0x73: {  	_ =	shalt  }
0x74: {  	_ =	shalt  }
0x75: {  	_ =	shalt  }
0x76: {  	_ =	shalt  }
0x77: {  	_ =	shalt  }
0x78: {  	_ =	shalt  }
0x79: {  	_ =	shalt  }
0x7a: {  	_ =	shalt  }
0x7b: {  	_ =	shalt  }
0x7c: {  	_ =	shalt  }
0x7d: {  	_ =	shalt  }
0x7e: {  	_ =	shalt  }
0x7f: {  	_ =	shalt  }
0x80: {  	_ =	shalt  }
0x81: {  	_ =	shalt  }
0x82: {  	_ =	shalt  }
0x83: {  	_ =	shalt  }
0x84: {  	_ =	shalt  }
0x85: {  	_ =	shalt  }
0x86: {  	_ =	shalt  }
0x87: {  	_ =	shalt  }
.Lfunc_end0:
.L_simem_size_0:
called_computation_lowered:
.L_overlay_start_0:
0x88: {  	s2 =	sld [smem:$0x3FD9]  }
0x89: {  	s3 =	sld [smem:$0x3FFE];
	_ =	sdelay $0x1  }
0x8a: {  	s1 =	srdreg.scid  }
0x8b: {  	s0 =	sand.u32 $0x1, s1  }
0x8c: {  	s14 =	sshll.u32 s0, $0xA;
	s2 =	sadd.s32 s3, s2  }
0x8d: {  	s2 =	sadd.s32 s2, s14  }
0x8e: {  	[smem:$0x3FBD] =	sst s2  }
0x8f: {  	_ = 	snop  }
0x90: {  	s2 =	sld [smem:$0x3FD0];
	_ =	sdelay $0x2  }
0x91: {  	s15 =	simm.s32 $0xA;
	s4 =	simm.s32 $0x10  }
0x92: {  	[smem:s4], [sflag:s15] =	dma.local [hbm:s2], $0x1  }
0x93: {  	_ =	swait.eq [sflag:s15], $0x1  }
0x94: {  	[sflag:s15] =	ssyncset.done $0x0  }
0x95: {  	s16 =	sld [smem:$0x10];
	[sflag:s15] =	ssyncadd.s32 $0xFFFFFFFF  }
0x96: {  	s17 =	sld [smem:$0x11];
	(tm) =	ssettm $0x1  }
0x97: {  	s18 =	sld [smem:$0x3FFB];
	_ =	sdelay $0x3  }
0x98: {  	_ =	strace s18  }
0x99: {  	s4 =	sld [smem:$0x3FFC];
	_ =	sdelay $0x3  }
0x9a: {  	_ =	strace s4  }
0x9b: {  	s4 =	sld [smem:$0x3FFD];
	_ =	sdelay $0x3  }
0x9c: {  	_ =	strace s4  }
0x9d: {  	_ =	strace $0x8FFFFFFF  }
0x9e: {  	s19 =	sld [smem:$0x3FDB];
	_ =	sdelay $0x1  }
0x9f: {  	s5 =	simm.s32 $_scs_section_size  }
0xa0: {  	s6 =	simm.s32 $_size__tile_overlayer_lowered;
	s7 =	simm.s32 $_tile_overlayer_lowered  }
0xa1: {  	s22 =	simm.s32 $0x1BFF;
	s21 =	sshll.u32 s7, $0x1;
	s4 =	sadd.s32 s5, s19  }
0xa2: {  	s8 =	simm.s32 $0x0;
	s20 =	sshll.u32 s6, $0x1;
	s6 =	sadd.s32 s21, s4  }
0xa3: {  	[timem:s8], [sflag:s22] =	dma.local [hbm:s6], s20  }
0xa4: {  	_ =	swait.ge [sflag:s22], s20  }
0xa5: {  	s5 =	ssub.s32 $0x0, s20;
	[sflag:s22] =	ssyncset.done $0x0  }
0xa6: {  	[sflag:s22] =	ssyncadd.s32 s5;
	_ =	sdelay $0x1  }
0xa7: {  	s23 =	simm.s32 $0x1B8B  }
0xa8: {  	_ =	swait.ge [sflag:s23], $0x1  }
0xa9: {  	[sflag:s23] =	ssyncset.done $0x0  }
0xaa: {  	s25 =	simm.s32 $0x1B8E;
	s24 =	sld [smem:$0x3FFE];
	[sflag:s23] =	ssyncadd.s32 $0xFFFFFFFF  }
0xab: {  	s26 =	simm.s32 $execute0_lowered;
	[smem:$0x3FD2] =	sst s25  }
0xac: {  	s6 =	sshll.u32 s26, $0x1;
	_ =	strace $0x80000046;
	[dreg:$0x1] =	wrdreg $0xFFFFFFFF  }
0xad: {  	s28 =	simm.s32 $_size_execute0_lowered;
	s4 =	sadd.s32 s4, s6;
	[dreg:$0x0] =	wrdreg $0x0  }
0xae: {  	s6 =	sshll.u32 s28, $0x1;
	[dreg:$0x2] =	wrdreg s4  }
0xaf: {  	[dreg:$0x3] =	wrdreg s6  }
0xb0: {  	[dreg:$0x4] =	wrdreg $0xC0  }
0xb1: {  	_ =	task [dreg:s8], $0x5FFFF  }
0xb2: {  	[dreg:$0x1] =	wrdreg $0xFFFFFFFF  }
0xb3: {  	[dreg:$0x0] =	wrdreg $0x60  }
0xb4: {  	[dreg:$0x2] =	wrdreg s17  }
0xb5: {  	[dreg:$0x3] =	wrdreg s24  }
0xb6: {  	[dreg:$0x4] =	wrdreg s16  }
0xb7: {  	[dreg:$0x5] =	wrdreg $0x41000  }
0xb8: {  	[dreg:$0x6] =	wrdreg $0x9  }
0xb9: {  	_ =	task.clear_ibuf [dreg:s8], $0x7FFFF;
	_ =	strace $0x90000046  }
0xba: {  	s29 =	simm.s32 $0x9;
	_ =	strace $0x80000048  }
0xbb: {  	_ =	swait.ge [sflag:s29], $0x1  }
0xbc: {  	[sflag:s29] =	ssyncadd.s32 $0xFFFFFFFF  }
0xbd: {  	_ =	strace $0x90000048  }
0xbe: {  	_ =	sfence  }
0xbf: {  	s30 =	sld [smem:$0x0];
	_ =	sdelay $0x2  }
0xc0: {  	s31 =	sshll.u32 s1, $0xD;
	s1 =	sshrl.u32 s1, $0x2  }
0xc1: {  	s3 =	sand.u32 $0x4000, s31;
	s1 =	sadd.s32 s1, s30  }
0xc2: {  	s0 =	sor.u32 s3, s0;
	s1 =	sshll.u32 s1, $0x11  }
0xc3: {  	s0 =	sor.u32 s1, s0  }
0xc4: {  	s0 =	sadd.s32 $0x8F2B, s0  }
0xc5: {  	[sflag:s0] =	ssyncadd.remote.s32 $0x1  }
0xc6: {  	_ =	sfence.sel $0xFFFF  }
0xc7: {  	[dreg:$0x0] =	wrdreg $0xFFFFFFFF;
	(pc) =	sbr.abs _section_cstart, $3  }
0xc8: {  	[dreg:$0x1] =	wrdreg $0xFFFFFFFF  }
0xc9: {  	_ =	task.clear_ibuf [dreg:s8], $0x2FFFF;
	_ =	strace $0x9FFFFFFF  }
0xca: {  	(tm) =	ssettm $0x7FFFFFFF  }
0xcb: {  	_ =	shalt  }
tec
execute0_lowered:
.L_overlay_start_1:
0x0: {  	(tag) =	ssettag $0x1  }
0x1: {  	s8 =	rddreg [dreg:$0x0]  }
0x2: {  	s6 =	rddreg [dreg:$0x1]  }
0x3: {  	s1 =	rddreg [dreg:$0x2]  }
0x4: {  	s3 =	rddreg [dreg:$0x3]  }
0x5: {  	s0 =	rddreg [dreg:$0x4];
	s4 =	simm.s32 $0x0;
	s2 =	stileid.u32  }
0x6: {  	s7 =	srdreg.scid;
	s14 =	simm.s32 $0x100;
	s15 =	simm.s32 $0x3  }
0x7: {  	s18 =	simm.s32 $0x80;
	s19 =	simm.s32 $0x1;
	s20 =	simm.s32 $0x2  }
0x8: {  	s21 =	simm.s32 $0x0;
	[smem:$0x7FF] =	sst s4;
	s5 =	smul.u32 $0x14000, s2  }
0x9: {  	s9 =	sand.u32 $0x1, s7;
	s10 =	smul.u32 $0x50000, s2;
	s31 =	sshll.u32 s2, $0x5  }
0xa: {  	s16 =	sshll.u32 s2, $0x6;
	_ =	strace $0x80000047;
	s7 =	ssub.s32 $0x2, s9  }
0xb: {  	s8 =	sadd.s32 s8, s31;
	p0 =	seq.s32 s9, $0x1;
	s16 =	sor.u32 $0x1C03, s16  }
.Ltmp0:
0xc: {  	s5 =	sshrl.u32 s5, $0x3;
	s12 =	sshrl.u32 s7, $0x1;
	(pc) =	sbr.rel .LBB2_1-.Ltmp0, $4  }
0xd: {  	s30 =	sshrl.u32 s10, $0x2;
	s9 =	sadd.s32 $0x200, s8;
	s10 =	sadd.s32 $0x10, s8  }
0xe: {  	s11 =	sadd.s32 s5, s6;
	s6 =	sadd.s32 $0x5400, s6;
	s13 =	ssub.s32 s7, s12  }
0xf: {  	s17 =	sadd.s32 s30, s3;
	s12 =	sadd.s32 $0x28000, s5;
	s7 =	sadd.s32 $0x5C00, s11  }
0x10: {  	s11 =	sadd.s32 $0x210, s8;
	s13 =	smax.u32 s13, $0x1;
	s17 =	sshrl.u32 s17, $0x3  }
.LBB2_7:
0x11: {  	[tilespmem:s18], [sflag:$0x2] =	stream.linear.gather [hbm4b:s23+s4], $0x80, $0x38;
	[tilespmem:$0x18100] =	vst v63  }
0x12: {  	s22 =	smov.u32 s12  }
.LBB2_8:
0x13: {  	_ =	swait.ge [sflag:s19], $0x80  }
0x14: {  	[sflag:s19] =	ssyncset.done $0x0  }
0x15: {  	[sflag:s19] =	ssyncadd.s32 $0xFFFFFF80  }
0x16: {  	[spmem:s3] =	stream.indirect.scatter.add.f32 [tilespmem:s14], [sflag:$0x3], $0x80, s4, s18, $0xb8;
	[tilespmem:$0x18100] =	vst v63  }
0x17: {  	_ =	swait.ge [sflag:s15], $0x4000  }
0x18: {  	[sflag:s15] =	ssyncset.done $0x0  }
0x19: {  	[sflag:s15] =	ssyncadd.s32 $0xFFFFC000  }
0x1a: {  	_ =	swait.ge [sflag:s20], $0x80  }
0x1b: {  	[sflag:s20] =	ssyncset.done $0x0  }
0x1c: {  	[sflag:s20] =	ssyncadd.s32 $0xFFFFFF80  }
0x1d: {  	[spmem:s3] =	stream.indirect.scatter.add.f32 [tilespmem:s14], [sflag:$0x3], $0x80, s18, s18, $0xb8;
	[tilespmem:$0x18100] =	vst v63  }
0x1e: {  	_ =	swait.ge [sflag:s15], $0x4000  }
0x1f: {  	s21 =	sadd.s32 $0x1, s21;
	[sflag:s15] =	ssyncset.done $0x0  }
0x20: {  	p1 =	sne.s32 s21, s13;
	[sflag:s15] =	ssyncadd.s32 $0xFFFFC000  }
.Ltmp1:
0x21: {  	s22 =	sadd.s32 s1, s22;
	[bflag:$0x0] =	sbarrier.arrive $0xFFFF;
	(pc) =	sbr.rel @!p1 .LBB2_9-.Ltmp1, $4  }
0x22: {  	[hbm:s22], [sflag:s16] =	dma.local [spmem:s17], $0x2800  }
0x23: {  	_ =	swait.ge [sflag:s15], $0x2800  }
0x24: {  	[sflag:s15] =	ssyncset.done $0x0  }
0x25: {  	[sflag:s15] =	ssyncadd.s32 $0xFFFFD800  }
.LBB2_1:
0x26: {  	[tilespmem:s14], [sflag:$0x3] =	stream.linear.gather [hbm4b:s6+s4], $0x4000, $0x38;
	[tilespmem:$0x18100] =	vst v63  }
0x27: {  	_ =	swait.ge [sflag:s15], $0x4000  }
0x28: {  	[sflag:s15] =	ssyncset.done $0x0  }
0x29: {  	[sflag:s15] =	ssyncadd.s32 $0xFFFFC000  }
0x2a: {  	[spmem:s17], [sflag:s16] =	dma.local [hbm:s7], $0x2800  }
.Ltmp2:
0x2b: {  	_ =	swait.ge [sflag:s15], $0x2800;
	(pc) =	sbr.rel @!p0 .LBB2_2-.Ltmp2, $3  }
0x2c: {  	[sflag:s15] =	ssyncset.done $0x0  }
0x2d: {  	[sflag:s15] =	ssyncadd.s32 $0xFFFFD800  }
0x2e: {  	[bflag:$0x0] =	sbarrier.arrive $0xFFFF;
	_ =	sdelay $0x1  }
0x2f: {  	[tilespmem:s4], [sflag:$0x1] =	stream.linear.gather [hbm4b:s10+s4], $0x80, $0x38;
	[tilespmem:$0x18100] =	vst v63  }
0x30: {  	_ = 	snop  }
0x31: {  	[tilespmem:s18], [sflag:$0x2] =	stream.linear.gather [hbm4b:s11+s4], $0x80, $0x38;
	[tilespmem:$0x18100] =	vst v63  }
0x32: {  	_ =	swait.ge [sflag:s19], $0x80  }
0x33: {  	[sflag:s19] =	ssyncset.done $0x0  }
0x34: {  	[sflag:s19] =	ssyncadd.s32 $0xFFFFFF80  }
0x35: {  	[spmem:s3] =	stream.indirect.scatter.add.f32 [tilespmem:s14], [sflag:$0x3], $0x80, s4, s18, $0xb8;
	[tilespmem:$0x18100] =	vst v63  }
0x36: {  	_ =	swait.ge [sflag:s15], $0x4000  }
0x37: {  	s23 =	sadd.s32 $0xFFFEC400, s8;
	[sflag:s15] =	ssyncset.done $0x0  }
0x38: {  	s22 =	sadd.s32 $0x14010, s23;
	[sflag:s15] =	ssyncadd.s32 $0xFFFFC000  }
0x39: {  	[tilespmem:s4], [sflag:$0x1] =	stream.linear.gather [hbm4b:s22+s4], $0x80, $0x38;
	[tilespmem:$0x18100] =	vst v63  }
0x3a: {  	_ =	swait.ge [sflag:s20], $0x80  }
0x3b: {  	[sflag:s20] =	ssyncset.done $0x0  }
0x3c: {  	[sflag:s20] =	ssyncadd.s32 $0xFFFFFF80  }
0x3d: {  	[spmem:s3] =	stream.indirect.scatter.add.f32 [tilespmem:s14], [sflag:$0x3], $0x80, s18, s18, $0xb8;
	[tilespmem:$0x18100] =	vst v63  }
0x3e: {  	_ =	swait.ge [sflag:s15], $0x4000  }
0x3f: {  	[sflag:s15] =	ssyncset.done $0x0  }
0x40: {  	s23 =	sadd.s32 $0x14210, s23;
	s22 =	simm.s32 $0xFFFEC800;
	[sflag:s15] =	ssyncadd.s32 $0xFFFFC000  }
.LBB2_6:
0x41: {  	[tilespmem:s18], [sflag:$0x2] =	stream.linear.gather [hbm4b:s23+s4], $0x80, $0x38;
	[tilespmem:$0x18100] =	vst v63  }
0x42: {  	s23 =	smov.u32 s22  }
0x43: {  	p1 =	sne.s32 s22, $0xFFFFFC00;
	s22 =	sadd.s32 $0x400, s22;
	_ =	swait.ge [sflag:s19], $0x80  }
0x44: {  	[sflag:s19] =	ssyncset.done $0x0  }
0x45: {  	[sflag:s19] =	ssyncadd.s32 $0xFFFFFF80  }
0x46: {  	[spmem:s3] =	stream.indirect.scatter.add.f32 [tilespmem:s14], [sflag:$0x3], $0x80, s4, s18, $0xb8;
	[tilespmem:$0x18100] =	vst v63  }
0x47: {  	_ =	swait.ge [sflag:s15], $0x4000  }
0x48: {  	s23 =	sadd.s32 s23, s8;
	[sflag:s15] =	ssyncset.done $0x0  }
0x49: {  	s24 =	sadd.s32 $0x14010, s23;
	[sflag:s15] =	ssyncadd.s32 $0xFFFFC000  }
0x4a: {  	[tilespmem:s4], [sflag:$0x1] =	stream.linear.gather [hbm4b:s24+s4], $0x80, $0x38;
	[tilespmem:$0x18100] =	vst v63  }
0x4b: {  	_ =	swait.ge [sflag:s20], $0x80  }
0x4c: {  	[sflag:s20] =	ssyncset.done $0x0  }
.Ltmp3:
0x4d: {  	[sflag:s20] =	ssyncadd.s32 $0xFFFFFF80;
	(pc) =	sbr.rel @p1 .LBB2_6-.Ltmp3, $4  }
0x4e: {  	[spmem:s3] =	stream.indirect.scatter.add.f32 [tilespmem:s14], [sflag:$0x3], $0x80, s18, s18, $0xb8;
	[tilespmem:$0x18100] =	vst v63  }
0x4f: {  	_ =	swait.ge [sflag:s15], $0x4000  }
0x50: {  	[sflag:s15] =	ssyncset.done $0x0  }
0x51: {  	s23 =	sadd.s32 $0x14210, s23;
	[sflag:s15] =	ssyncadd.s32 $0xFFFFC000  }
.Ltmp4:
0x52: {  	_ = 	snop;
	(pc) =	sbr.rel .LBB2_7-.Ltmp4, $1  }
0x53: {  	_ =	sdelay $0x3  }
.LBB2_2:
0x54: {  	[tilespmem:s4], [sflag:$0x1] =	stream.linear.gather [hbm4b:s8+s4], $0x80, $0x38;
	[tilespmem:$0x18100] =	vst v63  }
0x55: {  	_ = 	snop  }
0x56: {  	[tilespmem:s18], [sflag:$0x2] =	stream.linear.gather [hbm4b:s9+s4], $0x80, $0x38;
	[tilespmem:$0x18100] =	vst v63  }
0x57: {  	_ =	swait.ge [sflag:s19], $0x80  }
0x58: {  	[sflag:s19] =	ssyncset.done $0x0  }
0x59: {  	[sflag:s19] =	ssyncadd.s32 $0xFFFFFF80  }
0x5a: {  	[spmem:s3] =	stream.indirect.scatter.add.f32 [tilespmem:s14], [sflag:$0x3], $0x80, s4, s18, $0xb8;
	[tilespmem:$0x18100] =	vst v63  }
0x5b: {  	_ =	swait.ge [sflag:s15], $0x4000  }
0x5c: {  	s23 =	sadd.s32 $0xFFFEC400, s8;
	[sflag:s15] =	ssyncset.done $0x0  }
0x5d: {  	s22 =	sadd.s32 $0x14000, s23;
	[sflag:s15] =	ssyncadd.s32 $0xFFFFC000  }
0x5e: {  	[tilespmem:s4], [sflag:$0x1] =	stream.linear.gather [hbm4b:s22+s4], $0x80, $0x38;
	[tilespmem:$0x18100] =	vst v63  }
0x5f: {  	_ =	swait.ge [sflag:s20], $0x80  }
0x60: {  	[sflag:s20] =	ssyncset.done $0x0  }
0x61: {  	[sflag:s20] =	ssyncadd.s32 $0xFFFFFF80  }
0x62: {  	[spmem:s3] =	stream.indirect.scatter.add.f32 [tilespmem:s14], [sflag:$0x3], $0x80, s18, s18, $0xb8;
	[tilespmem:$0x18100] =	vst v63  }
0x63: {  	_ =	swait.ge [sflag:s15], $0x4000  }
0x64: {  	[sflag:s15] =	ssyncset.done $0x0  }
0x65: {  	s23 =	sadd.s32 $0x14200, s23;
	s22 =	simm.s32 $0xFFFEC800;
	[sflag:s15] =	ssyncadd.s32 $0xFFFFC000  }
.LBB2_3:
0x66: {  	[tilespmem:s18], [sflag:$0x2] =	stream.linear.gather [hbm4b:s23+s4], $0x80, $0x38;
	[tilespmem:$0x18100] =	vst v63  }
0x67: {  	s23 =	smov.u32 s22  }
0x68: {  	p1 =	seq.s32 s22, $0xFFFFFC00;
	s22 =	sadd.s32 $0x400, s22;
	_ =	swait.ge [sflag:s19], $0x80  }
0x69: {  	[sflag:s19] =	ssyncset.done $0x0  }
0x6a: {  	[sflag:s19] =	ssyncadd.s32 $0xFFFFFF80  }
0x6b: {  	[spmem:s3] =	stream.indirect.scatter.add.f32 [tilespmem:s14], [sflag:$0x3], $0x80, s4, s18, $0xb8;
	[tilespmem:$0x18100] =	vst v63  }
0x6c: {  	_ =	swait.ge [sflag:s15], $0x4000  }
0x6d: {  	s23 =	sadd.s32 s23, s8;
	[sflag:s15] =	ssyncset.done $0x0  }
0x6e: {  	s24 =	sadd.s32 $0x14000, s23;
	[sflag:s15] =	ssyncadd.s32 $0xFFFFC000  }
0x6f: {  	[tilespmem:s4], [sflag:$0x1] =	stream.linear.gather [hbm4b:s24+s4], $0x80, $0x38;
	[tilespmem:$0x18100] =	vst v63  }
0x70: {  	_ =	swait.ge [sflag:s20], $0x80  }
0x71: {  	[sflag:s20] =	ssyncset.done $0x0  }
.Ltmp5:
0x72: {  	[sflag:s20] =	ssyncadd.s32 $0xFFFFFF80;
	(pc) =	sbr.rel @!p1 .LBB2_3-.Ltmp5, $4  }
0x73: {  	[spmem:s3] =	stream.indirect.scatter.add.f32 [tilespmem:s14], [sflag:$0x3], $0x80, s18, s18, $0xb8;
	[tilespmem:$0x18100] =	vst v63  }
0x74: {  	_ =	swait.ge [sflag:s15], $0x4000  }
0x75: {  	[sflag:s15] =	ssyncset.done $0x0  }
0x76: {  	s23 =	sadd.s32 $0x14200, s23;
	[sflag:s15] =	ssyncadd.s32 $0xFFFFC000  }
.Ltmp6:
0x77: {  	(pc) =	sbr.rel .LBB2_8-.Ltmp6, $3  }
0x78: {  	_ =	sdelay $0x1  }
0x79: {  	[tilespmem:s18], [sflag:$0x2] =	stream.linear.gather [hbm4b:s23+s4], $0x80, $0x38;
	[tilespmem:$0x18100] =	vst v63  }
0x7a: {  	s22 =	smov.u32 s5  }
.LBB2_9:
0x7b: {  	_ =	sfence.sel $0x180000  }
0x7c: {  	[bflag:$0x0] =	sbarrier.arrive $0xFFFF  }
0x7d: {  	p0 =	sne.s32 s2, $0x0;
	_ =	strace $0x90000047  }
0x7e: {  	s0 =	sadd.s32 @!p0 $0x100000, s0;
	[bflag:$0x2] =	sbarrier.arrive $0xFFFF  }
0x7f: {  	[sflag:s0] =	ssyncadd.tile.s32 @!p0 $0x1;
	_ =	shalt  }
.Lfunc_end2:
_tile_overlayer_lowered:
.L_overlay_start_2:
0x80: {  	(tag) =	ssettag $0x2  }
0x81: {  	s0 =	rddreg [dreg:$0x0];
	s2 =	stileid.u32  }
0x82: {  	s1 =	rddreg [dreg:$0x1];
	p0 =	sne.s32 s2, $0x0  }
0x83: {  	s3 =	rddreg [dreg:$0x2];
	[bflag:$0x3] =	sbarrier.arrive $0xFFFF;
	s2 =	simm.s32 @!p0 $0x1C03  }
0x84: {  	[timem:s3], [sflag:s2] =	dma.local @!p0 [hbm:s0], s1  }
0x85: {  	s0 =	simm.s32 @!p0 $0x3  }
0x86: {  	_ =	swait.ge @!p0 [sflag:s0], s1  }
0x87: {  	s1 =	ssub.s32 @!p0 $0x0, s1;
	[sflag:s0] =	ssyncset.done @!p0 $0x0  }
0x88: {  	[sflag:s0] =	ssyncadd.s32 @!p0 s1  }
0x89: {  	[bflag:$0x3] =	sbarrier.arrive $0xFFFF  }
0x8a: {  	_ =	shalt  }

// kernel: kernel.13.cloned.1.call-start
scs
__scs_entry_jumppad:
0x0: {  	(pc) =	sbr.rel $0x88, $3  }
0x1: {  	(tag) =	ssettag $0x0;
	lr =	simm.s32 $0x1  }
0x2: {  	[smem:$0x3F96] =	sst lr;
	_ =	strace $0xD0000000  }
0x3: {  	_ = 	snop  }
0x4: {  	_ = 	snop  }
0x5: {  	_ = 	snop  }
0x6: {  	_ = 	snop  }
0x7: {  	_ = 	snop  }
__scs_overlays_trampoline_lowered:
0x8: {  	[smem:$0x3FA5] =	sst s0  }
0x9: {  	[smem:$0x3FA6] =	sst s1  }
0xa: {  	[smem:$0x3FA7] =	sst s2  }
0xb: {  	[smem:$0x3FA8] =	sst s3  }
0xc: {  	[smem:$0x3FA9] =	sst s4  }
0xd: {  	[smem:$0x3FAA] =	sst s5  }
0xe: {  	[smem:$0x3FAB] =	sst s6  }
0xf: {  	[smem:$0x3FAC] =	sst s7  }
0x10: {  	[smem:$0x3FAD] =	sst s8  }
0x11: {  	[smem:$0x3FAE] =	sst s9;
	s0 =	simm.s32 @!p0 $0x0  }
0x12: {  	s1 =	sld [smem:$0x3F94];
	s0 =	simm.s32 @p0 $0x1  }
0x13: {  	[smem:$0x3FAF] =	sst s0;
	s0 =	simm.s32 @!p1 $0x0  }
0x14: {  	s2 =	sld [smem:$0x3F93];
	s0 =	simm.s32 @p1 $0x1  }
0x15: {  	[smem:$0x3FB0] =	sst s0;
	s0 =	simm.s32 @!p2 $0x0  }
0x16: {  	s3 =	sld [smem:$0x3FDB];
	s0 =	simm.s32 @p2 $0x1  }
0x17: {  	s4 =	simm.s32 $0x1BF5;
	[smem:$0x3FB2] =	sst s0  }
0x18: {  	s0 =	sld [smem:$0x3F95];
	_ =	swait.ge [sflag:s4], $0x0  }
0x19: {  	s7 =	sld [smem:$0x3F96]  }
0x1a: {  	s8 =	sadd.s32 $0xFFFFE003, lr  }
0x1b: {  	s9 =	sadd.s32 $0xFFFFFEF7, lr;
	s5 =	simm.s32 $0xFFFFFFFF;
	p2 =	slt.u32 s8, $0xFFFFF086  }
0x1c: {  	p1 =	slt.u32 s9, $0xF7A;
	s5 =	simm.s32 @!p2 $0x0  }
0x1d: {  	s5 =	simm.s32 @p1 $0x1;
	p0 =	seq.s32 s7, s2  }
0x1e: {  	s7 =	smul.u32 @!p0 $0xF7A, s2;
	p2 =	seq.s32 @!p0 s5, $0x0  }
0x1f: {  	s9 =	smul.u32 $0xF7A, s1;
	s8 =	simm.s32 @!p0 $0x1BF5;
	p2 =	por !p2, p0  }
0x20: {  	[sflag:s8] =	ssyncset.s32 @!p0 $0xFFFFF086;
	s6 =	sadd.s32 @!p0 s3, s7;
	s7 =	simm.s32 @!p0 $0x108  }
0x21: {  	s3 =	sadd.s32 s3, s9;
	s6 =	sadd.s32 @!p0 $0x88, s6;
	s7 =	simm.s32 @p2 $0x1082  }
0x22: {  	[simem:s7], [sflag:s8] =	dma.local @!p0 [hbm:s6], $0xF7A  }
0x23: {  	s9 =	sor.u32 $0xD0000000, s2;
	s6 =	simm.s32 $0x108;
	_ =	swait.ge @!p0 [sflag:s8], $0x0  }
0x24: {  	s3 =	sadd.s32 $0x88, s3;
	s6 =	simm.s32 @!p1 $0x1082;
	[sflag:s4] =	ssyncset.s32 $0xFFFFF086  }
0x25: {  	[simem:s6], [sflag:s4] =	dma.local [hbm:s3], $0xF7A  }
0x26: {  	[smem:$0x3F96] =	sst s1;
	(tag) =	ssettag s2;
	_ =	strace s9  }
0x27: {  	s1 =	sld [smem:$0x3FA6]  }
0x28: {  	s2 =	sld [smem:$0x3FA7]  }
0x29: {  	s4 =	sld [smem:$0x3FA9]  }
0x2a: {  	p0 =	seq.s32 s5, $0x0;
	s5 =	sld [smem:$0x3FAA]  }
0x2b: {  	s6 =	sld [smem:$0x3FAB]  }
0x2c: {  	s7 =	sld [smem:$0x3FAC]  }
0x2d: {  	s3 =	simm.s32 $0x108;
	s8 =	sld [smem:$0x3FAD]  }
0x2e: {  	s3 =	simm.s32 @!p0 $0x1082;
	s9 =	sld [smem:$0x3FAE]  }
0x2f: {  	lr =	sadd.s32 s0, s3;
	s0 =	sld [smem:$0x3FA5]  }
0x30: {  	s3 =	sld [smem:$0x3FA8]  }
0x31: {  	[smem:$0x3FB1] =	sst s10  }
0x32: {  	s10 =	sld [smem:$0x3FAF];
	_ =	sdelay $0x3  }
0x33: {  	p0 =	seq.s32 s10, $0x1;
	s10 =	sld [smem:$0x3FB1];
	_ =	sdelay $0x3  }
0x34: {  	[smem:$0x3FB1] =	sst s10  }
0x35: {  	s10 =	sld [smem:$0x3FB0];
	_ =	sdelay $0x3  }
0x36: {  	p1 =	seq.s32 s10, $0x1;
	s10 =	sld [smem:$0x3FB1];
	_ =	sdelay $0x3  }
0x37: {  	[smem:$0x3FB1] =	sst s10  }
0x38: {  	s10 =	sld [smem:$0x3FB2]  }
0x39: {  	_ = 	snop;
	(pc) =	sbr.ind lr, $3  }
0x3a: {  	_ = 	snop  }
0x3b: {  	_ = 	snop  }
0x3c: {  	p2 =	seq.s32 s10, $0x1;
	s10 =	sld [smem:$0x3FB1]  }
0x3d: {  	_ =	shalt  }
0x3e: {  	_ =	shalt  }
0x3f: {  	_ =	shalt  }
0x40: {  	_ =	shalt  }
0x41: {  	_ =	shalt  }
0x42: {  	_ =	shalt  }
0x43: {  	_ =	shalt  }
0x44: {  	_ =	shalt  }
0x45: {  	_ =	shalt  }
0x46: {  	_ =	shalt  }
0x47: {  	_ =	shalt  }
0x48: {  	_ =	shalt  }
0x49: {  	_ =	shalt  }
0x4a: {  	_ =	shalt  }
0x4b: {  	_ =	shalt  }
0x4c: {  	_ =	shalt  }
0x4d: {  	_ =	shalt  }
0x4e: {  	_ =	shalt  }
0x4f: {  	_ =	shalt  }
0x50: {  	_ =	shalt  }
0x51: {  	_ =	shalt  }
0x52: {  	_ =	shalt  }
0x53: {  	_ =	shalt  }
0x54: {  	_ =	shalt  }
0x55: {  	_ =	shalt  }
0x56: {  	_ =	shalt  }
0x57: {  	_ =	shalt  }
0x58: {  	_ =	shalt  }
0x59: {  	_ =	shalt  }
0x5a: {  	_ =	shalt  }
0x5b: {  	_ =	shalt  }
0x5c: {  	_ =	shalt  }
0x5d: {  	_ =	shalt  }
0x5e: {  	_ =	shalt  }
0x5f: {  	_ =	shalt  }
0x60: {  	_ =	shalt  }
0x61: {  	_ =	shalt  }
0x62: {  	_ =	shalt  }
0x63: {  	_ =	shalt  }
0x64: {  	_ =	shalt  }
0x65: {  	_ =	shalt  }
0x66: {  	_ =	shalt  }
0x67: {  	_ =	shalt  }
0x68: {  	_ =	shalt  }
0x69: {  	_ =	shalt  }
0x6a: {  	_ =	shalt  }
0x6b: {  	_ =	shalt  }
0x6c: {  	_ =	shalt  }
0x6d: {  	_ =	shalt  }
0x6e: {  	_ =	shalt  }
0x6f: {  	_ =	shalt  }
0x70: {  	_ =	shalt  }
0x71: {  	_ =	shalt  }
0x72: {  	_ =	shalt  }
0x73: {  	_ =	shalt  }
0x74: {  	_ =	shalt  }
0x75: {  	_ =	shalt  }
0x76: {  	_ =	shalt  }
0x77: {  	_ =	shalt  }
0x78: {  	_ =	shalt  }
0x79: {  	_ =	shalt  }
0x7a: {  	_ =	shalt  }
0x7b: {  	_ =	shalt  }
0x7c: {  	_ =	shalt  }
0x7d: {  	_ =	shalt  }
0x7e: {  	_ =	shalt  }
0x7f: {  	_ =	shalt  }
0x80: {  	_ =	shalt  }
0x81: {  	_ =	shalt  }
0x82: {  	_ =	shalt  }
0x83: {  	_ =	shalt  }
0x84: {  	_ =	shalt  }
0x85: {  	_ =	shalt  }
0x86: {  	_ =	shalt  }
0x87: {  	_ =	shalt  }
.Lfunc_end0:
.L_simem_size_0:
called_computation.1_lowered:
.L_overlay_start_0:
0x88: {  	s2 =	sld [smem:$0x3FD9]  }
0x89: {  	s3 =	sld [smem:$0x3FFE];
	_ =	sdelay $0x1  }
0x8a: {  	s1 =	srdreg.scid  }
0x8b: {  	s0 =	sand.u32 $0x1, s1  }
0x8c: {  	s14 =	sshll.u32 s0, $0xA;
	s2 =	sadd.s32 s3, s2  }
0x8d: {  	s2 =	sadd.s32 s2, s14  }
0x8e: {  	[smem:$0x3FBD] =	sst s2  }
0x8f: {  	_ = 	snop  }
0x90: {  	s2 =	sld [smem:$0x3FD0];
	_ =	sdelay $0x2  }
0x91: {  	s15 =	simm.s32 $0xA;
	s4 =	simm.s32 $0x10  }
0x92: {  	[smem:s4], [sflag:s15] =	dma.local [hbm:s2], $0x1  }
0x93: {  	_ =	swait.eq [sflag:s15], $0x1  }
0x94: {  	[sflag:s15] =	ssyncset.done $0x0  }
0x95: {  	s16 =	sld [smem:$0x10];
	[sflag:s15] =	ssyncadd.s32 $0xFFFFFFFF  }
0x96: {  	s17 =	sld [smem:$0x11];
	(tm) =	ssettm $0x1  }
0x97: {  	s18 =	sld [smem:$0x3FFB];
	_ =	sdelay $0x3  }
0x98: {  	_ =	strace s18  }
0x99: {  	s4 =	sld [smem:$0x3FFC];
	_ =	sdelay $0x3  }
0x9a: {  	_ =	strace s4  }
0x9b: {  	s4 =	sld [smem:$0x3FFD];
	_ =	sdelay $0x3  }
0x9c: {  	_ =	strace s4  }
0x9d: {  	_ =	strace $0x8FFFFFFF  }
0x9e: {  	s19 =	sld [smem:$0x3FDB];
	_ =	sdelay $0x1  }
0x9f: {  	s5 =	simm.s32 $_scs_section_size  }
0xa0: {  	s6 =	simm.s32 $_size__tile_overlayer_lowered;
	s7 =	simm.s32 $_tile_overlayer_lowered  }
0xa1: {  	s22 =	simm.s32 $0x1BFF;
	s21 =	sshll.u32 s7, $0x1;
	s4 =	sadd.s32 s5, s19  }
0xa2: {  	s8 =	simm.s32 $0x0;
	s20 =	sshll.u32 s6, $0x1;
	s6 =	sadd.s32 s21, s4  }
0xa3: {  	[timem:s8], [sflag:s22] =	dma.local [hbm:s6], s20  }
0xa4: {  	_ =	swait.ge [sflag:s22], s20  }
0xa5: {  	s5 =	ssub.s32 $0x0, s20;
	[sflag:s22] =	ssyncset.done $0x0  }
0xa6: {  	[sflag:s22] =	ssyncadd.s32 s5;
	_ =	sdelay $0x1  }
0xa7: {  	s23 =	simm.s32 $0x1B8B  }
0xa8: {  	_ =	swait.ge [sflag:s23], $0x1  }
0xa9: {  	[sflag:s23] =	ssyncset.done $0x0  }
0xaa: {  	s25 =	simm.s32 $0x1B8E;
	s24 =	sld [smem:$0x3FFE];
	[sflag:s23] =	ssyncadd.s32 $0xFFFFFFFF  }
0xab: {  	s26 =	simm.s32 $execute0_lowered;
	[smem:$0x3FD2] =	sst s25  }
0xac: {  	s6 =	sshll.u32 s26, $0x1;
	_ =	strace $0x80000049;
	[dreg:$0x1] =	wrdreg $0xFFFFFFFF  }
0xad: {  	s28 =	simm.s32 $_size_execute0_lowered;
	s4 =	sadd.s32 s4, s6;
	[dreg:$0x0] =	wrdreg $0x0  }
0xae: {  	s6 =	sshll.u32 s28, $0x1;
	[dreg:$0x2] =	wrdreg s4  }
0xaf: {  	[dreg:$0x3] =	wrdreg s6  }
0xb0: {  	[dreg:$0x4] =	wrdreg $0xC0  }
0xb1: {  	_ =	task [dreg:s8], $0x5FFFF  }
0xb2: {  	[dreg:$0x1] =	wrdreg $0xFFFFFFFF  }
0xb3: {  	[dreg:$0x0] =	wrdreg $0x60  }
0xb4: {  	[dreg:$0x2] =	wrdreg s24  }
0xb5: {  	[dreg:$0x3] =	wrdreg s17  }
0xb6: {  	[dreg:$0x4] =	wrdreg s16  }
0xb7: {  	[dreg:$0x5] =	wrdreg $0x82000  }
0xb8: {  	[dreg:$0x6] =	wrdreg $0x9  }
0xb9: {  	_ =	task.clear_ibuf [dreg:s8], $0x7FFFF;
	_ =	strace $0x90000049  }
0xba: {  	s29 =	simm.s32 $0x9;
	_ =	strace $0x8000004B  }
0xbb: {  	_ =	swait.ge [sflag:s29], $0x1  }
0xbc: {  	[sflag:s29] =	ssyncadd.s32 $0xFFFFFFFF  }
0xbd: {  	_ =	strace $0x9000004B  }
0xbe: {  	_ =	sfence  }
0xbf: {  	s30 =	sld [smem:$0x0];
	_ =	sdelay $0x2  }
0xc0: {  	s31 =	sshll.u32 s1, $0xD;
	s1 =	sshrl.u32 s1, $0x2  }
0xc1: {  	s3 =	sand.u32 $0x4000, s31;
	s1 =	sadd.s32 s1, s30  }
0xc2: {  	s0 =	sor.u32 s3, s0;
	s1 =	sshll.u32 s1, $0x11  }
0xc3: {  	s0 =	sor.u32 s1, s0  }
0xc4: {  	s0 =	sadd.s32 $0x8F2B, s0  }
0xc5: {  	[sflag:s0] =	ssyncadd.remote.s32 $0x1  }
0xc6: {  	_ =	sfence.sel $0xFFFF  }
0xc7: {  	[dreg:$0x0] =	wrdreg $0xFFFFFFFF;
	(pc) =	sbr.abs _section_cstart, $3  }
0xc8: {  	[dreg:$0x1] =	wrdreg $0xFFFFFFFF  }
0xc9: {  	_ =	task.clear_ibuf [dreg:s8], $0x2FFFF;
	_ =	strace $0x9FFFFFFF  }
0xca: {  	(tm) =	ssettm $0x7FFFFFFF  }
0xcb: {  	_ =	shalt  }
tec
execute0_lowered:
.L_overlay_start_1:
0x0: {  	(tag) =	ssettag $0x1  }
0x1: {  	s5 =	rddreg [dreg:$0x0]  }
0x2: {  	s11 =	rddreg [dreg:$0x1]  }
0x3: {  	s12 =	rddreg [dreg:$0x2]  }
0x4: {  	s2 =	rddreg [dreg:$0x3]  }
0x5: {  	s0 =	rddreg [dreg:$0x4];
	s3 =	simm.s32 $0x0;
	s1 =	stileid.u32  }
0x6: {  	s4 =	srdreg.scid;
	s18 =	simm.s32 $0x180;
	s19 =	simm.s32 $0x3  }
0x7: {  	s20 =	simm.s32 $0x200;
	s21 =	simm.s32 $0x4;
	s22 =	simm.s32 $0x4200  }
0x8: {  	s23 =	simm.s32 $0x1;
	s24 =	simm.s32 $0x2;
	s13 =	smul.u32 $0x14000, s1  }
0x9: {  	[smem:$0x7FF] =	sst s3;
	s9 =	sand.u32 $0x1, s4;
	s6 =	smul.u32 $0x50000, s1  }
0xa: {  	s4 =	sadd.s32 $0x7DC00, s5;
	s29 =	sshll.u32 s1, $0x6;
	s10 =	smul.u32 $0x500, s9  }
0xb: {  	s31 =	sshll.u32 s1, $0x5;
	_ =	strace $0x8000004A;
	s16 =	smul.u32 $0x140000, s9  }
0xc: {  	s8 =	ssub.s32 $0x2, s9;
	s17 =	smul.u32 $0xA000, s9;
	s7 =	sshrl.u32 s13, $0x3  }
0xd: {  	s25 =	sshrl.u32 s8, $0x1;
	s6 =	sshrl.u32 s6, $0x2;
	s5 =	sadd.s32 s7, s5  }
0xe: {  	s14 =	ssub.s32 s8, s25;
	s26 =	sor.u32 s1, s10;
	s15 =	sadd.s32 s6, s2  }
0xf: {  	s7 =	sor.u32 $0x1C05, s29;
	s13 =	sadd.s32 s13, s16;
	s30 =	sadd.s32 s17, s11  }
0x10: {  	s16 =	simm.s32 $0x100;
	s17 =	simm.s32 $0x80;
	s25 =	simm.s32 $0x0  }
0x11: {  	s5 =	sadd.s32 $0x5C00, s5;
	s28 =	sshll.u32 s26, $0x5;
	s13 =	sshrl.u32 s13, $0x3  }
0x12: {  	s6 =	sadd.s32 s11, s28;
	s11 =	sadd.s32 s12, s13;
	s12 =	smax.u32 s14, $0x1  }
0x13: {  	s13 =	sadd.s32 s31, s30;
	s14 =	sshrl.u32 s15, $0x3;
	s15 =	simm.s32 $0x5  }
0x14: {  	s8 =	sadd.s32 $0x10, s6;
	s9 =	sadd.s32 $0x200, s6;
	s10 =	sadd.s32 $0x210, s6  }
.LBB2_1:
0x15: {  	[spmem:s14], [sflag:s7] =	dma.local [hbm:s5], $0x2800  }
0x16: {  	_ =	swait.ge [sflag:s15], $0x2800  }
0x17: {  	[sflag:s15] =	ssyncset.done $0x0  }
0x18: {  	[sflag:s15] =	ssyncadd.s32 $0xFFFFD800  }
0x19: {  	[bflag:$0x0] =	sbarrier.arrive $0xFFFF  }
0x1a: {  	[tilespmem:s3], [sflag:$0x3] =	stream.linear.gather [hbm4b:s6+s3], $0x80, $0x38;
	[tilespmem:$0x1C200] =	vst v63  }
0x1b: {  	_ = 	snop  }
0x1c: {  	[tilespmem:s16], [sflag:$0x3] =	stream.linear.gather [hbm4b:s8+s3], $0x80, $0x38;
	[tilespmem:$0x1C200] =	vst v63  }
0x1d: {  	_ = 	snop  }
0x1e: {  	[tilespmem:s17], [sflag:$0x4] =	stream.linear.gather [hbm4b:s9+s3], $0x80, $0x38;
	[tilespmem:$0x1C200] =	vst v63  }
0x1f: {  	_ = 	snop  }
0x20: {  	[tilespmem:s18], [sflag:$0x4] =	stream.linear.gather [hbm4b:s10+s3], $0x80, $0x38;
	[tilespmem:$0x1C200] =	vst v63  }
0x21: {  	_ =	swait.ge [sflag:s19], $0x80  }
0x22: {  	[sflag:s19] =	ssyncset.done $0x0  }
0x23: {  	[sflag:s19] =	ssyncadd.s32 $0xFFFFFF80  }
0x24: {  	_ =	swait.ge [sflag:s19], $0x80  }
0x25: {  	[sflag:s19] =	ssyncset.done $0x0  }
0x26: {  	[sflag:s19] =	ssyncadd.s32 $0xFFFFFF80  }
0x27: {  	[tilespmem:s20], [sflag:$0x1] =	stream.indirect.gather [hbm4b:s4+s17], $0x80, s3, s17, $0xb8;
	[tilespmem:$0x1C200] =	vst v63  }
0x28: {  	_ =	swait.ge [sflag:s21], $0x80  }
0x29: {  	[sflag:s21] =	ssyncset.done $0x0  }
0x2a: {  	[sflag:s21] =	ssyncadd.s32 $0xFFFFFF80  }
0x2b: {  	_ =	swait.ge [sflag:s21], $0x80  }
0x2c: {  	[sflag:s21] =	ssyncset.done $0x0  }
0x2d: {  	[sflag:s21] =	ssyncadd.s32 $0xFFFFFF80  }
0x2e: {  	[tilespmem:s22], [sflag:$0x2] =	stream.indirect.gather [hbm4b:s4+s17], $0x80, s17, s17, $0xb8;
	[tilespmem:$0x1C200] =	vst v63  }
0x2f: {  	_ =	swait.ge [sflag:s23], $0x4000  }
0x30: {  	[sflag:s23] =	ssyncset.done $0x0  }
0x31: {  	[sflag:s23] =	ssyncadd.s32 $0xFFFFC000  }
0x32: {  	[spmem:s2] =	stream.indirect.scatter.add.f32 [tilespmem:s20], [sflag:$0x5], $0x80, s16, s17, $0xb8;
	[tilespmem:$0x1C200] =	vst v63  }
0x33: {  	_ =	swait.ge [sflag:s15], $0x4000  }
0x34: {  	s28 =	sadd.s32 $0x0, s13;
	[sflag:s15] =	ssyncset.done $0x0  }
0x35: {  	s26 =	sadd.s32 $0x400, s28;
	[sflag:s15] =	ssyncadd.s32 $0xFFFFC000  }
0x36: {  	[tilespmem:s3], [sflag:$0x3] =	stream.linear.gather [hbm4b:s26+s3], $0x80, $0x38;
	[tilespmem:$0x1C200] =	vst v63  }
0x37: {  	s30 =	sadd.s32 $0x410, s28  }
0x38: {  	[tilespmem:s16], [sflag:$0x3] =	stream.linear.gather [hbm4b:s30+s3], $0x80, $0x38;
	[tilespmem:$0x1C200] =	vst v63  }
0x39: {  	_ =	swait.ge [sflag:s19], $0x80  }
0x3a: {  	[sflag:s19] =	ssyncset.done $0x0  }
0x3b: {  	[sflag:s19] =	ssyncadd.s32 $0xFFFFFF80  }
0x3c: {  	_ =	swait.ge [sflag:s19], $0x80  }
0x3d: {  	[sflag:s19] =	ssyncset.done $0x0  }
0x3e: {  	[sflag:s19] =	ssyncadd.s32 $0xFFFFFF80  }
0x3f: {  	[tilespmem:s20], [sflag:$0x1] =	stream.indirect.gather [hbm4b:s4+s17], $0x80, s3, s17, $0xb8;
	[tilespmem:$0x1C200] =	vst v63  }
0x40: {  	_ =	swait.ge [sflag:s24], $0x4000  }
0x41: {  	[sflag:s24] =	ssyncset.done $0x0  }
0x42: {  	[sflag:s24] =	ssyncadd.s32 $0xFFFFC000  }
0x43: {  	[spmem:s2] =	stream.indirect.scatter.add.f32 [tilespmem:s22], [sflag:$0x5], $0x80, s18, s17, $0xb8;
	[tilespmem:$0x1C200] =	vst v63  }
0x44: {  	_ =	swait.ge [sflag:s15], $0x4000  }
0x45: {  	s31 =	sadd.s32 $0x600, s28;
	[sflag:s15] =	ssyncset.done $0x0  }
0x46: {  	s28 =	sadd.s32 $0x610, s28;
	s26 =	simm.s32 $0x400;
	[sflag:s15] =	ssyncadd.s32 $0xFFFFC000  }
0x47: {  	[tilespmem:s17], [sflag:$0x4] =	stream.linear.gather [hbm4b:s31+s3], $0x80, $0x38;
	[tilespmem:$0x1C200] =	vst v63  }
.LBB2_2:
0x48: {  	[tilespmem:s18], [sflag:$0x4] =	stream.linear.gather [hbm4b:s28+s3], $0x80, $0x38;
	[tilespmem:$0x1C200] =	vst v63  }
0x49: {  	s28 =	smov.u32 s26  }
0x4a: {  	p0 =	sne.s32 s26, $0x9800;
	s26 =	sadd.s32 $0x400, s26;
	_ =	swait.ge [sflag:s21], $0x80  }
0x4b: {  	[sflag:s21] =	ssyncset.done $0x0  }
0x4c: {  	[sflag:s21] =	ssyncadd.s32 $0xFFFFFF80  }
0x4d: {  	_ =	swait.ge [sflag:s21], $0x80  }
0x4e: {  	[sflag:s21] =	ssyncset.done $0x0  }
0x4f: {  	[sflag:s21] =	ssyncadd.s32 $0xFFFFFF80  }
0x50: {  	[tilespmem:s22], [sflag:$0x2] =	stream.indirect.gather [hbm4b:s4+s17], $0x80, s17, s17, $0xb8;
	[tilespmem:$0x1C200] =	vst v63  }
0x51: {  	_ =	swait.ge [sflag:s23], $0x4000  }
0x52: {  	[sflag:s23] =	ssyncset.done $0x0  }
0x53: {  	[sflag:s23] =	ssyncadd.s32 $0xFFFFC000  }
0x54: {  	[spmem:s2] =	stream.indirect.scatter.add.f32 [tilespmem:s20], [sflag:$0x5], $0x80, s16, s17, $0xb8;
	[tilespmem:$0x1C200] =	vst v63  }
0x55: {  	_ =	swait.ge [sflag:s15], $0x4000  }
0x56: {  	s28 =	sadd.s32 s28, s13;
	[sflag:s15] =	ssyncset.done $0x0  }
0x57: {  	s29 =	sadd.s32 $0x400, s28;
	[sflag:s15] =	ssyncadd.s32 $0xFFFFC000  }
0x58: {  	[tilespmem:s3], [sflag:$0x3] =	stream.linear.gather [hbm4b:s29+s3], $0x80, $0x38;
	[tilespmem:$0x1C200] =	vst v63  }
0x59: {  	s29 =	sadd.s32 $0x410, s28  }
0x5a: {  	[tilespmem:s16], [sflag:$0x3] =	stream.linear.gather [hbm4b:s29+s3], $0x80, $0x38;
	[tilespmem:$0x1C200] =	vst v63  }
0x5b: {  	_ =	swait.ge [sflag:s19], $0x80  }
0x5c: {  	[sflag:s19] =	ssyncset.done $0x0  }
0x5d: {  	[sflag:s19] =	ssyncadd.s32 $0xFFFFFF80  }
0x5e: {  	_ =	swait.ge [sflag:s19], $0x80  }
0x5f: {  	[sflag:s19] =	ssyncset.done $0x0  }
0x60: {  	[sflag:s19] =	ssyncadd.s32 $0xFFFFFF80  }
0x61: {  	[tilespmem:s20], [sflag:$0x1] =	stream.indirect.gather [hbm4b:s4+s17], $0x80, s3, s17, $0xb8;
	[tilespmem:$0x1C200] =	vst v63  }
0x62: {  	_ =	swait.ge [sflag:s24], $0x4000  }
0x63: {  	[sflag:s24] =	ssyncset.done $0x0  }
0x64: {  	[sflag:s24] =	ssyncadd.s32 $0xFFFFC000  }
0x65: {  	[spmem:s2] =	stream.indirect.scatter.add.f32 [tilespmem:s22], [sflag:$0x5], $0x80, s18, s17, $0xb8;
	[tilespmem:$0x1C200] =	vst v63  }
.Ltmp0:
0x66: {  	_ =	swait.ge [sflag:s15], $0x4000;
	(pc) =	sbr.rel @p0 .LBB2_2-.Ltmp0, $4  }
0x67: {  	[sflag:s15] =	ssyncset.done $0x0  }
0x68: {  	s29 =	sadd.s32 $0x600, s28;
	[sflag:s15] =	ssyncadd.s32 $0xFFFFC000  }
0x69: {  	[tilespmem:s17], [sflag:$0x4] =	stream.linear.gather [hbm4b:s29+s3], $0x80, $0x38;
	[tilespmem:$0x1C200] =	vst v63  }
0x6a: {  	s28 =	sadd.s32 $0x610, s28  }
0x6b: {  	[tilespmem:s18], [sflag:$0x4] =	stream.linear.gather [hbm4b:s28+s3], $0x80, $0x38;
	[tilespmem:$0x1C200] =	vst v63  }
0x6c: {  	_ =	swait.ge [sflag:s21], $0x80  }
0x6d: {  	[sflag:s21] =	ssyncset.done $0x0  }
0x6e: {  	[sflag:s21] =	ssyncadd.s32 $0xFFFFFF80  }
0x6f: {  	_ =	swait.ge [sflag:s21], $0x80  }
0x70: {  	[sflag:s21] =	ssyncset.done $0x0  }
0x71: {  	[sflag:s21] =	ssyncadd.s32 $0xFFFFFF80  }
0x72: {  	[tilespmem:s22], [sflag:$0x2] =	stream.indirect.gather [hbm4b:s4+s17], $0x80, s17, s17, $0xb8;
	[tilespmem:$0x1C200] =	vst v63  }
0x73: {  	_ =	swait.ge [sflag:s23], $0x4000  }
0x74: {  	[sflag:s23] =	ssyncset.done $0x0  }
0x75: {  	[sflag:s23] =	ssyncadd.s32 $0xFFFFC000  }
0x76: {  	[spmem:s2] =	stream.indirect.scatter.add.f32 [tilespmem:s20], [sflag:$0x5], $0x80, s16, s17, $0xb8;
	[tilespmem:$0x1C200] =	vst v63  }
0x77: {  	_ =	swait.ge [sflag:s15], $0x4000  }
0x78: {  	[sflag:s15] =	ssyncset.done $0x0  }
0x79: {  	[sflag:s15] =	ssyncadd.s32 $0xFFFFC000  }
0x7a: {  	_ =	swait.ge [sflag:s24], $0x4000  }
0x7b: {  	[sflag:s24] =	ssyncset.done $0x0  }
0x7c: {  	[sflag:s24] =	ssyncadd.s32 $0xFFFFC000  }
0x7d: {  	[spmem:s2] =	stream.indirect.scatter.add.f32 [tilespmem:s22], [sflag:$0x5], $0x80, s18, s17, $0xb8;
	[tilespmem:$0x1C200] =	vst v63  }
0x7e: {  	_ =	swait.ge [sflag:s15], $0x4000  }
0x7f: {  	s25 =	sadd.s32 $0x1, s25;
	[sflag:s15] =	ssyncset.done $0x0  }
0x80: {  	p0 =	sne.s32 s25, s12;
	[sflag:s15] =	ssyncadd.s32 $0xFFFFC000  }
.Ltmp1:
0x81: {  	[bflag:$0x0] =	sbarrier.arrive $0xFFFF;
	(pc) =	sbr.rel @p0 .LBB2_1-.Ltmp1, $4  }
0x82: {  	[hbm:s11], [sflag:s7] =	dma.local [spmem:s14], $0x2800  }
0x83: {  	_ =	swait.ge [sflag:s15], $0x2800  }
0x84: {  	[sflag:s15] =	ssyncset.done $0x0  }
0x85: {  	[sflag:s15] =	ssyncadd.s32 $0xFFFFD800  }
0x86: {  	_ =	sfence.sel $0x180000  }
0x87: {  	[bflag:$0x0] =	sbarrier.arrive $0xFFFF  }
0x88: {  	p0 =	sne.s32 s1, $0x0;
	_ =	strace $0x9000004A  }
0x89: {  	s0 =	sadd.s32 @!p0 $0x100000, s0;
	[bflag:$0x2] =	sbarrier.arrive $0xFFFF  }
0x8a: {  	[sflag:s0] =	ssyncadd.tile.s32 @!p0 $0x1;
	_ =	shalt  }
.Lfunc_end2:
_tile_overlayer_lowered:
.L_overlay_start_2:
0x8b: {  	(tag) =	ssettag $0x2  }
0x8c: {  	s0 =	rddreg [dreg:$0x0];
	s2 =	stileid.u32  }
0x8d: {  	s1 =	rddreg [dreg:$0x1];
	p0 =	sne.s32 s2, $0x0  }
0x8e: {  	s3 =	rddreg [dreg:$0x2];
	[bflag:$0x3] =	sbarrier.arrive $0xFFFF;
	s2 =	simm.s32 @!p0 $0x1C05  }
0x8f: {  	[timem:s3], [sflag:s2] =	dma.local @!p0 [hbm:s0], s1  }
0x90: {  	s0 =	simm.s32 @!p0 $0x5  }
0x91: {  	_ =	swait.ge @!p0 [sflag:s0], s1  }
0x92: {  	s1 =	ssub.s32 @!p0 $0x0, s1;
	[sflag:s0] =	ssyncset.done @!p0 $0x0  }
0x93: {  	[sflag:s0] =	ssyncadd.s32 @!p0 s1  }
0x94: {  	[bflag:$0x3] =	sbarrier.arrive $0xFFFF  }
0x95: {  	_ =	shalt  }

// kernel: kernel.16.cloned.1.call-start
scs
__scs_entry_jumppad:
0x0: {  	(pc) =	sbr.rel $0x88, $3  }
0x1: {  	(tag) =	ssettag $0x0;
	lr =	simm.s32 $0x1  }
0x2: {  	[smem:$0x3F96] =	sst lr;
	_ =	strace $0xD0000000  }
0x3: {  	_ = 	snop  }
0x4: {  	_ = 	snop  }
0x5: {  	_ = 	snop  }
0x6: {  	_ = 	snop  }
0x7: {  	_ = 	snop  }
__scs_overlays_trampoline_lowered:
0x8: {  	[smem:$0x3FA5] =	sst s0  }
0x9: {  	[smem:$0x3FA6] =	sst s1  }
0xa: {  	[smem:$0x3FA7] =	sst s2  }
0xb: {  	[smem:$0x3FA8] =	sst s3  }
0xc: {  	[smem:$0x3FA9] =	sst s4  }
0xd: {  	[smem:$0x3FAA] =	sst s5  }
0xe: {  	[smem:$0x3FAB] =	sst s6  }
0xf: {  	[smem:$0x3FAC] =	sst s7  }
0x10: {  	[smem:$0x3FAD] =	sst s8  }
0x11: {  	[smem:$0x3FAE] =	sst s9;
	s0 =	simm.s32 @!p0 $0x0  }
0x12: {  	s1 =	sld [smem:$0x3F94];
	s0 =	simm.s32 @p0 $0x1  }
0x13: {  	[smem:$0x3FAF] =	sst s0;
	s0 =	simm.s32 @!p1 $0x0  }
0x14: {  	s2 =	sld [smem:$0x3F93];
	s0 =	simm.s32 @p1 $0x1  }
0x15: {  	[smem:$0x3FB0] =	sst s0;
	s0 =	simm.s32 @!p2 $0x0  }
0x16: {  	s3 =	sld [smem:$0x3FDB];
	s0 =	simm.s32 @p2 $0x1  }
0x17: {  	s4 =	simm.s32 $0x1BF5;
	[smem:$0x3FB2] =	sst s0  }
0x18: {  	s0 =	sld [smem:$0x3F95];
	_ =	swait.ge [sflag:s4], $0x0  }
0x19: {  	s7 =	sld [smem:$0x3F96]  }
0x1a: {  	s8 =	sadd.s32 $0xFFFFE003, lr  }
0x1b: {  	s9 =	sadd.s32 $0xFFFFFEF7, lr;
	s5 =	simm.s32 $0xFFFFFFFF;
	p2 =	slt.u32 s8, $0xFFFFF086  }
0x1c: {  	p1 =	slt.u32 s9, $0xF7A;
	s5 =	simm.s32 @!p2 $0x0  }
0x1d: {  	s5 =	simm.s32 @p1 $0x1;
	p0 =	seq.s32 s7, s2  }
0x1e: {  	s7 =	smul.u32 @!p0 $0xF7A, s2;
	p2 =	seq.s32 @!p0 s5, $0x0  }
0x1f: {  	s9 =	smul.u32 $0xF7A, s1;
	s8 =	simm.s32 @!p0 $0x1BF5;
	p2 =	por !p2, p0  }
0x20: {  	[sflag:s8] =	ssyncset.s32 @!p0 $0xFFFFF086;
	s6 =	sadd.s32 @!p0 s3, s7;
	s7 =	simm.s32 @!p0 $0x108  }
0x21: {  	s3 =	sadd.s32 s3, s9;
	s6 =	sadd.s32 @!p0 $0x88, s6;
	s7 =	simm.s32 @p2 $0x1082  }
0x22: {  	[simem:s7], [sflag:s8] =	dma.local @!p0 [hbm:s6], $0xF7A  }
0x23: {  	s9 =	sor.u32 $0xD0000000, s2;
	s6 =	simm.s32 $0x108;
	_ =	swait.ge @!p0 [sflag:s8], $0x0  }
0x24: {  	s3 =	sadd.s32 $0x88, s3;
	s6 =	simm.s32 @!p1 $0x1082;
	[sflag:s4] =	ssyncset.s32 $0xFFFFF086  }
0x25: {  	[simem:s6], [sflag:s4] =	dma.local [hbm:s3], $0xF7A  }
0x26: {  	[smem:$0x3F96] =	sst s1;
	(tag) =	ssettag s2;
	_ =	strace s9  }
0x27: {  	s1 =	sld [smem:$0x3FA6]  }
0x28: {  	s2 =	sld [smem:$0x3FA7]  }
0x29: {  	s4 =	sld [smem:$0x3FA9]  }
0x2a: {  	p0 =	seq.s32 s5, $0x0;
	s5 =	sld [smem:$0x3FAA]  }
0x2b: {  	s6 =	sld [smem:$0x3FAB]  }
0x2c: {  	s7 =	sld [smem:$0x3FAC]  }
0x2d: {  	s3 =	simm.s32 $0x108;
	s8 =	sld [smem:$0x3FAD]  }
0x2e: {  	s3 =	simm.s32 @!p0 $0x1082;
	s9 =	sld [smem:$0x3FAE]  }
0x2f: {  	lr =	sadd.s32 s0, s3;
	s0 =	sld [smem:$0x3FA5]  }
0x30: {  	s3 =	sld [smem:$0x3FA8]  }
0x31: {  	[smem:$0x3FB1] =	sst s10  }
0x32: {  	s10 =	sld [smem:$0x3FAF];
	_ =	sdelay $0x3  }
0x33: {  	p0 =	seq.s32 s10, $0x1;
	s10 =	sld [smem:$0x3FB1];
	_ =	sdelay $0x3  }
0x34: {  	[smem:$0x3FB1] =	sst s10  }
0x35: {  	s10 =	sld [smem:$0x3FB0];
	_ =	sdelay $0x3  }
0x36: {  	p1 =	seq.s32 s10, $0x1;
	s10 =	sld [smem:$0x3FB1];
	_ =	sdelay $0x3  }
0x37: {  	[smem:$0x3FB1] =	sst s10  }
0x38: {  	s10 =	sld [smem:$0x3FB2]  }
0x39: {  	_ = 	snop;
	(pc) =	sbr.ind lr, $3  }
0x3a: {  	_ = 	snop  }
0x3b: {  	_ = 	snop  }
0x3c: {  	p2 =	seq.s32 s10, $0x1;
	s10 =	sld [smem:$0x3FB1]  }
0x3d: {  	_ =	shalt  }
0x3e: {  	_ =	shalt  }
0x3f: {  	_ =	shalt  }
0x40: {  	_ =	shalt  }
0x41: {  	_ =	shalt  }
0x42: {  	_ =	shalt  }
0x43: {  	_ =	shalt  }
0x44: {  	_ =	shalt  }
0x45: {  	_ =	shalt  }
0x46: {  	_ =	shalt  }
0x47: {  	_ =	shalt  }
0x48: {  	_ =	shalt  }
0x49: {  	_ =	shalt  }
0x4a: {  	_ =	shalt  }
0x4b: {  	_ =	shalt  }
0x4c: {  	_ =	shalt  }
0x4d: {  	_ =	shalt  }
0x4e: {  	_ =	shalt  }
0x4f: {  	_ =	shalt  }
0x50: {  	_ =	shalt  }
0x51: {  	_ =	shalt  }
0x52: {  	_ =	shalt  }
0x53: {  	_ =	shalt  }
0x54: {  	_ =	shalt  }
0x55: {  	_ =	shalt  }
0x56: {  	_ =	shalt  }
0x57: {  	_ =	shalt  }
0x58: {  	_ =	shalt  }
0x59: {  	_ =	shalt  }
0x5a: {  	_ =	shalt  }
0x5b: {  	_ =	shalt  }
0x5c: {  	_ =	shalt  }
0x5d: {  	_ =	shalt  }
0x5e: {  	_ =	shalt  }
0x5f: {  	_ =	shalt  }
0x60: {  	_ =	shalt  }
0x61: {  	_ =	shalt  }
0x62: {  	_ =	shalt  }
0x63: {  	_ =	shalt  }
0x64: {  	_ =	shalt  }
0x65: {  	_ =	shalt  }
0x66: {  	_ =	shalt  }
0x67: {  	_ =	shalt  }
0x68: {  	_ =	shalt  }
0x69: {  	_ =	shalt  }
0x6a: {  	_ =	shalt  }
0x6b: {  	_ =	shalt  }
0x6c: {  	_ =	shalt  }
0x6d: {  	_ =	shalt  }
0x6e: {  	_ =	shalt  }
0x6f: {  	_ =	shalt  }
0x70: {  	_ =	shalt  }
0x71: {  	_ =	shalt  }
0x72: {  	_ =	shalt  }
0x73: {  	_ =	shalt  }
0x74: {  	_ =	shalt  }
0x75: {  	_ =	shalt  }
0x76: {  	_ =	shalt  }
0x77: {  	_ =	shalt  }
0x78: {  	_ =	shalt  }
0x79: {  	_ =	shalt  }
0x7a: {  	_ =	shalt  }
0x7b: {  	_ =	shalt  }
0x7c: {  	_ =	shalt  }
0x7d: {  	_ =	shalt  }
0x7e: {  	_ =	shalt  }
0x7f: {  	_ =	shalt  }
0x80: {  	_ =	shalt  }
0x81: {  	_ =	shalt  }
0x82: {  	_ =	shalt  }
0x83: {  	_ =	shalt  }
0x84: {  	_ =	shalt  }
0x85: {  	_ =	shalt  }
0x86: {  	_ =	shalt  }
0x87: {  	_ =	shalt  }
.Lfunc_end0:
.L_simem_size_0:
called_computation.2_lowered:
.L_overlay_start_0:
0x88: {  	s2 =	sld [smem:$0x3FD9]  }
0x89: {  	s3 =	sld [smem:$0x3FFE];
	_ =	sdelay $0x1  }
0x8a: {  	s1 =	srdreg.scid  }
0x8b: {  	s0 =	sand.u32 $0x1, s1  }
0x8c: {  	s14 =	sshll.u32 s0, $0xA;
	s2 =	sadd.s32 s3, s2  }
0x8d: {  	s2 =	sadd.s32 s2, s14  }
0x8e: {  	[smem:$0x3FBD] =	sst s2  }
0x8f: {  	_ = 	snop  }
0x90: {  	s2 =	sld [smem:$0x3FD0];
	_ =	sdelay $0x2  }
0x91: {  	s15 =	simm.s32 $0xA;
	s4 =	simm.s32 $0x10  }
0x92: {  	[smem:s4], [sflag:s15] =	dma.local [hbm:s2], $0x1  }
0x93: {  	_ =	swait.eq [sflag:s15], $0x1  }
0x94: {  	[sflag:s15] =	ssyncset.done $0x0  }
0x95: {  	s16 =	sld [smem:$0x10];
	[sflag:s15] =	ssyncadd.s32 $0xFFFFFFFF  }
0x96: {  	s17 =	sld [smem:$0x11];
	(tm) =	ssettm $0x1  }
0x97: {  	s18 =	sld [smem:$0x3FFB];
	_ =	sdelay $0x3  }
0x98: {  	_ =	strace s18  }
0x99: {  	s4 =	sld [smem:$0x3FFC];
	_ =	sdelay $0x3  }
0x9a: {  	_ =	strace s4  }
0x9b: {  	s4 =	sld [smem:$0x3FFD];
	_ =	sdelay $0x3  }
0x9c: {  	_ =	strace s4  }
0x9d: {  	_ =	strace $0x8FFFFFFF  }
0x9e: {  	s19 =	sld [smem:$0x3FDB];
	_ =	sdelay $0x1  }
0x9f: {  	s5 =	simm.s32 $_scs_section_size  }
0xa0: {  	s6 =	simm.s32 $_size__tile_overlayer_lowered;
	s7 =	simm.s32 $_tile_overlayer_lowered  }
0xa1: {  	s22 =	simm.s32 $0x1BFF;
	s21 =	sshll.u32 s7, $0x1;
	s4 =	sadd.s32 s5, s19  }
0xa2: {  	s8 =	simm.s32 $0x0;
	s20 =	sshll.u32 s6, $0x1;
	s6 =	sadd.s32 s21, s4  }
0xa3: {  	[timem:s8], [sflag:s22] =	dma.local [hbm:s6], s20  }
0xa4: {  	_ =	swait.ge [sflag:s22], s20  }
0xa5: {  	s5 =	ssub.s32 $0x0, s20;
	[sflag:s22] =	ssyncset.done $0x0  }
0xa6: {  	[sflag:s22] =	ssyncadd.s32 s5;
	_ =	sdelay $0x1  }
0xa7: {  	s23 =	simm.s32 $0x1B8B  }
0xa8: {  	_ =	swait.ge [sflag:s23], $0x1  }
0xa9: {  	[sflag:s23] =	ssyncset.done $0x0  }
0xaa: {  	s25 =	simm.s32 $0x1B8E;
	s24 =	sld [smem:$0x3FFE];
	[sflag:s23] =	ssyncadd.s32 $0xFFFFFFFF  }
0xab: {  	s26 =	simm.s32 $execute0_lowered;
	[smem:$0x3FD2] =	sst s25  }
0xac: {  	s6 =	sshll.u32 s26, $0x1;
	_ =	strace $0x8000004C;
	[dreg:$0x1] =	wrdreg $0xFFFFFFFF  }
0xad: {  	s28 =	simm.s32 $_size_execute0_lowered;
	s4 =	sadd.s32 s4, s6;
	[dreg:$0x0] =	wrdreg $0x0  }
0xae: {  	s6 =	sshll.u32 s28, $0x1;
	[dreg:$0x2] =	wrdreg s4  }
0xaf: {  	[dreg:$0x3] =	wrdreg s6  }
0xb0: {  	[dreg:$0x4] =	wrdreg $0xC0  }
0xb1: {  	_ =	task [dreg:s8], $0x5FFFF  }
0xb2: {  	[dreg:$0x1] =	wrdreg $0xFFFFFFFF  }
0xb3: {  	[dreg:$0x0] =	wrdreg $0x60  }
0xb4: {  	[dreg:$0x2] =	wrdreg s24  }
0xb5: {  	[dreg:$0x3] =	wrdreg s16  }
0xb6: {  	[dreg:$0x4] =	wrdreg s17  }
0xb7: {  	[dreg:$0x5] =	wrdreg $0x82000  }
0xb8: {  	[dreg:$0x6] =	wrdreg $0x9  }
0xb9: {  	_ =	task.clear_ibuf [dreg:s8], $0x7FFFF;
	_ =	strace $0x9000004C  }
0xba: {  	s29 =	simm.s32 $0x9;
	_ =	strace $0x8000004E  }
0xbb: {  	_ =	swait.ge [sflag:s29], $0x1  }
0xbc: {  	[sflag:s29] =	ssyncadd.s32 $0xFFFFFFFF  }
0xbd: {  	_ =	strace $0x9000004E  }
0xbe: {  	_ =	sfence  }
0xbf: {  	s30 =	sld [smem:$0x0];
	_ =	sdelay $0x2  }
0xc0: {  	s31 =	sshll.u32 s1, $0xD;
	s1 =	sshrl.u32 s1, $0x2  }
0xc1: {  	s3 =	sand.u32 $0x4000, s31;
	s1 =	sadd.s32 s1, s30  }
0xc2: {  	s0 =	sor.u32 s3, s0;
	s1 =	sshll.u32 s1, $0x11  }
0xc3: {  	s0 =	sor.u32 s1, s0  }
0xc4: {  	s0 =	sadd.s32 $0x8F2B, s0  }
0xc5: {  	[sflag:s0] =	ssyncadd.remote.s32 $0x1  }
0xc6: {  	_ =	sfence.sel $0xFFFF  }
0xc7: {  	[dreg:$0x0] =	wrdreg $0xFFFFFFFF;
	(pc) =	sbr.abs _section_cstart, $3  }
0xc8: {  	[dreg:$0x1] =	wrdreg $0xFFFFFFFF  }
0xc9: {  	_ =	task.clear_ibuf [dreg:s8], $0x2FFFF;
	_ =	strace $0x9FFFFFFF  }
0xca: {  	(tm) =	ssettm $0x7FFFFFFF  }
0xcb: {  	_ =	shalt  }
tec
execute0_lowered:
.L_overlay_start_1:
0x0: {  	(tag) =	ssettag $0x1  }
0x1: {  	s0 =	rddreg [dreg:$0x0]  }
0x2: {  	s1 =	rddreg [dreg:$0x1]  }
0x3: {  	s4 =	rddreg [dreg:$0x2]  }
0x4: {  	s2 =	rddreg [dreg:$0x3];
	s3 =	simm.s32 $0x0  }
0x5: {  	s10 =	stileid.u32;
	s9 =	srdreg.scid;
	s28 =	simm.s32 $0x4  }
0x6: {  	s29 =	simm.s32 $0x4200;
	s30 =	simm.s32 $0x1;
	[smem:$0x7FF] =	sst s3  }
0x7: {  	s31 =	simm.s32 $0x2;
	s5 =	sadd.s32 $0x1BDC00, s0;
	s6 =	sadd.s32 $0x195C00, s0  }
0x8: {  	s7 =	sadd.s32 $0x7DC00, s0;
	s8 =	smul.u32 $0x2800, s10;
	s9 =	sand.u32 $0x1, s9  }
0x9: {  	s11 =	sadd.s32 $0x11DC00, s0;
	s12 =	smul.u32 $0x50000, s10;
	s24 =	sshll.u32 s10, $0x5  }
0xa: {  	s26 =	sshll.u32 s10, $0x6;
	_ =	strace $0x8000004D;
	[dreg:$0x5] =	wrdreg s11  }
0xb: {  	s21 =	ssub.s32 $0x2, s9;
	p0 =	seq.s32 s9, $0x1;
	s11 =	sadd.s32 s4, s24  }
0xc: {  	s19 =	sor.u32 $0x1C05, s26;
	s24 =	simm.s32 $0x180;
	s26 =	simm.s32 $0x200  }
0xd: {  	s17 =	sadd.s32 s8, s0;
	s0 =	sadd.s32 $0x16DC00, s0;
	s22 =	sshrl.u32 s21, $0x1  }
0xe: {  	s23 =	sshrl.u32 s12, $0x2;
	s13 =	sadd.s32 $0x10, s11;
	s14 =	sadd.s32 $0x200, s11  }
.Ltmp0:
0xf: {  	s15 =	sadd.s32 $0x210, s11;
	[dreg:$0x6] =	wrdreg s0;
	(pc) =	sbr.rel .LBB2_1-.Ltmp0, $4  }
0x10: {  	s0 =	ssub.s32 s21, s22;
	s25 =	sadd.s32 s23, s2;
	s12 =	sadd.s32 $0x5C00, s17  }
0x11: {  	s16 =	sadd.s32 $0xF5C00, s17;
	s17 =	sadd.s32 $0x145C00, s17;
	s21 =	simm.s32 $0x5  }
0x12: {  	s22 =	simm.s32 $0x100;
	s23 =	simm.s32 $0x80;
	s18 =	smax.u32 s0, $0x1  }
0x13: {  	s20 =	sshrl.u32 s25, $0x3;
	s25 =	simm.s32 $0x3;
	s0 =	simm.s32 $0x0  }
.LBB2_11:
0x14: {  	[tilespmem:s24], [sflag:$0x4] =	stream.linear.gather [hbm4b:s9+s3], $0x80, $0x38;
	[tilespmem:$0x1C200] =	vst v63  }
0x15: {  	s9 =	smov.u32 s1;
	s4 =	rddreg [dreg:$0x6]  }
.LBB2_12:
0x16: {  	_ =	swait.ge [sflag:s28], $0x80  }
0x17: {  	[sflag:s28] =	ssyncset.done $0x0  }
0x18: {  	[sflag:s28] =	ssyncadd.s32 $0xFFFFFF80  }
0x19: {  	_ =	swait.ge [sflag:s28], $0x80  }
0x1a: {  	[sflag:s28] =	ssyncset.done $0x0  }
0x1b: {  	[sflag:s28] =	ssyncadd.s32 $0xFFFFFF80  }
0x1c: {  	[tilespmem:s29], [sflag:$0x2] =	stream.indirect.gather [hbm4b:s9+s23], $0x80, s23, s23, $0xb8;
	[tilespmem:$0x1C200] =	vst v63  }
0x1d: {  	_ =	swait.ge [sflag:s30], $0x4000  }
0x1e: {  	[sflag:s30] =	ssyncset.done $0x0  }
0x1f: {  	[sflag:s30] =	ssyncadd.s32 $0xFFFFC000  }
0x20: {  	[spmem:s2] =	stream.indirect.scatter.add.f32 [tilespmem:s26], [sflag:$0x5], $0x80, s22, s23, $0xb8;
	[tilespmem:$0x1C200] =	vst v63  }
0x21: {  	_ =	swait.ge [sflag:s21], $0x4000  }
0x22: {  	[sflag:s21] =	ssyncset.done $0x0  }
0x23: {  	[sflag:s21] =	ssyncadd.s32 $0xFFFFC000  }
0x24: {  	_ =	swait.ge [sflag:s31], $0x4000  }
0x25: {  	[sflag:s31] =	ssyncset.done $0x0  }
0x26: {  	[sflag:s31] =	ssyncadd.s32 $0xFFFFC000  }
0x27: {  	[spmem:s2] =	stream.indirect.scatter.add.f32 [tilespmem:s29], [sflag:$0x5], $0x80, s24, s23, $0xb8;
	[tilespmem:$0x1C200] =	vst v63  }
0x28: {  	_ =	swait.ge [sflag:s21], $0x4000  }
0x29: {  	s0 =	sadd.s32 $0x1, s0;
	[sflag:s21] =	ssyncset.done $0x0  }
0x2a: {  	p1 =	sne.s32 s0, s18;
	[sflag:s21] =	ssyncadd.s32 $0xFFFFC000  }
.Ltmp1:
0x2b: {  	s4 =	sadd.s32 s4, s8;
	[bflag:$0x0] =	sbarrier.arrive $0xFFFF;
	(pc) =	sbr.rel @!p1 .LBB2_13-.Ltmp1, $4  }
0x2c: {  	[hbm:s4], [sflag:s19] =	dma.local [spmem:s20], $0x2800  }
0x2d: {  	_ =	swait.ge [sflag:s21], $0x2800  }
0x2e: {  	[sflag:s21] =	ssyncset.done $0x0  }
0x2f: {  	[sflag:s21] =	ssyncadd.s32 $0xFFFFD800  }
.LBB2_1:
0x30: {  	[spmem:s20], [sflag:s19] =	dma.local [hbm:s12], $0x2800  }
0x31: {  	_ =	swait.ge [sflag:s21], $0x2800  }
0x32: {  	[sflag:s21] =	ssyncset.done $0x0  }
0x33: {  	[sflag:s21] =	ssyncadd.s32 $0xFFFFD800  }
0x34: {  	[bflag:$0x0] =	sbarrier.arrive $0xFFFF  }
0x35: {  	[tilespmem:s3], [sflag:$0x3] =	stream.linear.gather [hbm4b:s11+s3], $0x80, $0x38;
	[tilespmem:$0x1C200] =	vst v63  }
0x36: {  	_ = 	snop  }
0x37: {  	[tilespmem:s22], [sflag:$0x3] =	stream.linear.gather [hbm4b:s13+s3], $0x80, $0x38;
	[tilespmem:$0x1C200] =	vst v63  }
0x38: {  	_ = 	snop  }
0x39: {  	[tilespmem:s23], [sflag:$0x4] =	stream.linear.gather [hbm4b:s14+s3], $0x80, $0x38;
	[tilespmem:$0x1C200] =	vst v63  }
0x3a: {  	_ = 	snop  }
0x3b: {  	[tilespmem:s24], [sflag:$0x4] =	stream.linear.gather [hbm4b:s15+s3], $0x80, $0x38;
	[tilespmem:$0x1C200] =	vst v63  }
0x3c: {  	_ =	swait.ge [sflag:s25], $0x80  }
.Ltmp2:
0x3d: {  	[sflag:s25] =	ssyncset.done $0x0;
	(pc) =	sbr.rel @!p0 .LBB2_2-.Ltmp2, $4  }
0x3e: {  	[sflag:s25] =	ssyncadd.s32 $0xFFFFFF80  }
0x3f: {  	_ =	swait.ge [sflag:s25], $0x80  }
0x40: {  	[sflag:s25] =	ssyncset.done $0x0  }
0x41: {  	[sflag:s25] =	ssyncadd.s32 $0xFFFFFF80  }
0x42: {  	[tilespmem:s26], [sflag:$0x1] =	stream.indirect.gather [hbm4b:s7+s23], $0x80, s3, s23, $0xb8;
	[tilespmem:$0x1C200] =	vst v63  }
0x43: {  	_ =	swait.ge [sflag:s28], $0x80  }
0x44: {  	[sflag:s28] =	ssyncset.done $0x0  }
0x45: {  	[sflag:s28] =	ssyncadd.s32 $0xFFFFFF80  }
0x46: {  	_ =	swait.ge [sflag:s28], $0x80  }
0x47: {  	[sflag:s28] =	ssyncset.done $0x0  }
0x48: {  	[sflag:s28] =	ssyncadd.s32 $0xFFFFFF80  }
0x49: {  	[tilespmem:s29], [sflag:$0x2] =	stream.indirect.gather [hbm4b:s7+s23], $0x80, s23, s23, $0xb8;
	[tilespmem:$0x1C200] =	vst v63  }
0x4a: {  	_ =	swait.ge [sflag:s30], $0x4000  }
0x4b: {  	[sflag:s30] =	ssyncset.done $0x0  }
0x4c: {  	[sflag:s30] =	ssyncadd.s32 $0xFFFFC000  }
0x4d: {  	[spmem:s2] =	stream.indirect.scatter.add.f32 [tilespmem:s26], [sflag:$0x5], $0x80, s22, s23, $0xb8;
	[tilespmem:$0x1C200] =	vst v63  }
0x4e: {  	_ =	swait.ge [sflag:s21], $0x4000  }
0x4f: {  	s9 =	sadd.s32 $0xFFFEC400, s11;
	[sflag:s21] =	ssyncset.done $0x0  }
0x50: {  	s4 =	sadd.s32 $0x14000, s9;
	[sflag:s21] =	ssyncadd.s32 $0xFFFFC000  }
0x51: {  	[tilespmem:s3], [sflag:$0x3] =	stream.linear.gather [hbm4b:s4+s3], $0x80, $0x38;
	[tilespmem:$0x1C200] =	vst v63  }
0x52: {  	s10 =	sadd.s32 $0x14010, s9  }
0x53: {  	[tilespmem:s22], [sflag:$0x3] =	stream.linear.gather [hbm4b:s10+s3], $0x80, $0x38;
	[tilespmem:$0x1C200] =	vst v63  }
0x54: {  	_ =	swait.ge [sflag:s25], $0x80  }
0x55: {  	[sflag:s25] =	ssyncset.done $0x0  }
0x56: {  	[sflag:s25] =	ssyncadd.s32 $0xFFFFFF80  }
0x57: {  	_ =	swait.ge [sflag:s25], $0x80  }
0x58: {  	[sflag:s25] =	ssyncset.done $0x0  }
0x59: {  	[sflag:s25] =	ssyncadd.s32 $0xFFFFFF80  }
0x5a: {  	[tilespmem:s26], [sflag:$0x1] =	stream.indirect.gather [hbm4b:s7+s23], $0x80, s3, s23, $0xb8;
	[tilespmem:$0x1C200] =	vst v63  }
0x5b: {  	_ =	swait.ge [sflag:s31], $0x4000  }
0x5c: {  	[sflag:s31] =	ssyncset.done $0x0  }
0x5d: {  	[sflag:s31] =	ssyncadd.s32 $0xFFFFC000  }
0x5e: {  	[spmem:s2] =	stream.indirect.scatter.add.f32 [tilespmem:s29], [sflag:$0x5], $0x80, s24, s23, $0xb8;
	[tilespmem:$0x1C200] =	vst v63  }
0x5f: {  	_ =	swait.ge [sflag:s21], $0x4000  }
0x60: {  	s4 =	simm.s32 $0xFFFEC800;
	[sflag:s21] =	ssyncset.done $0x0  }
0x61: {  	s10 =	sadd.s32 $0x14200, s9;
	s9 =	sadd.s32 $0x14210, s9;
	[sflag:s21] =	ssyncadd.s32 $0xFFFFC000  }
0x62: {  	[tilespmem:s23], [sflag:$0x4] =	stream.linear.gather [hbm4b:s10+s3], $0x80, $0x38;
	[tilespmem:$0x1C200] =	vst v63  }
.LBB2_8:
0x63: {  	[tilespmem:s24], [sflag:$0x4] =	stream.linear.gather [hbm4b:s9+s3], $0x80, $0x38;
	[tilespmem:$0x1C200] =	vst v63  }
0x64: {  	s9 =	smov.u32 s4  }
0x65: {  	p1 =	sne.s32 s4, $0xFFFFFC00;
	s4 =	sadd.s32 $0x400, s4;
	_ =	swait.ge [sflag:s28], $0x80  }
0x66: {  	[sflag:s28] =	ssyncset.done $0x0  }
0x67: {  	[sflag:s28] =	ssyncadd.s32 $0xFFFFFF80  }
0x68: {  	_ =	swait.ge [sflag:s28], $0x80  }
0x69: {  	[sflag:s28] =	ssyncset.done $0x0  }
0x6a: {  	[sflag:s28] =	ssyncadd.s32 $0xFFFFFF80  }
0x6b: {  	[tilespmem:s29], [sflag:$0x2] =	stream.indirect.gather [hbm4b:s7+s23], $0x80, s23, s23, $0xb8;
	[tilespmem:$0x1C200] =	vst v63  }
0x6c: {  	_ =	swait.ge [sflag:s30], $0x4000  }
0x6d: {  	[sflag:s30] =	ssyncset.done $0x0  }
0x6e: {  	[sflag:s30] =	ssyncadd.s32 $0xFFFFC000  }
0x6f: {  	[spmem:s2] =	stream.indirect.scatter.add.f32 [tilespmem:s26], [sflag:$0x5], $0x80, s22, s23, $0xb8;
	[tilespmem:$0x1C200] =	vst v63  }
0x70: {  	_ =	swait.ge [sflag:s21], $0x4000  }
0x71: {  	s9 =	sadd.s32 s9, s11;
	[sflag:s21] =	ssyncset.done $0x0  }
0x72: {  	s10 =	sadd.s32 $0x14000, s9;
	[sflag:s21] =	ssyncadd.s32 $0xFFFFC000  }
0x73: {  	[tilespmem:s3], [sflag:$0x3] =	stream.linear.gather [hbm4b:s10+s3], $0x80, $0x38;
	[tilespmem:$0x1C200] =	vst v63  }
0x74: {  	s10 =	sadd.s32 $0x14010, s9  }
0x75: {  	[tilespmem:s22], [sflag:$0x3] =	stream.linear.gather [hbm4b:s10+s3], $0x80, $0x38;
	[tilespmem:$0x1C200] =	vst v63  }
0x76: {  	_ =	swait.ge [sflag:s25], $0x80  }
0x77: {  	[sflag:s25] =	ssyncset.done $0x0  }
0x78: {  	[sflag:s25] =	ssyncadd.s32 $0xFFFFFF80  }
0x79: {  	_ =	swait.ge [sflag:s25], $0x80  }
0x7a: {  	[sflag:s25] =	ssyncset.done $0x0  }
0x7b: {  	[sflag:s25] =	ssyncadd.s32 $0xFFFFFF80  }
0x7c: {  	[tilespmem:s26], [sflag:$0x1] =	stream.indirect.gather [hbm4b:s7+s23], $0x80, s3, s23, $0xb8;
	[tilespmem:$0x1C200] =	vst v63  }
0x7d: {  	_ =	swait.ge [sflag:s31], $0x4000  }
0x7e: {  	[sflag:s31] =	ssyncset.done $0x0  }
0x7f: {  	[sflag:s31] =	ssyncadd.s32 $0xFFFFC000  }
0x80: {  	[spmem:s2] =	stream.indirect.scatter.add.f32 [tilespmem:s29], [sflag:$0x5], $0x80, s24, s23, $0xb8;
	[tilespmem:$0x1C200] =	vst v63  }
.Ltmp3:
0x81: {  	_ =	swait.ge [sflag:s21], $0x4000;
	(pc) =	sbr.rel @p1 .LBB2_8-.Ltmp3, $4  }
0x82: {  	[sflag:s21] =	ssyncset.done $0x0  }
0x83: {  	s10 =	sadd.s32 $0x14200, s9;
	[sflag:s21] =	ssyncadd.s32 $0xFFFFC000  }
0x84: {  	[tilespmem:s23], [sflag:$0x4] =	stream.linear.gather [hbm4b:s10+s3], $0x80, $0x38;
	[tilespmem:$0x1C200] =	vst v63  }
0x85: {  	s9 =	sadd.s32 $0x14210, s9  }
0x86: {  	[tilespmem:s24], [sflag:$0x4] =	stream.linear.gather [hbm4b:s9+s3], $0x80, $0x38;
	[tilespmem:$0x1C200] =	vst v63  }
0x87: {  	_ =	swait.ge [sflag:s28], $0x80  }
0x88: {  	[sflag:s28] =	ssyncset.done $0x0  }
0x89: {  	[sflag:s28] =	ssyncadd.s32 $0xFFFFFF80  }
0x8a: {  	_ =	swait.ge [sflag:s28], $0x80  }
0x8b: {  	[sflag:s28] =	ssyncset.done $0x0  }
0x8c: {  	[sflag:s28] =	ssyncadd.s32 $0xFFFFFF80  }
0x8d: {  	[tilespmem:s29], [sflag:$0x2] =	stream.indirect.gather [hbm4b:s7+s23], $0x80, s23, s23, $0xb8;
	[tilespmem:$0x1C200] =	vst v63  }
0x8e: {  	_ =	swait.ge [sflag:s30], $0x4000  }
0x8f: {  	[sflag:s30] =	ssyncset.done $0x0  }
0x90: {  	[sflag:s30] =	ssyncadd.s32 $0xFFFFC000  }
0x91: {  	[spmem:s2] =	stream.indirect.scatter.add.f32 [tilespmem:s26], [sflag:$0x5], $0x80, s22, s23, $0xb8;
	[tilespmem:$0x1C200] =	vst v63  }
0x92: {  	_ =	swait.ge [sflag:s21], $0x4000  }
0x93: {  	[sflag:s21] =	ssyncset.done $0x0  }
0x94: {  	[sflag:s21] =	ssyncadd.s32 $0xFFFFC000  }
0x95: {  	_ =	swait.ge [sflag:s31], $0x4000  }
0x96: {  	[sflag:s31] =	ssyncset.done $0x0  }
0x97: {  	[sflag:s31] =	ssyncadd.s32 $0xFFFFC000  }
0x98: {  	[spmem:s2] =	stream.indirect.scatter.add.f32 [tilespmem:s29], [sflag:$0x5], $0x80, s24, s23, $0xb8;
	[tilespmem:$0x1C200] =	vst v63  }
0x99: {  	_ =	swait.ge [sflag:s21], $0x4000  }
0x9a: {  	[sflag:s21] =	ssyncset.done $0x0  }
0x9b: {  	[sflag:s21] =	ssyncadd.s32 $0xFFFFC000  }
0x9c: {  	[bflag:$0x0] =	sbarrier.arrive $0xFFFF  }
0x9d: {  	[hbm:s17], [sflag:s19] =	dma.local [spmem:s20], $0x2800  }
0x9e: {  	_ =	swait.ge [sflag:s21], $0x2800  }
0x9f: {  	[sflag:s21] =	ssyncset.done $0x0  }
0xa0: {  	[sflag:s21] =	ssyncadd.s32 $0xFFFFD800  }
0xa1: {  	[bflag:$0x0] =	sbarrier.arrive $0xFFFF  }
0xa2: {  	[spmem:s20], [sflag:s19] =	dma.local [hbm:s12], $0x2800  }
0xa3: {  	_ =	swait.ge [sflag:s21], $0x2800  }
0xa4: {  	[sflag:s21] =	ssyncset.done $0x0  }
0xa5: {  	[sflag:s21] =	ssyncadd.s32 $0xFFFFD800  }
0xa6: {  	[bflag:$0x0] =	sbarrier.arrive $0xFFFF  }
0xa7: {  	[tilespmem:s3], [sflag:$0x3] =	stream.linear.gather [hbm4b:s11+s3], $0x80, $0x38;
	[tilespmem:$0x1C200] =	vst v63  }
0xa8: {  	_ = 	snop  }
0xa9: {  	[tilespmem:s22], [sflag:$0x3] =	stream.linear.gather [hbm4b:s13+s3], $0x80, $0x38;
	[tilespmem:$0x1C200] =	vst v63  }
0xaa: {  	_ = 	snop  }
0xab: {  	[tilespmem:s23], [sflag:$0x4] =	stream.linear.gather [hbm4b:s14+s3], $0x80, $0x38;
	[tilespmem:$0x1C200] =	vst v63  }
0xac: {  	_ = 	snop  }
0xad: {  	[tilespmem:s24], [sflag:$0x4] =	stream.linear.gather [hbm4b:s15+s3], $0x80, $0x38;
	[tilespmem:$0x1C200] =	vst v63  }
0xae: {  	_ =	swait.ge [sflag:s25], $0x80  }
0xaf: {  	[sflag:s25] =	ssyncset.done $0x0  }
0xb0: {  	[sflag:s25] =	ssyncadd.s32 $0xFFFFFF80  }
0xb1: {  	_ =	swait.ge [sflag:s25], $0x80  }
0xb2: {  	[sflag:s25] =	ssyncset.done $0x0  }
0xb3: {  	[sflag:s25] =	ssyncadd.s32 $0xFFFFFF80  }
0xb4: {  	[tilespmem:s26], [sflag:$0x1] =	stream.indirect.gather [hbm4b:s1+s23], $0x80, s3, s23, $0xb8;
	[tilespmem:$0x1C200] =	vst v63  }
0xb5: {  	_ =	swait.ge [sflag:s28], $0x80  }
0xb6: {  	[sflag:s28] =	ssyncset.done $0x0  }
0xb7: {  	[sflag:s28] =	ssyncadd.s32 $0xFFFFFF80  }
0xb8: {  	_ =	swait.ge [sflag:s28], $0x80  }
0xb9: {  	[sflag:s28] =	ssyncset.done $0x0  }
0xba: {  	[sflag:s28] =	ssyncadd.s32 $0xFFFFFF80  }
0xbb: {  	[tilespmem:s29], [sflag:$0x2] =	stream.indirect.gather [hbm4b:s1+s23], $0x80, s23, s23, $0xb8;
	[tilespmem:$0x1C200] =	vst v63  }
0xbc: {  	_ =	swait.ge [sflag:s30], $0x4000  }
0xbd: {  	[sflag:s30] =	ssyncset.done $0x0  }
0xbe: {  	[sflag:s30] =	ssyncadd.s32 $0xFFFFC000  }
0xbf: {  	[spmem:s2] =	stream.indirect.scatter.add.f32 [tilespmem:s26], [sflag:$0x5], $0x80, s22, s23, $0xb8;
	[tilespmem:$0x1C200] =	vst v63  }
0xc0: {  	_ =	swait.ge [sflag:s21], $0x4000  }
0xc1: {  	s9 =	sadd.s32 $0xFFFEC400, s11;
	[sflag:s21] =	ssyncset.done $0x0  }
0xc2: {  	s4 =	sadd.s32 $0x14000, s9;
	[sflag:s21] =	ssyncadd.s32 $0xFFFFC000  }
0xc3: {  	[tilespmem:s3], [sflag:$0x3] =	stream.linear.gather [hbm4b:s4+s3], $0x80, $0x38;
	[tilespmem:$0x1C200] =	vst v63  }
0xc4: {  	s10 =	sadd.s32 $0x14010, s9  }
0xc5: {  	[tilespmem:s22], [sflag:$0x3] =	stream.linear.gather [hbm4b:s10+s3], $0x80, $0x38;
	[tilespmem:$0x1C200] =	vst v63  }
0xc6: {  	_ =	swait.ge [sflag:s25], $0x80  }
0xc7: {  	[sflag:s25] =	ssyncset.done $0x0  }
0xc8: {  	[sflag:s25] =	ssyncadd.s32 $0xFFFFFF80  }
0xc9: {  	_ =	swait.ge [sflag:s25], $0x80  }
0xca: {  	[sflag:s25] =	ssyncset.done $0x0  }
0xcb: {  	[sflag:s25] =	ssyncadd.s32 $0xFFFFFF80  }
0xcc: {  	[tilespmem:s26], [sflag:$0x1] =	stream.indirect.gather [hbm4b:s1+s23], $0x80, s3, s23, $0xb8;
	[tilespmem:$0x1C200] =	vst v63  }
0xcd: {  	_ =	swait.ge [sflag:s31], $0x4000  }
0xce: {  	[sflag:s31] =	ssyncset.done $0x0  }
0xcf: {  	[sflag:s31] =	ssyncadd.s32 $0xFFFFC000  }
0xd0: {  	[spmem:s2] =	stream.indirect.scatter.add.f32 [tilespmem:s29], [sflag:$0x5], $0x80, s24, s23, $0xb8;
	[tilespmem:$0x1C200] =	vst v63  }
0xd1: {  	_ =	swait.ge [sflag:s21], $0x4000  }
0xd2: {  	s4 =	simm.s32 $0xFFFEC800;
	[sflag:s21] =	ssyncset.done $0x0  }
0xd3: {  	s10 =	sadd.s32 $0x14200, s9;
	s9 =	sadd.s32 $0x14210, s9;
	[sflag:s21] =	ssyncadd.s32 $0xFFFFC000  }
0xd4: {  	[tilespmem:s23], [sflag:$0x4] =	stream.linear.gather [hbm4b:s10+s3], $0x80, $0x38;
	[tilespmem:$0x1C200] =	vst v63  }
.LBB2_10:
0xd5: {  	[tilespmem:s24], [sflag:$0x4] =	stream.linear.gather [hbm4b:s9+s3], $0x80, $0x38;
	[tilespmem:$0x1C200] =	vst v63  }
0xd6: {  	s9 =	smov.u32 s4  }
0xd7: {  	p1 =	sne.s32 s4, $0xFFFFFC00;
	s4 =	sadd.s32 $0x400, s4;
	_ =	swait.ge [sflag:s28], $0x80  }
0xd8: {  	[sflag:s28] =	ssyncset.done $0x0  }
0xd9: {  	[sflag:s28] =	ssyncadd.s32 $0xFFFFFF80  }
0xda: {  	_ =	swait.ge [sflag:s28], $0x80  }
0xdb: {  	[sflag:s28] =	ssyncset.done $0x0  }
0xdc: {  	[sflag:s28] =	ssyncadd.s32 $0xFFFFFF80  }
0xdd: {  	[tilespmem:s29], [sflag:$0x2] =	stream.indirect.gather [hbm4b:s1+s23], $0x80, s23, s23, $0xb8;
	[tilespmem:$0x1C200] =	vst v63  }
0xde: {  	_ =	swait.ge [sflag:s30], $0x4000  }
0xdf: {  	[sflag:s30] =	ssyncset.done $0x0  }
0xe0: {  	[sflag:s30] =	ssyncadd.s32 $0xFFFFC000  }
0xe1: {  	[spmem:s2] =	stream.indirect.scatter.add.f32 [tilespmem:s26], [sflag:$0x5], $0x80, s22, s23, $0xb8;
	[tilespmem:$0x1C200] =	vst v63  }
0xe2: {  	_ =	swait.ge [sflag:s21], $0x4000  }
0xe3: {  	s9 =	sadd.s32 s9, s11;
	[sflag:s21] =	ssyncset.done $0x0  }
0xe4: {  	s10 =	sadd.s32 $0x14000, s9;
	[sflag:s21] =	ssyncadd.s32 $0xFFFFC000  }
0xe5: {  	[tilespmem:s3], [sflag:$0x3] =	stream.linear.gather [hbm4b:s10+s3], $0x80, $0x38;
	[tilespmem:$0x1C200] =	vst v63  }
0xe6: {  	s10 =	sadd.s32 $0x14010, s9  }
0xe7: {  	[tilespmem:s22], [sflag:$0x3] =	stream.linear.gather [hbm4b:s10+s3], $0x80, $0x38;
	[tilespmem:$0x1C200] =	vst v63  }
0xe8: {  	_ =	swait.ge [sflag:s25], $0x80  }
0xe9: {  	[sflag:s25] =	ssyncset.done $0x0  }
0xea: {  	[sflag:s25] =	ssyncadd.s32 $0xFFFFFF80  }
0xeb: {  	_ =	swait.ge [sflag:s25], $0x80  }
0xec: {  	[sflag:s25] =	ssyncset.done $0x0  }
0xed: {  	[sflag:s25] =	ssyncadd.s32 $0xFFFFFF80  }
0xee: {  	[tilespmem:s26], [sflag:$0x1] =	stream.indirect.gather [hbm4b:s1+s23], $0x80, s3, s23, $0xb8;
	[tilespmem:$0x1C200] =	vst v63  }
0xef: {  	_ =	swait.ge [sflag:s31], $0x4000  }
0xf0: {  	[sflag:s31] =	ssyncset.done $0x0  }
0xf1: {  	[sflag:s31] =	ssyncadd.s32 $0xFFFFC000  }
0xf2: {  	[spmem:s2] =	stream.indirect.scatter.add.f32 [tilespmem:s29], [sflag:$0x5], $0x80, s24, s23, $0xb8;
	[tilespmem:$0x1C200] =	vst v63  }
.Ltmp4:
0xf3: {  	_ =	swait.ge [sflag:s21], $0x4000;
	(pc) =	sbr.rel @p1 .LBB2_10-.Ltmp4, $4  }
0xf4: {  	[sflag:s21] =	ssyncset.done $0x0  }
0xf5: {  	s10 =	sadd.s32 $0x14200, s9;
	[sflag:s21] =	ssyncadd.s32 $0xFFFFC000  }
0xf6: {  	[tilespmem:s23], [sflag:$0x4] =	stream.linear.gather [hbm4b:s10+s3], $0x80, $0x38;
	[tilespmem:$0x1C200] =	vst v63  }
0xf7: {  	s9 =	sadd.s32 $0x14210, s9  }
.Ltmp5:
0xf8: {  	_ = 	snop;
	(pc) =	sbr.rel .LBB2_11-.Ltmp5, $1  }
0xf9: {  	_ =	sdelay $0x3  }
.LBB2_2:
0xfa: {  	[tilespmem:s26], [sflag:$0x1] =	stream.indirect.gather [hbm4b:s5+s23], $0x80, s3, s23, $0xb8;
	[tilespmem:$0x1C200] =	vst v63  }
0xfb: {  	_ =	swait.ge [sflag:s28], $0x80  }
0xfc: {  	[sflag:s28] =	ssyncset.done $0x0  }
0xfd: {  	[sflag:s28] =	ssyncadd.s32 $0xFFFFFF80  }
0xfe: {  	_ =	swait.ge [sflag:s28], $0x80  }
0xff: {  	[sflag:s28] =	ssyncset.done $0x0  }
0x100: {  	[sflag:s28] =	ssyncadd.s32 $0xFFFFFF80  }
0x101: {  	[tilespmem:s29], [sflag:$0x2] =	stream.indirect.gather [hbm4b:s5+s23], $0x80, s23, s23, $0xb8;
	[tilespmem:$0x1C200] =	vst v63  }
0x102: {  	_ =	swait.ge [sflag:s30], $0x4000  }
0x103: {  	[sflag:s30] =	ssyncset.done $0x0  }
0x104: {  	[sflag:s30] =	ssyncadd.s32 $0xFFFFC000  }
0x105: {  	[spmem:s2] =	stream.indirect.scatter.add.f32 [tilespmem:s26], [sflag:$0x5], $0x80, s22, s23, $0xb8;
	[tilespmem:$0x1C200] =	vst v63  }
0x106: {  	_ =	swait.ge [sflag:s21], $0x4000  }
0x107: {  	s9 =	sadd.s32 $0xFFFEC400, s11;
	[sflag:s21] =	ssyncset.done $0x0  }
0x108: {  	s4 =	sadd.s32 $0x14000, s9;
	[sflag:s21] =	ssyncadd.s32 $0xFFFFC000  }
0x109: {  	[tilespmem:s3], [sflag:$0x3] =	stream.linear.gather [hbm4b:s4+s3], $0x80, $0x38;
	[tilespmem:$0x1C200] =	vst v63  }
0x10a: {  	s10 =	sadd.s32 $0x14010, s9  }
0x10b: {  	[tilespmem:s22], [sflag:$0x3] =	stream.linear.gather [hbm4b:s10+s3], $0x80, $0x38;
	[tilespmem:$0x1C200] =	vst v63  }
0x10c: {  	_ =	swait.ge [sflag:s25], $0x80  }
0x10d: {  	[sflag:s25] =	ssyncset.done $0x0  }
0x10e: {  	[sflag:s25] =	ssyncadd.s32 $0xFFFFFF80  }
0x10f: {  	_ =	swait.ge [sflag:s25], $0x80  }
0x110: {  	[sflag:s25] =	ssyncset.done $0x0  }
0x111: {  	[sflag:s25] =	ssyncadd.s32 $0xFFFFFF80  }
0x112: {  	[tilespmem:s26], [sflag:$0x1] =	stream.indirect.gather [hbm4b:s5+s23], $0x80, s3, s23, $0xb8;
	[tilespmem:$0x1C200] =	vst v63  }
0x113: {  	_ =	swait.ge [sflag:s31], $0x4000  }
0x114: {  	[sflag:s31] =	ssyncset.done $0x0  }
0x115: {  	[sflag:s31] =	ssyncadd.s32 $0xFFFFC000  }
0x116: {  	[spmem:s2] =	stream.indirect.scatter.add.f32 [tilespmem:s29], [sflag:$0x5], $0x80, s24, s23, $0xb8;
	[tilespmem:$0x1C200] =	vst v63  }
0x117: {  	_ =	swait.ge [sflag:s21], $0x4000  }
0x118: {  	s4 =	simm.s32 $0xFFFEC800;
	[sflag:s21] =	ssyncset.done $0x0  }
0x119: {  	s10 =	sadd.s32 $0x14200, s9;
	s9 =	sadd.s32 $0x14210, s9;
	[sflag:s21] =	ssyncadd.s32 $0xFFFFC000  }
0x11a: {  	[tilespmem:s23], [sflag:$0x4] =	stream.linear.gather [hbm4b:s10+s3], $0x80, $0x38;
	[tilespmem:$0x1C200] =	vst v63  }
.LBB2_3:
0x11b: {  	[tilespmem:s24], [sflag:$0x4] =	stream.linear.gather [hbm4b:s9+s3], $0x80, $0x38;
	[tilespmem:$0x1C200] =	vst v63  }
0x11c: {  	s9 =	smov.u32 s4  }
0x11d: {  	p1 =	sne.s32 s4, $0xFFFFFC00;
	s4 =	sadd.s32 $0x400, s4;
	_ =	swait.ge [sflag:s28], $0x80  }
0x11e: {  	[sflag:s28] =	ssyncset.done $0x0  }
0x11f: {  	[sflag:s28] =	ssyncadd.s32 $0xFFFFFF80  }
0x120: {  	_ =	swait.ge [sflag:s28], $0x80  }
0x121: {  	[sflag:s28] =	ssyncset.done $0x0  }
0x122: {  	[sflag:s28] =	ssyncadd.s32 $0xFFFFFF80  }
0x123: {  	[tilespmem:s29], [sflag:$0x2] =	stream.indirect.gather [hbm4b:s5+s23], $0x80, s23, s23, $0xb8;
	[tilespmem:$0x1C200] =	vst v63  }
0x124: {  	_ =	swait.ge [sflag:s30], $0x4000  }
0x125: {  	[sflag:s30] =	ssyncset.done $0x0  }
0x126: {  	[sflag:s30] =	ssyncadd.s32 $0xFFFFC000  }
0x127: {  	[spmem:s2] =	stream.indirect.scatter.add.f32 [tilespmem:s26], [sflag:$0x5], $0x80, s22, s23, $0xb8;
	[tilespmem:$0x1C200] =	vst v63  }
0x128: {  	_ =	swait.ge [sflag:s21], $0x4000  }
0x129: {  	s9 =	sadd.s32 s9, s11;
	[sflag:s21] =	ssyncset.done $0x0  }
0x12a: {  	s10 =	sadd.s32 $0x14000, s9;
	[sflag:s21] =	ssyncadd.s32 $0xFFFFC000  }
0x12b: {  	[tilespmem:s3], [sflag:$0x3] =	stream.linear.gather [hbm4b:s10+s3], $0x80, $0x38;
	[tilespmem:$0x1C200] =	vst v63  }
0x12c: {  	s10 =	sadd.s32 $0x14010, s9  }
0x12d: {  	[tilespmem:s22], [sflag:$0x3] =	stream.linear.gather [hbm4b:s10+s3], $0x80, $0x38;
	[tilespmem:$0x1C200] =	vst v63  }
0x12e: {  	_ =	swait.ge [sflag:s25], $0x80  }
0x12f: {  	[sflag:s25] =	ssyncset.done $0x0  }
0x130: {  	[sflag:s25] =	ssyncadd.s32 $0xFFFFFF80  }
0x131: {  	_ =	swait.ge [sflag:s25], $0x80  }
0x132: {  	[sflag:s25] =	ssyncset.done $0x0  }
0x133: {  	[sflag:s25] =	ssyncadd.s32 $0xFFFFFF80  }
0x134: {  	[tilespmem:s26], [sflag:$0x1] =	stream.indirect.gather [hbm4b:s5+s23], $0x80, s3, s23, $0xb8;
	[tilespmem:$0x1C200] =	vst v63  }
0x135: {  	_ =	swait.ge [sflag:s31], $0x4000  }
0x136: {  	[sflag:s31] =	ssyncset.done $0x0  }
0x137: {  	[sflag:s31] =	ssyncadd.s32 $0xFFFFC000  }
0x138: {  	[spmem:s2] =	stream.indirect.scatter.add.f32 [tilespmem:s29], [sflag:$0x5], $0x80, s24, s23, $0xb8;
	[tilespmem:$0x1C200] =	vst v63  }
.Ltmp6:
0x139: {  	_ =	swait.ge [sflag:s21], $0x4000;
	(pc) =	sbr.rel @p1 .LBB2_3-.Ltmp6, $4  }
0x13a: {  	[sflag:s21] =	ssyncset.done $0x0  }
0x13b: {  	s10 =	sadd.s32 $0x14200, s9;
	[sflag:s21] =	ssyncadd.s32 $0xFFFFC000  }
0x13c: {  	[tilespmem:s23], [sflag:$0x4] =	stream.linear.gather [hbm4b:s10+s3], $0x80, $0x38;
	[tilespmem:$0x1C200] =	vst v63  }
0x13d: {  	s9 =	sadd.s32 $0x14210, s9  }
0x13e: {  	[tilespmem:s24], [sflag:$0x4] =	stream.linear.gather [hbm4b:s9+s3], $0x80, $0x38;
	[tilespmem:$0x1C200] =	vst v63  }
0x13f: {  	_ =	swait.ge [sflag:s28], $0x80  }
0x140: {  	[sflag:s28] =	ssyncset.done $0x0  }
0x141: {  	[sflag:s28] =	ssyncadd.s32 $0xFFFFFF80  }
0x142: {  	_ =	swait.ge [sflag:s28], $0x80  }
0x143: {  	[sflag:s28] =	ssyncset.done $0x0  }
0x144: {  	[sflag:s28] =	ssyncadd.s32 $0xFFFFFF80  }
0x145: {  	[tilespmem:s29], [sflag:$0x2] =	stream.indirect.gather [hbm4b:s5+s23], $0x80, s23, s23, $0xb8;
	[tilespmem:$0x1C200] =	vst v63  }
0x146: {  	_ =	swait.ge [sflag:s30], $0x4000  }
0x147: {  	[sflag:s30] =	ssyncset.done $0x0  }
0x148: {  	[sflag:s30] =	ssyncadd.s32 $0xFFFFC000  }
0x149: {  	[spmem:s2] =	stream.indirect.scatter.add.f32 [tilespmem:s26], [sflag:$0x5], $0x80, s22, s23, $0xb8;
	[tilespmem:$0x1C200] =	vst v63  }
0x14a: {  	_ =	swait.ge [sflag:s21], $0x4000  }
0x14b: {  	[sflag:s21] =	ssyncset.done $0x0  }
0x14c: {  	[sflag:s21] =	ssyncadd.s32 $0xFFFFC000  }
0x14d: {  	_ =	swait.ge [sflag:s31], $0x4000  }
0x14e: {  	[sflag:s31] =	ssyncset.done $0x0  }
0x14f: {  	[sflag:s31] =	ssyncadd.s32 $0xFFFFC000  }
0x150: {  	[spmem:s2] =	stream.indirect.scatter.add.f32 [tilespmem:s29], [sflag:$0x5], $0x80, s24, s23, $0xb8;
	[tilespmem:$0x1C200] =	vst v63  }
0x151: {  	_ =	swait.ge [sflag:s21], $0x4000  }
0x152: {  	[sflag:s21] =	ssyncset.done $0x0  }
0x153: {  	[sflag:s21] =	ssyncadd.s32 $0xFFFFC000  }
0x154: {  	[bflag:$0x0] =	sbarrier.arrive $0xFFFF  }
0x155: {  	[hbm:s16], [sflag:s19] =	dma.local [spmem:s20], $0x2800  }
0x156: {  	_ =	swait.ge [sflag:s21], $0x2800  }
0x157: {  	[sflag:s21] =	ssyncset.done $0x0  }
0x158: {  	[sflag:s21] =	ssyncadd.s32 $0xFFFFD800  }
0x159: {  	[bflag:$0x0] =	sbarrier.arrive $0xFFFF  }
0x15a: {  	[spmem:s20], [sflag:s19] =	dma.local [hbm:s12], $0x2800  }
0x15b: {  	_ =	swait.ge [sflag:s21], $0x2800  }
0x15c: {  	[sflag:s21] =	ssyncset.done $0x0  }
0x15d: {  	[sflag:s21] =	ssyncadd.s32 $0xFFFFD800  }
0x15e: {  	[bflag:$0x0] =	sbarrier.arrive $0xFFFF  }
0x15f: {  	[tilespmem:s3], [sflag:$0x3] =	stream.linear.gather [hbm4b:s11+s3], $0x80, $0x38;
	[tilespmem:$0x1C200] =	vst v63  }
0x160: {  	_ = 	snop  }
0x161: {  	[tilespmem:s22], [sflag:$0x3] =	stream.linear.gather [hbm4b:s13+s3], $0x80, $0x38;
	[tilespmem:$0x1C200] =	vst v63  }
0x162: {  	_ = 	snop  }
0x163: {  	[tilespmem:s23], [sflag:$0x4] =	stream.linear.gather [hbm4b:s14+s3], $0x80, $0x38;
	[tilespmem:$0x1C200] =	vst v63  }
0x164: {  	_ = 	snop  }
0x165: {  	[tilespmem:s24], [sflag:$0x4] =	stream.linear.gather [hbm4b:s15+s3], $0x80, $0x38;
	[tilespmem:$0x1C200] =	vst v63  }
0x166: {  	_ =	swait.ge [sflag:s25], $0x80  }
0x167: {  	[sflag:s25] =	ssyncset.done $0x0  }
0x168: {  	[sflag:s25] =	ssyncadd.s32 $0xFFFFFF80  }
0x169: {  	_ =	swait.ge [sflag:s25], $0x80  }
0x16a: {  	[sflag:s25] =	ssyncset.done $0x0  }
0x16b: {  	[sflag:s25] =	ssyncadd.s32 $0xFFFFFF80  }
0x16c: {  	[tilespmem:s26], [sflag:$0x1] =	stream.indirect.gather [hbm4b:s6+s23], $0x80, s3, s23, $0xb8;
	[tilespmem:$0x1C200] =	vst v63  }
0x16d: {  	_ =	swait.ge [sflag:s28], $0x80  }
0x16e: {  	[sflag:s28] =	ssyncset.done $0x0  }
0x16f: {  	[sflag:s28] =	ssyncadd.s32 $0xFFFFFF80  }
0x170: {  	_ =	swait.ge [sflag:s28], $0x80  }
0x171: {  	[sflag:s28] =	ssyncset.done $0x0  }
0x172: {  	[sflag:s28] =	ssyncadd.s32 $0xFFFFFF80  }
0x173: {  	[tilespmem:s29], [sflag:$0x2] =	stream.indirect.gather [hbm4b:s6+s23], $0x80, s23, s23, $0xb8;
	[tilespmem:$0x1C200] =	vst v63  }
0x174: {  	_ =	swait.ge [sflag:s30], $0x4000  }
0x175: {  	[sflag:s30] =	ssyncset.done $0x0  }
0x176: {  	[sflag:s30] =	ssyncadd.s32 $0xFFFFC000  }
0x177: {  	[spmem:s2] =	stream.indirect.scatter.add.f32 [tilespmem:s26], [sflag:$0x5], $0x80, s22, s23, $0xb8;
	[tilespmem:$0x1C200] =	vst v63  }
0x178: {  	_ =	swait.ge [sflag:s21], $0x4000  }
0x179: {  	s9 =	sadd.s32 $0xFFFEC400, s11;
	[sflag:s21] =	ssyncset.done $0x0  }
0x17a: {  	s4 =	sadd.s32 $0x14000, s9;
	[sflag:s21] =	ssyncadd.s32 $0xFFFFC000  }
0x17b: {  	[tilespmem:s3], [sflag:$0x3] =	stream.linear.gather [hbm4b:s4+s3], $0x80, $0x38;
	[tilespmem:$0x1C200] =	vst v63  }
0x17c: {  	s10 =	sadd.s32 $0x14010, s9  }
0x17d: {  	[tilespmem:s22], [sflag:$0x3] =	stream.linear.gather [hbm4b:s10+s3], $0x80, $0x38;
	[tilespmem:$0x1C200] =	vst v63  }
0x17e: {  	_ =	swait.ge [sflag:s25], $0x80  }
0x17f: {  	[sflag:s25] =	ssyncset.done $0x0  }
0x180: {  	[sflag:s25] =	ssyncadd.s32 $0xFFFFFF80  }
0x181: {  	_ =	swait.ge [sflag:s25], $0x80  }
0x182: {  	[sflag:s25] =	ssyncset.done $0x0  }
0x183: {  	[sflag:s25] =	ssyncadd.s32 $0xFFFFFF80  }
0x184: {  	[tilespmem:s26], [sflag:$0x1] =	stream.indirect.gather [hbm4b:s6+s23], $0x80, s3, s23, $0xb8;
	[tilespmem:$0x1C200] =	vst v63  }
0x185: {  	_ =	swait.ge [sflag:s31], $0x4000  }
0x186: {  	[sflag:s31] =	ssyncset.done $0x0  }
0x187: {  	[sflag:s31] =	ssyncadd.s32 $0xFFFFC000  }
0x188: {  	[spmem:s2] =	stream.indirect.scatter.add.f32 [tilespmem:s29], [sflag:$0x5], $0x80, s24, s23, $0xb8;
	[tilespmem:$0x1C200] =	vst v63  }
0x189: {  	_ =	swait.ge [sflag:s21], $0x4000  }
0x18a: {  	s4 =	simm.s32 $0xFFFEC800;
	[sflag:s21] =	ssyncset.done $0x0  }
0x18b: {  	s10 =	sadd.s32 $0x14200, s9;
	s9 =	sadd.s32 $0x14210, s9;
	[sflag:s21] =	ssyncadd.s32 $0xFFFFC000  }
0x18c: {  	[tilespmem:s23], [sflag:$0x4] =	stream.linear.gather [hbm4b:s10+s3], $0x80, $0x38;
	[tilespmem:$0x1C200] =	vst v63  }
.LBB2_5:
0x18d: {  	[tilespmem:s24], [sflag:$0x4] =	stream.linear.gather [hbm4b:s9+s3], $0x80, $0x38;
	[tilespmem:$0x1C200] =	vst v63  }
0x18e: {  	s9 =	smov.u32 s4  }
0x18f: {  	p1 =	seq.s32 s4, $0xFFFFFC00;
	s4 =	sadd.s32 $0x400, s4;
	_ =	swait.ge [sflag:s28], $0x80  }
0x190: {  	[sflag:s28] =	ssyncset.done $0x0  }
0x191: {  	[sflag:s28] =	ssyncadd.s32 $0xFFFFFF80  }
0x192: {  	_ =	swait.ge [sflag:s28], $0x80  }
0x193: {  	[sflag:s28] =	ssyncset.done $0x0  }
0x194: {  	[sflag:s28] =	ssyncadd.s32 $0xFFFFFF80  }
0x195: {  	[tilespmem:s29], [sflag:$0x2] =	stream.indirect.gather [hbm4b:s6+s23], $0x80, s23, s23, $0xb8;
	[tilespmem:$0x1C200] =	vst v63  }
0x196: {  	_ =	swait.ge [sflag:s30], $0x4000  }
0x197: {  	[sflag:s30] =	ssyncset.done $0x0  }
0x198: {  	[sflag:s30] =	ssyncadd.s32 $0xFFFFC000  }
0x199: {  	[spmem:s2] =	stream.indirect.scatter.add.f32 [tilespmem:s26], [sflag:$0x5], $0x80, s22, s23, $0xb8;
	[tilespmem:$0x1C200] =	vst v63  }
0x19a: {  	_ =	swait.ge [sflag:s21], $0x4000  }
0x19b: {  	s9 =	sadd.s32 s9, s11;
	[sflag:s21] =	ssyncset.done $0x0  }
0x19c: {  	s10 =	sadd.s32 $0x14000, s9;
	[sflag:s21] =	ssyncadd.s32 $0xFFFFC000  }
0x19d: {  	[tilespmem:s3], [sflag:$0x3] =	stream.linear.gather [hbm4b:s10+s3], $0x80, $0x38;
	[tilespmem:$0x1C200] =	vst v63  }
0x19e: {  	s10 =	sadd.s32 $0x14010, s9  }
0x19f: {  	[tilespmem:s22], [sflag:$0x3] =	stream.linear.gather [hbm4b:s10+s3], $0x80, $0x38;
	[tilespmem:$0x1C200] =	vst v63  }
0x1a0: {  	_ =	swait.ge [sflag:s25], $0x80  }
0x1a1: {  	[sflag:s25] =	ssyncset.done $0x0  }
0x1a2: {  	[sflag:s25] =	ssyncadd.s32 $0xFFFFFF80  }
0x1a3: {  	_ =	swait.ge [sflag:s25], $0x80  }
0x1a4: {  	[sflag:s25] =	ssyncset.done $0x0  }
0x1a5: {  	[sflag:s25] =	ssyncadd.s32 $0xFFFFFF80  }
0x1a6: {  	[tilespmem:s26], [sflag:$0x1] =	stream.indirect.gather [hbm4b:s6+s23], $0x80, s3, s23, $0xb8;
	[tilespmem:$0x1C200] =	vst v63  }
0x1a7: {  	_ =	swait.ge [sflag:s31], $0x4000  }
0x1a8: {  	[sflag:s31] =	ssyncset.done $0x0  }
0x1a9: {  	[sflag:s31] =	ssyncadd.s32 $0xFFFFC000  }
0x1aa: {  	[spmem:s2] =	stream.indirect.scatter.add.f32 [tilespmem:s29], [sflag:$0x5], $0x80, s24, s23, $0xb8;
	[tilespmem:$0x1C200] =	vst v63  }
.Ltmp7:
0x1ab: {  	_ =	swait.ge [sflag:s21], $0x4000;
	(pc) =	sbr.rel @!p1 .LBB2_5-.Ltmp7, $4  }
0x1ac: {  	[sflag:s21] =	ssyncset.done $0x0  }
0x1ad: {  	s10 =	sadd.s32 $0x14200, s9;
	[sflag:s21] =	ssyncadd.s32 $0xFFFFC000  }
0x1ae: {  	[tilespmem:s23], [sflag:$0x4] =	stream.linear.gather [hbm4b:s10+s3], $0x80, $0x38;
	[tilespmem:$0x1C200] =	vst v63  }
0x1af: {  	s9 =	sadd.s32 $0x14210, s9  }
.Ltmp8:
0x1b0: {  	(pc) =	sbr.rel .LBB2_12-.Ltmp8, $3  }
0x1b1: {  	_ =	sdelay $0x1  }
0x1b2: {  	[tilespmem:s24], [sflag:$0x4] =	stream.linear.gather [hbm4b:s9+s3], $0x80, $0x38;
	[tilespmem:$0x1C200] =	vst v63  }
0x1b3: {  	s9 =	smov.u32 s6;
	s4 =	rddreg [dreg:$0x5]  }
.LBB2_13:
0x1b4: {  	_ =	sfence.sel $0x180000  }
0x1b5: {  	[bflag:$0x0] =	sbarrier.arrive $0xFFFF  }
0x1b6: {  	_ =	strace $0x9000004D  }
0x1b7: {  	s0 =	stileid.u32;
	[bflag:$0x2] =	sbarrier.arrive $0xFFFF  }
0x1b8: {  	p0 =	sne.s32 s0, $0x0;
	s0 =	rddreg [dreg:$0x4]  }
0x1b9: {  	s0 =	sadd.s32 @!p0 $0x100000, s0  }
0x1ba: {  	[sflag:s0] =	ssyncadd.tile.s32 @!p0 $0x1;
	_ =	shalt  }
.Lfunc_end2:
_tile_overlayer_lowered:
.L_overlay_start_2:
0x1bb: {  	(tag) =	ssettag $0x2  }
0x1bc: {  	s0 =	rddreg [dreg:$0x0];
	s2 =	stileid.u32  }
0x1bd: {  	s1 =	rddreg [dreg:$0x1];
	p0 =	sne.s32 s2, $0x0  }
0x1be: {  	s3 =	rddreg [dreg:$0x2];
	[bflag:$0x3] =	sbarrier.arrive $0xFFFF;
	s2 =	simm.s32 @!p0 $0x1C05  }
0x1bf: {  	[timem:s3], [sflag:s2] =	dma.local @!p0 [hbm:s0], s1  }
0x1c0: {  	s0 =	simm.s32 @!p0 $0x5  }
0x1c1: {  	_ =	swait.ge @!p0 [sflag:s0], s1  }
0x1c2: {  	s1 =	ssub.s32 @!p0 $0x0, s1;
	[sflag:s0] =	ssyncset.done @!p0 $0x0  }
0x1c3: {  	[sflag:s0] =	ssyncadd.s32 @!p0 s1  }
0x1c4: {  	[bflag:$0x3] =	sbarrier.arrive $0xFFFF  }
0x1c5: {  	_ =	shalt  }

// kernel: kernel.19.cloned.1.call-start
scs
__scs_entry_jumppad:
0x0: {  	(pc) =	sbr.rel $0x88, $3  }
0x1: {  	(tag) =	ssettag $0x0;
	lr =	simm.s32 $0x1  }
0x2: {  	[smem:$0x3F96] =	sst lr;
	_ =	strace $0xD0000000  }
0x3: {  	_ = 	snop  }
0x4: {  	_ = 	snop  }
0x5: {  	_ = 	snop  }
0x6: {  	_ = 	snop  }
0x7: {  	_ = 	snop  }
__scs_overlays_trampoline_lowered:
0x8: {  	[smem:$0x3FA5] =	sst s0  }
0x9: {  	[smem:$0x3FA6] =	sst s1  }
0xa: {  	[smem:$0x3FA7] =	sst s2  }
0xb: {  	[smem:$0x3FA8] =	sst s3  }
0xc: {  	[smem:$0x3FA9] =	sst s4  }
0xd: {  	[smem:$0x3FAA] =	sst s5  }
0xe: {  	[smem:$0x3FAB] =	sst s6  }
0xf: {  	[smem:$0x3FAC] =	sst s7  }
0x10: {  	[smem:$0x3FAD] =	sst s8  }
0x11: {  	[smem:$0x3FAE] =	sst s9;
	s0 =	simm.s32 @!p0 $0x0  }
0x12: {  	s1 =	sld [smem:$0x3F94];
	s0 =	simm.s32 @p0 $0x1  }
0x13: {  	[smem:$0x3FAF] =	sst s0;
	s0 =	simm.s32 @!p1 $0x0  }
0x14: {  	s2 =	sld [smem:$0x3F93];
	s0 =	simm.s32 @p1 $0x1  }
0x15: {  	[smem:$0x3FB0] =	sst s0;
	s0 =	simm.s32 @!p2 $0x0  }
0x16: {  	s3 =	sld [smem:$0x3FDB];
	s0 =	simm.s32 @p2 $0x1  }
0x17: {  	s4 =	simm.s32 $0x1BF5;
	[smem:$0x3FB2] =	sst s0  }
0x18: {  	s0 =	sld [smem:$0x3F95];
	_ =	swait.ge [sflag:s4], $0x0  }
0x19: {  	s7 =	sld [smem:$0x3F96]  }
0x1a: {  	s8 =	sadd.s32 $0xFFFFE003, lr  }
0x1b: {  	s9 =	sadd.s32 $0xFFFFFEF7, lr;
	s5 =	simm.s32 $0xFFFFFFFF;
	p2 =	slt.u32 s8, $0xFFFFF086  }
0x1c: {  	p1 =	slt.u32 s9, $0xF7A;
	s5 =	simm.s32 @!p2 $0x0  }
0x1d: {  	s5 =	simm.s32 @p1 $0x1;
	p0 =	seq.s32 s7, s2  }
0x1e: {  	s7 =	smul.u32 @!p0 $0xF7A, s2;
	p2 =	seq.s32 @!p0 s5, $0x0  }
0x1f: {  	s9 =	smul.u32 $0xF7A, s1;
	s8 =	simm.s32 @!p0 $0x1BF5;
	p2 =	por !p2, p0  }
0x20: {  	[sflag:s8] =	ssyncset.s32 @!p0 $0xFFFFF086;
	s6 =	sadd.s32 @!p0 s3, s7;
	s7 =	simm.s32 @!p0 $0x108  }
0x21: {  	s3 =	sadd.s32 s3, s9;
	s6 =	sadd.s32 @!p0 $0x88, s6;
	s7 =	simm.s32 @p2 $0x1082  }
0x22: {  	[simem:s7], [sflag:s8] =	dma.local @!p0 [hbm:s6], $0xF7A  }
0x23: {  	s9 =	sor.u32 $0xD0000000, s2;
	s6 =	simm.s32 $0x108;
	_ =	swait.ge @!p0 [sflag:s8], $0x0  }
0x24: {  	s3 =	sadd.s32 $0x88, s3;
	s6 =	simm.s32 @!p1 $0x1082;
	[sflag:s4] =	ssyncset.s32 $0xFFFFF086  }
0x25: {  	[simem:s6], [sflag:s4] =	dma.local [hbm:s3], $0xF7A  }
0x26: {  	[smem:$0x3F96] =	sst s1;
	(tag) =	ssettag s2;
	_ =	strace s9  }
0x27: {  	s1 =	sld [smem:$0x3FA6]  }
0x28: {  	s2 =	sld [smem:$0x3FA7]  }
0x29: {  	s4 =	sld [smem:$0x3FA9]  }
0x2a: {  	p0 =	seq.s32 s5, $0x0;
	s5 =	sld [smem:$0x3FAA]  }
0x2b: {  	s6 =	sld [smem:$0x3FAB]  }
0x2c: {  	s7 =	sld [smem:$0x3FAC]  }
0x2d: {  	s3 =	simm.s32 $0x108;
	s8 =	sld [smem:$0x3FAD]  }
0x2e: {  	s3 =	simm.s32 @!p0 $0x1082;
	s9 =	sld [smem:$0x3FAE]  }
0x2f: {  	lr =	sadd.s32 s0, s3;
	s0 =	sld [smem:$0x3FA5]  }
0x30: {  	s3 =	sld [smem:$0x3FA8]  }
0x31: {  	[smem:$0x3FB1] =	sst s10  }
0x32: {  	s10 =	sld [smem:$0x3FAF];
	_ =	sdelay $0x3  }
0x33: {  	p0 =	seq.s32 s10, $0x1;
	s10 =	sld [smem:$0x3FB1];
	_ =	sdelay $0x3  }
0x34: {  	[smem:$0x3FB1] =	sst s10  }
0x35: {  	s10 =	sld [smem:$0x3FB0];
	_ =	sdelay $0x3  }
0x36: {  	p1 =	seq.s32 s10, $0x1;
	s10 =	sld [smem:$0x3FB1];
	_ =	sdelay $0x3  }
0x37: {  	[smem:$0x3FB1] =	sst s10  }
0x38: {  	s10 =	sld [smem:$0x3FB2]  }
0x39: {  	_ = 	snop;
	(pc) =	sbr.ind lr, $3  }
0x3a: {  	_ = 	snop  }
0x3b: {  	_ = 	snop  }
0x3c: {  	p2 =	seq.s32 s10, $0x1;
	s10 =	sld [smem:$0x3FB1]  }
0x3d: {  	_ =	shalt  }
0x3e: {  	_ =	shalt  }
0x3f: {  	_ =	shalt  }
0x40: {  	_ =	shalt  }
0x41: {  	_ =	shalt  }
0x42: {  	_ =	shalt  }
0x43: {  	_ =	shalt  }
0x44: {  	_ =	shalt  }
0x45: {  	_ =	shalt  }
0x46: {  	_ =	shalt  }
0x47: {  	_ =	shalt  }
0x48: {  	_ =	shalt  }
0x49: {  	_ =	shalt  }
0x4a: {  	_ =	shalt  }
0x4b: {  	_ =	shalt  }
0x4c: {  	_ =	shalt  }
0x4d: {  	_ =	shalt  }
0x4e: {  	_ =	shalt  }
0x4f: {  	_ =	shalt  }
0x50: {  	_ =	shalt  }
0x51: {  	_ =	shalt  }
0x52: {  	_ =	shalt  }
0x53: {  	_ =	shalt  }
0x54: {  	_ =	shalt  }
0x55: {  	_ =	shalt  }
0x56: {  	_ =	shalt  }
0x57: {  	_ =	shalt  }
0x58: {  	_ =	shalt  }
0x59: {  	_ =	shalt  }
0x5a: {  	_ =	shalt  }
0x5b: {  	_ =	shalt  }
0x5c: {  	_ =	shalt  }
0x5d: {  	_ =	shalt  }
0x5e: {  	_ =	shalt  }
0x5f: {  	_ =	shalt  }
0x60: {  	_ =	shalt  }
0x61: {  	_ =	shalt  }
0x62: {  	_ =	shalt  }
0x63: {  	_ =	shalt  }
0x64: {  	_ =	shalt  }
0x65: {  	_ =	shalt  }
0x66: {  	_ =	shalt  }
0x67: {  	_ =	shalt  }
0x68: {  	_ =	shalt  }
0x69: {  	_ =	shalt  }
0x6a: {  	_ =	shalt  }
0x6b: {  	_ =	shalt  }
0x6c: {  	_ =	shalt  }
0x6d: {  	_ =	shalt  }
0x6e: {  	_ =	shalt  }
0x6f: {  	_ =	shalt  }
0x70: {  	_ =	shalt  }
0x71: {  	_ =	shalt  }
0x72: {  	_ =	shalt  }
0x73: {  	_ =	shalt  }
0x74: {  	_ =	shalt  }
0x75: {  	_ =	shalt  }
0x76: {  	_ =	shalt  }
0x77: {  	_ =	shalt  }
0x78: {  	_ =	shalt  }
0x79: {  	_ =	shalt  }
0x7a: {  	_ =	shalt  }
0x7b: {  	_ =	shalt  }
0x7c: {  	_ =	shalt  }
0x7d: {  	_ =	shalt  }
0x7e: {  	_ =	shalt  }
0x7f: {  	_ =	shalt  }
0x80: {  	_ =	shalt  }
0x81: {  	_ =	shalt  }
0x82: {  	_ =	shalt  }
0x83: {  	_ =	shalt  }
0x84: {  	_ =	shalt  }
0x85: {  	_ =	shalt  }
0x86: {  	_ =	shalt  }
0x87: {  	_ =	shalt  }
.Lfunc_end0:
.L_simem_size_0:
called_computation.3_lowered:
.L_overlay_start_0:
0x88: {  	s2 =	sld [smem:$0x3FD9]  }
0x89: {  	s3 =	sld [smem:$0x3FFE];
	_ =	sdelay $0x1  }
0x8a: {  	s1 =	srdreg.scid  }
0x8b: {  	s0 =	sand.u32 $0x1, s1  }
0x8c: {  	s14 =	sshll.u32 s0, $0xA;
	s2 =	sadd.s32 s3, s2  }
0x8d: {  	s2 =	sadd.s32 s2, s14  }
0x8e: {  	[smem:$0x3FBD] =	sst s2  }
0x8f: {  	_ = 	snop  }
0x90: {  	s2 =	sld [smem:$0x3FD0];
	_ =	sdelay $0x2  }
0x91: {  	s15 =	simm.s32 $0xA;
	s4 =	simm.s32 $0x10  }
0x92: {  	[smem:s4], [sflag:s15] =	dma.local [hbm:s2], $0x1  }
0x93: {  	_ =	swait.eq [sflag:s15], $0x1  }
0x94: {  	[sflag:s15] =	ssyncset.done $0x0  }
0x95: {  	[sflag:s15] =	ssyncadd.s32 $0xFFFFFFFF  }
0x96: {  	s16 =	sld [smem:$0x11];
	(tm) =	ssettm $0x1  }
0x97: {  	s17 =	sld [smem:$0x3FFB];
	_ =	sdelay $0x3  }
0x98: {  	_ =	strace s17  }
0x99: {  	s3 =	sld [smem:$0x3FFC];
	_ =	sdelay $0x3  }
0x9a: {  	_ =	strace s3  }
0x9b: {  	s3 =	sld [smem:$0x3FFD];
	_ =	sdelay $0x3  }
0x9c: {  	_ =	strace s3  }
0x9d: {  	_ =	strace $0x8FFFFFFF  }
0x9e: {  	s18 =	sld [smem:$0x3FDB];
	_ =	sdelay $0x1  }
0x9f: {  	s19 =	simm.s32 $_scs_section_size  }
0xa0: {  	s5 =	simm.s32 $_size__tile_overlayer_lowered;
	s6 =	simm.s32 $_tile_overlayer_lowered  }
0xa1: {  	s22 =	simm.s32 $0x1BFF;
	s21 =	sshll.u32 s6, $0x1;
	s3 =	sadd.s32 s19, s18  }
0xa2: {  	s7 =	simm.s32 $0x0;
	s20 =	sshll.u32 s5, $0x1;
	s5 =	sadd.s32 s21, s3  }
0xa3: {  	[timem:s7], [sflag:s22] =	dma.local [hbm:s5], s20  }
0xa4: {  	_ =	swait.ge [sflag:s22], s20  }
0xa5: {  	s4 =	ssub.s32 $0x0, s20;
	[sflag:s22] =	ssyncset.done $0x0  }
0xa6: {  	[sflag:s22] =	ssyncadd.s32 s4;
	_ =	sdelay $0x1  }
0xa7: {  	s23 =	simm.s32 $0x1B8B  }
0xa8: {  	_ =	swait.ge [sflag:s23], $0x1  }
0xa9: {  	[sflag:s23] =	ssyncset.done $0x0  }
0xaa: {  	s25 =	simm.s32 $0x1B8E;
	s24 =	sld [smem:$0x3FFE];
	[sflag:s23] =	ssyncadd.s32 $0xFFFFFFFF  }
0xab: {  	s26 =	simm.s32 $execute0_lowered;
	[smem:$0x3FD2] =	sst s25  }
0xac: {  	s5 =	sshll.u32 s26, $0x1;
	_ =	strace $0x8000004F;
	[dreg:$0x1] =	wrdreg $0xFFFFFFFF  }
0xad: {  	s28 =	simm.s32 $_size_execute0_lowered;
	s3 =	sadd.s32 s3, s5;
	[dreg:$0x0] =	wrdreg $0x0  }
0xae: {  	s5 =	sshll.u32 s28, $0x1;
	[dreg:$0x2] =	wrdreg s3  }
0xaf: {  	[dreg:$0x3] =	wrdreg s5  }
0xb0: {  	[dreg:$0x4] =	wrdreg $0xC0  }
0xb1: {  	_ =	task [dreg:s7], $0x5FFFF  }
0xb2: {  	[dreg:$0x1] =	wrdreg $0xFFFFFFFF  }
0xb3: {  	[dreg:$0x0] =	wrdreg $0x60  }
0xb4: {  	[dreg:$0x2] =	wrdreg s24  }
0xb5: {  	[dreg:$0x3] =	wrdreg s16  }
0xb6: {  	[dreg:$0x4] =	wrdreg $0x82000  }
0xb7: {  	[dreg:$0x5] =	wrdreg $0x9  }
0xb8: {  	_ =	task.clear_ibuf [dreg:s7], $0x6FFFF;
	_ =	strace $0x9000004F  }
0xb9: {  	s29 =	simm.s32 $0x9;
	_ =	strace $0x80000051  }
0xba: {  	_ =	swait.ge [sflag:s29], $0x1  }
0xbb: {  	[sflag:s29] =	ssyncadd.s32 $0xFFFFFFFF  }
0xbc: {  	_ =	strace $0x90000051  }
0xbd: {  	_ =	sfence  }
0xbe: {  	s30 =	sld [smem:$0x0];
	_ =	sdelay $0x2  }
0xbf: {  	s31 =	sshll.u32 s1, $0xD;
	s1 =	sshrl.u32 s1, $0x2  }
0xc0: {  	s3 =	sand.u32 $0x4000, s31;
	s1 =	sadd.s32 s1, s30  }
0xc1: {  	s0 =	sor.u32 s3, s0;
	s1 =	sshll.u32 s1, $0x11  }
0xc2: {  	s0 =	sor.u32 s1, s0  }
0xc3: {  	s0 =	sadd.s32 $0x8F2B, s0  }
0xc4: {  	[sflag:s0] =	ssyncadd.remote.s32 $0x1  }
0xc5: {  	_ =	sfence.sel $0xFFFF  }
0xc6: {  	[dreg:$0x0] =	wrdreg $0xFFFFFFFF;
	(pc) =	sbr.abs _section_cstart, $3  }
0xc7: {  	[dreg:$0x1] =	wrdreg $0xFFFFFFFF  }
0xc8: {  	_ =	task.clear_ibuf [dreg:s7], $0x2FFFF;
	_ =	strace $0x9FFFFFFF  }
0xc9: {  	(tm) =	ssettm $0x7FFFFFFF  }
tec
execute0_lowered:
.L_overlay_start_1:
0x0: {  	(tag) =	ssettag $0x1  }
0x1: {  	s5 =	rddreg [dreg:$0x0]  }
0x2: {  	s11 =	rddreg [dreg:$0x1]  }
0x3: {  	s2 =	rddreg [dreg:$0x2]  }
0x4: {  	s0 =	rddreg [dreg:$0x3]  }
0x5: {  	s1 =	stileid.u32;
	s4 =	srdreg.scid;
	s3 =	simm.s32 $0x0  }
0x6: {  	s18 =	simm.s32 $0x180;
	s19 =	simm.s32 $0x3;
	s20 =	simm.s32 $0x200  }
0x7: {  	s21 =	simm.s32 $0x4;
	s22 =	simm.s32 $0x4200;
	s23 =	simm.s32 $0x1  }
0x8: {  	s24 =	simm.s32 $0x2;
	s6 =	smul.u32 $0x14000, s1;
	s7 =	sand.u32 $0x1, s4  }
0x9: {  	[smem:$0x7FF] =	sst s3;
	s4 =	sadd.s32 $0x7DC00, s5;
	s25 =	smul.u32 $0x50000, s1  }
0xa: {  	s30 =	sshll.u32 s1, $0x6;
	s17 =	sshll.u32 s1, $0x5;
	s8 =	smul.u32 $0x140000, s7  }
0xb: {  	_ =	strace $0x80000050;
	s10 =	ssub.s32 $0x2, s7;
	s12 =	smul.u32 $0x500, s7  }
0xc: {  	s31 =	smul.u32 $0xA000, s7;
	s7 =	sor.u32 $0x1C05, s30;
	s9 =	sshrl.u32 s6, $0x3  }
0xd: {  	s26 =	sshrl.u32 s10, $0x1;
	s28 =	sshrl.u32 s25, $0x2;
	s25 =	simm.s32 $0x0  }
0xe: {  	s6 =	sadd.s32 s6, s8;
	s9 =	sadd.s32 s9, s5;
	s14 =	ssub.s32 s10, s26  }
0xf: {  	s29 =	sor.u32 s1, s12;
	s15 =	sadd.s32 s28, s2;
	s16 =	sadd.s32 s31, s11  }
0x10: {  	s6 =	sshrl.u32 s6, $0x3;
	s12 =	smax.u32 s14, $0x1;
	s14 =	sshrl.u32 s15, $0x3  }
0x11: {  	s15 =	simm.s32 $0x5;
	s13 =	sadd.s32 s6, s5;
	s6 =	sshll.u32 s29, $0x5  }
0x12: {  	s5 =	sadd.s32 $0x5C00, s9;
	s6 =	sadd.s32 s11, s6;
	s11 =	sadd.s32 $0xF5C00, s13  }
0x13: {  	s13 =	sadd.s32 s17, s16;
	s16 =	simm.s32 $0x100;
	s17 =	simm.s32 $0x80  }
0x14: {  	s8 =	sadd.s32 $0x10, s6;
	s9 =	sadd.s32 $0x200, s6;
	s10 =	sadd.s32 $0x210, s6  }
.LBB2_1:
0x15: {  	[spmem:s14], [sflag:s7] =	dma.local [hbm:s5], $0x2800  }
0x16: {  	_ =	swait.ge [sflag:s15], $0x2800  }
0x17: {  	[sflag:s15] =	ssyncset.done $0x0  }
0x18: {  	[sflag:s15] =	ssyncadd.s32 $0xFFFFD800  }
0x19: {  	[bflag:$0x0] =	sbarrier.arrive $0xFFFF  }
0x1a: {  	[tilespmem:s3], [sflag:$0x3] =	stream.linear.gather [hbm4b:s6+s3], $0x80, $0x38;
	[tilespmem:$0x1C200] =	vst v63  }
0x1b: {  	_ = 	snop  }
0x1c: {  	[tilespmem:s16], [sflag:$0x3] =	stream.linear.gather [hbm4b:s8+s3], $0x80, $0x38;
	[tilespmem:$0x1C200] =	vst v63  }
0x1d: {  	_ = 	snop  }
0x1e: {  	[tilespmem:s17], [sflag:$0x4] =	stream.linear.gather [hbm4b:s9+s3], $0x80, $0x38;
	[tilespmem:$0x1C200] =	vst v63  }
0x1f: {  	_ = 	snop  }
0x20: {  	[tilespmem:s18], [sflag:$0x4] =	stream.linear.gather [hbm4b:s10+s3], $0x80, $0x38;
	[tilespmem:$0x1C200] =	vst v63  }
0x21: {  	_ =	swait.ge [sflag:s19], $0x80  }
0x22: {  	[sflag:s19] =	ssyncset.done $0x0  }
0x23: {  	[sflag:s19] =	ssyncadd.s32 $0xFFFFFF80  }
0x24: {  	_ =	swait.ge [sflag:s19], $0x80  }
0x25: {  	[sflag:s19] =	ssyncset.done $0x0  }
0x26: {  	[sflag:s19] =	ssyncadd.s32 $0xFFFFFF80  }
0x27: {  	[tilespmem:s20], [sflag:$0x1] =	stream.indirect.gather [hbm4b:s4+s17], $0x80, s3, s17, $0xb8;
	[tilespmem:$0x1C200] =	vst v63  }
0x28: {  	_ =	swait.ge [sflag:s21], $0x80  }
0x29: {  	[sflag:s21] =	ssyncset.done $0x0  }
0x2a: {  	[sflag:s21] =	ssyncadd.s32 $0xFFFFFF80  }
0x2b: {  	_ =	swait.ge [sflag:s21], $0x80  }
0x2c: {  	[sflag:s21] =	ssyncset.done $0x0  }
0x2d: {  	[sflag:s21] =	ssyncadd.s32 $0xFFFFFF80  }
0x2e: {  	[tilespmem:s22], [sflag:$0x2] =	stream.indirect.gather [hbm4b:s4+s17], $0x80, s17, s17, $0xb8;
	[tilespmem:$0x1C200] =	vst v63  }
0x2f: {  	_ =	swait.ge [sflag:s23], $0x4000  }
0x30: {  	[sflag:s23] =	ssyncset.done $0x0  }
0x31: {  	[sflag:s23] =	ssyncadd.s32 $0xFFFFC000  }
0x32: {  	[spmem:s2] =	stream.indirect.scatter.add.f32 [tilespmem:s20], [sflag:$0x5], $0x80, s16, s17, $0xb8;
	[tilespmem:$0x1C200] =	vst v63  }
0x33: {  	_ =	swait.ge [sflag:s15], $0x4000  }
0x34: {  	s28 =	sadd.s32 $0x0, s13;
	[sflag:s15] =	ssyncset.done $0x0  }
0x35: {  	s26 =	sadd.s32 $0x400, s28;
	[sflag:s15] =	ssyncadd.s32 $0xFFFFC000  }
0x36: {  	[tilespmem:s3], [sflag:$0x3] =	stream.linear.gather [hbm4b:s26+s3], $0x80, $0x38;
	[tilespmem:$0x1C200] =	vst v63  }
0x37: {  	s30 =	sadd.s32 $0x410, s28  }
0x38: {  	[tilespmem:s16], [sflag:$0x3] =	stream.linear.gather [hbm4b:s30+s3], $0x80, $0x38;
	[tilespmem:$0x1C200] =	vst v63  }
0x39: {  	_ =	swait.ge [sflag:s19], $0x80  }
0x3a: {  	[sflag:s19] =	ssyncset.done $0x0  }
0x3b: {  	[sflag:s19] =	ssyncadd.s32 $0xFFFFFF80  }
0x3c: {  	_ =	swait.ge [sflag:s19], $0x80  }
0x3d: {  	[sflag:s19] =	ssyncset.done $0x0  }
0x3e: {  	[sflag:s19] =	ssyncadd.s32 $0xFFFFFF80  }
0x3f: {  	[tilespmem:s20], [sflag:$0x1] =	stream.indirect.gather [hbm4b:s4+s17], $0x80, s3, s17, $0xb8;
	[tilespmem:$0x1C200] =	vst v63  }
0x40: {  	_ =	swait.ge [sflag:s24], $0x4000  }
0x41: {  	[sflag:s24] =	ssyncset.done $0x0  }
0x42: {  	[sflag:s24] =	ssyncadd.s32 $0xFFFFC000  }
0x43: {  	[spmem:s2] =	stream.indirect.scatter.add.f32 [tilespmem:s22], [sflag:$0x5], $0x80, s18, s17, $0xb8;
	[tilespmem:$0x1C200] =	vst v63  }
0x44: {  	_ =	swait.ge [sflag:s15], $0x4000  }
0x45: {  	s31 =	sadd.s32 $0x600, s28;
	[sflag:s15] =	ssyncset.done $0x0  }
0x46: {  	s28 =	sadd.s32 $0x610, s28;
	s26 =	simm.s32 $0x400;
	[sflag:s15] =	ssyncadd.s32 $0xFFFFC000  }
0x47: {  	[tilespmem:s17], [sflag:$0x4] =	stream.linear.gather [hbm4b:s31+s3], $0x80, $0x38;
	[tilespmem:$0x1C200] =	vst v63  }
.LBB2_2:
0x48: {  	[tilespmem:s18], [sflag:$0x4] =	stream.linear.gather [hbm4b:s28+s3], $0x80, $0x38;
	[tilespmem:$0x1C200] =	vst v63  }
0x49: {  	s28 =	smov.u32 s26  }
0x4a: {  	p0 =	sne.s32 s26, $0x9800;
	s26 =	sadd.s32 $0x400, s26;
	_ =	swait.ge [sflag:s21], $0x80  }
0x4b: {  	[sflag:s21] =	ssyncset.done $0x0  }
0x4c: {  	[sflag:s21] =	ssyncadd.s32 $0xFFFFFF80  }
0x4d: {  	_ =	swait.ge [sflag:s21], $0x80  }
0x4e: {  	[sflag:s21] =	ssyncset.done $0x0  }
0x4f: {  	[sflag:s21] =	ssyncadd.s32 $0xFFFFFF80  }
0x50: {  	[tilespmem:s22], [sflag:$0x2] =	stream.indirect.gather [hbm4b:s4+s17], $0x80, s17, s17, $0xb8;
	[tilespmem:$0x1C200] =	vst v63  }
0x51: {  	_ =	swait.ge [sflag:s23], $0x4000  }
0x52: {  	[sflag:s23] =	ssyncset.done $0x0  }
0x53: {  	[sflag:s23] =	ssyncadd.s32 $0xFFFFC000  }
0x54: {  	[spmem:s2] =	stream.indirect.scatter.add.f32 [tilespmem:s20], [sflag:$0x5], $0x80, s16, s17, $0xb8;
	[tilespmem:$0x1C200] =	vst v63  }
0x55: {  	_ =	swait.ge [sflag:s15], $0x4000  }
0x56: {  	s28 =	sadd.s32 s28, s13;
	[sflag:s15] =	ssyncset.done $0x0  }
0x57: {  	s29 =	sadd.s32 $0x400, s28;
	[sflag:s15] =	ssyncadd.s32 $0xFFFFC000  }
0x58: {  	[tilespmem:s3], [sflag:$0x3] =	stream.linear.gather [hbm4b:s29+s3], $0x80, $0x38;
	[tilespmem:$0x1C200] =	vst v63  }
0x59: {  	s29 =	sadd.s32 $0x410, s28  }
0x5a: {  	[tilespmem:s16], [sflag:$0x3] =	stream.linear.gather [hbm4b:s29+s3], $0x80, $0x38;
	[tilespmem:$0x1C200] =	vst v63  }
0x5b: {  	_ =	swait.ge [sflag:s19], $0x80  }
0x5c: {  	[sflag:s19] =	ssyncset.done $0x0  }
0x5d: {  	[sflag:s19] =	ssyncadd.s32 $0xFFFFFF80  }
0x5e: {  	_ =	swait.ge [sflag:s19], $0x80  }
0x5f: {  	[sflag:s19] =	ssyncset.done $0x0  }
0x60: {  	[sflag:s19] =	ssyncadd.s32 $0xFFFFFF80  }
0x61: {  	[tilespmem:s20], [sflag:$0x1] =	stream.indirect.gather [hbm4b:s4+s17], $0x80, s3, s17, $0xb8;
	[tilespmem:$0x1C200] =	vst v63  }
0x62: {  	_ =	swait.ge [sflag:s24], $0x4000  }
0x63: {  	[sflag:s24] =	ssyncset.done $0x0  }
0x64: {  	[sflag:s24] =	ssyncadd.s32 $0xFFFFC000  }
0x65: {  	[spmem:s2] =	stream.indirect.scatter.add.f32 [tilespmem:s22], [sflag:$0x5], $0x80, s18, s17, $0xb8;
	[tilespmem:$0x1C200] =	vst v63  }
.Ltmp0:
0x66: {  	_ =	swait.ge [sflag:s15], $0x4000;
	(pc) =	sbr.rel @p0 .LBB2_2-.Ltmp0, $4  }
0x67: {  	[sflag:s15] =	ssyncset.done $0x0  }
0x68: {  	s29 =	sadd.s32 $0x600, s28;
	[sflag:s15] =	ssyncadd.s32 $0xFFFFC000  }
0x69: {  	[tilespmem:s17], [sflag:$0x4] =	stream.linear.gather [hbm4b:s29+s3], $0x80, $0x38;
	[tilespmem:$0x1C200] =	vst v63  }
0x6a: {  	s28 =	sadd.s32 $0x610, s28  }
0x6b: {  	[tilespmem:s18], [sflag:$0x4] =	stream.linear.gather [hbm4b:s28+s3], $0x80, $0x38;
	[tilespmem:$0x1C200] =	vst v63  }
0x6c: {  	_ =	swait.ge [sflag:s21], $0x80  }
0x6d: {  	[sflag:s21] =	ssyncset.done $0x0  }
0x6e: {  	[sflag:s21] =	ssyncadd.s32 $0xFFFFFF80  }
0x6f: {  	_ =	swait.ge [sflag:s21], $0x80  }
0x70: {  	[sflag:s21] =	ssyncset.done $0x0  }
0x71: {  	[sflag:s21] =	ssyncadd.s32 $0xFFFFFF80  }
0x72: {  	[tilespmem:s22], [sflag:$0x2] =	stream.indirect.gather [hbm4b:s4+s17], $0x80, s17, s17, $0xb8;
	[tilespmem:$0x1C200] =	vst v63  }
0x73: {  	_ =	swait.ge [sflag:s23], $0x4000  }
0x74: {  	[sflag:s23] =	ssyncset.done $0x0  }
0x75: {  	[sflag:s23] =	ssyncadd.s32 $0xFFFFC000  }
0x76: {  	[spmem:s2] =	stream.indirect.scatter.add.f32 [tilespmem:s20], [sflag:$0x5], $0x80, s16, s17, $0xb8;
	[tilespmem:$0x1C200] =	vst v63  }
0x77: {  	_ =	swait.ge [sflag:s15], $0x4000  }
0x78: {  	[sflag:s15] =	ssyncset.done $0x0  }
0x79: {  	[sflag:s15] =	ssyncadd.s32 $0xFFFFC000  }
0x7a: {  	_ =	swait.ge [sflag:s24], $0x4000  }
0x7b: {  	[sflag:s24] =	ssyncset.done $0x0  }
0x7c: {  	[sflag:s24] =	ssyncadd.s32 $0xFFFFC000  }
0x7d: {  	[spmem:s2] =	stream.indirect.scatter.add.f32 [tilespmem:s22], [sflag:$0x5], $0x80, s18, s17, $0xb8;
	[tilespmem:$0x1C200] =	vst v63  }
0x7e: {  	_ =	swait.ge [sflag:s15], $0x4000  }
0x7f: {  	s25 =	sadd.s32 $0x1, s25;
	[sflag:s15] =	ssyncset.done $0x0  }
0x80: {  	p0 =	sne.s32 s25, s12;
	[sflag:s15] =	ssyncadd.s32 $0xFFFFC000  }
.Ltmp1:
0x81: {  	[bflag:$0x0] =	sbarrier.arrive $0xFFFF;
	(pc) =	sbr.rel @p0 .LBB2_1-.Ltmp1, $4  }
0x82: {  	[hbm:s11], [sflag:s7] =	dma.local [spmem:s14], $0x2800  }
0x83: {  	_ =	swait.ge [sflag:s15], $0x2800  }
0x84: {  	[sflag:s15] =	ssyncset.done $0x0  }
0x85: {  	[sflag:s15] =	ssyncadd.s32 $0xFFFFD800  }
0x86: {  	_ =	sfence.sel $0x180000  }
0x87: {  	[bflag:$0x0] =	sbarrier.arrive $0xFFFF  }
0x88: {  	p0 =	sne.s32 s1, $0x0;
	_ =	strace $0x90000050  }
0x89: {  	s0 =	sadd.s32 @!p0 $0x100000, s0;
	[bflag:$0x2] =	sbarrier.arrive $0xFFFF  }
0x8a: {  	[sflag:s0] =	ssyncadd.tile.s32 @!p0 $0x1;
	_ =	shalt  }
.Lfunc_end2:
_tile_overlayer_lowered:
.L_overlay_start_2:
0x8b: {  	(tag) =	ssettag $0x2  }
0x8c: {  	s0 =	rddreg [dreg:$0x0];
	s2 =	stileid.u32  }
0x8d: {  	s1 =	rddreg [dreg:$0x1];
	p0 =	sne.s32 s2, $0x0  }
0x8e: {  	s3 =	rddreg [dreg:$0x2];
	[bflag:$0x3] =	sbarrier.arrive $0xFFFF;
	s2 =	simm.s32 @!p0 $0x1C05  }
0x8f: {  	[timem:s3], [sflag:s2] =	dma.local @!p0 [hbm:s0], s1  }
0x90: {  	s0 =	simm.s32 @!p0 $0x5  }
0x91: {  	_ =	swait.ge @!p0 [sflag:s0], s1  }
0x92: {  	s1 =	ssub.s32 @!p0 $0x0, s1;
	[sflag:s0] =	ssyncset.done @!p0 $0x0  }
0x93: {  	[sflag:s0] =	ssyncadd.s32 @!p0 s1  }
0x94: {  	[bflag:$0x3] =	sbarrier.arrive $0xFFFF  }
0x95: {  	_ =	shalt  }

</sc_bundles>
